<compile_context>
chip_gen: v7x
topology: tpu7x:2x2x1
jax: 0.10.2.dev20260603
libtpu: 0.0.44.dev20260713+nightly
codegen_flags: <defaults>
</compile_context>

<pallas_src>
import jax
import jax.numpy as jnp
from jax import lax
from jax.experimental import pallas as pl
from jax.experimental.pallas import tpu as pltpu
from jax.experimental.pallas import tpu_sc as plsc

_BOX = 128
_NC = 32
_NB = 8
_NPTS = 20000
_CG = 4
_CHUNK = 4000
_NCHUNK = _NPTS // _CHUNK
_GROUPS = _CHUNK // 16
_PIX = _BOX * _BOX
_ROWPAD = _PIX + _BOX + 8


def _splat_body(pts_hbm, vals_hbm, out_hbm, pts_v, vals_v, acc_v, sems):
    cid = lax.axis_index("c")
    sid = lax.axis_index("s")
    wid = sid * 2 + cid

    def _row0(t):
        task = wid * 2 + t
        b = task // (_NC // _CG)
        cg = task % (_NC // _CG)
        return b, b * _NC + cg * _CG

    corner = [[acc_v.at[0, pl.ds(k * _ROWPAD + dy * _BOX, _PIX + 8)]
               for k in range(_CG)]
              for dy in (0, 1)]

    def _start(t, ci):
        b, row0 = _row0(t)
        n0 = ci * _CHUNK
        slot = (t * _NCHUNK + ci) % 2
        cp = pltpu.make_async_copy(
            pts_hbm.at[pl.ds(b * 2, 2), pl.ds(n0, _CHUNK)],
            pts_v.at[slot], sems.at[slot])
        cv = pltpu.make_async_copy(
            vals_hbm.at[pl.ds(row0, _CG), pl.ds(n0, _CHUNK)],
            vals_v.at[slot], sems.at[slot])
        cp.start()
        cv.start()
        return cp, cv

    pend = _start(0, 0)
    epis = None
    for t in range(2):
        b, row0 = _row0(t)

        if epis is None:
            @plsc.parallel_loop(0, (_CG * _ROWPAD) // 16, unroll=10)
            def _zero(i):
                acc_v[0, pl.ds(i * 16, 16)] = jnp.zeros((16,), jnp.float32)
        else:
            for h in range(2):
                epis[2 * h].wait()
                epis[2 * h + 1].wait()
                h0 = h * (2 * _ROWPAD) // 16

                @plsc.parallel_loop(0, (2 * _ROWPAD) // 16, unroll=5)
                def _zero(i):
                    acc_v[0, pl.ds((h0 + i) * 16, 16)] = (
                        jnp.zeros((16,), jnp.float32))

        for ci in range(_NCHUNK):
            if ci + 1 < _NCHUNK:
                nxt = _start(t, ci + 1)
            elif t == 0:
                nxt = _start(1, 0)
            else:
                nxt = None
            pend[0].wait()
            pend[1].wait()
            pend = nxt
            slot = (t * _NCHUNK + ci) % 2
            pts_c = pts_v.at[slot]
            vals_c = vals_v.at[slot]

            @plsc.parallel_loop(0, _GROUPS, unroll=2)
            def _grp(j):
                s = j * 16
                px = pts_c[0, pl.ds(s, 16)]
                py = pts_c[1, pl.ds(s, 16)]
                fx = (px + 0.5) * float(_BOX)
                fy = (py + 0.5) * float(_BOX)
                x0 = fx.astype(jnp.int32)
                y0 = fy.astype(jnp.int32)
                rx = fx - x0.astype(jnp.float32)
                ry = fy - y0.astype(jnp.float32)
                base = y0 * _BOX + x0
                idx = [base, base + 1]
                mx = x0 < (_BOX - 1)
                wgt = [1.0 - rx, rx]
                hgt = [1.0 - ry, ry]
                vals = [vals_c[k, pl.ds(s, 16)] for k in range(_CG)]
                for dy in (0, 1):
                    for dx in (0, 1):
                        w = wgt[dx] * hgt[dy]
                        msk = None if dx == 0 else mx
                        for k in range(_CG):
                            plsc.addupdate_scatter(
                                corner[dy][k], [idx[dx]], w * vals[k],
                                mask=msk)

        epis = [pltpu.make_async_copy(
                    acc_v.at[0, pl.ds(k * _ROWPAD, _PIX)],
                    out_hbm.at[pl.ds((row0 + k) * _PIX, _PIX)],
                    sems.at[2])
                for k in range(_CG)]
        for e in epis:
            e.start()
    for e in epis:
        e.wait()


@jax.jit
def _splat(pts2d, vals2d):
    mesh = plsc.VectorSubcoreMesh(core_axis_name="c", subcore_axis_name="s")
    run = pl.kernel(
        _splat_body,
        out_type=jax.ShapeDtypeStruct((_NB * _NC * _PIX,), jnp.float32),
        mesh=mesh,
        compiler_params=pltpu.CompilerParams(use_tc_tiling_on_sc=False,
                                             needs_layout_passes=False),
        scratch_types=[
            pltpu.VMEM((2, 2, _CHUNK), jnp.float32),
            pltpu.VMEM((2, _CG, _CHUNK), jnp.float32),
            pltpu.VMEM((1, _CG * _ROWPAD), jnp.float32),
            pltpu.SemaphoreType.DMA((3,)),
        ],
    )
    return run(pts2d, vals2d)


def kernel(points, values):
    pts2d = points.reshape(_NB * 2, _NPTS)
    vals2d = values.reshape(_NB * _NC, _NPTS)
    out = _splat(pts2d, vals2d)
    return out.reshape(_NB, _NC, _BOX, _BOX)

# --- scband reference (transcript-rebuilt; emitter-appended) ---
"""Pipeline reference for scband-points2mult-image-55482387529810 (READ-ONLY COPY).

The authoritative reference and input builder live on the scoring server;
editing this copy changes nothing except your own understanding.
"""

import jax, jax.numpy as jnp
import numpy as np

BOX = 128
NC = 32
OS = 1

def setup_inputs(seed: int = 0) -> dict:
    key = jax.random.key(seed)
    k1, k2 = jax.random.split(key)
    # points are normalized coords in [-0.5, 0.5) so (points+0.5)*box lands in-grid
    points = jax.random.uniform(k1, (8, 2, 20000), dtype=jnp.float32, minval=-0.5, maxval=0.5)
    values = jax.random.uniform(k2, (8, NC, 20000), dtype=jnp.float32)
    return {"points": points, "values": values}

def reference(points, values):
    S = BOX * OS
    B = points.shape[0]
    p = jnp.moveaxis((points + 0.5) * float(S), 1, 2)  # [B, N, 2]
    N = p.shape[1]
    im = jnp.zeros((B, NC, S * S), dtype=values.dtype)
    xypoints = jnp.floor(p).astype(jnp.int32)
    rxy = p - xypoints.astype(p.dtype)
    x = xypoints[..., 0:1]
    y = xypoints[..., 1:2]
    rx = rxy[..., 0:1]
    ry = rxy[..., 1:2]
    b_idx = jnp.arange(B)[:, None, None]
    c_idx = jnp.arange(NC)[None, :, None]
    for dx in (0, 1):
        x_ = x + dx
        wx = (1 - dx) + (2 * dx - 1) * rx
        for dy in (0, 1):
            y_ = y + dy
            wy = (1 - dy) + (2 * dy - 1) * ry
            w = wx * wy
            valid = (x_ >= 0) & (x_ < S) & (y_ >= 0) & (y_ < S)
            idx = ((y_ * S + x_) * valid.astype(jnp.int32)).squeeze(-1)  # [B, N]
            idxC = jnp.broadcast_to(idx[:, None, :], (B, NC, N))
            wv = (w * valid.astype(w.dtype)).squeeze(-1)  # [B, N]
            contrib = wv[:, None, :] * values  # [B, NC, N]
            im = im.at[b_idx, c_idx, idxC].add(contrib)
    return im.reshape(B, NC, S, S)

if __name__ == "__main__":
    import jax
    _d = setup_inputs()
    print(jax.jit(kernel)(*tuple(_d.values())))

</pallas_src>

<mosaic_0001>
#map = affine_map<(d0, d1) -> (0, 0)>
#map1 = affine_map<(d0, d1) -> (0)>
module attributes {stable_mosaic.version = 14 : i64} {
  func.func @_splat_body(%arg0: i32, %arg1: i32, %arg2: memref<16x20000xf32, #tpu.memory_space<hbm>>, %arg3: memref<256x20000xf32, #tpu.memory_space<hbm>>, %arg4: memref<4194304xf32, #tpu.memory_space<hbm>>, %arg5: memref<2x2x4000xf32, #tpu.memory_space<vmem>>, %arg6: memref<2x4x4000xf32, #tpu.memory_space<vmem>>, %arg7: memref<1x66080xf32, #tpu.memory_space<vmem>>, %arg8: memref<3x!tpu.dma_semaphore, #tpu.memory_space<semaphore_mem>>) attributes {dimension_semantics = [#tpu.dimension_semantics<core_parallel>, #tpu.dimension_semantics<subcore_parallel>], iteration_bounds = array<i64: 2, 16>, scalar_prefetch = 0 : i64, scratch_operands = 4 : i64, tpu.core_type = #tpu.core_type<sc_vector_subcore>, window_params = [{transform_indices = #map}, {transform_indices = #map}, {transform_indices = #map1}]} {
    %mul3A = arith.constant 2 : i32
    %mul3A_0 = arith.muli %arg1, %mul3A : i32
    %add3A = arith.addi %mul3A_0, %arg0 : i32
    %mul3A_1 = arith.constant 2 : i32
    %mul3A_2 = arith.muli %add3A, %mul3A_1 : i32
    %add3A_3 = arith.constant 0 : i32
    %add3A_4 = arith.addi %mul3A_2, %add3A_3 : i32
    %jit3A = arith.constant 8 : i32
    %div3A = arith.divsi %add3A_4, %jit3A : i32
    %sign3A = arith.constant 0 : i32
    %sign3A_5 = arith.cmpi sgt, %add3A_4, %sign3A : i32
    %sign3A_6 = arith.extui %sign3A_5 : i1 to i32
    %sign3A_7 = arith.constant 0 : i32
    %sign3A_8 = arith.cmpi slt, %add3A_4, %sign3A_7 : i32
    %sign3A_9 = arith.extui %sign3A_8 : i1 to i32
    %sign3A_10 = arith.subi %sign3A_6, %sign3A_9 : i32
    %sign3A_11 = arith.constant 0 : i32
    %sign3A_12 = arith.cmpi sgt, %jit3A, %sign3A_11 : i32
    %sign3A_13 = arith.extui %sign3A_12 : i1 to i32
    %sign3A_14 = arith.constant 0 : i32
    %sign3A_15 = arith.cmpi slt, %jit3A, %sign3A_14 : i32
    %sign3A_16 = arith.extui %sign3A_15 : i1 to i32
    %sign3A_17 = arith.subi %sign3A_13, %sign3A_16 : i32
    %ne3A = arith.cmpi ne, %sign3A_10, %sign3A_17 : i32
    %rem3A = arith.remsi %add3A_4, %jit3A : i32
    %ne3A_18 = arith.constant 0 : i32
    %ne3A_19 = arith.cmpi ne, %rem3A, %ne3A_18 : i32
    %and3A = arith.andi %ne3A, %ne3A_19 : i1
    %sub3A = arith.constant 1 : i32
    %sub3A_20 = arith.subi %div3A, %sub3A : i32
    %select_n3A = arith.select %and3A, %sub3A_20, %div3A : i32
    %jit3A_21 = arith.constant 8 : i32
    %eq3A = arith.constant 0 : i32
    %eq3A_22 = arith.cmpi eq, %jit3A_21, %eq3A : i32
    %jit3A_23 = arith.constant 1 : i32
    %select_n3A_24 = arith.select %eq3A_22, %jit3A_23, %jit3A_21 : i32
    %rem3A_25 = arith.remsi %add3A_4, %select_n3A_24 : i32
    %ne3A_26 = arith.constant 0 : i32
    %ne3A_27 = arith.cmpi ne, %rem3A_25, %ne3A_26 : i32
    %lt3A = arith.constant 0 : i32
    %lt3A_28 = arith.cmpi slt, %rem3A_25, %lt3A : i32
    %lt3A_29 = arith.constant 0 : i32
    %lt3A_30 = arith.cmpi slt, %select_n3A_24, %lt3A_29 : i32
    %ne3A_31 = arith.xori %lt3A_28, %lt3A_30 : i1
    %and3A_32 = arith.andi %ne3A_31, %ne3A_27 : i1
    %add3A_33 = arith.addi %rem3A_25, %select_n3A_24 : i32
    %select_n3A_34 = arith.select %and3A_32, %add3A_33, %rem3A_25 : i32
    %mul3A_35 = arith.constant 32 : i32
    %mul3A_36 = arith.muli %select_n3A, %mul3A_35 : i32
    %mul3A_37 = arith.constant 4 : i32
    %mul3A_38 = arith.muli %select_n3A_34, %mul3A_37 : i32
    %add3A_39 = arith.addi %mul3A_36, %mul3A_38 : i32
    %mul3A_40 = arith.constant 2 : i32
    %mul3A_41 = arith.muli %select_n3A, %mul3A_40 : i32
    %dma_start3A = arith.constant 0 : i32
    %dma_start3A_42 = arith.constant 0 : i32
    %dma_start3A_43 = arith.constant 0 : i32
    %dma_start3A_44 = arith.constant 0 : i32
    %dma_start3A_45 = tpu.memref_slice %arg5[%dma_start3A, %dma_start3A_43, %dma_start3A_44] : memref<2x2x4000xf32, #tpu.memory_space<vmem>> -> memref<1x2x4000xf32, #tpu.memory_space<vmem>>
    %dma_start3A_46 = tpu.memref_squeeze %dma_start3A_45 : memref<1x2x4000xf32, #tpu.memory_space<vmem>> -> memref<2x4000xf32, #tpu.memory_space<vmem>>
    %dma_start3A_47 = arith.constant 0 : i32
    %dma_start3A_48 = tpu.memref_slice %arg2[%mul3A_41, %dma_start3A_47] : memref<16x20000xf32, #tpu.memory_space<hbm>> -> memref<2x4000xf32, #tpu.memory_space<hbm>>
    %dma_start3A_49 = tpu.memref_slice %arg8[%dma_start3A_42] : memref<3x!tpu.dma_semaphore, #tpu.memory_space<semaphore_mem>> -> memref<1x!tpu.dma_semaphore, #tpu.memory_space<semaphore_mem>>
    %dma_start3A_50 = tpu.memref_squeeze %dma_start3A_49 : memref<1x!tpu.dma_semaphore, #tpu.memory_space<semaphore_mem>> -> memref<!tpu.dma_semaphore, #tpu.memory_space<semaphore_mem>>
    %dma_start3A_51 = arith.constant 0 : i32
    %dma_start3A_52 = arith.constant 0 : i32
    %dma_start3A_53 = tpu.memref_slice %arg5[%dma_start3A, %dma_start3A_51, %dma_start3A_52] : memref<2x2x4000xf32, #tpu.memory_space<vmem>> -> memref<1x2x4000xf32, #tpu.memory_space<vmem>>
    %dma_start3A_54 = tpu.memref_squeeze %dma_start3A_53 : memref<1x2x4000xf32, #tpu.memory_space<vmem>> -> memref<2x4000xf32, #tpu.memory_space<vmem>>
    %dma_start3A_55 = arith.constant 0 : i32
    %dma_start3A_56 = tpu.memref_slice %arg2[%mul3A_41, %dma_start3A_55] : memref<16x20000xf32, #tpu.memory_space<hbm>> -> memref<2x4000xf32, #tpu.memory_space<hbm>>
    tpu.enqueue_dma source(%dma_start3A_56 : memref<2x4000xf32, #tpu.memory_space<hbm>>) target(%dma_start3A_54 : memref<2x4000xf32, #tpu.memory_space<vmem>>) target_semaphore(%dma_start3A_50 : memref<!tpu.dma_semaphore, #tpu.memory_space<semaphore_mem>>)
    %dma_start3A_57 = arith.constant 0 : i32
    %dma_start3A_58 = arith.constant 0 : i32
    %dma_start3A_59 = arith.constant 0 : i32
    %dma_start3A_60 = arith.constant 0 : i32
    %dma_start3A_61 = tpu.memref_slice %arg6[%dma_start3A_57, %dma_start3A_59, %dma_start3A_60] : memref<2x4x4000xf32, #tpu.memory_space<vmem>> -> memref<1x4x4000xf32, #tpu.memory_space<vmem>>
    %dma_start3A_62 = tpu.memref_squeeze %dma_start3A_61 : memref<1x4x4000xf32, #tpu.memory_space<vmem>> -> memref<4x4000xf32, #tpu.memory_space<vmem>>
    %dma_start3A_63 = arith.constant 0 : i32
    %dma_start3A_64 = tpu.memref_slice %arg3[%add3A_39, %dma_start3A_63] : memref<256x20000xf32, #tpu.memory_space<hbm>> -> memref<4x4000xf32, #tpu.memory_space<hbm>>
    %dma_start3A_65 = tpu.memref_slice %arg8[%dma_start3A_58] : memref<3x!tpu.dma_semaphore, #tpu.memory_space<semaphore_mem>> -> memref<1x!tpu.dma_semaphore, #tpu.memory_space<semaphore_mem>>
    %dma_start3A_66 = tpu.memref_squeeze %dma_start3A_65 : memref<1x!tpu.dma_semaphore, #tpu.memory_space<semaphore_mem>> -> memref<!tpu.dma_semaphore, #tpu.memory_space<semaphore_mem>>
    %dma_start3A_67 = arith.constant 0 : i32
    %dma_start3A_68 = arith.constant 0 : i32
    %dma_start3A_69 = tpu.memref_slice %arg6[%dma_start3A_57, %dma_start3A_67, %dma_start3A_68] : memref<2x4x4000xf32, #tpu.memory_space<vmem>> -> memref<1x4x4000xf32, #tpu.memory_space<vmem>>
    %dma_start3A_70 = tpu.memref_squeeze %dma_start3A_69 : memref<1x4x4000xf32, #tpu.memory_space<vmem>> -> memref<4x4000xf32, #tpu.memory_space<vmem>>
    %dma_start3A_71 = arith.constant 0 : i32
    %dma_start3A_72 = tpu.memref_slice %arg3[%add3A_39, %dma_start3A_71] : memref<256x20000xf32, #tpu.memory_space<hbm>> -> memref<4x4000xf32, #tpu.memory_space<hbm>>
    tpu.enqueue_dma source(%dma_start3A_72 : memref<4x4000xf32, #tpu.memory_space<hbm>>) target(%dma_start3A_70 : memref<4x4000xf32, #tpu.memory_space<vmem>>) target_semaphore(%dma_start3A_66 : memref<!tpu.dma_semaphore, #tpu.memory_space<semaphore_mem>>)
    %mul3A_73 = arith.constant 2 : i32
    %mul3A_74 = arith.muli %add3A, %mul3A_73 : i32
    %add3A_75 = arith.constant 0 : i32
    %add3A_76 = arith.addi %mul3A_74, %add3A_75 : i32
    %jit3A_77 = arith.constant 8 : i32
    %div3A_78 = arith.divsi %add3A_76, %jit3A_77 : i32
    %sign3A_79 = arith.constant 0 : i32
    %sign3A_80 = arith.cmpi sgt, %add3A_76, %sign3A_79 : i32
    %sign3A_81 = arith.extui %sign3A_80 : i1 to i32
    %sign3A_82 = arith.constant 0 : i32
    %sign3A_83 = arith.cmpi slt, %add3A_76, %sign3A_82 : i32
    %sign3A_84 = arith.extui %sign3A_83 : i1 to i32
    %sign3A_85 = arith.subi %sign3A_81, %sign3A_84 : i32
    %sign3A_86 = arith.constant 0 : i32
    %sign3A_87 = arith.cmpi sgt, %jit3A_77, %sign3A_86 : i32
    %sign3A_88 = arith.extui %sign3A_87 : i1 to i32
    %sign3A_89 = arith.constant 0 : i32
    %sign3A_90 = arith.cmpi slt, %jit3A_77, %sign3A_89 : i32
    %sign3A_91 = arith.extui %sign3A_90 : i1 to i32
    %sign3A_92 = arith.subi %sign3A_88, %sign3A_91 : i32
    %ne3A_93 = arith.cmpi ne, %sign3A_85, %sign3A_92 : i32
    %rem3A_94 = arith.remsi %add3A_76, %jit3A_77 : i32
    %ne3A_95 = arith.constant 0 : i32
    %ne3A_96 = arith.cmpi ne, %rem3A_94, %ne3A_95 : i32
    %and3A_97 = arith.andi %ne3A_93, %ne3A_96 : i1
    %sub3A_98 = arith.constant 1 : i32
    %sub3A_99 = arith.subi %div3A_78, %sub3A_98 : i32
    %select_n3A_100 = arith.select %and3A_97, %sub3A_99, %div3A_78 : i32
    %jit3A_101 = arith.constant 8 : i32
    %eq3A_102 = arith.constant 0 : i32
    %eq3A_103 = arith.cmpi eq, %jit3A_101, %eq3A_102 : i32
    %jit3A_104 = arith.constant 1 : i32
    %select_n3A_105 = arith.select %eq3A_103, %jit3A_104, %jit3A_101 : i32
    %rem3A_106 = arith.remsi %add3A_76, %select_n3A_105 : i32
    %ne3A_107 = arith.constant 0 : i32
    %ne3A_108 = arith.cmpi ne, %rem3A_106, %ne3A_107 : i32
    %lt3A_109 = arith.constant 0 : i32
    %lt3A_110 = arith.cmpi slt, %rem3A_106, %lt3A_109 : i32
    %lt3A_111 = arith.constant 0 : i32
    %lt3A_112 = arith.cmpi slt, %select_n3A_105, %lt3A_111 : i32
    %ne3A_113 = arith.xori %lt3A_110, %lt3A_112 : i1
    %and3A_114 = arith.andi %ne3A_113, %ne3A_108 : i1
    %add3A_115 = arith.addi %rem3A_106, %select_n3A_105 : i32
    %select_n3A_116 = arith.select %and3A_114, %add3A_115, %rem3A_106 : i32
    %mul3A_117 = arith.constant 32 : i32
    %mul3A_118 = arith.muli %select_n3A_100, %mul3A_117 : i32
    %mul3A_119 = arith.constant 4 : i32
    %mul3A_120 = arith.muli %select_n3A_116, %mul3A_119 : i32
    %add3A_121 = arith.addi %mul3A_118, %mul3A_120 : i32
    %parallel_loop3A = arith.constant 0 : i32
    %parallel_loop3A_122 = arith.constant 4130 : i32
    %parallel_loop3A_123 = arith.constant 1 : i32
    scf.for %parallel_loop3A_1599 = %parallel_loop3A to %parallel_loop3A_122 step %parallel_loop3A_123  : i32 {
      %parallel_loop3A_1600 = arith.constant 0.000000e+00 : f32
      %parallel_loop3A_1601 = vector.broadcast %parallel_loop3A_1600 : f32 to vector<16xf32>
      %parallel_loop3A_1602 = arith.constant 16 : i32
      %parallel_loop3A_1603 = arith.muli %parallel_loop3A_1599, %parallel_loop3A_1602 : i32
      %parallel_loop3A_1604 = arith.constant 0 : i32
      %parallel_loop3A_1605 = arith.index_cast %parallel_loop3A_1604 : i32 to index
      %parallel_loop3A_1606 = arith.index_cast %parallel_loop3A_1603 : i32 to index
      %parallel_loop3A_1607 = tpu.vector_load %arg7[%parallel_loop3A_1605, %parallel_loop3A_1606] {strides = array<i32>} : memref<1x66080xf32, #tpu.memory_space<vmem>>, vector<16xf32>,
      tpu.vector_store %arg7[%parallel_loop3A_1605, %parallel_loop3A_1606], %parallel_loop3A_1601 {strides = array<i32>} : memref<1x66080xf32, #tpu.memory_space<vmem>>, vector<16xf32>,
    } {sc.loop_unroll_factor = 10 : i64, sc.parallel_access}
    %mul3A_124 = arith.constant 2 : i32
    %mul3A_125 = arith.muli %add3A, %mul3A_124 : i32
    %add3A_126 = arith.constant 0 : i32
    %add3A_127 = arith.addi %mul3A_125, %add3A_126 : i32
    %jit3A_128 = arith.constant 8 : i32
    %div3A_129 = arith.divsi %add3A_127, %jit3A_128 : i32
    %sign3A_130 = arith.constant 0 : i32
    %sign3A_131 = arith.cmpi sgt, %add3A_127, %sign3A_130 : i32
    %sign3A_132 = arith.extui %sign3A_131 : i1 to i32
    %sign3A_133 = arith.constant 0 : i32
    %sign3A_134 = arith.cmpi slt, %add3A_127, %sign3A_133 : i32
    %sign3A_135 = arith.extui %sign3A_134 : i1 to i32
    %sign3A_136 = arith.subi %sign3A_132, %sign3A_135 : i32
    %sign3A_137 = arith.constant 0 : i32
    %sign3A_138 = arith.cmpi sgt, %jit3A_128, %sign3A_137 : i32
    %sign3A_139 = arith.extui %sign3A_138 : i1 to i32
    %sign3A_140 = arith.constant 0 : i32
    %sign3A_141 = arith.cmpi slt, %jit3A_128, %sign3A_140 : i32
    %sign3A_142 = arith.extui %sign3A_141 : i1 to i32
    %sign3A_143 = arith.subi %sign3A_139, %sign3A_142 : i32
    %ne3A_144 = arith.cmpi ne, %sign3A_136, %sign3A_143 : i32
    %rem3A_145 = arith.remsi %add3A_127, %jit3A_128 : i32
    %ne3A_146 = arith.constant 0 : i32
    %ne3A_147 = arith.cmpi ne, %rem3A_145, %ne3A_146 : i32
    %and3A_148 = arith.andi %ne3A_144, %ne3A_147 : i1
    %sub3A_149 = arith.constant 1 : i32
    %sub3A_150 = arith.subi %div3A_129, %sub3A_149 : i32
    %select_n3A_151 = arith.select %and3A_148, %sub3A_150, %div3A_129 : i32
    %jit3A_152 = arith.constant 8 : i32
    %eq3A_153 = arith.constant 0 : i32
    %eq3A_154 = arith.cmpi eq, %jit3A_152, %eq3A_153 : i32
    %jit3A_155 = arith.constant 1 : i32
    %select_n3A_156 = arith.select %eq3A_154, %jit3A_155, %jit3A_152 : i32
    %rem3A_157 = arith.remsi %add3A_127, %select_n3A_156 : i32
    %ne3A_158 = arith.constant 0 : i32
    %ne3A_159 = arith.cmpi ne, %rem3A_157, %ne3A_158 : i32
    %lt3A_160 = arith.constant 0 : i32
    %lt3A_161 = arith.cmpi slt, %rem3A_157, %lt3A_160 : i32
    %lt3A_162 = arith.constant 0 : i32
    %lt3A_163 = arith.cmpi slt, %select_n3A_156, %lt3A_162 : i32
    %ne3A_164 = arith.xori %lt3A_161, %lt3A_163 : i1
    %and3A_165 = arith.andi %ne3A_164, %ne3A_159 : i1
    %add3A_166 = arith.addi %rem3A_157, %select_n3A_156 : i32
    %select_n3A_167 = arith.select %and3A_165, %add3A_166, %rem3A_157 : i32
    %mul3A_168 = arith.constant 32 : i32
    %mul3A_169 = arith.muli %select_n3A_151, %mul3A_168 : i32
    %mul3A_170 = arith.constant 4 : i32
    %mul3A_171 = arith.muli %select_n3A_167, %mul3A_170 : i32
    %add3A_172 = arith.addi %mul3A_169, %mul3A_171 : i32
    %mul3A_173 = arith.constant 2 : i32
    %mul3A_174 = arith.muli %select_n3A_151, %mul3A_173 : i32
    %dma_start3A_175 = arith.constant 1 : i32
    %dma_start3A_176 = arith.constant 1 : i32
    %dma_start3A_177 = arith.constant 0 : i32
    %dma_start3A_178 = arith.constant 0 : i32
    %dma_start3A_179 = tpu.memref_slice %arg5[%dma_start3A_175, %dma_start3A_177, %dma_start3A_178] : memref<2x2x4000xf32, #tpu.memory_space<vmem>> -> memref<1x2x4000xf32, #tpu.memory_space<vmem>>
    %dma_start3A_180 = tpu.memref_squeeze %dma_start3A_179 : memref<1x2x4000xf32, #tpu.memory_space<vmem>> -> memref<2x4000xf32, #tpu.memory_space<vmem>>
    %dma_start3A_181 = arith.constant 4000 : i32
    %dma_start3A_182 = tpu.memref_slice %arg2[%mul3A_174, %dma_start3A_181] : memref<16x20000xf32, #tpu.memory_space<hbm>> -> memref<2x4000xf32, #tpu.memory_space<hbm>>
    %dma_start3A_183 = tpu.memref_slice %arg8[%dma_start3A_176] : memref<3x!tpu.dma_semaphore, #tpu.memory_space<semaphore_mem>> -> memref<1x!tpu.dma_semaphore, #tpu.memory_space<semaphore_mem>>
    %dma_start3A_184 = tpu.memref_squeeze %dma_start3A_183 : memref<1x!tpu.dma_semaphore, #tpu.memory_space<semaphore_mem>> -> memref<!tpu.dma_semaphore, #tpu.memory_space<semaphore_mem>>
    %dma_start3A_185 = arith.constant 0 : i32
    %dma_start3A_186 = arith.constant 0 : i32
    %dma_start3A_187 = tpu.memref_slice %arg5[%dma_start3A_175, %dma_start3A_185, %dma_start3A_186] : memref<2x2x4000xf32, #tpu.memory_space<vmem>> -> memref<1x2x4000xf32, #tpu.memory_space<vmem>>
    %dma_start3A_188 = tpu.memref_squeeze %dma_start3A_187 : memref<1x2x4000xf32, #tpu.memory_space<vmem>> -> memref<2x4000xf32, #tpu.memory_space<vmem>>
    %dma_start3A_189 = arith.constant 4000 : i32
    %dma_start3A_190 = tpu.memref_slice %arg2[%mul3A_174, %dma_start3A_189] : memref<16x20000xf32, #tpu.memory_space<hbm>> -> memref<2x4000xf32, #tpu.memory_space<hbm>>
    tpu.enqueue_dma source(%dma_start3A_190 : memref<2x4000xf32, #tpu.memory_space<hbm>>) target(%dma_start3A_188 : memref<2x4000xf32, #tpu.memory_space<vmem>>) target_semaphore(%dma_start3A_184 : memref<!tpu.dma_semaphore, #tpu.memory_space<semaphore_mem>>)
    %dma_start3A_191 = arith.constant 1 : i32
    %dma_start3A_192 = arith.constant 1 : i32
    %dma_start3A_193 = arith.constant 0 : i32
    %dma_start3A_194 = arith.constant 0 : i32
    %dma_start3A_195 = tpu.memref_slice %arg6[%dma_start3A_191, %dma_start3A_193, %dma_start3A_194] : memref<2x4x4000xf32, #tpu.memory_space<vmem>> -> memref<1x4x4000xf32, #tpu.memory_space<vmem>>
    %dma_start3A_196 = tpu.memref_squeeze %dma_start3A_195 : memref<1x4x4000xf32, #tpu.memory_space<vmem>> -> memref<4x4000xf32, #tpu.memory_space<vmem>>
    %dma_start3A_197 = arith.constant 4000 : i32
    %dma_start3A_198 = tpu.memref_slice %arg3[%add3A_172, %dma_start3A_197] : memref<256x20000xf32, #tpu.memory_space<hbm>> -> memref<4x4000xf32, #tpu.memory_space<hbm>>
    %dma_start3A_199 = tpu.memref_slice %arg8[%dma_start3A_192] : memref<3x!tpu.dma_semaphore, #tpu.memory_space<semaphore_mem>> -> memref<1x!tpu.dma_semaphore, #tpu.memory_space<semaphore_mem>>
    %dma_start3A_200 = tpu.memref_squeeze %dma_start3A_199 : memref<1x!tpu.dma_semaphore, #tpu.memory_space<semaphore_mem>> -> memref<!tpu.dma_semaphore, #tpu.memory_space<semaphore_mem>>
    %dma_start3A_201 = arith.constant 0 : i32
    %dma_start3A_202 = arith.constant 0 : i32
    %dma_start3A_203 = tpu.memref_slice %arg6[%dma_start3A_191, %dma_start3A_201, %dma_start3A_202] : memref<2x4x4000xf32, #tpu.memory_space<vmem>> -> memref<1x4x4000xf32, #tpu.memory_space<vmem>>
    %dma_start3A_204 = tpu.memref_squeeze %dma_start3A_203 : memref<1x4x4000xf32, #tpu.memory_space<vmem>> -> memref<4x4000xf32, #tpu.memory_space<vmem>>
    %dma_start3A_205 = arith.constant 4000 : i32
    %dma_start3A_206 = tpu.memref_slice %arg3[%add3A_172, %dma_start3A_205] : memref<256x20000xf32, #tpu.memory_space<hbm>> -> memref<4x4000xf32, #tpu.memory_space<hbm>>
    tpu.enqueue_dma source(%dma_start3A_206 : memref<4x4000xf32, #tpu.memory_space<hbm>>) target(%dma_start3A_204 : memref<4x4000xf32, #tpu.memory_space<vmem>>) target_semaphore(%dma_start3A_200 : memref<!tpu.dma_semaphore, #tpu.memory_space<semaphore_mem>>)
    %dma_wait3A = arith.constant 0 : i32
    %dma_wait3A_207 = arith.constant 0 : i32
    %dma_wait3A_208 = arith.constant 0 : i32
    %dma_wait3A_209 = arith.constant 0 : i32
    %dma_wait3A_210 = tpu.memref_slice %arg5[%dma_wait3A, %dma_wait3A_208, %dma_wait3A_209] : memref<2x2x4000xf32, #tpu.memory_space<vmem>> -> memref<1x2x4000xf32, #tpu.memory_space<vmem>>
    %dma_wait3A_211 = tpu.memref_squeeze %dma_wait3A_210 : memref<1x2x4000xf32, #tpu.memory_space<vmem>> -> memref<2x4000xf32, #tpu.memory_space<vmem>>
    %dma_wait3A_212 = arith.constant 0 : i32
    %dma_wait3A_213 = tpu.memref_slice %arg2[%mul3A_41, %dma_wait3A_212] : memref<16x20000xf32, #tpu.memory_space<hbm>> -> memref<2x4000xf32, #tpu.memory_space<hbm>>
    %dma_wait3A_214 = tpu.memref_slice %arg8[%dma_wait3A_207] : memref<3x!tpu.dma_semaphore, #tpu.memory_space<semaphore_mem>> -> memref<1x!tpu.dma_semaphore, #tpu.memory_space<semaphore_mem>>
    %dma_wait3A_215 = tpu.memref_squeeze %dma_wait3A_214 : memref<1x!tpu.dma_semaphore, #tpu.memory_space<semaphore_mem>> -> memref<!tpu.dma_semaphore, #tpu.memory_space<semaphore_mem>>
    %dma_wait3A_216 = arith.constant 0 : i32
    %dma_wait3A_217 = arith.constant 0 : i32
    %dma_wait3A_218 = tpu.memref_slice %arg5[%dma_wait3A, %dma_wait3A_216, %dma_wait3A_217] : memref<2x2x4000xf32, #tpu.memory_space<vmem>> -> memref<1x2x4000xf32, #tpu.memory_space<vmem>>
    %dma_wait3A_219 = tpu.memref_squeeze %dma_wait3A_218 : memref<1x2x4000xf32, #tpu.memory_space<vmem>> -> memref<2x4000xf32, #tpu.memory_space<vmem>>
    %dma_wait3A_220 = arith.constant 0 : i32
    %dma_wait3A_221 = tpu.memref_slice %arg2[%mul3A_41, %dma_wait3A_220] : memref<16x20000xf32, #tpu.memory_space<hbm>> -> memref<2x4000xf32, #tpu.memory_space<hbm>>
    tpu.wait_dma2 semaphore(%dma_wait3A_215 : memref<!tpu.dma_semaphore, #tpu.memory_space<semaphore_mem>>) src(%dma_wait3A_221 : memref<2x4000xf32, #tpu.memory_space<hbm>>) dst(%dma_wait3A_219 : memref<2x4000xf32, #tpu.memory_space<vmem>>)
    %dma_wait3A_222 = arith.constant 0 : i32
    %dma_wait3A_223 = arith.constant 0 : i32
    %dma_wait3A_224 = arith.constant 0 : i32
    %dma_wait3A_225 = arith.constant 0 : i32
    %dma_wait3A_226 = tpu.memref_slice %arg6[%dma_wait3A_222, %dma_wait3A_224, %dma_wait3A_225] : memref<2x4x4000xf32, #tpu.memory_space<vmem>> -> memref<1x4x4000xf32, #tpu.memory_space<vmem>>
    %dma_wait3A_227 = tpu.memref_squeeze %dma_wait3A_226 : memref<1x4x4000xf32, #tpu.memory_space<vmem>> -> memref<4x4000xf32, #tpu.memory_space<vmem>>
    %dma_wait3A_228 = arith.constant 0 : i32
    %dma_wait3A_229 = tpu.memref_slice %arg3[%add3A_39, %dma_wait3A_228] : memref<256x20000xf32, #tpu.memory_space<hbm>> -> memref<4x4000xf32, #tpu.memory_space<hbm>>
    %dma_wait3A_230 = tpu.memref_slice %arg8[%dma_wait3A_223] : memref<3x!tpu.dma_semaphore, #tpu.memory_space<semaphore_mem>> -> memref<1x!tpu.dma_semaphore, #tpu.memory_space<semaphore_mem>>
    %dma_wait3A_231 = tpu.memref_squeeze %dma_wait3A_230 : memref<1x!tpu.dma_semaphore, #tpu.memory_space<semaphore_mem>> -> memref<!tpu.dma_semaphore, #tpu.memory_space<semaphore_mem>>
    %dma_wait3A_232 = arith.constant 0 : i32
    %dma_wait3A_233 = arith.constant 0 : i32
    %dma_wait3A_234 = tpu.memref_slice %arg6[%dma_wait3A_222, %dma_wait3A_232, %dma_wait3A_233] : memref<2x4x4000xf32, #tpu.memory_space<vmem>> -> memref<1x4x4000xf32, #tpu.memory_space<vmem>>
    %dma_wait3A_235 = tpu.memref_squeeze %dma_wait3A_234 : memref<1x4x4000xf32, #tpu.memory_space<vmem>> -> memref<4x4000xf32, #tpu.memory_space<vmem>>
    %dma_wait3A_236 = arith.constant 0 : i32
    %dma_wait3A_237 = tpu.memref_slice %arg3[%add3A_39, %dma_wait3A_236] : memref<256x20000xf32, #tpu.memory_space<hbm>> -> memref<4x4000xf32, #tpu.memory_space<hbm>>
    tpu.wait_dma2 semaphore(%dma_wait3A_231 : memref<!tpu.dma_semaphore, #tpu.memory_space<semaphore_mem>>) src(%dma_wait3A_237 : memref<4x4000xf32, #tpu.memory_space<hbm>>) dst(%dma_wait3A_235 : memref<4x4000xf32, #tpu.memory_space<vmem>>)
    %parallel_loop3A_238 = arith.constant 0 : i32
    %parallel_loop3A_239 = arith.constant 250 : i32
    %parallel_loop3A_240 = arith.constant 1 : i32
    %parallel_loop3A_241 = arith.constant 0 : i32
    %parallel_loop3A_242 = arith.constant 0 : i32
    %parallel_loop3A_243 = arith.constant 0 : i32
    %parallel_loop3A_244 = arith.constant 0 : i32
    %parallel_loop3A_245 = arith.constant 0 : i32
    %parallel_loop3A_246 = arith.constant 0 : i32
    %parallel_loop3A_247 = arith.constant 0 : i32
    %parallel_loop3A_248 = arith.constant 0 : i32
    %parallel_loop3A_249 = arith.constant 0 : i32
    %parallel_loop3A_250 = arith.constant 0 : i32
    scf.for %parallel_loop3A_1599 = %parallel_loop3A_238 to %parallel_loop3A_239 step %parallel_loop3A_240  : i32 {
      %parallel_loop3A_1600 = arith.constant 16 : i32
      %parallel_loop3A_1601 = arith.muli %parallel_loop3A_1599, %parallel_loop3A_1600 : i32
      %parallel_loop3A_1602 = arith.constant 0 : i32
      %parallel_loop3A_1603 = arith.constant 0 : i32
      %parallel_loop3A_1604 = arith.constant 0 : i32
      %parallel_loop3A_1605 = tpu.memref_slice %arg5[%parallel_loop3A_241, %parallel_loop3A_1603, %parallel_loop3A_1604] : memref<2x2x4000xf32, #tpu.memory_space<vmem>> -> memref<1x2x4000xf32, #tpu.memory_space<vmem>>
      %parallel_loop3A_1606 = tpu.memref_squeeze %parallel_loop3A_1605 : memref<1x2x4000xf32, #tpu.memory_space<vmem>> -> memref<2x4000xf32, #tpu.memory_space<vmem>>
      %parallel_loop3A_1607 = arith.index_cast %parallel_loop3A_1602 : i32 to index
      %parallel_loop3A_1608 = arith.index_cast %parallel_loop3A_1601 : i32 to index
      %parallel_loop3A_1609 = tpu.vector_load %parallel_loop3A_1606[%parallel_loop3A_1607, %parallel_loop3A_1608] {strides = array<i32>} : memref<2x4000xf32, #tpu.memory_space<vmem>>, vector<16xf32>,
      %parallel_loop3A_1610 = arith.constant 1 : i32
      %parallel_loop3A_1611 = arith.constant 0 : i32
      %parallel_loop3A_1612 = arith.constant 0 : i32
      %parallel_loop3A_1613 = tpu.memref_slice %arg5[%parallel_loop3A_241, %parallel_loop3A_1611, %parallel_loop3A_1612] : memref<2x2x4000xf32, #tpu.memory_space<vmem>> -> memref<1x2x4000xf32, #tpu.memory_space<vmem>>
      %parallel_loop3A_1614 = tpu.memref_squeeze %parallel_loop3A_1613 : memref<1x2x4000xf32, #tpu.memory_space<vmem>> -> memref<2x4000xf32, #tpu.memory_space<vmem>>
      %parallel_loop3A_1615 = arith.index_cast %parallel_loop3A_1610 : i32 to index
      %parallel_loop3A_1616 = arith.index_cast %parallel_loop3A_1601 : i32 to index
      %parallel_loop3A_1617 = tpu.vector_load %parallel_loop3A_1614[%parallel_loop3A_1615, %parallel_loop3A_1616] {strides = array<i32>} : memref<2x4000xf32, #tpu.memory_space<vmem>>, vector<16xf32>,
      %parallel_loop3A_1618 = arith.constant 5.000000e-01 : f32
      %parallel_loop3A_1619 = vector.broadcast %parallel_loop3A_1618 : f32 to vector<16xf32>
      %parallel_loop3A_1620 = arith.addf %parallel_loop3A_1609, %parallel_loop3A_1619 : vector<16xf32>
      %parallel_loop3A_1621 = arith.constant 1.280000e+02 : f32
      %parallel_loop3A_1622 = vector.broadcast %parallel_loop3A_1621 : f32 to vector<16xf32>
      %parallel_loop3A_1623 = arith.mulf %parallel_loop3A_1620, %parallel_loop3A_1622 : vector<16xf32>
      %parallel_loop3A_1624 = arith.constant 5.000000e-01 : f32
      %parallel_loop3A_1625 = vector.broadcast %parallel_loop3A_1624 : f32 to vector<16xf32>
      %parallel_loop3A_1626 = arith.addf %parallel_loop3A_1617, %parallel_loop3A_1625 : vector<16xf32>
      %parallel_loop3A_1627 = arith.constant 1.280000e+02 : f32
      %parallel_loop3A_1628 = vector.broadcast %parallel_loop3A_1627 : f32 to vector<16xf32>
      %parallel_loop3A_1629 = arith.mulf %parallel_loop3A_1626, %parallel_loop3A_1628 : vector<16xf32>
      %parallel_loop3A_1630 = arith.fptosi %parallel_loop3A_1623 : vector<16xf32> to vector<16xi32>
      %parallel_loop3A_1631 = arith.fptosi %parallel_loop3A_1629 : vector<16xf32> to vector<16xi32>
      %parallel_loop3A_1632 = arith.sitofp %parallel_loop3A_1630 : vector<16xi32> to vector<16xf32>
      %parallel_loop3A_1633 = arith.subf %parallel_loop3A_1623, %parallel_loop3A_1632 : vector<16xf32>
      %parallel_loop3A_1634 = arith.sitofp %parallel_loop3A_1631 : vector<16xi32> to vector<16xf32>
      %parallel_loop3A_1635 = arith.subf %parallel_loop3A_1629, %parallel_loop3A_1634 : vector<16xf32>
      %parallel_loop3A_1636 = arith.constant 128 : i32
      %parallel_loop3A_1637 = vector.broadcast %parallel_loop3A_1636 : i32 to vector<16xi32>
      %parallel_loop3A_1638 = arith.muli %parallel_loop3A_1631, %parallel_loop3A_1637 : vector<16xi32>
      %parallel_loop3A_1639 = arith.addi %parallel_loop3A_1638, %parallel_loop3A_1630 : vector<16xi32>
      %parallel_loop3A_1640 = arith.constant 1 : i32
      %parallel_loop3A_1641 = vector.broadcast %parallel_loop3A_1640 : i32 to vector<16xi32>
      %parallel_loop3A_1642 = arith.addi %parallel_loop3A_1639, %parallel_loop3A_1641 : vector<16xi32>
      %parallel_loop3A_1643 = arith.constant 127 : i32
      %parallel_loop3A_1644 = vector.broadcast %parallel_loop3A_1643 : i32 to vector<16xi32>
      %parallel_loop3A_1645 = arith.cmpi slt, %parallel_loop3A_1630, %parallel_loop3A_1644 : vector<16xi32>
      %parallel_loop3A_1646 = arith.constant 1.000000e+00 : f32
      %parallel_loop3A_1647 = vector.broadcast %parallel_loop3A_1646 : f32 to vector<16xf32>
      %parallel_loop3A_1648 = arith.subf %parallel_loop3A_1647, %parallel_loop3A_1633 : vector<16xf32>
      %parallel_loop3A_1649 = arith.constant 1.000000e+00 : f32
      %parallel_loop3A_1650 = vector.broadcast %parallel_loop3A_1649 : f32 to vector<16xf32>
      %parallel_loop3A_1651 = arith.subf %parallel_loop3A_1650, %parallel_loop3A_1635 : vector<16xf32>
      %parallel_loop3A_1652 = arith.constant 0 : i32
      %parallel_loop3A_1653 = arith.constant 0 : i32
      %parallel_loop3A_1654 = arith.constant 0 : i32
      %parallel_loop3A_1655 = tpu.memref_slice %arg6[%parallel_loop3A_242, %parallel_loop3A_1653, %parallel_loop3A_1654] : memref<2x4x4000xf32, #tpu.memory_space<vmem>> -> memref<1x4x4000xf32, #tpu.memory_space<vmem>>
      %parallel_loop3A_1656 = tpu.memref_squeeze %parallel_loop3A_1655 : memref<1x4x4000xf32, #tpu.memory_space<vmem>> -> memref<4x4000xf32, #tpu.memory_space<vmem>>
      %parallel_loop3A_1657 = arith.index_cast %parallel_loop3A_1652 : i32 to index
      %parallel_loop3A_1658 = arith.index_cast %parallel_loop3A_1601 : i32 to index
      %parallel_loop3A_1659 = tpu.vector_load %parallel_loop3A_1656[%parallel_loop3A_1657, %parallel_loop3A_1658] {strides = array<i32>} : memref<4x4000xf32, #tpu.memory_space<vmem>>, vector<16xf32>,
      %parallel_loop3A_1660 = arith.constant 1 : i32
      %parallel_loop3A_1661 = arith.constant 0 : i32
      %parallel_loop3A_1662 = arith.constant 0 : i32
      %parallel_loop3A_1663 = tpu.memref_slice %arg6[%parallel_loop3A_242, %parallel_loop3A_1661, %parallel_loop3A_1662] : memref<2x4x4000xf32, #tpu.memory_space<vmem>> -> memref<1x4x4000xf32, #tpu.memory_space<vmem>>
      %parallel_loop3A_1664 = tpu.memref_squeeze %parallel_loop3A_1663 : memref<1x4x4000xf32, #tpu.memory_space<vmem>> -> memref<4x4000xf32, #tpu.memory_space<vmem>>
      %parallel_loop3A_1665 = arith.index_cast %parallel_loop3A_1660 : i32 to index
      %parallel_loop3A_1666 = arith.index_cast %parallel_loop3A_1601 : i32 to index
      %parallel_loop3A_1667 = tpu.vector_load %parallel_loop3A_1664[%parallel_loop3A_1665, %parallel_loop3A_1666] {strides = array<i32>} : memref<4x4000xf32, #tpu.memory_space<vmem>>, vector<16xf32>,
      %parallel_loop3A_1668 = arith.constant 2 : i32
      %parallel_loop3A_1669 = arith.constant 0 : i32
      %parallel_loop3A_1670 = arith.constant 0 : i32
      %parallel_loop3A_1671 = tpu.memref_slice %arg6[%parallel_loop3A_242, %parallel_loop3A_1669, %parallel_loop3A_1670] : memref<2x4x4000xf32, #tpu.memory_space<vmem>> -> memref<1x4x4000xf32, #tpu.memory_space<vmem>>
      %parallel_loop3A_1672 = tpu.memref_squeeze %parallel_loop3A_1671 : memref<1x4x4000xf32, #tpu.memory_space<vmem>> -> memref<4x4000xf32, #tpu.memory_space<vmem>>
      %parallel_loop3A_1673 = arith.index_cast %parallel_loop3A_1668 : i32 to index
      %parallel_loop3A_1674 = arith.index_cast %parallel_loop3A_1601 : i32 to index
      %parallel_loop3A_1675 = tpu.vector_load %parallel_loop3A_1672[%parallel_loop3A_1673, %parallel_loop3A_1674] {strides = array<i32>} : memref<4x4000xf32, #tpu.memory_space<vmem>>, vector<16xf32>,
      %parallel_loop3A_1676 = arith.constant 3 : i32
      %parallel_loop3A_1677 = arith.constant 0 : i32
      %parallel_loop3A_1678 = arith.constant 0 : i32
      %parallel_loop3A_1679 = tpu.memref_slice %arg6[%parallel_loop3A_242, %parallel_loop3A_1677, %parallel_loop3A_1678] : memref<2x4x4000xf32, #tpu.memory_space<vmem>> -> memref<1x4x4000xf32, #tpu.memory_space<vmem>>
      %parallel_loop3A_1680 = tpu.memref_squeeze %parallel_loop3A_1679 : memref<1x4x4000xf32, #tpu.memory_space<vmem>> -> memref<4x4000xf32, #tpu.memory_space<vmem>>
      %parallel_loop3A_1681 = arith.index_cast %parallel_loop3A_1676 : i32 to index
      %parallel_loop3A_1682 = arith.index_cast %parallel_loop3A_1601 : i32 to index
      %parallel_loop3A_1683 = tpu.vector_load %parallel_loop3A_1680[%parallel_loop3A_1681, %parallel_loop3A_1682] {strides = array<i32>} : memref<4x4000xf32, #tpu.memory_space<vmem>>, vector<16xf32>,
      %parallel_loop3A_1684 = arith.mulf %parallel_loop3A_1648, %parallel_loop3A_1651 : vector<16xf32>
      %parallel_loop3A_1685 = arith.mulf %parallel_loop3A_1684, %parallel_loop3A_1659 : vector<16xf32>
      %parallel_loop3A_1686 = arith.constant 0 : i32
      %parallel_loop3A_1687 = tpu.memref_slice %arg7[%parallel_loop3A_243, %parallel_loop3A_1686] : memref<1x66080xf32, #tpu.memory_space<vmem>> -> memref<1x16392xf32, #tpu.memory_space<vmem>>
      %parallel_loop3A_1688 = tpu.memref_squeeze %parallel_loop3A_1687 : memref<1x16392xf32, #tpu.memory_space<vmem>> -> memref<16392xf32, #tpu.memory_space<vmem>>
      tpu.vector_store_idx %parallel_loop3A_1688[%parallel_loop3A_1639], %parallel_loop3A_1685 {add = true} : memref<16392xf32, #tpu.memory_space<vmem>>[vector<16xi32>], vector<16xf32>,
      %parallel_loop3A_1689 = arith.mulf %parallel_loop3A_1684, %parallel_loop3A_1667 : vector<16xf32>
      %parallel_loop3A_1690 = arith.constant 16520 : i32
      %parallel_loop3A_1691 = tpu.memref_slice %arg7[%parallel_loop3A_244, %parallel_loop3A_1690] : memref<1x66080xf32, #tpu.memory_space<vmem>> -> memref<1x16392xf32, #tpu.memory_space<vmem>>
      %parallel_loop3A_1692 = tpu.memref_squeeze %parallel_loop3A_1691 : memref<1x16392xf32, #tpu.memory_space<vmem>> -> memref<16392xf32, #tpu.memory_space<vmem>>
      tpu.vector_store_idx %parallel_loop3A_1692[%parallel_loop3A_1639], %parallel_loop3A_1689 {add = true} : memref<16392xf32, #tpu.memory_space<vmem>>[vector<16xi32>], vector<16xf32>,
      %parallel_loop3A_1693 = arith.mulf %parallel_loop3A_1684, %parallel_loop3A_1675 : vector<16xf32>
      %parallel_loop3A_1694 = arith.constant 33040 : i32
      %parallel_loop3A_1695 = tpu.memref_slice %arg7[%parallel_loop3A_245, %parallel_loop3A_1694] : memref<1x66080xf32, #tpu.memory_space<vmem>> -> memref<1x16392xf32, #tpu.memory_space<vmem>>
      %parallel_loop3A_1696 = tpu.memref_squeeze %parallel_loop3A_1695 : memref<1x16392xf32, #tpu.memory_space<vmem>> -> memref<16392xf32, #tpu.memory_space<vmem>>
      tpu.vector_store_idx %parallel_loop3A_1696[%parallel_loop3A_1639], %parallel_loop3A_1693 {add = true} : memref<16392xf32, #tpu.memory_space<vmem>>[vector<16xi32>], vector<16xf32>,
      %parallel_loop3A_1697 = arith.mulf %parallel_loop3A_1684, %parallel_loop3A_1683 : vector<16xf32>
      %parallel_loop3A_1698 = arith.constant 49560 : i32
      %parallel_loop3A_1699 = tpu.memref_slice %arg7[%parallel_loop3A_246, %parallel_loop3A_1698] : memref<1x66080xf32, #tpu.memory_space<vmem>> -> memref<1x16392xf32, #tpu.memory_space<vmem>>
      %parallel_loop3A_1700 = tpu.memref_squeeze %parallel_loop3A_1699 : memref<1x16392xf32, #tpu.memory_space<vmem>> -> memref<16392xf32, #tpu.memory_space<vmem>>
      tpu.vector_store_idx %parallel_loop3A_1700[%parallel_loop3A_1639], %parallel_loop3A_1697 {add = true} : memref<16392xf32, #tpu.memory_space<vmem>>[vector<16xi32>], vector<16xf32>,
      %parallel_loop3A_1701 = arith.mulf %parallel_loop3A_1633, %parallel_loop3A_1651 : vector<16xf32>
      %parallel_loop3A_1702 = arith.mulf %parallel_loop3A_1701, %parallel_loop3A_1659 : vector<16xf32>
      %parallel_loop3A_1703 = arith.constant 0 : i32
      %parallel_loop3A_1704 = tpu.memref_slice %arg7[%parallel_loop3A_243, %parallel_loop3A_1703] : memref<1x66080xf32, #tpu.memory_space<vmem>> -> memref<1x16392xf32, #tpu.memory_space<vmem>>
      %parallel_loop3A_1705 = tpu.memref_squeeze %parallel_loop3A_1704 : memref<1x16392xf32, #tpu.memory_space<vmem>> -> memref<16392xf32, #tpu.memory_space<vmem>>
      tpu.vector_store_idx %parallel_loop3A_1705[%parallel_loop3A_1642], %parallel_loop3A_1702 masked %parallel_loop3A_1645 {add = true} : memref<16392xf32, #tpu.memory_space<vmem>>[vector<16xi32>], vector<16xf32>, vector<16xi1>
      %parallel_loop3A_1706 = arith.mulf %parallel_loop3A_1701, %parallel_loop3A_1667 : vector<16xf32>
      %parallel_loop3A_1707 = arith.constant 16520 : i32
      %parallel_loop3A_1708 = tpu.memref_slice %arg7[%parallel_loop3A_244, %parallel_loop3A_1707] : memref<1x66080xf32, #tpu.memory_space<vmem>> -> memref<1x16392xf32, #tpu.memory_space<vmem>>
      %parallel_loop3A_1709 = tpu.memref_squeeze %parallel_loop3A_1708 : memref<1x16392xf32, #tpu.memory_space<vmem>> -> memref<16392xf32, #tpu.memory_space<vmem>>
      tpu.vector_store_idx %parallel_loop3A_1709[%parallel_loop3A_1642], %parallel_loop3A_1706 masked %parallel_loop3A_1645 {add = true} : memref<16392xf32, #tpu.memory_space<vmem>>[vector<16xi32>], vector<16xf32>, vector<16xi1>
      %parallel_loop3A_1710 = arith.mulf %parallel_loop3A_1701, %parallel_loop3A_1675 : vector<16xf32>
      %parallel_loop3A_1711 = arith.constant 33040 : i32
      %parallel_loop3A_1712 = tpu.memref_slice %arg7[%parallel_loop3A_245, %parallel_loop3A_1711] : memref<1x66080xf32, #tpu.memory_space<vmem>> -> memref<1x16392xf32, #tpu.memory_space<vmem>>
      %parallel_loop3A_1713 = tpu.memref_squeeze %parallel_loop3A_1712 : memref<1x16392xf32, #tpu.memory_space<vmem>> -> memref<16392xf32, #tpu.memory_space<vmem>>
      tpu.vector_store_idx %parallel_loop3A_1713[%parallel_loop3A_1642], %parallel_loop3A_1710 masked %parallel_loop3A_1645 {add = true} : memref<16392xf32, #tpu.memory_space<vmem>>[vector<16xi32>], vector<16xf32>, vector<16xi1>
      %parallel_loop3A_1714 = arith.mulf %parallel_loop3A_1701, %parallel_loop3A_1683 : vector<16xf32>
      %parallel_loop3A_1715 = arith.constant 49560 : i32
      %parallel_loop3A_1716 = tpu.memref_slice %arg7[%parallel_loop3A_246, %parallel_loop3A_1715] : memref<1x66080xf32, #tpu.memory_space<vmem>> -> memref<1x16392xf32, #tpu.memory_space<vmem>>
      %parallel_loop3A_1717 = tpu.memref_squeeze %parallel_loop3A_1716 : memref<1x16392xf32, #tpu.memory_space<vmem>> -> memref<16392xf32, #tpu.memory_space<vmem>>
      tpu.vector_store_idx %parallel_loop3A_1717[%parallel_loop3A_1642], %parallel_loop3A_1714 masked %parallel_loop3A_1645 {add = true} : memref<16392xf32, #tpu.memory_space<vmem>>[vector<16xi32>], vector<16xf32>, vector<16xi1>
      %parallel_loop3A_1718 = arith.mulf %parallel_loop3A_1648, %parallel_loop3A_1635 : vector<16xf32>
      %parallel_loop3A_1719 = arith.mulf %parallel_loop3A_1718, %parallel_loop3A_1659 : vector<16xf32>
      %parallel_loop3A_1720 = arith.constant 128 : i32
      %parallel_loop3A_1721 = tpu.memref_slice %arg7[%parallel_loop3A_247, %parallel_loop3A_1720] : memref<1x66080xf32, #tpu.memory_space<vmem>> -> memref<1x16392xf32, #tpu.memory_space<vmem>>
      %parallel_loop3A_1722 = tpu.memref_squeeze %parallel_loop3A_1721 : memref<1x16392xf32, #tpu.memory_space<vmem>> -> memref<16392xf32, #tpu.memory_space<vmem>>
      tpu.vector_store_idx %parallel_loop3A_1722[%parallel_loop3A_1639], %parallel_loop3A_1719 {add = true} : memref<16392xf32, #tpu.memory_space<vmem>>[vector<16xi32>], vector<16xf32>,
      %parallel_loop3A_1723 = arith.mulf %parallel_loop3A_1718, %parallel_loop3A_1667 : vector<16xf32>
      %parallel_loop3A_1724 = arith.constant 16648 : i32
      %parallel_loop3A_1725 = tpu.memref_slice %arg7[%parallel_loop3A_248, %parallel_loop3A_1724] : memref<1x66080xf32, #tpu.memory_space<vmem>> -> memref<1x16392xf32, #tpu.memory_space<vmem>>
      %parallel_loop3A_1726 = tpu.memref_squeeze %parallel_loop3A_1725 : memref<1x16392xf32, #tpu.memory_space<vmem>> -> memref<16392xf32, #tpu.memory_space<vmem>>
      tpu.vector_store_idx %parallel_loop3A_1726[%parallel_loop3A_1639], %parallel_loop3A_1723 {add = true} : memref<16392xf32, #tpu.memory_space<vmem>>[vector<16xi32>], vector<16xf32>,
      %parallel_loop3A_1727 = arith.mulf %parallel_loop3A_1718, %parallel_loop3A_1675 : vector<16xf32>
      %parallel_loop3A_1728 = arith.constant 33168 : i32
      %parallel_loop3A_1729 = tpu.memref_slice %arg7[%parallel_loop3A_249, %parallel_loop3A_1728] : memref<1x66080xf32, #tpu.memory_space<vmem>> -> memref<1x16392xf32, #tpu.memory_space<vmem>>
      %parallel_loop3A_1730 = tpu.memref_squeeze %parallel_loop3A_1729 : memref<1x16392xf32, #tpu.memory_space<vmem>> -> memref<16392xf32, #tpu.memory_space<vmem>>
      tpu.vector_store_idx %parallel_loop3A_1730[%parallel_loop3A_1639], %parallel_loop3A_1727 {add = true} : memref<16392xf32, #tpu.memory_space<vmem>>[vector<16xi32>], vector<16xf32>,
      %parallel_loop3A_1731 = arith.mulf %parallel_loop3A_1718, %parallel_loop3A_1683 : vector<16xf32>
      %parallel_loop3A_1732 = arith.constant 49688 : i32
      %parallel_loop3A_1733 = tpu.memref_slice %arg7[%parallel_loop3A_250, %parallel_loop3A_1732] : memref<1x66080xf32, #tpu.memory_space<vmem>> -> memref<1x16392xf32, #tpu.memory_space<vmem>>
      %parallel_loop3A_1734 = tpu.memref_squeeze %parallel_loop3A_1733 : memref<1x16392xf32, #tpu.memory_space<vmem>> -> memref<16392xf32, #tpu.memory_space<vmem>>
      tpu.vector_store_idx %parallel_loop3A_1734[%parallel_loop3A_1639], %parallel_loop3A_1731 {add = true} : memref<16392xf32, #tpu.memory_space<vmem>>[vector<16xi32>], vector<16xf32>,
      %parallel_loop3A_1735 = arith.mulf %parallel_loop3A_1633, %parallel_loop3A_1635 : vector<16xf32>
      %parallel_loop3A_1736 = arith.mulf %parallel_loop3A_1735, %parallel_loop3A_1659 : vector<16xf32>
      %parallel_loop3A_1737 = arith.constant 128 : i32
      %parallel_loop3A_1738 = tpu.memref_slice %arg7[%parallel_loop3A_247, %parallel_loop3A_1737] : memref<1x66080xf32, #tpu.memory_space<vmem>> -> memref<1x16392xf32, #tpu.memory_space<vmem>>
      %parallel_loop3A_1739 = tpu.memref_squeeze %parallel_loop3A_1738 : memref<1x16392xf32, #tpu.memory_space<vmem>> -> memref<16392xf32, #tpu.memory_space<vmem>>
      tpu.vector_store_idx %parallel_loop3A_1739[%parallel_loop3A_1642], %parallel_loop3A_1736 masked %parallel_loop3A_1645 {add = true} : memref<16392xf32, #tpu.memory_space<vmem>>[vector<16xi32>], vector<16xf32>, vector<16xi1>
      %parallel_loop3A_1740 = arith.mulf %parallel_loop3A_1735, %parallel_loop3A_1667 : vector<16xf32>
      %parallel_loop3A_1741 = arith.constant 16648 : i32
      %parallel_loop3A_1742 = tpu.memref_slice %arg7[%parallel_loop3A_248, %parallel_loop3A_1741] : memref<1x66080xf32, #tpu.memory_space<vmem>> -> memref<1x16392xf32, #tpu.memory_space<vmem>>
      %parallel_loop3A_1743 = tpu.memref_squeeze %parallel_loop3A_1742 : memref<1x16392xf32, #tpu.memory_space<vmem>> -> memref<16392xf32, #tpu.memory_space<vmem>>
      tpu.vector_store_idx %parallel_loop3A_1743[%parallel_loop3A_1642], %parallel_loop3A_1740 masked %parallel_loop3A_1645 {add = true} : memref<16392xf32, #tpu.memory_space<vmem>>[vector<16xi32>], vector<16xf32>, vector<16xi1>
      %parallel_loop3A_1744 = arith.mulf %parallel_loop3A_1735, %parallel_loop3A_1675 : vector<16xf32>
      %parallel_loop3A_1745 = arith.constant 33168 : i32
      %parallel_loop3A_1746 = tpu.memref_slice %arg7[%parallel_loop3A_249, %parallel_loop3A_1745] : memref<1x66080xf32, #tpu.memory_space<vmem>> -> memref<1x16392xf32, #tpu.memory_space<vmem>>
      %parallel_loop3A_1747 = tpu.memref_squeeze %parallel_loop3A_1746 : memref<1x16392xf32, #tpu.memory_space<vmem>> -> memref<16392xf32, #tpu.memory_space<vmem>>
      tpu.vector_store_idx %parallel_loop3A_1747[%parallel_loop3A_1642], %parallel_loop3A_1744 masked %parallel_loop3A_1645 {add = true} : memref<16392xf32, #tpu.memory_space<vmem>>[vector<16xi32>], vector<16xf32>, vector<16xi1>
      %parallel_loop3A_1748 = arith.mulf %parallel_loop3A_1735, %parallel_loop3A_1683 : vector<16xf32>
      %parallel_loop3A_1749 = arith.constant 49688 : i32
      %parallel_loop3A_1750 = tpu.memref_slice %arg7[%parallel_loop3A_250, %parallel_loop3A_1749] : memref<1x66080xf32, #tpu.memory_space<vmem>> -> memref<1x16392xf32, #tpu.memory_space<vmem>>
      %parallel_loop3A_1751 = tpu.memref_squeeze %parallel_loop3A_1750 : memref<1x16392xf32, #tpu.memory_space<vmem>> -> memref<16392xf32, #tpu.memory_space<vmem>>
      tpu.vector_store_idx %parallel_loop3A_1751[%parallel_loop3A_1642], %parallel_loop3A_1748 masked %parallel_loop3A_1645 {add = true} : memref<16392xf32, #tpu.memory_space<vmem>>[vector<16xi32>], vector<16xf32>, vector<16xi1>
    } {sc.loop_unroll_factor = 2 : i64, sc.parallel_access}
    %mul3A_251 = arith.constant 2 : i32
    %mul3A_252 = arith.muli %add3A, %mul3A_251 : i32
    %add3A_253 = arith.constant 0 : i32
    %add3A_254 = arith.addi %mul3A_252, %add3A_253 : i32
    %jit3A_255 = arith.constant 8 : i32
    %div3A_256 = arith.divsi %add3A_254, %jit3A_255 : i32
    %sign3A_257 = arith.constant 0 : i32
    %sign3A_258 = arith.cmpi sgt, %add3A_254, %sign3A_257 : i32
    %sign3A_259 = arith.extui %sign3A_258 : i1 to i32
    %sign3A_260 = arith.constant 0 : i32
    %sign3A_261 = arith.cmpi slt, %add3A_254, %sign3A_260 : i32
    %sign3A_262 = arith.extui %sign3A_261 : i1 to i32
    %sign3A_263 = arith.subi %sign3A_259, %sign3A_262 : i32
    %sign3A_264 = arith.constant 0 : i32
    %sign3A_265 = arith.cmpi sgt, %jit3A_255, %sign3A_264 : i32
    %sign3A_266 = arith.extui %sign3A_265 : i1 to i32
    %sign3A_267 = arith.constant 0 : i32
    %sign3A_268 = arith.cmpi slt, %jit3A_255, %sign3A_267 : i32
    %sign3A_269 = arith.extui %sign3A_268 : i1 to i32
    %sign3A_270 = arith.subi %sign3A_266, %sign3A_269 : i32
    %ne3A_271 = arith.cmpi ne, %sign3A_263, %sign3A_270 : i32
    %rem3A_272 = arith.remsi %add3A_254, %jit3A_255 : i32
    %ne3A_273 = arith.constant 0 : i32
    %ne3A_274 = arith.cmpi ne, %rem3A_272, %ne3A_273 : i32
    %and3A_275 = arith.andi %ne3A_271, %ne3A_274 : i1
    %sub3A_276 = arith.constant 1 : i32
    %sub3A_277 = arith.subi %div3A_256, %sub3A_276 : i32
    %select_n3A_278 = arith.select %and3A_275, %sub3A_277, %div3A_256 : i32
    %jit3A_279 = arith.constant 8 : i32
    %eq3A_280 = arith.constant 0 : i32
    %eq3A_281 = arith.cmpi eq, %jit3A_279, %eq3A_280 : i32
    %jit3A_282 = arith.constant 1 : i32
    %select_n3A_283 = arith.select %eq3A_281, %jit3A_282, %jit3A_279 : i32
    %rem3A_284 = arith.remsi %add3A_254, %select_n3A_283 : i32
    %ne3A_285 = arith.constant 0 : i32
    %ne3A_286 = arith.cmpi ne, %rem3A_284, %ne3A_285 : i32
    %lt3A_287 = arith.constant 0 : i32
    %lt3A_288 = arith.cmpi slt, %rem3A_284, %lt3A_287 : i32
    %lt3A_289 = arith.constant 0 : i32
    %lt3A_290 = arith.cmpi slt, %select_n3A_283, %lt3A_289 : i32
    %ne3A_291 = arith.xori %lt3A_288, %lt3A_290 : i1
    %and3A_292 = arith.andi %ne3A_291, %ne3A_286 : i1
    %add3A_293 = arith.addi %rem3A_284, %select_n3A_283 : i32
    %select_n3A_294 = arith.select %and3A_292, %add3A_293, %rem3A_284 : i32
    %mul3A_295 = arith.constant 32 : i32
    %mul3A_296 = arith.muli %select_n3A_278, %mul3A_295 : i32
    %mul3A_297 = arith.constant 4 : i32
    %mul3A_298 = arith.muli %select_n3A_294, %mul3A_297 : i32
    %add3A_299 = arith.addi %mul3A_296, %mul3A_298 : i32
    %mul3A_300 = arith.constant 2 : i32
    %mul3A_301 = arith.muli %select_n3A_278, %mul3A_300 : i32
    %dma_start3A_302 = arith.constant 0 : i32
    %dma_start3A_303 = arith.constant 0 : i32
    %dma_start3A_304 = arith.constant 0 : i32
    %dma_start3A_305 = arith.constant 0 : i32
    %dma_start3A_306 = tpu.memref_slice %arg5[%dma_start3A_302, %dma_start3A_304, %dma_start3A_305] : memref<2x2x4000xf32, #tpu.memory_space<vmem>> -> memref<1x2x4000xf32, #tpu.memory_space<vmem>>
    %dma_start3A_307 = tpu.memref_squeeze %dma_start3A_306 : memref<1x2x4000xf32, #tpu.memory_space<vmem>> -> memref<2x4000xf32, #tpu.memory_space<vmem>>
    %dma_start3A_308 = arith.constant 8000 : i32
    %dma_start3A_309 = tpu.memref_slice %arg2[%mul3A_301, %dma_start3A_308] : memref<16x20000xf32, #tpu.memory_space<hbm>> -> memref<2x4000xf32, #tpu.memory_space<hbm>>
    %dma_start3A_310 = tpu.memref_slice %arg8[%dma_start3A_303] : memref<3x!tpu.dma_semaphore, #tpu.memory_space<semaphore_mem>> -> memref<1x!tpu.dma_semaphore, #tpu.memory_space<semaphore_mem>>
    %dma_start3A_311 = tpu.memref_squeeze %dma_start3A_310 : memref<1x!tpu.dma_semaphore, #tpu.memory_space<semaphore_mem>> -> memref<!tpu.dma_semaphore, #tpu.memory_space<semaphore_mem>>
    %dma_start3A_312 = arith.constant 0 : i32
    %dma_start3A_313 = arith.constant 0 : i32
    %dma_start3A_314 = tpu.memref_slice %arg5[%dma_start3A_302, %dma_start3A_312, %dma_start3A_313] : memref<2x2x4000xf32, #tpu.memory_space<vmem>> -> memref<1x2x4000xf32, #tpu.memory_space<vmem>>
    %dma_start3A_315 = tpu.memref_squeeze %dma_start3A_314 : memref<1x2x4000xf32, #tpu.memory_space<vmem>> -> memref<2x4000xf32, #tpu.memory_space<vmem>>
    %dma_start3A_316 = arith.constant 8000 : i32
    %dma_start3A_317 = tpu.memref_slice %arg2[%mul3A_301, %dma_start3A_316] : memref<16x20000xf32, #tpu.memory_space<hbm>> -> memref<2x4000xf32, #tpu.memory_space<hbm>>
    tpu.enqueue_dma source(%dma_start3A_317 : memref<2x4000xf32, #tpu.memory_space<hbm>>) target(%dma_start3A_315 : memref<2x4000xf32, #tpu.memory_space<vmem>>) target_semaphore(%dma_start3A_311 : memref<!tpu.dma_semaphore, #tpu.memory_space<semaphore_mem>>)
    %dma_start3A_318 = arith.constant 0 : i32
    %dma_start3A_319 = arith.constant 0 : i32
    %dma_start3A_320 = arith.constant 0 : i32
    %dma_start3A_321 = arith.constant 0 : i32
    %dma_start3A_322 = tpu.memref_slice %arg6[%dma_start3A_318, %dma_start3A_320, %dma_start3A_321] : memref<2x4x4000xf32, #tpu.memory_space<vmem>> -> memref<1x4x4000xf32, #tpu.memory_space<vmem>>
    %dma_start3A_323 = tpu.memref_squeeze %dma_start3A_322 : memref<1x4x4000xf32, #tpu.memory_space<vmem>> -> memref<4x4000xf32, #tpu.memory_space<vmem>>
    %dma_start3A_324 = arith.constant 8000 : i32
    %dma_start3A_325 = tpu.memref_slice %arg3[%add3A_299, %dma_start3A_324] : memref<256x20000xf32, #tpu.memory_space<hbm>> -> memref<4x4000xf32, #tpu.memory_space<hbm>>
    %dma_start3A_326 = tpu.memref_slice %arg8[%dma_start3A_319] : memref<3x!tpu.dma_semaphore, #tpu.memory_space<semaphore_mem>> -> memref<1x!tpu.dma_semaphore, #tpu.memory_space<semaphore_mem>>
    %dma_start3A_327 = tpu.memref_squeeze %dma_start3A_326 : memref<1x!tpu.dma_semaphore, #tpu.memory_space<semaphore_mem>> -> memref<!tpu.dma_semaphore, #tpu.memory_space<semaphore_mem>>
    %dma_start3A_328 = arith.constant 0 : i32
    %dma_start3A_329 = arith.constant 0 : i32
    %dma_start3A_330 = tpu.memref_slice %arg6[%dma_start3A_318, %dma_start3A_328, %dma_start3A_329] : memref<2x4x4000xf32, #tpu.memory_space<vmem>> -> memref<1x4x4000xf32, #tpu.memory_space<vmem>>
    %dma_start3A_331 = tpu.memref_squeeze %dma_start3A_330 : memref<1x4x4000xf32, #tpu.memory_space<vmem>> -> memref<4x4000xf32, #tpu.memory_space<vmem>>
    %dma_start3A_332 = arith.constant 8000 : i32
    %dma_start3A_333 = tpu.memref_slice %arg3[%add3A_299, %dma_start3A_332] : memref<256x20000xf32, #tpu.memory_space<hbm>> -> memref<4x4000xf32, #tpu.memory_space<hbm>>
    tpu.enqueue_dma source(%dma_start3A_333 : memref<4x4000xf32, #tpu.memory_space<hbm>>) target(%dma_start3A_331 : memref<4x4000xf32, #tpu.memory_space<vmem>>) target_semaphore(%dma_start3A_327 : memref<!tpu.dma_semaphore, #tpu.memory_space<semaphore_mem>>)
    %dma_wait3A_334 = arith.constant 1 : i32
    %dma_wait3A_335 = arith.constant 1 : i32
    %dma_wait3A_336 = arith.constant 0 : i32
    %dma_wait3A_337 = arith.constant 0 : i32
    %dma_wait3A_338 = tpu.memref_slice %arg5[%dma_wait3A_334, %dma_wait3A_336, %dma_wait3A_337] : memref<2x2x4000xf32, #tpu.memory_space<vmem>> -> memref<1x2x4000xf32, #tpu.memory_space<vmem>>
    %dma_wait3A_339 = tpu.memref_squeeze %dma_wait3A_338 : memref<1x2x4000xf32, #tpu.memory_space<vmem>> -> memref<2x4000xf32, #tpu.memory_space<vmem>>
    %dma_wait3A_340 = arith.constant 4000 : i32
    %dma_wait3A_341 = tpu.memref_slice %arg2[%mul3A_174, %dma_wait3A_340] : memref<16x20000xf32, #tpu.memory_space<hbm>> -> memref<2x4000xf32, #tpu.memory_space<hbm>>
    %dma_wait3A_342 = tpu.memref_slice %arg8[%dma_wait3A_335] : memref<3x!tpu.dma_semaphore, #tpu.memory_space<semaphore_mem>> -> memref<1x!tpu.dma_semaphore, #tpu.memory_space<semaphore_mem>>
    %dma_wait3A_343 = tpu.memref_squeeze %dma_wait3A_342 : memref<1x!tpu.dma_semaphore, #tpu.memory_space<semaphore_mem>> -> memref<!tpu.dma_semaphore, #tpu.memory_space<semaphore_mem>>
    %dma_wait3A_344 = arith.constant 0 : i32
    %dma_wait3A_345 = arith.constant 0 : i32
    %dma_wait3A_346 = tpu.memref_slice %arg5[%dma_wait3A_334, %dma_wait3A_344, %dma_wait3A_345] : memref<2x2x4000xf32, #tpu.memory_space<vmem>> -> memref<1x2x4000xf32, #tpu.memory_space<vmem>>
    %dma_wait3A_347 = tpu.memref_squeeze %dma_wait3A_346 : memref<1x2x4000xf32, #tpu.memory_space<vmem>> -> memref<2x4000xf32, #tpu.memory_space<vmem>>
    %dma_wait3A_348 = arith.constant 4000 : i32
    %dma_wait3A_349 = tpu.memref_slice %arg2[%mul3A_174, %dma_wait3A_348] : memref<16x20000xf32, #tpu.memory_space<hbm>> -> memref<2x4000xf32, #tpu.memory_space<hbm>>
    tpu.wait_dma2 semaphore(%dma_wait3A_343 : memref<!tpu.dma_semaphore, #tpu.memory_space<semaphore_mem>>) src(%dma_wait3A_349 : memref<2x4000xf32, #tpu.memory_space<hbm>>) dst(%dma_wait3A_347 : memref<2x4000xf32, #tpu.memory_space<vmem>>)
    %dma_wait3A_350 = arith.constant 1 : i32
    %dma_wait3A_351 = arith.constant 1 : i32
    %dma_wait3A_352 = arith.constant 0 : i32
    %dma_wait3A_353 = arith.constant 0 : i32
    %dma_wait3A_354 = tpu.memref_slice %arg6[%dma_wait3A_350, %dma_wait3A_352, %dma_wait3A_353] : memref<2x4x4000xf32, #tpu.memory_space<vmem>> -> memref<1x4x4000xf32, #tpu.memory_space<vmem>>
    %dma_wait3A_355 = tpu.memref_squeeze %dma_wait3A_354 : memref<1x4x4000xf32, #tpu.memory_space<vmem>> -> memref<4x4000xf32, #tpu.memory_space<vmem>>
    %dma_wait3A_356 = arith.constant 4000 : i32
    %dma_wait3A_357 = tpu.memref_slice %arg3[%add3A_172, %dma_wait3A_356] : memref<256x20000xf32, #tpu.memory_space<hbm>> -> memref<4x4000xf32, #tpu.memory_space<hbm>>
    %dma_wait3A_358 = tpu.memref_slice %arg8[%dma_wait3A_351] : memref<3x!tpu.dma_semaphore, #tpu.memory_space<semaphore_mem>> -> memref<1x!tpu.dma_semaphore, #tpu.memory_space<semaphore_mem>>
    %dma_wait3A_359 = tpu.memref_squeeze %dma_wait3A_358 : memref<1x!tpu.dma_semaphore, #tpu.memory_space<semaphore_mem>> -> memref<!tpu.dma_semaphore, #tpu.memory_space<semaphore_mem>>
    %dma_wait3A_360 = arith.constant 0 : i32
    %dma_wait3A_361 = arith.constant 0 : i32
    %dma_wait3A_362 = tpu.memref_slice %arg6[%dma_wait3A_350, %dma_wait3A_360, %dma_wait3A_361] : memref<2x4x4000xf32, #tpu.memory_space<vmem>> -> memref<1x4x4000xf32, #tpu.memory_space<vmem>>
    %dma_wait3A_363 = tpu.memref_squeeze %dma_wait3A_362 : memref<1x4x4000xf32, #tpu.memory_space<vmem>> -> memref<4x4000xf32, #tpu.memory_space<vmem>>
    %dma_wait3A_364 = arith.constant 4000 : i32
    %dma_wait3A_365 = tpu.memref_slice %arg3[%add3A_172, %dma_wait3A_364] : memref<256x20000xf32, #tpu.memory_space<hbm>> -> memref<4x4000xf32, #tpu.memory_space<hbm>>
    tpu.wait_dma2 semaphore(%dma_wait3A_359 : memref<!tpu.dma_semaphore, #tpu.memory_space<semaphore_mem>>) src(%dma_wait3A_365 : memref<4x4000xf32, #tpu.memory_space<hbm>>) dst(%dma_wait3A_363 : memref<4x4000xf32, #tpu.memory_space<vmem>>)
    %parallel_loop3A_366 = arith.constant 0 : i32
    %parallel_loop3A_367 = arith.constant 250 : i32
    %parallel_loop3A_368 = arith.constant 1 : i32
    %parallel_loop3A_369 = arith.constant 1 : i32
    %parallel_loop3A_370 = arith.constant 1 : i32
    %parallel_loop3A_371 = arith.constant 0 : i32
    %parallel_loop3A_372 = arith.constant 0 : i32
    %parallel_loop3A_373 = arith.constant 0 : i32
    %parallel_loop3A_374 = arith.constant 0 : i32
    %parallel_loop3A_375 = arith.constant 0 : i32
    %parallel_loop3A_376 = arith.constant 0 : i32
    %parallel_loop3A_377 = arith.constant 0 : i32
    %parallel_loop3A_378 = arith.constant 0 : i32
    scf.for %parallel_loop3A_1599 = %parallel_loop3A_366 to %parallel_loop3A_367 step %parallel_loop3A_368  : i32 {
      %parallel_loop3A_1600 = arith.constant 16 : i32
      %parallel_loop3A_1601 = arith.muli %parallel_loop3A_1599, %parallel_loop3A_1600 : i32
      %parallel_loop3A_1602 = arith.constant 0 : i32
      %parallel_loop3A_1603 = arith.constant 0 : i32
      %parallel_loop3A_1604 = arith.constant 0 : i32
      %parallel_loop3A_1605 = tpu.memref_slice %arg5[%parallel_loop3A_369, %parallel_loop3A_1603, %parallel_loop3A_1604] : memref<2x2x4000xf32, #tpu.memory_space<vmem>> -> memref<1x2x4000xf32, #tpu.memory_space<vmem>>
      %parallel_loop3A_1606 = tpu.memref_squeeze %parallel_loop3A_1605 : memref<1x2x4000xf32, #tpu.memory_space<vmem>> -> memref<2x4000xf32, #tpu.memory_space<vmem>>
      %parallel_loop3A_1607 = arith.index_cast %parallel_loop3A_1602 : i32 to index
      %parallel_loop3A_1608 = arith.index_cast %parallel_loop3A_1601 : i32 to index
      %parallel_loop3A_1609 = tpu.vector_load %parallel_loop3A_1606[%parallel_loop3A_1607, %parallel_loop3A_1608] {strides = array<i32>} : memref<2x4000xf32, #tpu.memory_space<vmem>>, vector<16xf32>,
      %parallel_loop3A_1610 = arith.constant 1 : i32
      %parallel_loop3A_1611 = arith.constant 0 : i32
      %parallel_loop3A_1612 = arith.constant 0 : i32
      %parallel_loop3A_1613 = tpu.memref_slice %arg5[%parallel_loop3A_369, %parallel_loop3A_1611, %parallel_loop3A_1612] : memref<2x2x4000xf32, #tpu.memory_space<vmem>> -> memref<1x2x4000xf32, #tpu.memory_space<vmem>>
      %parallel_loop3A_1614 = tpu.memref_squeeze %parallel_loop3A_1613 : memref<1x2x4000xf32, #tpu.memory_space<vmem>> -> memref<2x4000xf32, #tpu.memory_space<vmem>>
      %parallel_loop3A_1615 = arith.index_cast %parallel_loop3A_1610 : i32 to index
      %parallel_loop3A_1616 = arith.index_cast %parallel_loop3A_1601 : i32 to index
      %parallel_loop3A_1617 = tpu.vector_load %parallel_loop3A_1614[%parallel_loop3A_1615, %parallel_loop3A_1616] {strides = array<i32>} : memref<2x4000xf32, #tpu.memory_space<vmem>>, vector<16xf32>,
      %parallel_loop3A_1618 = arith.constant 5.000000e-01 : f32
      %parallel_loop3A_1619 = vector.broadcast %parallel_loop3A_1618 : f32 to vector<16xf32>
      %parallel_loop3A_1620 = arith.addf %parallel_loop3A_1609, %parallel_loop3A_1619 : vector<16xf32>
      %parallel_loop3A_1621 = arith.constant 1.280000e+02 : f32
      %parallel_loop3A_1622 = vector.broadcast %parallel_loop3A_1621 : f32 to vector<16xf32>
      %parallel_loop3A_1623 = arith.mulf %parallel_loop3A_1620, %parallel_loop3A_1622 : vector<16xf32>
      %parallel_loop3A_1624 = arith.constant 5.000000e-01 : f32
      %parallel_loop3A_1625 = vector.broadcast %parallel_loop3A_1624 : f32 to vector<16xf32>
      %parallel_loop3A_1626 = arith.addf %parallel_loop3A_1617, %parallel_loop3A_1625 : vector<16xf32>
      %parallel_loop3A_1627 = arith.constant 1.280000e+02 : f32
      %parallel_loop3A_1628 = vector.broadcast %parallel_loop3A_1627 : f32 to vector<16xf32>
      %parallel_loop3A_1629 = arith.mulf %parallel_loop3A_1626, %parallel_loop3A_1628 : vector<16xf32>
      %parallel_loop3A_1630 = arith.fptosi %parallel_loop3A_1623 : vector<16xf32> to vector<16xi32>
      %parallel_loop3A_1631 = arith.fptosi %parallel_loop3A_1629 : vector<16xf32> to vector<16xi32>
      %parallel_loop3A_1632 = arith.sitofp %parallel_loop3A_1630 : vector<16xi32> to vector<16xf32>
      %parallel_loop3A_1633 = arith.subf %parallel_loop3A_1623, %parallel_loop3A_1632 : vector<16xf32>
      %parallel_loop3A_1634 = arith.sitofp %parallel_loop3A_1631 : vector<16xi32> to vector<16xf32>
      %parallel_loop3A_1635 = arith.subf %parallel_loop3A_1629, %parallel_loop3A_1634 : vector<16xf32>
      %parallel_loop3A_1636 = arith.constant 128 : i32
      %parallel_loop3A_1637 = vector.broadcast %parallel_loop3A_1636 : i32 to vector<16xi32>
      %parallel_loop3A_1638 = arith.muli %parallel_loop3A_1631, %parallel_loop3A_1637 : vector<16xi32>
      %parallel_loop3A_1639 = arith.addi %parallel_loop3A_1638, %parallel_loop3A_1630 : vector<16xi32>
      %parallel_loop3A_1640 = arith.constant 1 : i32
      %parallel_loop3A_1641 = vector.broadcast %parallel_loop3A_1640 : i32 to vector<16xi32>
      %parallel_loop3A_1642 = arith.addi %parallel_loop3A_1639, %parallel_loop3A_1641 : vector<16xi32>
      %parallel_loop3A_1643 = arith.constant 127 : i32
      %parallel_loop3A_1644 = vector.broadcast %parallel_loop3A_1643 : i32 to vector<16xi32>
      %parallel_loop3A_1645 = arith.cmpi slt, %parallel_loop3A_1630, %parallel_loop3A_1644 : vector<16xi32>
      %parallel_loop3A_1646 = arith.constant 1.000000e+00 : f32
      %parallel_loop3A_1647 = vector.broadcast %parallel_loop3A_1646 : f32 to vector<16xf32>
      %parallel_loop3A_1648 = arith.subf %parallel_loop3A_1647, %parallel_loop3A_1633 : vector<16xf32>
      %parallel_loop3A_1649 = arith.constant 1.000000e+00 : f32
      %parallel_loop3A_1650 = vector.broadcast %parallel_loop3A_1649 : f32 to vector<16xf32>
      %parallel_loop3A_1651 = arith.subf %parallel_loop3A_1650, %parallel_loop3A_1635 : vector<16xf32>
      %parallel_loop3A_1652 = arith.constant 0 : i32
      %parallel_loop3A_1653 = arith.constant 0 : i32
      %parallel_loop3A_1654 = arith.constant 0 : i32
      %parallel_loop3A_1655 = tpu.memref_slice %arg6[%parallel_loop3A_370, %parallel_loop3A_1653, %parallel_loop3A_1654] : memref<2x4x4000xf32, #tpu.memory_space<vmem>> -> memref<1x4x4000xf32, #tpu.memory_space<vmem>>
      %parallel_loop3A_1656 = tpu.memref_squeeze %parallel_loop3A_1655 : memref<1x4x4000xf32, #tpu.memory_space<vmem>> -> memref<4x4000xf32, #tpu.memory_space<vmem>>
      %parallel_loop3A_1657 = arith.index_cast %parallel_loop3A_1652 : i32 to index
      %parallel_loop3A_1658 = arith.index_cast %parallel_loop3A_1601 : i32 to index
      %parallel_loop3A_1659 = tpu.vector_load %parallel_loop3A_1656[%parallel_loop3A_1657, %parallel_loop3A_1658] {strides = array<i32>} : memref<4x4000xf32, #tpu.memory_space<vmem>>, vector<16xf32>,
      %parallel_loop3A_1660 = arith.constant 1 : i32
      %parallel_loop3A_1661 = arith.constant 0 : i32
      %parallel_loop3A_1662 = arith.constant 0 : i32
      %parallel_loop3A_1663 = tpu.memref_slice %arg6[%parallel_loop3A_370, %parallel_loop3A_1661, %parallel_loop3A_1662] : memref<2x4x4000xf32, #tpu.memory_space<vmem>> -> memref<1x4x4000xf32, #tpu.memory_space<vmem>>
      %parallel_loop3A_1664 = tpu.memref_squeeze %parallel_loop3A_1663 : memref<1x4x4000xf32, #tpu.memory_space<vmem>> -> memref<4x4000xf32, #tpu.memory_space<vmem>>
      %parallel_loop3A_1665 = arith.index_cast %parallel_loop3A_1660 : i32 to index
      %parallel_loop3A_1666 = arith.index_cast %parallel_loop3A_1601 : i32 to index
      %parallel_loop3A_1667 = tpu.vector_load %parallel_loop3A_1664[%parallel_loop3A_1665, %parallel_loop3A_1666] {strides = array<i32>} : memref<4x4000xf32, #tpu.memory_space<vmem>>, vector<16xf32>,
      %parallel_loop3A_1668 = arith.constant 2 : i32
      %parallel_loop3A_1669 = arith.constant 0 : i32
      %parallel_loop3A_1670 = arith.constant 0 : i32
      %parallel_loop3A_1671 = tpu.memref_slice %arg6[%parallel_loop3A_370, %parallel_loop3A_1669, %parallel_loop3A_1670] : memref<2x4x4000xf32, #tpu.memory_space<vmem>> -> memref<1x4x4000xf32, #tpu.memory_space<vmem>>
      %parallel_loop3A_1672 = tpu.memref_squeeze %parallel_loop3A_1671 : memref<1x4x4000xf32, #tpu.memory_space<vmem>> -> memref<4x4000xf32, #tpu.memory_space<vmem>>
      %parallel_loop3A_1673 = arith.index_cast %parallel_loop3A_1668 : i32 to index
      %parallel_loop3A_1674 = arith.index_cast %parallel_loop3A_1601 : i32 to index
      %parallel_loop3A_1675 = tpu.vector_load %parallel_loop3A_1672[%parallel_loop3A_1673, %parallel_loop3A_1674] {strides = array<i32>} : memref<4x4000xf32, #tpu.memory_space<vmem>>, vector<16xf32>,
      %parallel_loop3A_1676 = arith.constant 3 : i32
      %parallel_loop3A_1677 = arith.constant 0 : i32
      %parallel_loop3A_1678 = arith.constant 0 : i32
      %parallel_loop3A_1679 = tpu.memref_slice %arg6[%parallel_loop3A_370, %parallel_loop3A_1677, %parallel_loop3A_1678] : memref<2x4x4000xf32, #tpu.memory_space<vmem>> -> memref<1x4x4000xf32, #tpu.memory_space<vmem>>
      %parallel_loop3A_1680 = tpu.memref_squeeze %parallel_loop3A_1679 : memref<1x4x4000xf32, #tpu.memory_space<vmem>> -> memref<4x4000xf32, #tpu.memory_space<vmem>>
      %parallel_loop3A_1681 = arith.index_cast %parallel_loop3A_1676 : i32 to index
      %parallel_loop3A_1682 = arith.index_cast %parallel_loop3A_1601 : i32 to index
      %parallel_loop3A_1683 = tpu.vector_load %parallel_loop3A_1680[%parallel_loop3A_1681, %parallel_loop3A_1682] {strides = array<i32>} : memref<4x4000xf32, #tpu.memory_space<vmem>>, vector<16xf32>,
      %parallel_loop3A_1684 = arith.mulf %parallel_loop3A_1648, %parallel_loop3A_1651 : vector<16xf32>
      %parallel_loop3A_1685 = arith.mulf %parallel_loop3A_1684, %parallel_loop3A_1659 : vector<16xf32>
      %parallel_loop3A_1686 = arith.constant 0 : i32
      %parallel_loop3A_1687 = tpu.memref_slice %arg7[%parallel_loop3A_371, %parallel_loop3A_1686] : memref<1x66080xf32, #tpu.memory_space<vmem>> -> memref<1x16392xf32, #tpu.memory_space<vmem>>
      %parallel_loop3A_1688 = tpu.memref_squeeze %parallel_loop3A_1687 : memref<1x16392xf32, #tpu.memory_space<vmem>> -> memref<16392xf32, #tpu.memory_space<vmem>>
      tpu.vector_store_idx %parallel_loop3A_1688[%parallel_loop3A_1639], %parallel_loop3A_1685 {add = true} : memref<16392xf32, #tpu.memory_space<vmem>>[vector<16xi32>], vector<16xf32>,
      %parallel_loop3A_1689 = arith.mulf %parallel_loop3A_1684, %parallel_loop3A_1667 : vector<16xf32>
      %parallel_loop3A_1690 = arith.constant 16520 : i32
      %parallel_loop3A_1691 = tpu.memref_slice %arg7[%parallel_loop3A_372, %parallel_loop3A_1690] : memref<1x66080xf32, #tpu.memory_space<vmem>> -> memref<1x16392xf32, #tpu.memory_space<vmem>>
      %parallel_loop3A_1692 = tpu.memref_squeeze %parallel_loop3A_1691 : memref<1x16392xf32, #tpu.memory_space<vmem>> -> memref<16392xf32, #tpu.memory_space<vmem>>
      tpu.vector_store_idx %parallel_loop3A_1692[%parallel_loop3A_1639], %parallel_loop3A_1689 {add = true} : memref<16392xf32, #tpu.memory_space<vmem>>[vector<16xi32>], vector<16xf32>,
      %parallel_loop3A_1693 = arith.mulf %parallel_loop3A_1684, %parallel_loop3A_1675 : vector<16xf32>
      %parallel_loop3A_1694 = arith.constant 33040 : i32
      %parallel_loop3A_1695 = tpu.memref_slice %arg7[%parallel_loop3A_373, %parallel_loop3A_1694] : memref<1x66080xf32, #tpu.memory_space<vmem>> -> memref<1x16392xf32, #tpu.memory_space<vmem>>
      %parallel_loop3A_1696 = tpu.memref_squeeze %parallel_loop3A_1695 : memref<1x16392xf32, #tpu.memory_space<vmem>> -> memref<16392xf32, #tpu.memory_space<vmem>>
      tpu.vector_store_idx %parallel_loop3A_1696[%parallel_loop3A_1639], %parallel_loop3A_1693 {add = true} : memref<16392xf32, #tpu.memory_space<vmem>>[vector<16xi32>], vector<16xf32>,
      %parallel_loop3A_1697 = arith.mulf %parallel_loop3A_1684, %parallel_loop3A_1683 : vector<16xf32>
      %parallel_loop3A_1698 = arith.constant 49560 : i32
      %parallel_loop3A_1699 = tpu.memref_slice %arg7[%parallel_loop3A_374, %parallel_loop3A_1698] : memref<1x66080xf32, #tpu.memory_space<vmem>> -> memref<1x16392xf32, #tpu.memory_space<vmem>>
      %parallel_loop3A_1700 = tpu.memref_squeeze %parallel_loop3A_1699 : memref<1x16392xf32, #tpu.memory_space<vmem>> -> memref<16392xf32, #tpu.memory_space<vmem>>
      tpu.vector_store_idx %parallel_loop3A_1700[%parallel_loop3A_1639], %parallel_loop3A_1697 {add = true} : memref<16392xf32, #tpu.memory_space<vmem>>[vector<16xi32>], vector<16xf32>,
      %parallel_loop3A_1701 = arith.mulf %parallel_loop3A_1633, %parallel_loop3A_1651 : vector<16xf32>
      %parallel_loop3A_1702 = arith.mulf %parallel_loop3A_1701, %parallel_loop3A_1659 : vector<16xf32>
      %parallel_loop3A_1703 = arith.constant 0 : i32
      %parallel_loop3A_1704 = tpu.memref_slice %arg7[%parallel_loop3A_371, %parallel_loop3A_1703] : memref<1x66080xf32, #tpu.memory_space<vmem>> -> memref<1x16392xf32, #tpu.memory_space<vmem>>
      %parallel_loop3A_1705 = tpu.memref_squeeze %parallel_loop3A_1704 : memref<1x16392xf32, #tpu.memory_space<vmem>> -> memref<16392xf32, #tpu.memory_space<vmem>>
      tpu.vector_store_idx %parallel_loop3A_1705[%parallel_loop3A_1642], %parallel_loop3A_1702 masked %parallel_loop3A_1645 {add = true} : memref<16392xf32, #tpu.memory_space<vmem>>[vector<16xi32>], vector<16xf32>, vector<16xi1>
      %parallel_loop3A_1706 = arith.mulf %parallel_loop3A_1701, %parallel_loop3A_1667 : vector<16xf32>
      %parallel_loop3A_1707 = arith.constant 16520 : i32
      %parallel_loop3A_1708 = tpu.memref_slice %arg7[%parallel_loop3A_372, %parallel_loop3A_1707] : memref<1x66080xf32, #tpu.memory_space<vmem>> -> memref<1x16392xf32, #tpu.memory_space<vmem>>
      %parallel_loop3A_1709 = tpu.memref_squeeze %parallel_loop3A_1708 : memref<1x16392xf32, #tpu.memory_space<vmem>> -> memref<16392xf32, #tpu.memory_space<vmem>>
      tpu.vector_store_idx %parallel_loop3A_1709[%parallel_loop3A_1642], %parallel_loop3A_1706 masked %parallel_loop3A_1645 {add = true} : memref<16392xf32, #tpu.memory_space<vmem>>[vector<16xi32>], vector<16xf32>, vector<16xi1>
      %parallel_loop3A_1710 = arith.mulf %parallel_loop3A_1701, %parallel_loop3A_1675 : vector<16xf32>
      %parallel_loop3A_1711 = arith.constant 33040 : i32
      %parallel_loop3A_1712 = tpu.memref_slice %arg7[%parallel_loop3A_373, %parallel_loop3A_1711] : memref<1x66080xf32, #tpu.memory_space<vmem>> -> memref<1x16392xf32, #tpu.memory_space<vmem>>
      %parallel_loop3A_1713 = tpu.memref_squeeze %parallel_loop3A_1712 : memref<1x16392xf32, #tpu.memory_space<vmem>> -> memref<16392xf32, #tpu.memory_space<vmem>>
      tpu.vector_store_idx %parallel_loop3A_1713[%parallel_loop3A_1642], %parallel_loop3A_1710 masked %parallel_loop3A_1645 {add = true} : memref<16392xf32, #tpu.memory_space<vmem>>[vector<16xi32>], vector<16xf32>, vector<16xi1>
      %parallel_loop3A_1714 = arith.mulf %parallel_loop3A_1701, %parallel_loop3A_1683 : vector<16xf32>
      %parallel_loop3A_1715 = arith.constant 49560 : i32
      %parallel_loop3A_1716 = tpu.memref_slice %arg7[%parallel_loop3A_374, %parallel_loop3A_1715] : memref<1x66080xf32, #tpu.memory_space<vmem>> -> memref<1x16392xf32, #tpu.memory_space<vmem>>
      %parallel_loop3A_1717 = tpu.memref_squeeze %parallel_loop3A_1716 : memref<1x16392xf32, #tpu.memory_space<vmem>> -> memref<16392xf32, #tpu.memory_space<vmem>>
      tpu.vector_store_idx %parallel_loop3A_1717[%parallel_loop3A_1642], %parallel_loop3A_1714 masked %parallel_loop3A_1645 {add = true} : memref<16392xf32, #tpu.memory_space<vmem>>[vector<16xi32>], vector<16xf32>, vector<16xi1>
      %parallel_loop3A_1718 = arith.mulf %parallel_loop3A_1648, %parallel_loop3A_1635 : vector<16xf32>
      %parallel_loop3A_1719 = arith.mulf %parallel_loop3A_1718, %parallel_loop3A_1659 : vector<16xf32>
      %parallel_loop3A_1720 = arith.constant 128 : i32
      %parallel_loop3A_1721 = tpu.memref_slice %arg7[%parallel_loop3A_375, %parallel_loop3A_1720] : memref<1x66080xf32, #tpu.memory_space<vmem>> -> memref<1x16392xf32, #tpu.memory_space<vmem>>
      %parallel_loop3A_1722 = tpu.memref_squeeze %parallel_loop3A_1721 : memref<1x16392xf32, #tpu.memory_space<vmem>> -> memref<16392xf32, #tpu.memory_space<vmem>>
      tpu.vector_store_idx %parallel_loop3A_1722[%parallel_loop3A_1639], %parallel_loop3A_1719 {add = true} : memref<16392xf32, #tpu.memory_space<vmem>>[vector<16xi32>], vector<16xf32>,
      %parallel_loop3A_1723 = arith.mulf %parallel_loop3A_1718, %parallel_loop3A_1667 : vector<16xf32>
      %parallel_loop3A_1724 = arith.constant 16648 : i32
      %parallel_loop3A_1725 = tpu.memref_slice %arg7[%parallel_loop3A_376, %parallel_loop3A_1724] : memref<1x66080xf32, #tpu.memory_space<vmem>> -> memref<1x16392xf32, #tpu.memory_space<vmem>>
      %parallel_loop3A_1726 = tpu.memref_squeeze %parallel_loop3A_1725 : memref<1x16392xf32, #tpu.memory_space<vmem>> -> memref<16392xf32, #tpu.memory_space<vmem>>
      tpu.vector_store_idx %parallel_loop3A_1726[%parallel_loop3A_1639], %parallel_loop3A_1723 {add = true} : memref<16392xf32, #tpu.memory_space<vmem>>[vector<16xi32>], vector<16xf32>,
      %parallel_loop3A_1727 = arith.mulf %parallel_loop3A_1718, %parallel_loop3A_1675 : vector<16xf32>
      %parallel_loop3A_1728 = arith.constant 33168 : i32
      %parallel_loop3A_1729 = tpu.memref_slice %arg7[%parallel_loop3A_377, %parallel_loop3A_1728] : memref<1x66080xf32, #tpu.memory_space<vmem>> -> memref<1x16392xf32, #tpu.memory_space<vmem>>
      %parallel_loop3A_1730 = tpu.memref_squeeze %parallel_loop3A_1729 : memref<1x16392xf32, #tpu.memory_space<vmem>> -> memref<16392xf32, #tpu.memory_space<vmem>>
      tpu.vector_store_idx %parallel_loop3A_1730[%parallel_loop3A_1639], %parallel_loop3A_1727 {add = true} : memref<16392xf32, #tpu.memory_space<vmem>>[vector<16xi32>], vector<16xf32>,
      %parallel_loop3A_1731 = arith.mulf %parallel_loop3A_1718, %parallel_loop3A_1683 : vector<16xf32>
      %parallel_loop3A_1732 = arith.constant 49688 : i32
      %parallel_loop3A_1733 = tpu.memref_slice %arg7[%parallel_loop3A_378, %parallel_loop3A_1732] : memref<1x66080xf32, #tpu.memory_space<vmem>> -> memref<1x16392xf32, #tpu.memory_space<vmem>>
      %parallel_loop3A_1734 = tpu.memref_squeeze %parallel_loop3A_1733 : memref<1x16392xf32, #tpu.memory_space<vmem>> -> memref<16392xf32, #tpu.memory_space<vmem>>
      tpu.vector_store_idx %parallel_loop3A_1734[%parallel_loop3A_1639], %parallel_loop3A_1731 {add = true} : memref<16392xf32, #tpu.memory_space<vmem>>[vector<16xi32>], vector<16xf32>,
      %parallel_loop3A_1735 = arith.mulf %parallel_loop3A_1633, %parallel_loop3A_1635 : vector<16xf32>
      %parallel_loop3A_1736 = arith.mulf %parallel_loop3A_1735, %parallel_loop3A_1659 : vector<16xf32>
      %parallel_loop3A_1737 = arith.constant 128 : i32
      %parallel_loop3A_1738 = tpu.memref_slice %arg7[%parallel_loop3A_375, %parallel_loop3A_1737] : memref<1x66080xf32, #tpu.memory_space<vmem>> -> memref<1x16392xf32, #tpu.memory_space<vmem>>
      %parallel_loop3A_1739 = tpu.memref_squeeze %parallel_loop3A_1738 : memref<1x16392xf32, #tpu.memory_space<vmem>> -> memref<16392xf32, #tpu.memory_space<vmem>>
      tpu.vector_store_idx %parallel_loop3A_1739[%parallel_loop3A_1642], %parallel_loop3A_1736 masked %parallel_loop3A_1645 {add = true} : memref<16392xf32, #tpu.memory_space<vmem>>[vector<16xi32>], vector<16xf32>, vector<16xi1>
      %parallel_loop3A_1740 = arith.mulf %parallel_loop3A_1735, %parallel_loop3A_1667 : vector<16xf32>
      %parallel_loop3A_1741 = arith.constant 16648 : i32
      %parallel_loop3A_1742 = tpu.memref_slice %arg7[%parallel_loop3A_376, %parallel_loop3A_1741] : memref<1x66080xf32, #tpu.memory_space<vmem>> -> memref<1x16392xf32, #tpu.memory_space<vmem>>
      %parallel_loop3A_1743 = tpu.memref_squeeze %parallel_loop3A_1742 : memref<1x16392xf32, #tpu.memory_space<vmem>> -> memref<16392xf32, #tpu.memory_space<vmem>>
      tpu.vector_store_idx %parallel_loop3A_1743[%parallel_loop3A_1642], %parallel_loop3A_1740 masked %parallel_loop3A_1645 {add = true} : memref<16392xf32, #tpu.memory_space<vmem>>[vector<16xi32>], vector<16xf32>, vector<16xi1>
      %parallel_loop3A_1744 = arith.mulf %parallel_loop3A_1735, %parallel_loop3A_1675 : vector<16xf32>
      %parallel_loop3A_1745 = arith.constant 33168 : i32
      %parallel_loop3A_1746 = tpu.memref_slice %arg7[%parallel_loop3A_377, %parallel_loop3A_1745] : memref<1x66080xf32, #tpu.memory_space<vmem>> -> memref<1x16392xf32, #tpu.memory_space<vmem>>
      %parallel_loop3A_1747 = tpu.memref_squeeze %parallel_loop3A_1746 : memref<1x16392xf32, #tpu.memory_space<vmem>> -> memref<16392xf32, #tpu.memory_space<vmem>>
      tpu.vector_store_idx %parallel_loop3A_1747[%parallel_loop3A_1642], %parallel_loop3A_1744 masked %parallel_loop3A_1645 {add = true} : memref<16392xf32, #tpu.memory_space<vmem>>[vector<16xi32>], vector<16xf32>, vector<16xi1>
      %parallel_loop3A_1748 = arith.mulf %parallel_loop3A_1735, %parallel_loop3A_1683 : vector<16xf32>
      %parallel_loop3A_1749 = arith.constant 49688 : i32
      %parallel_loop3A_1750 = tpu.memref_slice %arg7[%parallel_loop3A_378, %parallel_loop3A_1749] : memref<1x66080xf32, #tpu.memory_space<vmem>> -> memref<1x16392xf32, #tpu.memory_space<vmem>>
      %parallel_loop3A_1751 = tpu.memref_squeeze %parallel_loop3A_1750 : memref<1x16392xf32, #tpu.memory_space<vmem>> -> memref<16392xf32, #tpu.memory_space<vmem>>
      tpu.vector_store_idx %parallel_loop3A_1751[%parallel_loop3A_1642], %parallel_loop3A_1748 masked %parallel_loop3A_1645 {add = true} : memref<16392xf32, #tpu.memory_space<vmem>>[vector<16xi32>], vector<16xf32>, vector<16xi1>
    } {sc.loop_unroll_factor = 2 : i64, sc.parallel_access}
    %mul3A_379 = arith.constant 2 : i32
    %mul3A_380 = arith.muli %add3A, %mul3A_379 : i32
    %add3A_381 = arith.constant 0 : i32
    %add3A_382 = arith.addi %mul3A_380, %add3A_381 : i32
    %jit3A_383 = arith.constant 8 : i32
    %div3A_384 = arith.divsi %add3A_382, %jit3A_383 : i32
    %sign3A_385 = arith.constant 0 : i32
    %sign3A_386 = arith.cmpi sgt, %add3A_382, %sign3A_385 : i32
    %sign3A_387 = arith.extui %sign3A_386 : i1 to i32
    %sign3A_388 = arith.constant 0 : i32
    %sign3A_389 = arith.cmpi slt, %add3A_382, %sign3A_388 : i32
    %sign3A_390 = arith.extui %sign3A_389 : i1 to i32
    %sign3A_391 = arith.subi %sign3A_387, %sign3A_390 : i32
    %sign3A_392 = arith.constant 0 : i32
    %sign3A_393 = arith.cmpi sgt, %jit3A_383, %sign3A_392 : i32
    %sign3A_394 = arith.extui %sign3A_393 : i1 to i32
    %sign3A_395 = arith.constant 0 : i32
    %sign3A_396 = arith.cmpi slt, %jit3A_383, %sign3A_395 : i32
    %sign3A_397 = arith.extui %sign3A_396 : i1 to i32
    %sign3A_398 = arith.subi %sign3A_394, %sign3A_397 : i32
    %ne3A_399 = arith.cmpi ne, %sign3A_391, %sign3A_398 : i32
    %rem3A_400 = arith.remsi %add3A_382, %jit3A_383 : i32
    %ne3A_401 = arith.constant 0 : i32
    %ne3A_402 = arith.cmpi ne, %rem3A_400, %ne3A_401 : i32
    %and3A_403 = arith.andi %ne3A_399, %ne3A_402 : i1
    %sub3A_404 = arith.constant 1 : i32
    %sub3A_405 = arith.subi %div3A_384, %sub3A_404 : i32
    %select_n3A_406 = arith.select %and3A_403, %sub3A_405, %div3A_384 : i32
    %jit3A_407 = arith.constant 8 : i32
    %eq3A_408 = arith.constant 0 : i32
    %eq3A_409 = arith.cmpi eq, %jit3A_407, %eq3A_408 : i32
    %jit3A_410 = arith.constant 1 : i32
    %select_n3A_411 = arith.select %eq3A_409, %jit3A_410, %jit3A_407 : i32
    %rem3A_412 = arith.remsi %add3A_382, %select_n3A_411 : i32
    %ne3A_413 = arith.constant 0 : i32
    %ne3A_414 = arith.cmpi ne, %rem3A_412, %ne3A_413 : i32
    %lt3A_415 = arith.constant 0 : i32
    %lt3A_416 = arith.cmpi slt, %rem3A_412, %lt3A_415 : i32
    %lt3A_417 = arith.constant 0 : i32
    %lt3A_418 = arith.cmpi slt, %select_n3A_411, %lt3A_417 : i32
    %ne3A_419 = arith.xori %lt3A_416, %lt3A_418 : i1
    %and3A_420 = arith.andi %ne3A_419, %ne3A_414 : i1
    %add3A_421 = arith.addi %rem3A_412, %select_n3A_411 : i32
    %select_n3A_422 = arith.select %and3A_420, %add3A_421, %rem3A_412 : i32
    %mul3A_423 = arith.constant 32 : i32
    %mul3A_424 = arith.muli %select_n3A_406, %mul3A_423 : i32
    %mul3A_425 = arith.constant 4 : i32
    %mul3A_426 = arith.muli %select_n3A_422, %mul3A_425 : i32
    %add3A_427 = arith.addi %mul3A_424, %mul3A_426 : i32
    %mul3A_428 = arith.constant 2 : i32
    %mul3A_429 = arith.muli %select_n3A_406, %mul3A_428 : i32
    %dma_start3A_430 = arith.constant 1 : i32
    %dma_start3A_431 = arith.constant 1 : i32
    %dma_start3A_432 = arith.constant 0 : i32
    %dma_start3A_433 = arith.constant 0 : i32
    %dma_start3A_434 = tpu.memref_slice %arg5[%dma_start3A_430, %dma_start3A_432, %dma_start3A_433] : memref<2x2x4000xf32, #tpu.memory_space<vmem>> -> memref<1x2x4000xf32, #tpu.memory_space<vmem>>
    %dma_start3A_435 = tpu.memref_squeeze %dma_start3A_434 : memref<1x2x4000xf32, #tpu.memory_space<vmem>> -> memref<2x4000xf32, #tpu.memory_space<vmem>>
    %dma_start3A_436 = arith.constant 12000 : i32
    %dma_start3A_437 = tpu.memref_slice %arg2[%mul3A_429, %dma_start3A_436] : memref<16x20000xf32, #tpu.memory_space<hbm>> -> memref<2x4000xf32, #tpu.memory_space<hbm>>
    %dma_start3A_438 = tpu.memref_slice %arg8[%dma_start3A_431] : memref<3x!tpu.dma_semaphore, #tpu.memory_space<semaphore_mem>> -> memref<1x!tpu.dma_semaphore, #tpu.memory_space<semaphore_mem>>
    %dma_start3A_439 = tpu.memref_squeeze %dma_start3A_438 : memref<1x!tpu.dma_semaphore, #tpu.memory_space<semaphore_mem>> -> memref<!tpu.dma_semaphore, #tpu.memory_space<semaphore_mem>>
    %dma_start3A_440 = arith.constant 0 : i32
    %dma_start3A_441 = arith.constant 0 : i32
    %dma_start3A_442 = tpu.memref_slice %arg5[%dma_start3A_430, %dma_start3A_440, %dma_start3A_441] : memref<2x2x4000xf32, #tpu.memory_space<vmem>> -> memref<1x2x4000xf32, #tpu.memory_space<vmem>>
    %dma_start3A_443 = tpu.memref_squeeze %dma_start3A_442 : memref<1x2x4000xf32, #tpu.memory_space<vmem>> -> memref<2x4000xf32, #tpu.memory_space<vmem>>
    %dma_start3A_444 = arith.constant 12000 : i32
    %dma_start3A_445 = tpu.memref_slice %arg2[%mul3A_429, %dma_start3A_444] : memref<16x20000xf32, #tpu.memory_space<hbm>> -> memref<2x4000xf32, #tpu.memory_space<hbm>>
    tpu.enqueue_dma source(%dma_start3A_445 : memref<2x4000xf32, #tpu.memory_space<hbm>>) target(%dma_start3A_443 : memref<2x4000xf32, #tpu.memory_space<vmem>>) target_semaphore(%dma_start3A_439 : memref<!tpu.dma_semaphore, #tpu.memory_space<semaphore_mem>>)
    %dma_start3A_446 = arith.constant 1 : i32
    %dma_start3A_447 = arith.constant 1 : i32
    %dma_start3A_448 = arith.constant 0 : i32
    %dma_start3A_449 = arith.constant 0 : i32
    %dma_start3A_450 = tpu.memref_slice %arg6[%dma_start3A_446, %dma_start3A_448, %dma_start3A_449] : memref<2x4x4000xf32, #tpu.memory_space<vmem>> -> memref<1x4x4000xf32, #tpu.memory_space<vmem>>
    %dma_start3A_451 = tpu.memref_squeeze %dma_start3A_450 : memref<1x4x4000xf32, #tpu.memory_space<vmem>> -> memref<4x4000xf32, #tpu.memory_space<vmem>>
    %dma_start3A_452 = arith.constant 12000 : i32
    %dma_start3A_453 = tpu.memref_slice %arg3[%add3A_427, %dma_start3A_452] : memref<256x20000xf32, #tpu.memory_space<hbm>> -> memref<4x4000xf32, #tpu.memory_space<hbm>>
    %dma_start3A_454 = tpu.memref_slice %arg8[%dma_start3A_447] : memref<3x!tpu.dma_semaphore, #tpu.memory_space<semaphore_mem>> -> memref<1x!tpu.dma_semaphore, #tpu.memory_space<semaphore_mem>>
    %dma_start3A_455 = tpu.memref_squeeze %dma_start3A_454 : memref<1x!tpu.dma_semaphore, #tpu.memory_space<semaphore_mem>> -> memref<!tpu.dma_semaphore, #tpu.memory_space<semaphore_mem>>
    %dma_start3A_456 = arith.constant 0 : i32
    %dma_start3A_457 = arith.constant 0 : i32
    %dma_start3A_458 = tpu.memref_slice %arg6[%dma_start3A_446, %dma_start3A_456, %dma_start3A_457] : memref<2x4x4000xf32, #tpu.memory_space<vmem>> -> memref<1x4x4000xf32, #tpu.memory_space<vmem>>
    %dma_start3A_459 = tpu.memref_squeeze %dma_start3A_458 : memref<1x4x4000xf32, #tpu.memory_space<vmem>> -> memref<4x4000xf32, #tpu.memory_space<vmem>>
    %dma_start3A_460 = arith.constant 12000 : i32
    %dma_start3A_461 = tpu.memref_slice %arg3[%add3A_427, %dma_start3A_460] : memref<256x20000xf32, #tpu.memory_space<hbm>> -> memref<4x4000xf32, #tpu.memory_space<hbm>>
    tpu.enqueue_dma source(%dma_start3A_461 : memref<4x4000xf32, #tpu.memory_space<hbm>>) target(%dma_start3A_459 : memref<4x4000xf32, #tpu.memory_space<vmem>>) target_semaphore(%dma_start3A_455 : memref<!tpu.dma_semaphore, #tpu.memory_space<semaphore_mem>>)
    %dma_wait3A_462 = arith.constant 0 : i32
    %dma_wait3A_463 = arith.constant 0 : i32
    %dma_wait3A_464 = arith.constant 0 : i32
    %dma_wait3A_465 = arith.constant 0 : i32
    %dma_wait3A_466 = tpu.memref_slice %arg5[%dma_wait3A_462, %dma_wait3A_464, %dma_wait3A_465] : memref<2x2x4000xf32, #tpu.memory_space<vmem>> -> memref<1x2x4000xf32, #tpu.memory_space<vmem>>
    %dma_wait3A_467 = tpu.memref_squeeze %dma_wait3A_466 : memref<1x2x4000xf32, #tpu.memory_space<vmem>> -> memref<2x4000xf32, #tpu.memory_space<vmem>>
    %dma_wait3A_468 = arith.constant 8000 : i32
    %dma_wait3A_469 = tpu.memref_slice %arg2[%mul3A_301, %dma_wait3A_468] : memref<16x20000xf32, #tpu.memory_space<hbm>> -> memref<2x4000xf32, #tpu.memory_space<hbm>>
    %dma_wait3A_470 = tpu.memref_slice %arg8[%dma_wait3A_463] : memref<3x!tpu.dma_semaphore, #tpu.memory_space<semaphore_mem>> -> memref<1x!tpu.dma_semaphore, #tpu.memory_space<semaphore_mem>>
    %dma_wait3A_471 = tpu.memref_squeeze %dma_wait3A_470 : memref<1x!tpu.dma_semaphore, #tpu.memory_space<semaphore_mem>> -> memref<!tpu.dma_semaphore, #tpu.memory_space<semaphore_mem>>
    %dma_wait3A_472 = arith.constant 0 : i32
    %dma_wait3A_473 = arith.constant 0 : i32
    %dma_wait3A_474 = tpu.memref_slice %arg5[%dma_wait3A_462, %dma_wait3A_472, %dma_wait3A_473] : memref<2x2x4000xf32, #tpu.memory_space<vmem>> -> memref<1x2x4000xf32, #tpu.memory_space<vmem>>
    %dma_wait3A_475 = tpu.memref_squeeze %dma_wait3A_474 : memref<1x2x4000xf32, #tpu.memory_space<vmem>> -> memref<2x4000xf32, #tpu.memory_space<vmem>>
    %dma_wait3A_476 = arith.constant 8000 : i32
    %dma_wait3A_477 = tpu.memref_slice %arg2[%mul3A_301, %dma_wait3A_476] : memref<16x20000xf32, #tpu.memory_space<hbm>> -> memref<2x4000xf32, #tpu.memory_space<hbm>>
    tpu.wait_dma2 semaphore(%dma_wait3A_471 : memref<!tpu.dma_semaphore, #tpu.memory_space<semaphore_mem>>) src(%dma_wait3A_477 : memref<2x4000xf32, #tpu.memory_space<hbm>>) dst(%dma_wait3A_475 : memref<2x4000xf32, #tpu.memory_space<vmem>>)
    %dma_wait3A_478 = arith.constant 0 : i32
    %dma_wait3A_479 = arith.constant 0 : i32
    %dma_wait3A_480 = arith.constant 0 : i32
    %dma_wait3A_481 = arith.constant 0 : i32
    %dma_wait3A_482 = tpu.memref_slice %arg6[%dma_wait3A_478, %dma_wait3A_480, %dma_wait3A_481] : memref<2x4x4000xf32, #tpu.memory_space<vmem>> -> memref<1x4x4000xf32, #tpu.memory_space<vmem>>
    %dma_wait3A_483 = tpu.memref_squeeze %dma_wait3A_482 : memref<1x4x4000xf32, #tpu.memory_space<vmem>> -> memref<4x4000xf32, #tpu.memory_space<vmem>>
    %dma_wait3A_484 = arith.constant 8000 : i32
    %dma_wait3A_485 = tpu.memref_slice %arg3[%add3A_299, %dma_wait3A_484] : memref<256x20000xf32, #tpu.memory_space<hbm>> -> memref<4x4000xf32, #tpu.memory_space<hbm>>
    %dma_wait3A_486 = tpu.memref_slice %arg8[%dma_wait3A_479] : memref<3x!tpu.dma_semaphore, #tpu.memory_space<semaphore_mem>> -> memref<1x!tpu.dma_semaphore, #tpu.memory_space<semaphore_mem>>
    %dma_wait3A_487 = tpu.memref_squeeze %dma_wait3A_486 : memref<1x!tpu.dma_semaphore, #tpu.memory_space<semaphore_mem>> -> memref<!tpu.dma_semaphore, #tpu.memory_space<semaphore_mem>>
    %dma_wait3A_488 = arith.constant 0 : i32
    %dma_wait3A_489 = arith.constant 0 : i32
    %dma_wait3A_490 = tpu.memref_slice %arg6[%dma_wait3A_478, %dma_wait3A_488, %dma_wait3A_489] : memref<2x4x4000xf32, #tpu.memory_space<vmem>> -> memref<1x4x4000xf32, #tpu.memory_space<vmem>>
    %dma_wait3A_491 = tpu.memref_squeeze %dma_wait3A_490 : memref<1x4x4000xf32, #tpu.memory_space<vmem>> -> memref<4x4000xf32, #tpu.memory_space<vmem>>
    %dma_wait3A_492 = arith.constant 8000 : i32
    %dma_wait3A_493 = tpu.memref_slice %arg3[%add3A_299, %dma_wait3A_492] : memref<256x20000xf32, #tpu.memory_space<hbm>> -> memref<4x4000xf32, #tpu.memory_space<hbm>>
    tpu.wait_dma2 semaphore(%dma_wait3A_487 : memref<!tpu.dma_semaphore, #tpu.memory_space<semaphore_mem>>) src(%dma_wait3A_493 : memref<4x4000xf32, #tpu.memory_space<hbm>>) dst(%dma_wait3A_491 : memref<4x4000xf32, #tpu.memory_space<vmem>>)
    %parallel_loop3A_494 = arith.constant 0 : i32
    %parallel_loop3A_495 = arith.constant 250 : i32
    %parallel_loop3A_496 = arith.constant 1 : i32
    %parallel_loop3A_497 = arith.constant 0 : i32
    %parallel_loop3A_498 = arith.constant 0 : i32
    %parallel_loop3A_499 = arith.constant 0 : i32
    %parallel_loop3A_500 = arith.constant 0 : i32
    %parallel_loop3A_501 = arith.constant 0 : i32
    %parallel_loop3A_502 = arith.constant 0 : i32
    %parallel_loop3A_503 = arith.constant 0 : i32
    %parallel_loop3A_504 = arith.constant 0 : i32
    %parallel_loop3A_505 = arith.constant 0 : i32
    %parallel_loop3A_506 = arith.constant 0 : i32
    scf.for %parallel_loop3A_1599 = %parallel_loop3A_494 to %parallel_loop3A_495 step %parallel_loop3A_496  : i32 {
      %parallel_loop3A_1600 = arith.constant 16 : i32
      %parallel_loop3A_1601 = arith.muli %parallel_loop3A_1599, %parallel_loop3A_1600 : i32
      %parallel_loop3A_1602 = arith.constant 0 : i32
      %parallel_loop3A_1603 = arith.constant 0 : i32
      %parallel_loop3A_1604 = arith.constant 0 : i32
      %parallel_loop3A_1605 = tpu.memref_slice %arg5[%parallel_loop3A_497, %parallel_loop3A_1603, %parallel_loop3A_1604] : memref<2x2x4000xf32, #tpu.memory_space<vmem>> -> memref<1x2x4000xf32, #tpu.memory_space<vmem>>
      %parallel_loop3A_1606 = tpu.memref_squeeze %parallel_loop3A_1605 : memref<1x2x4000xf32, #tpu.memory_space<vmem>> -> memref<2x4000xf32, #tpu.memory_space<vmem>>
      %parallel_loop3A_1607 = arith.index_cast %parallel_loop3A_1602 : i32 to index
      %parallel_loop3A_1608 = arith.index_cast %parallel_loop3A_1601 : i32 to index
      %parallel_loop3A_1609 = tpu.vector_load %parallel_loop3A_1606[%parallel_loop3A_1607, %parallel_loop3A_1608] {strides = array<i32>} : memref<2x4000xf32, #tpu.memory_space<vmem>>, vector<16xf32>,
      %parallel_loop3A_1610 = arith.constant 1 : i32
      %parallel_loop3A_1611 = arith.constant 0 : i32
      %parallel_loop3A_1612 = arith.constant 0 : i32
      %parallel_loop3A_1613 = tpu.memref_slice %arg5[%parallel_loop3A_497, %parallel_loop3A_1611, %parallel_loop3A_1612] : memref<2x2x4000xf32, #tpu.memory_space<vmem>> -> memref<1x2x4000xf32, #tpu.memory_space<vmem>>
      %parallel_loop3A_1614 = tpu.memref_squeeze %parallel_loop3A_1613 : memref<1x2x4000xf32, #tpu.memory_space<vmem>> -> memref<2x4000xf32, #tpu.memory_space<vmem>>
      %parallel_loop3A_1615 = arith.index_cast %parallel_loop3A_1610 : i32 to index
      %parallel_loop3A_1616 = arith.index_cast %parallel_loop3A_1601 : i32 to index
      %parallel_loop3A_1617 = tpu.vector_load %parallel_loop3A_1614[%parallel_loop3A_1615, %parallel_loop3A_1616] {strides = array<i32>} : memref<2x4000xf32, #tpu.memory_space<vmem>>, vector<16xf32>,
      %parallel_loop3A_1618 = arith.constant 5.000000e-01 : f32
      %parallel_loop3A_1619 = vector.broadcast %parallel_loop3A_1618 : f32 to vector<16xf32>
      %parallel_loop3A_1620 = arith.addf %parallel_loop3A_1609, %parallel_loop3A_1619 : vector<16xf32>
      %parallel_loop3A_1621 = arith.constant 1.280000e+02 : f32
      %parallel_loop3A_1622 = vector.broadcast %parallel_loop3A_1621 : f32 to vector<16xf32>
      %parallel_loop3A_1623 = arith.mulf %parallel_loop3A_1620, %parallel_loop3A_1622 : vector<16xf32>
      %parallel_loop3A_1624 = arith.constant 5.000000e-01 : f32
      %parallel_loop3A_1625 = vector.broadcast %parallel_loop3A_1624 : f32 to vector<16xf32>
      %parallel_loop3A_1626 = arith.addf %parallel_loop3A_1617, %parallel_loop3A_1625 : vector<16xf32>
      %parallel_loop3A_1627 = arith.constant 1.280000e+02 : f32
      %parallel_loop3A_1628 = vector.broadcast %parallel_loop3A_1627 : f32 to vector<16xf32>
      %parallel_loop3A_1629 = arith.mulf %parallel_loop3A_1626, %parallel_loop3A_1628 : vector<16xf32>
      %parallel_loop3A_1630 = arith.fptosi %parallel_loop3A_1623 : vector<16xf32> to vector<16xi32>
      %parallel_loop3A_1631 = arith.fptosi %parallel_loop3A_1629 : vector<16xf32> to vector<16xi32>
      %parallel_loop3A_1632 = arith.sitofp %parallel_loop3A_1630 : vector<16xi32> to vector<16xf32>
      %parallel_loop3A_1633 = arith.subf %parallel_loop3A_1623, %parallel_loop3A_1632 : vector<16xf32>
      %parallel_loop3A_1634 = arith.sitofp %parallel_loop3A_1631 : vector<16xi32> to vector<16xf32>
      %parallel_loop3A_1635 = arith.subf %parallel_loop3A_1629, %parallel_loop3A_1634 : vector<16xf32>
      %parallel_loop3A_1636 = arith.constant 128 : i32
      %parallel_loop3A_1637 = vector.broadcast %parallel_loop3A_1636 : i32 to vector<16xi32>
      %parallel_loop3A_1638 = arith.muli %parallel_loop3A_1631, %parallel_loop3A_1637 : vector<16xi32>
      %parallel_loop3A_1639 = arith.addi %parallel_loop3A_1638, %parallel_loop3A_1630 : vector<16xi32>
      %parallel_loop3A_1640 = arith.constant 1 : i32
      %parallel_loop3A_1641 = vector.broadcast %parallel_loop3A_1640 : i32 to vector<16xi32>
      %parallel_loop3A_1642 = arith.addi %parallel_loop3A_1639, %parallel_loop3A_1641 : vector<16xi32>
      %parallel_loop3A_1643 = arith.constant 127 : i32
      %parallel_loop3A_1644 = vector.broadcast %parallel_loop3A_1643 : i32 to vector<16xi32>
      %parallel_loop3A_1645 = arith.cmpi slt, %parallel_loop3A_1630, %parallel_loop3A_1644 : vector<16xi32>
      %parallel_loop3A_1646 = arith.constant 1.000000e+00 : f32
      %parallel_loop3A_1647 = vector.broadcast %parallel_loop3A_1646 : f32 to vector<16xf32>
      %parallel_loop3A_1648 = arith.subf %parallel_loop3A_1647, %parallel_loop3A_1633 : vector<16xf32>
      %parallel_loop3A_1649 = arith.constant 1.000000e+00 : f32
      %parallel_loop3A_1650 = vector.broadcast %parallel_loop3A_1649 : f32 to vector<16xf32>
      %parallel_loop3A_1651 = arith.subf %parallel_loop3A_1650, %parallel_loop3A_1635 : vector<16xf32>
      %parallel_loop3A_1652 = arith.constant 0 : i32
      %parallel_loop3A_1653 = arith.constant 0 : i32
      %parallel_loop3A_1654 = arith.constant 0 : i32
      %parallel_loop3A_1655 = tpu.memref_slice %arg6[%parallel_loop3A_498, %parallel_loop3A_1653, %parallel_loop3A_1654] : memref<2x4x4000xf32, #tpu.memory_space<vmem>> -> memref<1x4x4000xf32, #tpu.memory_space<vmem>>
      %parallel_loop3A_1656 = tpu.memref_squeeze %parallel_loop3A_1655 : memref<1x4x4000xf32, #tpu.memory_space<vmem>> -> memref<4x4000xf32, #tpu.memory_space<vmem>>
      %parallel_loop3A_1657 = arith.index_cast %parallel_loop3A_1652 : i32 to index
      %parallel_loop3A_1658 = arith.index_cast %parallel_loop3A_1601 : i32 to index
      %parallel_loop3A_1659 = tpu.vector_load %parallel_loop3A_1656[%parallel_loop3A_1657, %parallel_loop3A_1658] {strides = array<i32>} : memref<4x4000xf32, #tpu.memory_space<vmem>>, vector<16xf32>,
      %parallel_loop3A_1660 = arith.constant 1 : i32
      %parallel_loop3A_1661 = arith.constant 0 : i32
      %parallel_loop3A_1662 = arith.constant 0 : i32
      %parallel_loop3A_1663 = tpu.memref_slice %arg6[%parallel_loop3A_498, %parallel_loop3A_1661, %parallel_loop3A_1662] : memref<2x4x4000xf32, #tpu.memory_space<vmem>> -> memref<1x4x4000xf32, #tpu.memory_space<vmem>>
      %parallel_loop3A_1664 = tpu.memref_squeeze %parallel_loop3A_1663 : memref<1x4x4000xf32, #tpu.memory_space<vmem>> -> memref<4x4000xf32, #tpu.memory_space<vmem>>
      %parallel_loop3A_1665 = arith.index_cast %parallel_loop3A_1660 : i32 to index
      %parallel_loop3A_1666 = arith.index_cast %parallel_loop3A_1601 : i32 to index
      %parallel_loop3A_1667 = tpu.vector_load %parallel_loop3A_1664[%parallel_loop3A_1665, %parallel_loop3A_1666] {strides = array<i32>} : memref<4x4000xf32, #tpu.memory_space<vmem>>, vector<16xf32>,
      %parallel_loop3A_1668 = arith.constant 2 : i32
      %parallel_loop3A_1669 = arith.constant 0 : i32
      %parallel_loop3A_1670 = arith.constant 0 : i32
      %parallel_loop3A_1671 = tpu.memref_slice %arg6[%parallel_loop3A_498, %parallel_loop3A_1669, %parallel_loop3A_1670] : memref<2x4x4000xf32, #tpu.memory_space<vmem>> -> memref<1x4x4000xf32, #tpu.memory_space<vmem>>
      %parallel_loop3A_1672 = tpu.memref_squeeze %parallel_loop3A_1671 : memref<1x4x4000xf32, #tpu.memory_space<vmem>> -> memref<4x4000xf32, #tpu.memory_space<vmem>>
      %parallel_loop3A_1673 = arith.index_cast %parallel_loop3A_1668 : i32 to index
      %parallel_loop3A_1674 = arith.index_cast %parallel_loop3A_1601 : i32 to index
      %parallel_loop3A_1675 = tpu.vector_load %parallel_loop3A_1672[%parallel_loop3A_1673, %parallel_loop3A_1674] {strides = array<i32>} : memref<4x4000xf32, #tpu.memory_space<vmem>>, vector<16xf32>,
      %parallel_loop3A_1676 = arith.constant 3 : i32
      %parallel_loop3A_1677 = arith.constant 0 : i32
      %parallel_loop3A_1678 = arith.constant 0 : i32
      %parallel_loop3A_1679 = tpu.memref_slice %arg6[%parallel_loop3A_498, %parallel_loop3A_1677, %parallel_loop3A_1678] : memref<2x4x4000xf32, #tpu.memory_space<vmem>> -> memref<1x4x4000xf32, #tpu.memory_space<vmem>>
      %parallel_loop3A_1680 = tpu.memref_squeeze %parallel_loop3A_1679 : memref<1x4x4000xf32, #tpu.memory_space<vmem>> -> memref<4x4000xf32, #tpu.memory_space<vmem>>
      %parallel_loop3A_1681 = arith.index_cast %parallel_loop3A_1676 : i32 to index
      %parallel_loop3A_1682 = arith.index_cast %parallel_loop3A_1601 : i32 to index
      %parallel_loop3A_1683 = tpu.vector_load %parallel_loop3A_1680[%parallel_loop3A_1681, %parallel_loop3A_1682] {strides = array<i32>} : memref<4x4000xf32, #tpu.memory_space<vmem>>, vector<16xf32>,
      %parallel_loop3A_1684 = arith.mulf %parallel_loop3A_1648, %parallel_loop3A_1651 : vector<16xf32>
      %parallel_loop3A_1685 = arith.mulf %parallel_loop3A_1684, %parallel_loop3A_1659 : vector<16xf32>
      %parallel_loop3A_1686 = arith.constant 0 : i32
      %parallel_loop3A_1687 = tpu.memref_slice %arg7[%parallel_loop3A_499, %parallel_loop3A_1686] : memref<1x66080xf32, #tpu.memory_space<vmem>> -> memref<1x16392xf32, #tpu.memory_space<vmem>>
      %parallel_loop3A_1688 = tpu.memref_squeeze %parallel_loop3A_1687 : memref<1x16392xf32, #tpu.memory_space<vmem>> -> memref<16392xf32, #tpu.memory_space<vmem>>
      tpu.vector_store_idx %parallel_loop3A_1688[%parallel_loop3A_1639], %parallel_loop3A_1685 {add = true} : memref<16392xf32, #tpu.memory_space<vmem>>[vector<16xi32>], vector<16xf32>,
      %parallel_loop3A_1689 = arith.mulf %parallel_loop3A_1684, %parallel_loop3A_1667 : vector<16xf32>
      %parallel_loop3A_1690 = arith.constant 16520 : i32
      %parallel_loop3A_1691 = tpu.memref_slice %arg7[%parallel_loop3A_500, %parallel_loop3A_1690] : memref<1x66080xf32, #tpu.memory_space<vmem>> -> memref<1x16392xf32, #tpu.memory_space<vmem>>
      %parallel_loop3A_1692 = tpu.memref_squeeze %parallel_loop3A_1691 : memref<1x16392xf32, #tpu.memory_space<vmem>> -> memref<16392xf32, #tpu.memory_space<vmem>>
      tpu.vector_store_idx %parallel_loop3A_1692[%parallel_loop3A_1639], %parallel_loop3A_1689 {add = true} : memref<16392xf32, #tpu.memory_space<vmem>>[vector<16xi32>], vector<16xf32>,
      %parallel_loop3A_1693 = arith.mulf %parallel_loop3A_1684, %parallel_loop3A_1675 : vector<16xf32>
      %parallel_loop3A_1694 = arith.constant 33040 : i32
      %parallel_loop3A_1695 = tpu.memref_slice %arg7[%parallel_loop3A_501, %parallel_loop3A_1694] : memref<1x66080xf32, #tpu.memory_space<vmem>> -> memref<1x16392xf32, #tpu.memory_space<vmem>>
      %parallel_loop3A_1696 = tpu.memref_squeeze %parallel_loop3A_1695 : memref<1x16392xf32, #tpu.memory_space<vmem>> -> memref<16392xf32, #tpu.memory_space<vmem>>
      tpu.vector_store_idx %parallel_loop3A_1696[%parallel_loop3A_1639], %parallel_loop3A_1693 {add = true} : memref<16392xf32, #tpu.memory_space<vmem>>[vector<16xi32>], vector<16xf32>,
      %parallel_loop3A_1697 = arith.mulf %parallel_loop3A_1684, %parallel_loop3A_1683 : vector<16xf32>
      %parallel_loop3A_1698 = arith.constant 49560 : i32
      %parallel_loop3A_1699 = tpu.memref_slice %arg7[%parallel_loop3A_502, %parallel_loop3A_1698] : memref<1x66080xf32, #tpu.memory_space<vmem>> -> memref<1x16392xf32, #tpu.memory_space<vmem>>
      %parallel_loop3A_1700 = tpu.memref_squeeze %parallel_loop3A_1699 : memref<1x16392xf32, #tpu.memory_space<vmem>> -> memref<16392xf32, #tpu.memory_space<vmem>>
      tpu.vector_store_idx %parallel_loop3A_1700[%parallel_loop3A_1639], %parallel_loop3A_1697 {add = true} : memref<16392xf32, #tpu.memory_space<vmem>>[vector<16xi32>], vector<16xf32>,
      %parallel_loop3A_1701 = arith.mulf %parallel_loop3A_1633, %parallel_loop3A_1651 : vector<16xf32>
      %parallel_loop3A_1702 = arith.mulf %parallel_loop3A_1701, %parallel_loop3A_1659 : vector<16xf32>
      %parallel_loop3A_1703 = arith.constant 0 : i32
      %parallel_loop3A_1704 = tpu.memref_slice %arg7[%parallel_loop3A_499, %parallel_loop3A_1703] : memref<1x66080xf32, #tpu.memory_space<vmem>> -> memref<1x16392xf32, #tpu.memory_space<vmem>>
      %parallel_loop3A_1705 = tpu.memref_squeeze %parallel_loop3A_1704 : memref<1x16392xf32, #tpu.memory_space<vmem>> -> memref<16392xf32, #tpu.memory_space<vmem>>
      tpu.vector_store_idx %parallel_loop3A_1705[%parallel_loop3A_1642], %parallel_loop3A_1702 masked %parallel_loop3A_1645 {add = true} : memref<16392xf32, #tpu.memory_space<vmem>>[vector<16xi32>], vector<16xf32>, vector<16xi1>
      %parallel_loop3A_1706 = arith.mulf %parallel_loop3A_1701, %parallel_loop3A_1667 : vector<16xf32>
      %parallel_loop3A_1707 = arith.constant 16520 : i32
      %parallel_loop3A_1708 = tpu.memref_slice %arg7[%parallel_loop3A_500, %parallel_loop3A_1707] : memref<1x66080xf32, #tpu.memory_space<vmem>> -> memref<1x16392xf32, #tpu.memory_space<vmem>>
      %parallel_loop3A_1709 = tpu.memref_squeeze %parallel_loop3A_1708 : memref<1x16392xf32, #tpu.memory_space<vmem>> -> memref<16392xf32, #tpu.memory_space<vmem>>
      tpu.vector_store_idx %parallel_loop3A_1709[%parallel_loop3A_1642], %parallel_loop3A_1706 masked %parallel_loop3A_1645 {add = true} : memref<16392xf32, #tpu.memory_space<vmem>>[vector<16xi32>], vector<16xf32>, vector<16xi1>
      %parallel_loop3A_1710 = arith.mulf %parallel_loop3A_1701, %parallel_loop3A_1675 : vector<16xf32>
      %parallel_loop3A_1711 = arith.constant 33040 : i32
      %parallel_loop3A_1712 = tpu.memref_slice %arg7[%parallel_loop3A_501, %parallel_loop3A_1711] : memref<1x66080xf32, #tpu.memory_space<vmem>> -> memref<1x16392xf32, #tpu.memory_space<vmem>>
      %parallel_loop3A_1713 = tpu.memref_squeeze %parallel_loop3A_1712 : memref<1x16392xf32, #tpu.memory_space<vmem>> -> memref<16392xf32, #tpu.memory_space<vmem>>
      tpu.vector_store_idx %parallel_loop3A_1713[%parallel_loop3A_1642], %parallel_loop3A_1710 masked %parallel_loop3A_1645 {add = true} : memref<16392xf32, #tpu.memory_space<vmem>>[vector<16xi32>], vector<16xf32>, vector<16xi1>
      %parallel_loop3A_1714 = arith.mulf %parallel_loop3A_1701, %parallel_loop3A_1683 : vector<16xf32>
      %parallel_loop3A_1715 = arith.constant 49560 : i32
      %parallel_loop3A_1716 = tpu.memref_slice %arg7[%parallel_loop3A_502, %parallel_loop3A_1715] : memref<1x66080xf32, #tpu.memory_space<vmem>> -> memref<1x16392xf32, #tpu.memory_space<vmem>>
      %parallel_loop3A_1717 = tpu.memref_squeeze %parallel_loop3A_1716 : memref<1x16392xf32, #tpu.memory_space<vmem>> -> memref<16392xf32, #tpu.memory_space<vmem>>
      tpu.vector_store_idx %parallel_loop3A_1717[%parallel_loop3A_1642], %parallel_loop3A_1714 masked %parallel_loop3A_1645 {add = true} : memref<16392xf32, #tpu.memory_space<vmem>>[vector<16xi32>], vector<16xf32>, vector<16xi1>
      %parallel_loop3A_1718 = arith.mulf %parallel_loop3A_1648, %parallel_loop3A_1635 : vector<16xf32>
      %parallel_loop3A_1719 = arith.mulf %parallel_loop3A_1718, %parallel_loop3A_1659 : vector<16xf32>
      %parallel_loop3A_1720 = arith.constant 128 : i32
      %parallel_loop3A_1721 = tpu.memref_slice %arg7[%parallel_loop3A_503, %parallel_loop3A_1720] : memref<1x66080xf32, #tpu.memory_space<vmem>> -> memref<1x16392xf32, #tpu.memory_space<vmem>>
      %parallel_loop3A_1722 = tpu.memref_squeeze %parallel_loop3A_1721 : memref<1x16392xf32, #tpu.memory_space<vmem>> -> memref<16392xf32, #tpu.memory_space<vmem>>
      tpu.vector_store_idx %parallel_loop3A_1722[%parallel_loop3A_1639], %parallel_loop3A_1719 {add = true} : memref<16392xf32, #tpu.memory_space<vmem>>[vector<16xi32>], vector<16xf32>,
      %parallel_loop3A_1723 = arith.mulf %parallel_loop3A_1718, %parallel_loop3A_1667 : vector<16xf32>
      %parallel_loop3A_1724 = arith.constant 16648 : i32
      %parallel_loop3A_1725 = tpu.memref_slice %arg7[%parallel_loop3A_504, %parallel_loop3A_1724] : memref<1x66080xf32, #tpu.memory_space<vmem>> -> memref<1x16392xf32, #tpu.memory_space<vmem>>
      %parallel_loop3A_1726 = tpu.memref_squeeze %parallel_loop3A_1725 : memref<1x16392xf32, #tpu.memory_space<vmem>> -> memref<16392xf32, #tpu.memory_space<vmem>>
      tpu.vector_store_idx %parallel_loop3A_1726[%parallel_loop3A_1639], %parallel_loop3A_1723 {add = true} : memref<16392xf32, #tpu.memory_space<vmem>>[vector<16xi32>], vector<16xf32>,
      %parallel_loop3A_1727 = arith.mulf %parallel_loop3A_1718, %parallel_loop3A_1675 : vector<16xf32>
      %parallel_loop3A_1728 = arith.constant 33168 : i32
      %parallel_loop3A_1729 = tpu.memref_slice %arg7[%parallel_loop3A_505, %parallel_loop3A_1728] : memref<1x66080xf32, #tpu.memory_space<vmem>> -> memref<1x16392xf32, #tpu.memory_space<vmem>>
      %parallel_loop3A_1730 = tpu.memref_squeeze %parallel_loop3A_1729 : memref<1x16392xf32, #tpu.memory_space<vmem>> -> memref<16392xf32, #tpu.memory_space<vmem>>
      tpu.vector_store_idx %parallel_loop3A_1730[%parallel_loop3A_1639], %parallel_loop3A_1727 {add = true} : memref<16392xf32, #tpu.memory_space<vmem>>[vector<16xi32>], vector<16xf32>,
      %parallel_loop3A_1731 = arith.mulf %parallel_loop3A_1718, %parallel_loop3A_1683 : vector<16xf32>
      %parallel_loop3A_1732 = arith.constant 49688 : i32
      %parallel_loop3A_1733 = tpu.memref_slice %arg7[%parallel_loop3A_506, %parallel_loop3A_1732] : memref<1x66080xf32, #tpu.memory_space<vmem>> -> memref<1x16392xf32, #tpu.memory_space<vmem>>
      %parallel_loop3A_1734 = tpu.memref_squeeze %parallel_loop3A_1733 : memref<1x16392xf32, #tpu.memory_space<vmem>> -> memref<16392xf32, #tpu.memory_space<vmem>>
      tpu.vector_store_idx %parallel_loop3A_1734[%parallel_loop3A_1639], %parallel_loop3A_1731 {add = true} : memref<16392xf32, #tpu.memory_space<vmem>>[vector<16xi32>], vector<16xf32>,
      %parallel_loop3A_1735 = arith.mulf %parallel_loop3A_1633, %parallel_loop3A_1635 : vector<16xf32>
      %parallel_loop3A_1736 = arith.mulf %parallel_loop3A_1735, %parallel_loop3A_1659 : vector<16xf32>
      %parallel_loop3A_1737 = arith.constant 128 : i32
      %parallel_loop3A_1738 = tpu.memref_slice %arg7[%parallel_loop3A_503, %parallel_loop3A_1737] : memref<1x66080xf32, #tpu.memory_space<vmem>> -> memref<1x16392xf32, #tpu.memory_space<vmem>>
      %parallel_loop3A_1739 = tpu.memref_squeeze %parallel_loop3A_1738 : memref<1x16392xf32, #tpu.memory_space<vmem>> -> memref<16392xf32, #tpu.memory_space<vmem>>
      tpu.vector_store_idx %parallel_loop3A_1739[%parallel_loop3A_1642], %parallel_loop3A_1736 masked %parallel_loop3A_1645 {add = true} : memref<16392xf32, #tpu.memory_space<vmem>>[vector<16xi32>], vector<16xf32>, vector<16xi1>
      %parallel_loop3A_1740 = arith.mulf %parallel_loop3A_1735, %parallel_loop3A_1667 : vector<16xf32>
      %parallel_loop3A_1741 = arith.constant 16648 : i32
      %parallel_loop3A_1742 = tpu.memref_slice %arg7[%parallel_loop3A_504, %parallel_loop3A_1741] : memref<1x66080xf32, #tpu.memory_space<vmem>> -> memref<1x16392xf32, #tpu.memory_space<vmem>>
      %parallel_loop3A_1743 = tpu.memref_squeeze %parallel_loop3A_1742 : memref<1x16392xf32, #tpu.memory_space<vmem>> -> memref<16392xf32, #tpu.memory_space<vmem>>
      tpu.vector_store_idx %parallel_loop3A_1743[%parallel_loop3A_1642], %parallel_loop3A_1740 masked %parallel_loop3A_1645 {add = true} : memref<16392xf32, #tpu.memory_space<vmem>>[vector<16xi32>], vector<16xf32>, vector<16xi1>
      %parallel_loop3A_1744 = arith.mulf %parallel_loop3A_1735, %parallel_loop3A_1675 : vector<16xf32>
      %parallel_loop3A_1745 = arith.constant 33168 : i32
      %parallel_loop3A_1746 = tpu.memref_slice %arg7[%parallel_loop3A_505, %parallel_loop3A_1745] : memref<1x66080xf32, #tpu.memory_space<vmem>> -> memref<1x16392xf32, #tpu.memory_space<vmem>>
      %parallel_loop3A_1747 = tpu.memref_squeeze %parallel_loop3A_1746 : memref<1x16392xf32, #tpu.memory_space<vmem>> -> memref<16392xf32, #tpu.memory_space<vmem>>
      tpu.vector_store_idx %parallel_loop3A_1747[%parallel_loop3A_1642], %parallel_loop3A_1744 masked %parallel_loop3A_1645 {add = true} : memref<16392xf32, #tpu.memory_space<vmem>>[vector<16xi32>], vector<16xf32>, vector<16xi1>
      %parallel_loop3A_1748 = arith.mulf %parallel_loop3A_1735, %parallel_loop3A_1683 : vector<16xf32>
      %parallel_loop3A_1749 = arith.constant 49688 : i32
      %parallel_loop3A_1750 = tpu.memref_slice %arg7[%parallel_loop3A_506, %parallel_loop3A_1749] : memref<1x66080xf32, #tpu.memory_space<vmem>> -> memref<1x16392xf32, #tpu.memory_space<vmem>>
      %parallel_loop3A_1751 = tpu.memref_squeeze %parallel_loop3A_1750 : memref<1x16392xf32, #tpu.memory_space<vmem>> -> memref<16392xf32, #tpu.memory_space<vmem>>
      tpu.vector_store_idx %parallel_loop3A_1751[%parallel_loop3A_1642], %parallel_loop3A_1748 masked %parallel_loop3A_1645 {add = true} : memref<16392xf32, #tpu.memory_space<vmem>>[vector<16xi32>], vector<16xf32>, vector<16xi1>
    } {sc.loop_unroll_factor = 2 : i64, sc.parallel_access}
    %mul3A_507 = arith.constant 2 : i32
    %mul3A_508 = arith.muli %add3A, %mul3A_507 : i32
    %add3A_509 = arith.constant 0 : i32
    %add3A_510 = arith.addi %mul3A_508, %add3A_509 : i32
    %jit3A_511 = arith.constant 8 : i32
    %div3A_512 = arith.divsi %add3A_510, %jit3A_511 : i32
    %sign3A_513 = arith.constant 0 : i32
    %sign3A_514 = arith.cmpi sgt, %add3A_510, %sign3A_513 : i32
    %sign3A_515 = arith.extui %sign3A_514 : i1 to i32
    %sign3A_516 = arith.constant 0 : i32
    %sign3A_517 = arith.cmpi slt, %add3A_510, %sign3A_516 : i32
    %sign3A_518 = arith.extui %sign3A_517 : i1 to i32
    %sign3A_519 = arith.subi %sign3A_515, %sign3A_518 : i32
    %sign3A_520 = arith.constant 0 : i32
    %sign3A_521 = arith.cmpi sgt, %jit3A_511, %sign3A_520 : i32
    %sign3A_522 = arith.extui %sign3A_521 : i1 to i32
    %sign3A_523 = arith.constant 0 : i32
    %sign3A_524 = arith.cmpi slt, %jit3A_511, %sign3A_523 : i32
    %sign3A_525 = arith.extui %sign3A_524 : i1 to i32
    %sign3A_526 = arith.subi %sign3A_522, %sign3A_525 : i32
    %ne3A_527 = arith.cmpi ne, %sign3A_519, %sign3A_526 : i32
    %rem3A_528 = arith.remsi %add3A_510, %jit3A_511 : i32
    %ne3A_529 = arith.constant 0 : i32
    %ne3A_530 = arith.cmpi ne, %rem3A_528, %ne3A_529 : i32
    %and3A_531 = arith.andi %ne3A_527, %ne3A_530 : i1
    %sub3A_532 = arith.constant 1 : i32
    %sub3A_533 = arith.subi %div3A_512, %sub3A_532 : i32
    %select_n3A_534 = arith.select %and3A_531, %sub3A_533, %div3A_512 : i32
    %jit3A_535 = arith.constant 8 : i32
    %eq3A_536 = arith.constant 0 : i32
    %eq3A_537 = arith.cmpi eq, %jit3A_535, %eq3A_536 : i32
    %jit3A_538 = arith.constant 1 : i32
    %select_n3A_539 = arith.select %eq3A_537, %jit3A_538, %jit3A_535 : i32
    %rem3A_540 = arith.remsi %add3A_510, %select_n3A_539 : i32
    %ne3A_541 = arith.constant 0 : i32
    %ne3A_542 = arith.cmpi ne, %rem3A_540, %ne3A_541 : i32
    %lt3A_543 = arith.constant 0 : i32
    %lt3A_544 = arith.cmpi slt, %rem3A_540, %lt3A_543 : i32
    %lt3A_545 = arith.constant 0 : i32
    %lt3A_546 = arith.cmpi slt, %select_n3A_539, %lt3A_545 : i32
    %ne3A_547 = arith.xori %lt3A_544, %lt3A_546 : i1
    %and3A_548 = arith.andi %ne3A_547, %ne3A_542 : i1
    %add3A_549 = arith.addi %rem3A_540, %select_n3A_539 : i32
    %select_n3A_550 = arith.select %and3A_548, %add3A_549, %rem3A_540 : i32
    %mul3A_551 = arith.constant 32 : i32
    %mul3A_552 = arith.muli %select_n3A_534, %mul3A_551 : i32
    %mul3A_553 = arith.constant 4 : i32
    %mul3A_554 = arith.muli %select_n3A_550, %mul3A_553 : i32
    %add3A_555 = arith.addi %mul3A_552, %mul3A_554 : i32
    %mul3A_556 = arith.constant 2 : i32
    %mul3A_557 = arith.muli %select_n3A_534, %mul3A_556 : i32
    %dma_start3A_558 = arith.constant 0 : i32
    %dma_start3A_559 = arith.constant 0 : i32
    %dma_start3A_560 = arith.constant 0 : i32
    %dma_start3A_561 = arith.constant 0 : i32
    %dma_start3A_562 = tpu.memref_slice %arg5[%dma_start3A_558, %dma_start3A_560, %dma_start3A_561] : memref<2x2x4000xf32, #tpu.memory_space<vmem>> -> memref<1x2x4000xf32, #tpu.memory_space<vmem>>
    %dma_start3A_563 = tpu.memref_squeeze %dma_start3A_562 : memref<1x2x4000xf32, #tpu.memory_space<vmem>> -> memref<2x4000xf32, #tpu.memory_space<vmem>>
    %dma_start3A_564 = arith.constant 16000 : i32
    %dma_start3A_565 = tpu.memref_slice %arg2[%mul3A_557, %dma_start3A_564] : memref<16x20000xf32, #tpu.memory_space<hbm>> -> memref<2x4000xf32, #tpu.memory_space<hbm>>
    %dma_start3A_566 = tpu.memref_slice %arg8[%dma_start3A_559] : memref<3x!tpu.dma_semaphore, #tpu.memory_space<semaphore_mem>> -> memref<1x!tpu.dma_semaphore, #tpu.memory_space<semaphore_mem>>
    %dma_start3A_567 = tpu.memref_squeeze %dma_start3A_566 : memref<1x!tpu.dma_semaphore, #tpu.memory_space<semaphore_mem>> -> memref<!tpu.dma_semaphore, #tpu.memory_space<semaphore_mem>>
    %dma_start3A_568 = arith.constant 0 : i32
    %dma_start3A_569 = arith.constant 0 : i32
    %dma_start3A_570 = tpu.memref_slice %arg5[%dma_start3A_558, %dma_start3A_568, %dma_start3A_569] : memref<2x2x4000xf32, #tpu.memory_space<vmem>> -> memref<1x2x4000xf32, #tpu.memory_space<vmem>>
    %dma_start3A_571 = tpu.memref_squeeze %dma_start3A_570 : memref<1x2x4000xf32, #tpu.memory_space<vmem>> -> memref<2x4000xf32, #tpu.memory_space<vmem>>
    %dma_start3A_572 = arith.constant 16000 : i32
    %dma_start3A_573 = tpu.memref_slice %arg2[%mul3A_557, %dma_start3A_572] : memref<16x20000xf32, #tpu.memory_space<hbm>> -> memref<2x4000xf32, #tpu.memory_space<hbm>>
    tpu.enqueue_dma source(%dma_start3A_573 : memref<2x4000xf32, #tpu.memory_space<hbm>>) target(%dma_start3A_571 : memref<2x4000xf32, #tpu.memory_space<vmem>>) target_semaphore(%dma_start3A_567 : memref<!tpu.dma_semaphore, #tpu.memory_space<semaphore_mem>>)
    %dma_start3A_574 = arith.constant 0 : i32
    %dma_start3A_575 = arith.constant 0 : i32
    %dma_start3A_576 = arith.constant 0 : i32
    %dma_start3A_577 = arith.constant 0 : i32
    %dma_start3A_578 = tpu.memref_slice %arg6[%dma_start3A_574, %dma_start3A_576, %dma_start3A_577] : memref<2x4x4000xf32, #tpu.memory_space<vmem>> -> memref<1x4x4000xf32, #tpu.memory_space<vmem>>
    %dma_start3A_579 = tpu.memref_squeeze %dma_start3A_578 : memref<1x4x4000xf32, #tpu.memory_space<vmem>> -> memref<4x4000xf32, #tpu.memory_space<vmem>>
    %dma_start3A_580 = arith.constant 16000 : i32
    %dma_start3A_581 = tpu.memref_slice %arg3[%add3A_555, %dma_start3A_580] : memref<256x20000xf32, #tpu.memory_space<hbm>> -> memref<4x4000xf32, #tpu.memory_space<hbm>>
    %dma_start3A_582 = tpu.memref_slice %arg8[%dma_start3A_575] : memref<3x!tpu.dma_semaphore, #tpu.memory_space<semaphore_mem>> -> memref<1x!tpu.dma_semaphore, #tpu.memory_space<semaphore_mem>>
    %dma_start3A_583 = tpu.memref_squeeze %dma_start3A_582 : memref<1x!tpu.dma_semaphore, #tpu.memory_space<semaphore_mem>> -> memref<!tpu.dma_semaphore, #tpu.memory_space<semaphore_mem>>
    %dma_start3A_584 = arith.constant 0 : i32
    %dma_start3A_585 = arith.constant 0 : i32
    %dma_start3A_586 = tpu.memref_slice %arg6[%dma_start3A_574, %dma_start3A_584, %dma_start3A_585] : memref<2x4x4000xf32, #tpu.memory_space<vmem>> -> memref<1x4x4000xf32, #tpu.memory_space<vmem>>
    %dma_start3A_587 = tpu.memref_squeeze %dma_start3A_586 : memref<1x4x4000xf32, #tpu.memory_space<vmem>> -> memref<4x4000xf32, #tpu.memory_space<vmem>>
    %dma_start3A_588 = arith.constant 16000 : i32
    %dma_start3A_589 = tpu.memref_slice %arg3[%add3A_555, %dma_start3A_588] : memref<256x20000xf32, #tpu.memory_space<hbm>> -> memref<4x4000xf32, #tpu.memory_space<hbm>>
    tpu.enqueue_dma source(%dma_start3A_589 : memref<4x4000xf32, #tpu.memory_space<hbm>>) target(%dma_start3A_587 : memref<4x4000xf32, #tpu.memory_space<vmem>>) target_semaphore(%dma_start3A_583 : memref<!tpu.dma_semaphore, #tpu.memory_space<semaphore_mem>>)
    %dma_wait3A_590 = arith.constant 1 : i32
    %dma_wait3A_591 = arith.constant 1 : i32
    %dma_wait3A_592 = arith.constant 0 : i32
    %dma_wait3A_593 = arith.constant 0 : i32
    %dma_wait3A_594 = tpu.memref_slice %arg5[%dma_wait3A_590, %dma_wait3A_592, %dma_wait3A_593] : memref<2x2x4000xf32, #tpu.memory_space<vmem>> -> memref<1x2x4000xf32, #tpu.memory_space<vmem>>
    %dma_wait3A_595 = tpu.memref_squeeze %dma_wait3A_594 : memref<1x2x4000xf32, #tpu.memory_space<vmem>> -> memref<2x4000xf32, #tpu.memory_space<vmem>>
    %dma_wait3A_596 = arith.constant 12000 : i32
    %dma_wait3A_597 = tpu.memref_slice %arg2[%mul3A_429, %dma_wait3A_596] : memref<16x20000xf32, #tpu.memory_space<hbm>> -> memref<2x4000xf32, #tpu.memory_space<hbm>>
    %dma_wait3A_598 = tpu.memref_slice %arg8[%dma_wait3A_591] : memref<3x!tpu.dma_semaphore, #tpu.memory_space<semaphore_mem>> -> memref<1x!tpu.dma_semaphore, #tpu.memory_space<semaphore_mem>>
    %dma_wait3A_599 = tpu.memref_squeeze %dma_wait3A_598 : memref<1x!tpu.dma_semaphore, #tpu.memory_space<semaphore_mem>> -> memref<!tpu.dma_semaphore, #tpu.memory_space<semaphore_mem>>
    %dma_wait3A_600 = arith.constant 0 : i32
    %dma_wait3A_601 = arith.constant 0 : i32
    %dma_wait3A_602 = tpu.memref_slice %arg5[%dma_wait3A_590, %dma_wait3A_600, %dma_wait3A_601] : memref<2x2x4000xf32, #tpu.memory_space<vmem>> -> memref<1x2x4000xf32, #tpu.memory_space<vmem>>
    %dma_wait3A_603 = tpu.memref_squeeze %dma_wait3A_602 : memref<1x2x4000xf32, #tpu.memory_space<vmem>> -> memref<2x4000xf32, #tpu.memory_space<vmem>>
    %dma_wait3A_604 = arith.constant 12000 : i32
    %dma_wait3A_605 = tpu.memref_slice %arg2[%mul3A_429, %dma_wait3A_604] : memref<16x20000xf32, #tpu.memory_space<hbm>> -> memref<2x4000xf32, #tpu.memory_space<hbm>>
    tpu.wait_dma2 semaphore(%dma_wait3A_599 : memref<!tpu.dma_semaphore, #tpu.memory_space<semaphore_mem>>) src(%dma_wait3A_605 : memref<2x4000xf32, #tpu.memory_space<hbm>>) dst(%dma_wait3A_603 : memref<2x4000xf32, #tpu.memory_space<vmem>>)
    %dma_wait3A_606 = arith.constant 1 : i32
    %dma_wait3A_607 = arith.constant 1 : i32
    %dma_wait3A_608 = arith.constant 0 : i32
    %dma_wait3A_609 = arith.constant 0 : i32
    %dma_wait3A_610 = tpu.memref_slice %arg6[%dma_wait3A_606, %dma_wait3A_608, %dma_wait3A_609] : memref<2x4x4000xf32, #tpu.memory_space<vmem>> -> memref<1x4x4000xf32, #tpu.memory_space<vmem>>
    %dma_wait3A_611 = tpu.memref_squeeze %dma_wait3A_610 : memref<1x4x4000xf32, #tpu.memory_space<vmem>> -> memref<4x4000xf32, #tpu.memory_space<vmem>>
    %dma_wait3A_612 = arith.constant 12000 : i32
    %dma_wait3A_613 = tpu.memref_slice %arg3[%add3A_427, %dma_wait3A_612] : memref<256x20000xf32, #tpu.memory_space<hbm>> -> memref<4x4000xf32, #tpu.memory_space<hbm>>
    %dma_wait3A_614 = tpu.memref_slice %arg8[%dma_wait3A_607] : memref<3x!tpu.dma_semaphore, #tpu.memory_space<semaphore_mem>> -> memref<1x!tpu.dma_semaphore, #tpu.memory_space<semaphore_mem>>
    %dma_wait3A_615 = tpu.memref_squeeze %dma_wait3A_614 : memref<1x!tpu.dma_semaphore, #tpu.memory_space<semaphore_mem>> -> memref<!tpu.dma_semaphore, #tpu.memory_space<semaphore_mem>>
    %dma_wait3A_616 = arith.constant 0 : i32
    %dma_wait3A_617 = arith.constant 0 : i32
    %dma_wait3A_618 = tpu.memref_slice %arg6[%dma_wait3A_606, %dma_wait3A_616, %dma_wait3A_617] : memref<2x4x4000xf32, #tpu.memory_space<vmem>> -> memref<1x4x4000xf32, #tpu.memory_space<vmem>>
    %dma_wait3A_619 = tpu.memref_squeeze %dma_wait3A_618 : memref<1x4x4000xf32, #tpu.memory_space<vmem>> -> memref<4x4000xf32, #tpu.memory_space<vmem>>
    %dma_wait3A_620 = arith.constant 12000 : i32
    %dma_wait3A_621 = tpu.memref_slice %arg3[%add3A_427, %dma_wait3A_620] : memref<256x20000xf32, #tpu.memory_space<hbm>> -> memref<4x4000xf32, #tpu.memory_space<hbm>>
    tpu.wait_dma2 semaphore(%dma_wait3A_615 : memref<!tpu.dma_semaphore, #tpu.memory_space<semaphore_mem>>) src(%dma_wait3A_621 : memref<4x4000xf32, #tpu.memory_space<hbm>>) dst(%dma_wait3A_619 : memref<4x4000xf32, #tpu.memory_space<vmem>>)
    %parallel_loop3A_622 = arith.constant 0 : i32
    %parallel_loop3A_623 = arith.constant 250 : i32
    %parallel_loop3A_624 = arith.constant 1 : i32
    %parallel_loop3A_625 = arith.constant 1 : i32
    %parallel_loop3A_626 = arith.constant 1 : i32
    %parallel_loop3A_627 = arith.constant 0 : i32
    %parallel_loop3A_628 = arith.constant 0 : i32
    %parallel_loop3A_629 = arith.constant 0 : i32
    %parallel_loop3A_630 = arith.constant 0 : i32
    %parallel_loop3A_631 = arith.constant 0 : i32
    %parallel_loop3A_632 = arith.constant 0 : i32
    %parallel_loop3A_633 = arith.constant 0 : i32
    %parallel_loop3A_634 = arith.constant 0 : i32
    scf.for %parallel_loop3A_1599 = %parallel_loop3A_622 to %parallel_loop3A_623 step %parallel_loop3A_624  : i32 {
      %parallel_loop3A_1600 = arith.constant 16 : i32
      %parallel_loop3A_1601 = arith.muli %parallel_loop3A_1599, %parallel_loop3A_1600 : i32
      %parallel_loop3A_1602 = arith.constant 0 : i32
      %parallel_loop3A_1603 = arith.constant 0 : i32
      %parallel_loop3A_1604 = arith.constant 0 : i32
      %parallel_loop3A_1605 = tpu.memref_slice %arg5[%parallel_loop3A_625, %parallel_loop3A_1603, %parallel_loop3A_1604] : memref<2x2x4000xf32, #tpu.memory_space<vmem>> -> memref<1x2x4000xf32, #tpu.memory_space<vmem>>
      %parallel_loop3A_1606 = tpu.memref_squeeze %parallel_loop3A_1605 : memref<1x2x4000xf32, #tpu.memory_space<vmem>> -> memref<2x4000xf32, #tpu.memory_space<vmem>>
      %parallel_loop3A_1607 = arith.index_cast %parallel_loop3A_1602 : i32 to index
      %parallel_loop3A_1608 = arith.index_cast %parallel_loop3A_1601 : i32 to index
      %parallel_loop3A_1609 = tpu.vector_load %parallel_loop3A_1606[%parallel_loop3A_1607, %parallel_loop3A_1608] {strides = array<i32>} : memref<2x4000xf32, #tpu.memory_space<vmem>>, vector<16xf32>,
      %parallel_loop3A_1610 = arith.constant 1 : i32
      %parallel_loop3A_1611 = arith.constant 0 : i32
      %parallel_loop3A_1612 = arith.constant 0 : i32
      %parallel_loop3A_1613 = tpu.memref_slice %arg5[%parallel_loop3A_625, %parallel_loop3A_1611, %parallel_loop3A_1612] : memref<2x2x4000xf32, #tpu.memory_space<vmem>> -> memref<1x2x4000xf32, #tpu.memory_space<vmem>>
      %parallel_loop3A_1614 = tpu.memref_squeeze %parallel_loop3A_1613 : memref<1x2x4000xf32, #tpu.memory_space<vmem>> -> memref<2x4000xf32, #tpu.memory_space<vmem>>
      %parallel_loop3A_1615 = arith.index_cast %parallel_loop3A_1610 : i32 to index
      %parallel_loop3A_1616 = arith.index_cast %parallel_loop3A_1601 : i32 to index
      %parallel_loop3A_1617 = tpu.vector_load %parallel_loop3A_1614[%parallel_loop3A_1615, %parallel_loop3A_1616] {strides = array<i32>} : memref<2x4000xf32, #tpu.memory_space<vmem>>, vector<16xf32>,
      %parallel_loop3A_1618 = arith.constant 5.000000e-01 : f32
      %parallel_loop3A_1619 = vector.broadcast %parallel_loop3A_1618 : f32 to vector<16xf32>
      %parallel_loop3A_1620 = arith.addf %parallel_loop3A_1609, %parallel_loop3A_1619 : vector<16xf32>
      %parallel_loop3A_1621 = arith.constant 1.280000e+02 : f32
      %parallel_loop3A_1622 = vector.broadcast %parallel_loop3A_1621 : f32 to vector<16xf32>
      %parallel_loop3A_1623 = arith.mulf %parallel_loop3A_1620, %parallel_loop3A_1622 : vector<16xf32>
      %parallel_loop3A_1624 = arith.constant 5.000000e-01 : f32
      %parallel_loop3A_1625 = vector.broadcast %parallel_loop3A_1624 : f32 to vector<16xf32>
      %parallel_loop3A_1626 = arith.addf %parallel_loop3A_1617, %parallel_loop3A_1625 : vector<16xf32>
      %parallel_loop3A_1627 = arith.constant 1.280000e+02 : f32
      %parallel_loop3A_1628 = vector.broadcast %parallel_loop3A_1627 : f32 to vector<16xf32>
      %parallel_loop3A_1629 = arith.mulf %parallel_loop3A_1626, %parallel_loop3A_1628 : vector<16xf32>
      %parallel_loop3A_1630 = arith.fptosi %parallel_loop3A_1623 : vector<16xf32> to vector<16xi32>
      %parallel_loop3A_1631 = arith.fptosi %parallel_loop3A_1629 : vector<16xf32> to vector<16xi32>
      %parallel_loop3A_1632 = arith.sitofp %parallel_loop3A_1630 : vector<16xi32> to vector<16xf32>
      %parallel_loop3A_1633 = arith.subf %parallel_loop3A_1623, %parallel_loop3A_1632 : vector<16xf32>
      %parallel_loop3A_1634 = arith.sitofp %parallel_loop3A_1631 : vector<16xi32> to vector<16xf32>
      %parallel_loop3A_1635 = arith.subf %parallel_loop3A_1629, %parallel_loop3A_1634 : vector<16xf32>
      %parallel_loop3A_1636 = arith.constant 128 : i32
      %parallel_loop3A_1637 = vector.broadcast %parallel_loop3A_1636 : i32 to vector<16xi32>
      %parallel_loop3A_1638 = arith.muli %parallel_loop3A_1631, %parallel_loop3A_1637 : vector<16xi32>
      %parallel_loop3A_1639 = arith.addi %parallel_loop3A_1638, %parallel_loop3A_1630 : vector<16xi32>
      %parallel_loop3A_1640 = arith.constant 1 : i32
      %parallel_loop3A_1641 = vector.broadcast %parallel_loop3A_1640 : i32 to vector<16xi32>
      %parallel_loop3A_1642 = arith.addi %parallel_loop3A_1639, %parallel_loop3A_1641 : vector<16xi32>
      %parallel_loop3A_1643 = arith.constant 127 : i32
      %parallel_loop3A_1644 = vector.broadcast %parallel_loop3A_1643 : i32 to vector<16xi32>
      %parallel_loop3A_1645 = arith.cmpi slt, %parallel_loop3A_1630, %parallel_loop3A_1644 : vector<16xi32>
      %parallel_loop3A_1646 = arith.constant 1.000000e+00 : f32
      %parallel_loop3A_1647 = vector.broadcast %parallel_loop3A_1646 : f32 to vector<16xf32>
      %parallel_loop3A_1648 = arith.subf %parallel_loop3A_1647, %parallel_loop3A_1633 : vector<16xf32>
      %parallel_loop3A_1649 = arith.constant 1.000000e+00 : f32
      %parallel_loop3A_1650 = vector.broadcast %parallel_loop3A_1649 : f32 to vector<16xf32>
      %parallel_loop3A_1651 = arith.subf %parallel_loop3A_1650, %parallel_loop3A_1635 : vector<16xf32>
      %parallel_loop3A_1652 = arith.constant 0 : i32
      %parallel_loop3A_1653 = arith.constant 0 : i32
      %parallel_loop3A_1654 = arith.constant 0 : i32
      %parallel_loop3A_1655 = tpu.memref_slice %arg6[%parallel_loop3A_626, %parallel_loop3A_1653, %parallel_loop3A_1654] : memref<2x4x4000xf32, #tpu.memory_space<vmem>> -> memref<1x4x4000xf32, #tpu.memory_space<vmem>>
      %parallel_loop3A_1656 = tpu.memref_squeeze %parallel_loop3A_1655 : memref<1x4x4000xf32, #tpu.memory_space<vmem>> -> memref<4x4000xf32, #tpu.memory_space<vmem>>
      %parallel_loop3A_1657 = arith.index_cast %parallel_loop3A_1652 : i32 to index
      %parallel_loop3A_1658 = arith.index_cast %parallel_loop3A_1601 : i32 to index
      %parallel_loop3A_1659 = tpu.vector_load %parallel_loop3A_1656[%parallel_loop3A_1657, %parallel_loop3A_1658] {strides = array<i32>} : memref<4x4000xf32, #tpu.memory_space<vmem>>, vector<16xf32>,
      %parallel_loop3A_1660 = arith.constant 1 : i32
      %parallel_loop3A_1661 = arith.constant 0 : i32
      %parallel_loop3A_1662 = arith.constant 0 : i32
      %parallel_loop3A_1663 = tpu.memref_slice %arg6[%parallel_loop3A_626, %parallel_loop3A_1661, %parallel_loop3A_1662] : memref<2x4x4000xf32, #tpu.memory_space<vmem>> -> memref<1x4x4000xf32, #tpu.memory_space<vmem>>
      %parallel_loop3A_1664 = tpu.memref_squeeze %parallel_loop3A_1663 : memref<1x4x4000xf32, #tpu.memory_space<vmem>> -> memref<4x4000xf32, #tpu.memory_space<vmem>>
      %parallel_loop3A_1665 = arith.index_cast %parallel_loop3A_1660 : i32 to index
      %parallel_loop3A_1666 = arith.index_cast %parallel_loop3A_1601 : i32 to index
      %parallel_loop3A_1667 = tpu.vector_load %parallel_loop3A_1664[%parallel_loop3A_1665, %parallel_loop3A_1666] {strides = array<i32>} : memref<4x4000xf32, #tpu.memory_space<vmem>>, vector<16xf32>,
      %parallel_loop3A_1668 = arith.constant 2 : i32
      %parallel_loop3A_1669 = arith.constant 0 : i32
      %parallel_loop3A_1670 = arith.constant 0 : i32
      %parallel_loop3A_1671 = tpu.memref_slice %arg6[%parallel_loop3A_626, %parallel_loop3A_1669, %parallel_loop3A_1670] : memref<2x4x4000xf32, #tpu.memory_space<vmem>> -> memref<1x4x4000xf32, #tpu.memory_space<vmem>>
      %parallel_loop3A_1672 = tpu.memref_squeeze %parallel_loop3A_1671 : memref<1x4x4000xf32, #tpu.memory_space<vmem>> -> memref<4x4000xf32, #tpu.memory_space<vmem>>
      %parallel_loop3A_1673 = arith.index_cast %parallel_loop3A_1668 : i32 to index
      %parallel_loop3A_1674 = arith.index_cast %parallel_loop3A_1601 : i32 to index
      %parallel_loop3A_1675 = tpu.vector_load %parallel_loop3A_1672[%parallel_loop3A_1673, %parallel_loop3A_1674] {strides = array<i32>} : memref<4x4000xf32, #tpu.memory_space<vmem>>, vector<16xf32>,
      %parallel_loop3A_1676 = arith.constant 3 : i32
      %parallel_loop3A_1677 = arith.constant 0 : i32
      %parallel_loop3A_1678 = arith.constant 0 : i32
      %parallel_loop3A_1679 = tpu.memref_slice %arg6[%parallel_loop3A_626, %parallel_loop3A_1677, %parallel_loop3A_1678] : memref<2x4x4000xf32, #tpu.memory_space<vmem>> -> memref<1x4x4000xf32, #tpu.memory_space<vmem>>
      %parallel_loop3A_1680 = tpu.memref_squeeze %parallel_loop3A_1679 : memref<1x4x4000xf32, #tpu.memory_space<vmem>> -> memref<4x4000xf32, #tpu.memory_space<vmem>>
      %parallel_loop3A_1681 = arith.index_cast %parallel_loop3A_1676 : i32 to index
      %parallel_loop3A_1682 = arith.index_cast %parallel_loop3A_1601 : i32 to index
      %parallel_loop3A_1683 = tpu.vector_load %parallel_loop3A_1680[%parallel_loop3A_1681, %parallel_loop3A_1682] {strides = array<i32>} : memref<4x4000xf32, #tpu.memory_space<vmem>>, vector<16xf32>,
      %parallel_loop3A_1684 = arith.mulf %parallel_loop3A_1648, %parallel_loop3A_1651 : vector<16xf32>
      %parallel_loop3A_1685 = arith.mulf %parallel_loop3A_1684, %parallel_loop3A_1659 : vector<16xf32>
      %parallel_loop3A_1686 = arith.constant 0 : i32
      %parallel_loop3A_1687 = tpu.memref_slice %arg7[%parallel_loop3A_627, %parallel_loop3A_1686] : memref<1x66080xf32, #tpu.memory_space<vmem>> -> memref<1x16392xf32, #tpu.memory_space<vmem>>
      %parallel_loop3A_1688 = tpu.memref_squeeze %parallel_loop3A_1687 : memref<1x16392xf32, #tpu.memory_space<vmem>> -> memref<16392xf32, #tpu.memory_space<vmem>>
      tpu.vector_store_idx %parallel_loop3A_1688[%parallel_loop3A_1639], %parallel_loop3A_1685 {add = true} : memref<16392xf32, #tpu.memory_space<vmem>>[vector<16xi32>], vector<16xf32>,
      %parallel_loop3A_1689 = arith.mulf %parallel_loop3A_1684, %parallel_loop3A_1667 : vector<16xf32>
      %parallel_loop3A_1690 = arith.constant 16520 : i32
      %parallel_loop3A_1691 = tpu.memref_slice %arg7[%parallel_loop3A_628, %parallel_loop3A_1690] : memref<1x66080xf32, #tpu.memory_space<vmem>> -> memref<1x16392xf32, #tpu.memory_space<vmem>>
      %parallel_loop3A_1692 = tpu.memref_squeeze %parallel_loop3A_1691 : memref<1x16392xf32, #tpu.memory_space<vmem>> -> memref<16392xf32, #tpu.memory_space<vmem>>
      tpu.vector_store_idx %parallel_loop3A_1692[%parallel_loop3A_1639], %parallel_loop3A_1689 {add = true} : memref<16392xf32, #tpu.memory_space<vmem>>[vector<16xi32>], vector<16xf32>,
      %parallel_loop3A_1693 = arith.mulf %parallel_loop3A_1684, %parallel_loop3A_1675 : vector<16xf32>
      %parallel_loop3A_1694 = arith.constant 33040 : i32
      %parallel_loop3A_1695 = tpu.memref_slice %arg7[%parallel_loop3A_629, %parallel_loop3A_1694] : memref<1x66080xf32, #tpu.memory_space<vmem>> -> memref<1x16392xf32, #tpu.memory_space<vmem>>
      %parallel_loop3A_1696 = tpu.memref_squeeze %parallel_loop3A_1695 : memref<1x16392xf32, #tpu.memory_space<vmem>> -> memref<16392xf32, #tpu.memory_space<vmem>>
      tpu.vector_store_idx %parallel_loop3A_1696[%parallel_loop3A_1639], %parallel_loop3A_1693 {add = true} : memref<16392xf32, #tpu.memory_space<vmem>>[vector<16xi32>], vector<16xf32>,
      %parallel_loop3A_1697 = arith.mulf %parallel_loop3A_1684, %parallel_loop3A_1683 : vector<16xf32>
      %parallel_loop3A_1698 = arith.constant 49560 : i32
      %parallel_loop3A_1699 = tpu.memref_slice %arg7[%parallel_loop3A_630, %parallel_loop3A_1698] : memref<1x66080xf32, #tpu.memory_space<vmem>> -> memref<1x16392xf32, #tpu.memory_space<vmem>>
      %parallel_loop3A_1700 = tpu.memref_squeeze %parallel_loop3A_1699 : memref<1x16392xf32, #tpu.memory_space<vmem>> -> memref<16392xf32, #tpu.memory_space<vmem>>
      tpu.vector_store_idx %parallel_loop3A_1700[%parallel_loop3A_1639], %parallel_loop3A_1697 {add = true} : memref<16392xf32, #tpu.memory_space<vmem>>[vector<16xi32>], vector<16xf32>,
      %parallel_loop3A_1701 = arith.mulf %parallel_loop3A_1633, %parallel_loop3A_1651 : vector<16xf32>
      %parallel_loop3A_1702 = arith.mulf %parallel_loop3A_1701, %parallel_loop3A_1659 : vector<16xf32>
      %parallel_loop3A_1703 = arith.constant 0 : i32
      %parallel_loop3A_1704 = tpu.memref_slice %arg7[%parallel_loop3A_627, %parallel_loop3A_1703] : memref<1x66080xf32, #tpu.memory_space<vmem>> -> memref<1x16392xf32, #tpu.memory_space<vmem>>
      %parallel_loop3A_1705 = tpu.memref_squeeze %parallel_loop3A_1704 : memref<1x16392xf32, #tpu.memory_space<vmem>> -> memref<16392xf32, #tpu.memory_space<vmem>>
      tpu.vector_store_idx %parallel_loop3A_1705[%parallel_loop3A_1642], %parallel_loop3A_1702 masked %parallel_loop3A_1645 {add = true} : memref<16392xf32, #tpu.memory_space<vmem>>[vector<16xi32>], vector<16xf32>, vector<16xi1>
      %parallel_loop3A_1706 = arith.mulf %parallel_loop3A_1701, %parallel_loop3A_1667 : vector<16xf32>
      %parallel_loop3A_1707 = arith.constant 16520 : i32
      %parallel_loop3A_1708 = tpu.memref_slice %arg7[%parallel_loop3A_628, %parallel_loop3A_1707] : memref<1x66080xf32, #tpu.memory_space<vmem>> -> memref<1x16392xf32, #tpu.memory_space<vmem>>
      %parallel_loop3A_1709 = tpu.memref_squeeze %parallel_loop3A_1708 : memref<1x16392xf32, #tpu.memory_space<vmem>> -> memref<16392xf32, #tpu.memory_space<vmem>>
      tpu.vector_store_idx %parallel_loop3A_1709[%parallel_loop3A_1642], %parallel_loop3A_1706 masked %parallel_loop3A_1645 {add = true} : memref<16392xf32, #tpu.memory_space<vmem>>[vector<16xi32>], vector<16xf32>, vector<16xi1>
      %parallel_loop3A_1710 = arith.mulf %parallel_loop3A_1701, %parallel_loop3A_1675 : vector<16xf32>
      %parallel_loop3A_1711 = arith.constant 33040 : i32
      %parallel_loop3A_1712 = tpu.memref_slice %arg7[%parallel_loop3A_629, %parallel_loop3A_1711] : memref<1x66080xf32, #tpu.memory_space<vmem>> -> memref<1x16392xf32, #tpu.memory_space<vmem>>
      %parallel_loop3A_1713 = tpu.memref_squeeze %parallel_loop3A_1712 : memref<1x16392xf32, #tpu.memory_space<vmem>> -> memref<16392xf32, #tpu.memory_space<vmem>>
      tpu.vector_store_idx %parallel_loop3A_1713[%parallel_loop3A_1642], %parallel_loop3A_1710 masked %parallel_loop3A_1645 {add = true} : memref<16392xf32, #tpu.memory_space<vmem>>[vector<16xi32>], vector<16xf32>, vector<16xi1>
      %parallel_loop3A_1714 = arith.mulf %parallel_loop3A_1701, %parallel_loop3A_1683 : vector<16xf32>
      %parallel_loop3A_1715 = arith.constant 49560 : i32
      %parallel_loop3A_1716 = tpu.memref_slice %arg7[%parallel_loop3A_630, %parallel_loop3A_1715] : memref<1x66080xf32, #tpu.memory_space<vmem>> -> memref<1x16392xf32, #tpu.memory_space<vmem>>
      %parallel_loop3A_1717 = tpu.memref_squeeze %parallel_loop3A_1716 : memref<1x16392xf32, #tpu.memory_space<vmem>> -> memref<16392xf32, #tpu.memory_space<vmem>>
      tpu.vector_store_idx %parallel_loop3A_1717[%parallel_loop3A_1642], %parallel_loop3A_1714 masked %parallel_loop3A_1645 {add = true} : memref<16392xf32, #tpu.memory_space<vmem>>[vector<16xi32>], vector<16xf32>, vector<16xi1>
      %parallel_loop3A_1718 = arith.mulf %parallel_loop3A_1648, %parallel_loop3A_1635 : vector<16xf32>
      %parallel_loop3A_1719 = arith.mulf %parallel_loop3A_1718, %parallel_loop3A_1659 : vector<16xf32>
      %parallel_loop3A_1720 = arith.constant 128 : i32
      %parallel_loop3A_1721 = tpu.memref_slice %arg7[%parallel_loop3A_631, %parallel_loop3A_1720] : memref<1x66080xf32, #tpu.memory_space<vmem>> -> memref<1x16392xf32, #tpu.memory_space<vmem>>
      %parallel_loop3A_1722 = tpu.memref_squeeze %parallel_loop3A_1721 : memref<1x16392xf32, #tpu.memory_space<vmem>> -> memref<16392xf32, #tpu.memory_space<vmem>>
      tpu.vector_store_idx %parallel_loop3A_1722[%parallel_loop3A_1639], %parallel_loop3A_1719 {add = true} : memref<16392xf32, #tpu.memory_space<vmem>>[vector<16xi32>], vector<16xf32>,
      %parallel_loop3A_1723 = arith.mulf %parallel_loop3A_1718, %parallel_loop3A_1667 : vector<16xf32>
      %parallel_loop3A_1724 = arith.constant 16648 : i32
      %parallel_loop3A_1725 = tpu.memref_slice %arg7[%parallel_loop3A_632, %parallel_loop3A_1724] : memref<1x66080xf32, #tpu.memory_space<vmem>> -> memref<1x16392xf32, #tpu.memory_space<vmem>>
      %parallel_loop3A_1726 = tpu.memref_squeeze %parallel_loop3A_1725 : memref<1x16392xf32, #tpu.memory_space<vmem>> -> memref<16392xf32, #tpu.memory_space<vmem>>
      tpu.vector_store_idx %parallel_loop3A_1726[%parallel_loop3A_1639], %parallel_loop3A_1723 {add = true} : memref<16392xf32, #tpu.memory_space<vmem>>[vector<16xi32>], vector<16xf32>,
      %parallel_loop3A_1727 = arith.mulf %parallel_loop3A_1718, %parallel_loop3A_1675 : vector<16xf32>
      %parallel_loop3A_1728 = arith.constant 33168 : i32
      %parallel_loop3A_1729 = tpu.memref_slice %arg7[%parallel_loop3A_633, %parallel_loop3A_1728] : memref<1x66080xf32, #tpu.memory_space<vmem>> -> memref<1x16392xf32, #tpu.memory_space<vmem>>
      %parallel_loop3A_1730 = tpu.memref_squeeze %parallel_loop3A_1729 : memref<1x16392xf32, #tpu.memory_space<vmem>> -> memref<16392xf32, #tpu.memory_space<vmem>>
      tpu.vector_store_idx %parallel_loop3A_1730[%parallel_loop3A_1639], %parallel_loop3A_1727 {add = true} : memref<16392xf32, #tpu.memory_space<vmem>>[vector<16xi32>], vector<16xf32>,
      %parallel_loop3A_1731 = arith.mulf %parallel_loop3A_1718, %parallel_loop3A_1683 : vector<16xf32>
      %parallel_loop3A_1732 = arith.constant 49688 : i32
      %parallel_loop3A_1733 = tpu.memref_slice %arg7[%parallel_loop3A_634, %parallel_loop3A_1732] : memref<1x66080xf32, #tpu.memory_space<vmem>> -> memref<1x16392xf32, #tpu.memory_space<vmem>>
      %parallel_loop3A_1734 = tpu.memref_squeeze %parallel_loop3A_1733 : memref<1x16392xf32, #tpu.memory_space<vmem>> -> memref<16392xf32, #tpu.memory_space<vmem>>
      tpu.vector_store_idx %parallel_loop3A_1734[%parallel_loop3A_1639], %parallel_loop3A_1731 {add = true} : memref<16392xf32, #tpu.memory_space<vmem>>[vector<16xi32>], vector<16xf32>,
      %parallel_loop3A_1735 = arith.mulf %parallel_loop3A_1633, %parallel_loop3A_1635 : vector<16xf32>
      %parallel_loop3A_1736 = arith.mulf %parallel_loop3A_1735, %parallel_loop3A_1659 : vector<16xf32>
      %parallel_loop3A_1737 = arith.constant 128 : i32
      %parallel_loop3A_1738 = tpu.memref_slice %arg7[%parallel_loop3A_631, %parallel_loop3A_1737] : memref<1x66080xf32, #tpu.memory_space<vmem>> -> memref<1x16392xf32, #tpu.memory_space<vmem>>
      %parallel_loop3A_1739 = tpu.memref_squeeze %parallel_loop3A_1738 : memref<1x16392xf32, #tpu.memory_space<vmem>> -> memref<16392xf32, #tpu.memory_space<vmem>>
      tpu.vector_store_idx %parallel_loop3A_1739[%parallel_loop3A_1642], %parallel_loop3A_1736 masked %parallel_loop3A_1645 {add = true} : memref<16392xf32, #tpu.memory_space<vmem>>[vector<16xi32>], vector<16xf32>, vector<16xi1>
      %parallel_loop3A_1740 = arith.mulf %parallel_loop3A_1735, %parallel_loop3A_1667 : vector<16xf32>
      %parallel_loop3A_1741 = arith.constant 16648 : i32
      %parallel_loop3A_1742 = tpu.memref_slice %arg7[%parallel_loop3A_632, %parallel_loop3A_1741] : memref<1x66080xf32, #tpu.memory_space<vmem>> -> memref<1x16392xf32, #tpu.memory_space<vmem>>
      %parallel_loop3A_1743 = tpu.memref_squeeze %parallel_loop3A_1742 : memref<1x16392xf32, #tpu.memory_space<vmem>> -> memref<16392xf32, #tpu.memory_space<vmem>>
      tpu.vector_store_idx %parallel_loop3A_1743[%parallel_loop3A_1642], %parallel_loop3A_1740 masked %parallel_loop3A_1645 {add = true} : memref<16392xf32, #tpu.memory_space<vmem>>[vector<16xi32>], vector<16xf32>, vector<16xi1>
      %parallel_loop3A_1744 = arith.mulf %parallel_loop3A_1735, %parallel_loop3A_1675 : vector<16xf32>
      %parallel_loop3A_1745 = arith.constant 33168 : i32
      %parallel_loop3A_1746 = tpu.memref_slice %arg7[%parallel_loop3A_633, %parallel_loop3A_1745] : memref<1x66080xf32, #tpu.memory_space<vmem>> -> memref<1x16392xf32, #tpu.memory_space<vmem>>
      %parallel_loop3A_1747 = tpu.memref_squeeze %parallel_loop3A_1746 : memref<1x16392xf32, #tpu.memory_space<vmem>> -> memref<16392xf32, #tpu.memory_space<vmem>>
      tpu.vector_store_idx %parallel_loop3A_1747[%parallel_loop3A_1642], %parallel_loop3A_1744 masked %parallel_loop3A_1645 {add = true} : memref<16392xf32, #tpu.memory_space<vmem>>[vector<16xi32>], vector<16xf32>, vector<16xi1>
      %parallel_loop3A_1748 = arith.mulf %parallel_loop3A_1735, %parallel_loop3A_1683 : vector<16xf32>
      %parallel_loop3A_1749 = arith.constant 49688 : i32
      %parallel_loop3A_1750 = tpu.memref_slice %arg7[%parallel_loop3A_634, %parallel_loop3A_1749] : memref<1x66080xf32, #tpu.memory_space<vmem>> -> memref<1x16392xf32, #tpu.memory_space<vmem>>
      %parallel_loop3A_1751 = tpu.memref_squeeze %parallel_loop3A_1750 : memref<1x16392xf32, #tpu.memory_space<vmem>> -> memref<16392xf32, #tpu.memory_space<vmem>>
      tpu.vector_store_idx %parallel_loop3A_1751[%parallel_loop3A_1642], %parallel_loop3A_1748 masked %parallel_loop3A_1645 {add = true} : memref<16392xf32, #tpu.memory_space<vmem>>[vector<16xi32>], vector<16xf32>, vector<16xi1>
    } {sc.loop_unroll_factor = 2 : i64, sc.parallel_access}
    %mul3A_635 = arith.constant 2 : i32
    %mul3A_636 = arith.muli %add3A, %mul3A_635 : i32
    %add3A_637 = arith.constant 1 : i32
    %add3A_638 = arith.addi %mul3A_636, %add3A_637 : i32
    %jit3A_639 = arith.constant 8 : i32
    %div3A_640 = arith.divsi %add3A_638, %jit3A_639 : i32
    %sign3A_641 = arith.constant 0 : i32
    %sign3A_642 = arith.cmpi sgt, %add3A_638, %sign3A_641 : i32
    %sign3A_643 = arith.extui %sign3A_642 : i1 to i32
    %sign3A_644 = arith.constant 0 : i32
    %sign3A_645 = arith.cmpi slt, %add3A_638, %sign3A_644 : i32
    %sign3A_646 = arith.extui %sign3A_645 : i1 to i32
    %sign3A_647 = arith.subi %sign3A_643, %sign3A_646 : i32
    %sign3A_648 = arith.constant 0 : i32
    %sign3A_649 = arith.cmpi sgt, %jit3A_639, %sign3A_648 : i32
    %sign3A_650 = arith.extui %sign3A_649 : i1 to i32
    %sign3A_651 = arith.constant 0 : i32
    %sign3A_652 = arith.cmpi slt, %jit3A_639, %sign3A_651 : i32
    %sign3A_653 = arith.extui %sign3A_652 : i1 to i32
    %sign3A_654 = arith.subi %sign3A_650, %sign3A_653 : i32
    %ne3A_655 = arith.cmpi ne, %sign3A_647, %sign3A_654 : i32
    %rem3A_656 = arith.remsi %add3A_638, %jit3A_639 : i32
    %ne3A_657 = arith.constant 0 : i32
    %ne3A_658 = arith.cmpi ne, %rem3A_656, %ne3A_657 : i32
    %and3A_659 = arith.andi %ne3A_655, %ne3A_658 : i1
    %sub3A_660 = arith.constant 1 : i32
    %sub3A_661 = arith.subi %div3A_640, %sub3A_660 : i32
    %select_n3A_662 = arith.select %and3A_659, %sub3A_661, %div3A_640 : i32
    %jit3A_663 = arith.constant 8 : i32
    %eq3A_664 = arith.constant 0 : i32
    %eq3A_665 = arith.cmpi eq, %jit3A_663, %eq3A_664 : i32
    %jit3A_666 = arith.constant 1 : i32
    %select_n3A_667 = arith.select %eq3A_665, %jit3A_666, %jit3A_663 : i32
    %rem3A_668 = arith.remsi %add3A_638, %select_n3A_667 : i32
    %ne3A_669 = arith.constant 0 : i32
    %ne3A_670 = arith.cmpi ne, %rem3A_668, %ne3A_669 : i32
    %lt3A_671 = arith.constant 0 : i32
    %lt3A_672 = arith.cmpi slt, %rem3A_668, %lt3A_671 : i32
    %lt3A_673 = arith.constant 0 : i32
    %lt3A_674 = arith.cmpi slt, %select_n3A_667, %lt3A_673 : i32
    %ne3A_675 = arith.xori %lt3A_672, %lt3A_674 : i1
    %and3A_676 = arith.andi %ne3A_675, %ne3A_670 : i1
    %add3A_677 = arith.addi %rem3A_668, %select_n3A_667 : i32
    %select_n3A_678 = arith.select %and3A_676, %add3A_677, %rem3A_668 : i32
    %mul3A_679 = arith.constant 32 : i32
    %mul3A_680 = arith.muli %select_n3A_662, %mul3A_679 : i32
    %mul3A_681 = arith.constant 4 : i32
    %mul3A_682 = arith.muli %select_n3A_678, %mul3A_681 : i32
    %add3A_683 = arith.addi %mul3A_680, %mul3A_682 : i32
    %mul3A_684 = arith.constant 2 : i32
    %mul3A_685 = arith.muli %select_n3A_662, %mul3A_684 : i32
    %dma_start3A_686 = arith.constant 1 : i32
    %dma_start3A_687 = arith.constant 1 : i32
    %dma_start3A_688 = arith.constant 0 : i32
    %dma_start3A_689 = arith.constant 0 : i32
    %dma_start3A_690 = tpu.memref_slice %arg5[%dma_start3A_686, %dma_start3A_688, %dma_start3A_689] : memref<2x2x4000xf32, #tpu.memory_space<vmem>> -> memref<1x2x4000xf32, #tpu.memory_space<vmem>>
    %dma_start3A_691 = tpu.memref_squeeze %dma_start3A_690 : memref<1x2x4000xf32, #tpu.memory_space<vmem>> -> memref<2x4000xf32, #tpu.memory_space<vmem>>
    %dma_start3A_692 = arith.constant 0 : i32
    %dma_start3A_693 = tpu.memref_slice %arg2[%mul3A_685, %dma_start3A_692] : memref<16x20000xf32, #tpu.memory_space<hbm>> -> memref<2x4000xf32, #tpu.memory_space<hbm>>
    %dma_start3A_694 = tpu.memref_slice %arg8[%dma_start3A_687] : memref<3x!tpu.dma_semaphore, #tpu.memory_space<semaphore_mem>> -> memref<1x!tpu.dma_semaphore, #tpu.memory_space<semaphore_mem>>
    %dma_start3A_695 = tpu.memref_squeeze %dma_start3A_694 : memref<1x!tpu.dma_semaphore, #tpu.memory_space<semaphore_mem>> -> memref<!tpu.dma_semaphore, #tpu.memory_space<semaphore_mem>>
    %dma_start3A_696 = arith.constant 0 : i32
    %dma_start3A_697 = arith.constant 0 : i32
    %dma_start3A_698 = tpu.memref_slice %arg5[%dma_start3A_686, %dma_start3A_696, %dma_start3A_697] : memref<2x2x4000xf32, #tpu.memory_space<vmem>> -> memref<1x2x4000xf32, #tpu.memory_space<vmem>>
    %dma_start3A_699 = tpu.memref_squeeze %dma_start3A_698 : memref<1x2x4000xf32, #tpu.memory_space<vmem>> -> memref<2x4000xf32, #tpu.memory_space<vmem>>
    %dma_start3A_700 = arith.constant 0 : i32
    %dma_start3A_701 = tpu.memref_slice %arg2[%mul3A_685, %dma_start3A_700] : memref<16x20000xf32, #tpu.memory_space<hbm>> -> memref<2x4000xf32, #tpu.memory_space<hbm>>
    tpu.enqueue_dma source(%dma_start3A_701 : memref<2x4000xf32, #tpu.memory_space<hbm>>) target(%dma_start3A_699 : memref<2x4000xf32, #tpu.memory_space<vmem>>) target_semaphore(%dma_start3A_695 : memref<!tpu.dma_semaphore, #tpu.memory_space<semaphore_mem>>)
    %dma_start3A_702 = arith.constant 1 : i32
    %dma_start3A_703 = arith.constant 1 : i32
    %dma_start3A_704 = arith.constant 0 : i32
    %dma_start3A_705 = arith.constant 0 : i32
    %dma_start3A_706 = tpu.memref_slice %arg6[%dma_start3A_702, %dma_start3A_704, %dma_start3A_705] : memref<2x4x4000xf32, #tpu.memory_space<vmem>> -> memref<1x4x4000xf32, #tpu.memory_space<vmem>>
    %dma_start3A_707 = tpu.memref_squeeze %dma_start3A_706 : memref<1x4x4000xf32, #tpu.memory_space<vmem>> -> memref<4x4000xf32, #tpu.memory_space<vmem>>
    %dma_start3A_708 = arith.constant 0 : i32
    %dma_start3A_709 = tpu.memref_slice %arg3[%add3A_683, %dma_start3A_708] : memref<256x20000xf32, #tpu.memory_space<hbm>> -> memref<4x4000xf32, #tpu.memory_space<hbm>>
    %dma_start3A_710 = tpu.memref_slice %arg8[%dma_start3A_703] : memref<3x!tpu.dma_semaphore, #tpu.memory_space<semaphore_mem>> -> memref<1x!tpu.dma_semaphore, #tpu.memory_space<semaphore_mem>>
    %dma_start3A_711 = tpu.memref_squeeze %dma_start3A_710 : memref<1x!tpu.dma_semaphore, #tpu.memory_space<semaphore_mem>> -> memref<!tpu.dma_semaphore, #tpu.memory_space<semaphore_mem>>
    %dma_start3A_712 = arith.constant 0 : i32
    %dma_start3A_713 = arith.constant 0 : i32
    %dma_start3A_714 = tpu.memref_slice %arg6[%dma_start3A_702, %dma_start3A_712, %dma_start3A_713] : memref<2x4x4000xf32, #tpu.memory_space<vmem>> -> memref<1x4x4000xf32, #tpu.memory_space<vmem>>
    %dma_start3A_715 = tpu.memref_squeeze %dma_start3A_714 : memref<1x4x4000xf32, #tpu.memory_space<vmem>> -> memref<4x4000xf32, #tpu.memory_space<vmem>>
    %dma_start3A_716 = arith.constant 0 : i32
    %dma_start3A_717 = tpu.memref_slice %arg3[%add3A_683, %dma_start3A_716] : memref<256x20000xf32, #tpu.memory_space<hbm>> -> memref<4x4000xf32, #tpu.memory_space<hbm>>
    tpu.enqueue_dma source(%dma_start3A_717 : memref<4x4000xf32, #tpu.memory_space<hbm>>) target(%dma_start3A_715 : memref<4x4000xf32, #tpu.memory_space<vmem>>) target_semaphore(%dma_start3A_711 : memref<!tpu.dma_semaphore, #tpu.memory_space<semaphore_mem>>)
    %dma_wait3A_718 = arith.constant 0 : i32
    %dma_wait3A_719 = arith.constant 0 : i32
    %dma_wait3A_720 = arith.constant 0 : i32
    %dma_wait3A_721 = arith.constant 0 : i32
    %dma_wait3A_722 = tpu.memref_slice %arg5[%dma_wait3A_718, %dma_wait3A_720, %dma_wait3A_721] : memref<2x2x4000xf32, #tpu.memory_space<vmem>> -> memref<1x2x4000xf32, #tpu.memory_space<vmem>>
    %dma_wait3A_723 = tpu.memref_squeeze %dma_wait3A_722 : memref<1x2x4000xf32, #tpu.memory_space<vmem>> -> memref<2x4000xf32, #tpu.memory_space<vmem>>
    %dma_wait3A_724 = arith.constant 16000 : i32
    %dma_wait3A_725 = tpu.memref_slice %arg2[%mul3A_557, %dma_wait3A_724] : memref<16x20000xf32, #tpu.memory_space<hbm>> -> memref<2x4000xf32, #tpu.memory_space<hbm>>
    %dma_wait3A_726 = tpu.memref_slice %arg8[%dma_wait3A_719] : memref<3x!tpu.dma_semaphore, #tpu.memory_space<semaphore_mem>> -> memref<1x!tpu.dma_semaphore, #tpu.memory_space<semaphore_mem>>
    %dma_wait3A_727 = tpu.memref_squeeze %dma_wait3A_726 : memref<1x!tpu.dma_semaphore, #tpu.memory_space<semaphore_mem>> -> memref<!tpu.dma_semaphore, #tpu.memory_space<semaphore_mem>>
    %dma_wait3A_728 = arith.constant 0 : i32
    %dma_wait3A_729 = arith.constant 0 : i32
    %dma_wait3A_730 = tpu.memref_slice %arg5[%dma_wait3A_718, %dma_wait3A_728, %dma_wait3A_729] : memref<2x2x4000xf32, #tpu.memory_space<vmem>> -> memref<1x2x4000xf32, #tpu.memory_space<vmem>>
    %dma_wait3A_731 = tpu.memref_squeeze %dma_wait3A_730 : memref<1x2x4000xf32, #tpu.memory_space<vmem>> -> memref<2x4000xf32, #tpu.memory_space<vmem>>
    %dma_wait3A_732 = arith.constant 16000 : i32
    %dma_wait3A_733 = tpu.memref_slice %arg2[%mul3A_557, %dma_wait3A_732] : memref<16x20000xf32, #tpu.memory_space<hbm>> -> memref<2x4000xf32, #tpu.memory_space<hbm>>
    tpu.wait_dma2 semaphore(%dma_wait3A_727 : memref<!tpu.dma_semaphore, #tpu.memory_space<semaphore_mem>>) src(%dma_wait3A_733 : memref<2x4000xf32, #tpu.memory_space<hbm>>) dst(%dma_wait3A_731 : memref<2x4000xf32, #tpu.memory_space<vmem>>)
    %dma_wait3A_734 = arith.constant 0 : i32
    %dma_wait3A_735 = arith.constant 0 : i32
    %dma_wait3A_736 = arith.constant 0 : i32
    %dma_wait3A_737 = arith.constant 0 : i32
    %dma_wait3A_738 = tpu.memref_slice %arg6[%dma_wait3A_734, %dma_wait3A_736, %dma_wait3A_737] : memref<2x4x4000xf32, #tpu.memory_space<vmem>> -> memref<1x4x4000xf32, #tpu.memory_space<vmem>>
    %dma_wait3A_739 = tpu.memref_squeeze %dma_wait3A_738 : memref<1x4x4000xf32, #tpu.memory_space<vmem>> -> memref<4x4000xf32, #tpu.memory_space<vmem>>
    %dma_wait3A_740 = arith.constant 16000 : i32
    %dma_wait3A_741 = tpu.memref_slice %arg3[%add3A_555, %dma_wait3A_740] : memref<256x20000xf32, #tpu.memory_space<hbm>> -> memref<4x4000xf32, #tpu.memory_space<hbm>>
    %dma_wait3A_742 = tpu.memref_slice %arg8[%dma_wait3A_735] : memref<3x!tpu.dma_semaphore, #tpu.memory_space<semaphore_mem>> -> memref<1x!tpu.dma_semaphore, #tpu.memory_space<semaphore_mem>>
    %dma_wait3A_743 = tpu.memref_squeeze %dma_wait3A_742 : memref<1x!tpu.dma_semaphore, #tpu.memory_space<semaphore_mem>> -> memref<!tpu.dma_semaphore, #tpu.memory_space<semaphore_mem>>
    %dma_wait3A_744 = arith.constant 0 : i32
    %dma_wait3A_745 = arith.constant 0 : i32
    %dma_wait3A_746 = tpu.memref_slice %arg6[%dma_wait3A_734, %dma_wait3A_744, %dma_wait3A_745] : memref<2x4x4000xf32, #tpu.memory_space<vmem>> -> memref<1x4x4000xf32, #tpu.memory_space<vmem>>
    %dma_wait3A_747 = tpu.memref_squeeze %dma_wait3A_746 : memref<1x4x4000xf32, #tpu.memory_space<vmem>> -> memref<4x4000xf32, #tpu.memory_space<vmem>>
    %dma_wait3A_748 = arith.constant 16000 : i32
    %dma_wait3A_749 = tpu.memref_slice %arg3[%add3A_555, %dma_wait3A_748] : memref<256x20000xf32, #tpu.memory_space<hbm>> -> memref<4x4000xf32, #tpu.memory_space<hbm>>
    tpu.wait_dma2 semaphore(%dma_wait3A_743 : memref<!tpu.dma_semaphore, #tpu.memory_space<semaphore_mem>>) src(%dma_wait3A_749 : memref<4x4000xf32, #tpu.memory_space<hbm>>) dst(%dma_wait3A_747 : memref<4x4000xf32, #tpu.memory_space<vmem>>)
    %parallel_loop3A_750 = arith.constant 0 : i32
    %parallel_loop3A_751 = arith.constant 250 : i32
    %parallel_loop3A_752 = arith.constant 1 : i32
    %parallel_loop3A_753 = arith.constant 0 : i32
    %parallel_loop3A_754 = arith.constant 0 : i32
    %parallel_loop3A_755 = arith.constant 0 : i32
    %parallel_loop3A_756 = arith.constant 0 : i32
    %parallel_loop3A_757 = arith.constant 0 : i32
    %parallel_loop3A_758 = arith.constant 0 : i32
    %parallel_loop3A_759 = arith.constant 0 : i32
    %parallel_loop3A_760 = arith.constant 0 : i32
    %parallel_loop3A_761 = arith.constant 0 : i32
    %parallel_loop3A_762 = arith.constant 0 : i32
    scf.for %parallel_loop3A_1599 = %parallel_loop3A_750 to %parallel_loop3A_751 step %parallel_loop3A_752  : i32 {
      %parallel_loop3A_1600 = arith.constant 16 : i32
      %parallel_loop3A_1601 = arith.muli %parallel_loop3A_1599, %parallel_loop3A_1600 : i32
      %parallel_loop3A_1602 = arith.constant 0 : i32
      %parallel_loop3A_1603 = arith.constant 0 : i32
      %parallel_loop3A_1604 = arith.constant 0 : i32
      %parallel_loop3A_1605 = tpu.memref_slice %arg5[%parallel_loop3A_753, %parallel_loop3A_1603, %parallel_loop3A_1604] : memref<2x2x4000xf32, #tpu.memory_space<vmem>> -> memref<1x2x4000xf32, #tpu.memory_space<vmem>>
      %parallel_loop3A_1606 = tpu.memref_squeeze %parallel_loop3A_1605 : memref<1x2x4000xf32, #tpu.memory_space<vmem>> -> memref<2x4000xf32, #tpu.memory_space<vmem>>
      %parallel_loop3A_1607 = arith.index_cast %parallel_loop3A_1602 : i32 to index
      %parallel_loop3A_1608 = arith.index_cast %parallel_loop3A_1601 : i32 to index
      %parallel_loop3A_1609 = tpu.vector_load %parallel_loop3A_1606[%parallel_loop3A_1607, %parallel_loop3A_1608] {strides = array<i32>} : memref<2x4000xf32, #tpu.memory_space<vmem>>, vector<16xf32>,
      %parallel_loop3A_1610 = arith.constant 1 : i32
      %parallel_loop3A_1611 = arith.constant 0 : i32
      %parallel_loop3A_1612 = arith.constant 0 : i32
      %parallel_loop3A_1613 = tpu.memref_slice %arg5[%parallel_loop3A_753, %parallel_loop3A_1611, %parallel_loop3A_1612] : memref<2x2x4000xf32, #tpu.memory_space<vmem>> -> memref<1x2x4000xf32, #tpu.memory_space<vmem>>
      %parallel_loop3A_1614 = tpu.memref_squeeze %parallel_loop3A_1613 : memref<1x2x4000xf32, #tpu.memory_space<vmem>> -> memref<2x4000xf32, #tpu.memory_space<vmem>>
      %parallel_loop3A_1615 = arith.index_cast %parallel_loop3A_1610 : i32 to index
      %parallel_loop3A_1616 = arith.index_cast %parallel_loop3A_1601 : i32 to index
      %parallel_loop3A_1617 = tpu.vector_load %parallel_loop3A_1614[%parallel_loop3A_1615, %parallel_loop3A_1616] {strides = array<i32>} : memref<2x4000xf32, #tpu.memory_space<vmem>>, vector<16xf32>,
      %parallel_loop3A_1618 = arith.constant 5.000000e-01 : f32
      %parallel_loop3A_1619 = vector.broadcast %parallel_loop3A_1618 : f32 to vector<16xf32>
      %parallel_loop3A_1620 = arith.addf %parallel_loop3A_1609, %parallel_loop3A_1619 : vector<16xf32>
      %parallel_loop3A_1621 = arith.constant 1.280000e+02 : f32
      %parallel_loop3A_1622 = vector.broadcast %parallel_loop3A_1621 : f32 to vector<16xf32>
      %parallel_loop3A_1623 = arith.mulf %parallel_loop3A_1620, %parallel_loop3A_1622 : vector<16xf32>
      %parallel_loop3A_1624 = arith.constant 5.000000e-01 : f32
      %parallel_loop3A_1625 = vector.broadcast %parallel_loop3A_1624 : f32 to vector<16xf32>
      %parallel_loop3A_1626 = arith.addf %parallel_loop3A_1617, %parallel_loop3A_1625 : vector<16xf32>
      %parallel_loop3A_1627 = arith.constant 1.280000e+02 : f32
      %parallel_loop3A_1628 = vector.broadcast %parallel_loop3A_1627 : f32 to vector<16xf32>
      %parallel_loop3A_1629 = arith.mulf %parallel_loop3A_1626, %parallel_loop3A_1628 : vector<16xf32>
      %parallel_loop3A_1630 = arith.fptosi %parallel_loop3A_1623 : vector<16xf32> to vector<16xi32>
      %parallel_loop3A_1631 = arith.fptosi %parallel_loop3A_1629 : vector<16xf32> to vector<16xi32>
      %parallel_loop3A_1632 = arith.sitofp %parallel_loop3A_1630 : vector<16xi32> to vector<16xf32>
      %parallel_loop3A_1633 = arith.subf %parallel_loop3A_1623, %parallel_loop3A_1632 : vector<16xf32>
      %parallel_loop3A_1634 = arith.sitofp %parallel_loop3A_1631 : vector<16xi32> to vector<16xf32>
      %parallel_loop3A_1635 = arith.subf %parallel_loop3A_1629, %parallel_loop3A_1634 : vector<16xf32>
      %parallel_loop3A_1636 = arith.constant 128 : i32
      %parallel_loop3A_1637 = vector.broadcast %parallel_loop3A_1636 : i32 to vector<16xi32>
      %parallel_loop3A_1638 = arith.muli %parallel_loop3A_1631, %parallel_loop3A_1637 : vector<16xi32>
      %parallel_loop3A_1639 = arith.addi %parallel_loop3A_1638, %parallel_loop3A_1630 : vector<16xi32>
      %parallel_loop3A_1640 = arith.constant 1 : i32
      %parallel_loop3A_1641 = vector.broadcast %parallel_loop3A_1640 : i32 to vector<16xi32>
      %parallel_loop3A_1642 = arith.addi %parallel_loop3A_1639, %parallel_loop3A_1641 : vector<16xi32>
      %parallel_loop3A_1643 = arith.constant 127 : i32
      %parallel_loop3A_1644 = vector.broadcast %parallel_loop3A_1643 : i32 to vector<16xi32>
      %parallel_loop3A_1645 = arith.cmpi slt, %parallel_loop3A_1630, %parallel_loop3A_1644 : vector<16xi32>
      %parallel_loop3A_1646 = arith.constant 1.000000e+00 : f32
      %parallel_loop3A_1647 = vector.broadcast %parallel_loop3A_1646 : f32 to vector<16xf32>
      %parallel_loop3A_1648 = arith.subf %parallel_loop3A_1647, %parallel_loop3A_1633 : vector<16xf32>
      %parallel_loop3A_1649 = arith.constant 1.000000e+00 : f32
      %parallel_loop3A_1650 = vector.broadcast %parallel_loop3A_1649 : f32 to vector<16xf32>
      %parallel_loop3A_1651 = arith.subf %parallel_loop3A_1650, %parallel_loop3A_1635 : vector<16xf32>
      %parallel_loop3A_1652 = arith.constant 0 : i32
      %parallel_loop3A_1653 = arith.constant 0 : i32
      %parallel_loop3A_1654 = arith.constant 0 : i32
      %parallel_loop3A_1655 = tpu.memref_slice %arg6[%parallel_loop3A_754, %parallel_loop3A_1653, %parallel_loop3A_1654] : memref<2x4x4000xf32, #tpu.memory_space<vmem>> -> memref<1x4x4000xf32, #tpu.memory_space<vmem>>
      %parallel_loop3A_1656 = tpu.memref_squeeze %parallel_loop3A_1655 : memref<1x4x4000xf32, #tpu.memory_space<vmem>> -> memref<4x4000xf32, #tpu.memory_space<vmem>>
      %parallel_loop3A_1657 = arith.index_cast %parallel_loop3A_1652 : i32 to index
      %parallel_loop3A_1658 = arith.index_cast %parallel_loop3A_1601 : i32 to index
      %parallel_loop3A_1659 = tpu.vector_load %parallel_loop3A_1656[%parallel_loop3A_1657, %parallel_loop3A_1658] {strides = array<i32>} : memref<4x4000xf32, #tpu.memory_space<vmem>>, vector<16xf32>,
      %parallel_loop3A_1660 = arith.constant 1 : i32
      %parallel_loop3A_1661 = arith.constant 0 : i32
      %parallel_loop3A_1662 = arith.constant 0 : i32
      %parallel_loop3A_1663 = tpu.memref_slice %arg6[%parallel_loop3A_754, %parallel_loop3A_1661, %parallel_loop3A_1662] : memref<2x4x4000xf32, #tpu.memory_space<vmem>> -> memref<1x4x4000xf32, #tpu.memory_space<vmem>>
      %parallel_loop3A_1664 = tpu.memref_squeeze %parallel_loop3A_1663 : memref<1x4x4000xf32, #tpu.memory_space<vmem>> -> memref<4x4000xf32, #tpu.memory_space<vmem>>
      %parallel_loop3A_1665 = arith.index_cast %parallel_loop3A_1660 : i32 to index
      %parallel_loop3A_1666 = arith.index_cast %parallel_loop3A_1601 : i32 to index
      %parallel_loop3A_1667 = tpu.vector_load %parallel_loop3A_1664[%parallel_loop3A_1665, %parallel_loop3A_1666] {strides = array<i32>} : memref<4x4000xf32, #tpu.memory_space<vmem>>, vector<16xf32>,
      %parallel_loop3A_1668 = arith.constant 2 : i32
      %parallel_loop3A_1669 = arith.constant 0 : i32
      %parallel_loop3A_1670 = arith.constant 0 : i32
      %parallel_loop3A_1671 = tpu.memref_slice %arg6[%parallel_loop3A_754, %parallel_loop3A_1669, %parallel_loop3A_1670] : memref<2x4x4000xf32, #tpu.memory_space<vmem>> -> memref<1x4x4000xf32, #tpu.memory_space<vmem>>
      %parallel_loop3A_1672 = tpu.memref_squeeze %parallel_loop3A_1671 : memref<1x4x4000xf32, #tpu.memory_space<vmem>> -> memref<4x4000xf32, #tpu.memory_space<vmem>>
      %parallel_loop3A_1673 = arith.index_cast %parallel_loop3A_1668 : i32 to index
      %parallel_loop3A_1674 = arith.index_cast %parallel_loop3A_1601 : i32 to index
      %parallel_loop3A_1675 = tpu.vector_load %parallel_loop3A_1672[%parallel_loop3A_1673, %parallel_loop3A_1674] {strides = array<i32>} : memref<4x4000xf32, #tpu.memory_space<vmem>>, vector<16xf32>,
      %parallel_loop3A_1676 = arith.constant 3 : i32
      %parallel_loop3A_1677 = arith.constant 0 : i32
      %parallel_loop3A_1678 = arith.constant 0 : i32
      %parallel_loop3A_1679 = tpu.memref_slice %arg6[%parallel_loop3A_754, %parallel_loop3A_1677, %parallel_loop3A_1678] : memref<2x4x4000xf32, #tpu.memory_space<vmem>> -> memref<1x4x4000xf32, #tpu.memory_space<vmem>>
      %parallel_loop3A_1680 = tpu.memref_squeeze %parallel_loop3A_1679 : memref<1x4x4000xf32, #tpu.memory_space<vmem>> -> memref<4x4000xf32, #tpu.memory_space<vmem>>
      %parallel_loop3A_1681 = arith.index_cast %parallel_loop3A_1676 : i32 to index
      %parallel_loop3A_1682 = arith.index_cast %parallel_loop3A_1601 : i32 to index
      %parallel_loop3A_1683 = tpu.vector_load %parallel_loop3A_1680[%parallel_loop3A_1681, %parallel_loop3A_1682] {strides = array<i32>} : memref<4x4000xf32, #tpu.memory_space<vmem>>, vector<16xf32>,
      %parallel_loop3A_1684 = arith.mulf %parallel_loop3A_1648, %parallel_loop3A_1651 : vector<16xf32>
      %parallel_loop3A_1685 = arith.mulf %parallel_loop3A_1684, %parallel_loop3A_1659 : vector<16xf32>
      %parallel_loop3A_1686 = arith.constant 0 : i32
      %parallel_loop3A_1687 = tpu.memref_slice %arg7[%parallel_loop3A_755, %parallel_loop3A_1686] : memref<1x66080xf32, #tpu.memory_space<vmem>> -> memref<1x16392xf32, #tpu.memory_space<vmem>>
      %parallel_loop3A_1688 = tpu.memref_squeeze %parallel_loop3A_1687 : memref<1x16392xf32, #tpu.memory_space<vmem>> -> memref<16392xf32, #tpu.memory_space<vmem>>
      tpu.vector_store_idx %parallel_loop3A_1688[%parallel_loop3A_1639], %parallel_loop3A_1685 {add = true} : memref<16392xf32, #tpu.memory_space<vmem>>[vector<16xi32>], vector<16xf32>,
      %parallel_loop3A_1689 = arith.mulf %parallel_loop3A_1684, %parallel_loop3A_1667 : vector<16xf32>
      %parallel_loop3A_1690 = arith.constant 16520 : i32
      %parallel_loop3A_1691 = tpu.memref_slice %arg7[%parallel_loop3A_756, %parallel_loop3A_1690] : memref<1x66080xf32, #tpu.memory_space<vmem>> -> memref<1x16392xf32, #tpu.memory_space<vmem>>
      %parallel_loop3A_1692 = tpu.memref_squeeze %parallel_loop3A_1691 : memref<1x16392xf32, #tpu.memory_space<vmem>> -> memref<16392xf32, #tpu.memory_space<vmem>>
      tpu.vector_store_idx %parallel_loop3A_1692[%parallel_loop3A_1639], %parallel_loop3A_1689 {add = true} : memref<16392xf32, #tpu.memory_space<vmem>>[vector<16xi32>], vector<16xf32>,
      %parallel_loop3A_1693 = arith.mulf %parallel_loop3A_1684, %parallel_loop3A_1675 : vector<16xf32>
      %parallel_loop3A_1694 = arith.constant 33040 : i32
      %parallel_loop3A_1695 = tpu.memref_slice %arg7[%parallel_loop3A_757, %parallel_loop3A_1694] : memref<1x66080xf32, #tpu.memory_space<vmem>> -> memref<1x16392xf32, #tpu.memory_space<vmem>>
      %parallel_loop3A_1696 = tpu.memref_squeeze %parallel_loop3A_1695 : memref<1x16392xf32, #tpu.memory_space<vmem>> -> memref<16392xf32, #tpu.memory_space<vmem>>
      tpu.vector_store_idx %parallel_loop3A_1696[%parallel_loop3A_1639], %parallel_loop3A_1693 {add = true} : memref<16392xf32, #tpu.memory_space<vmem>>[vector<16xi32>], vector<16xf32>,
      %parallel_loop3A_1697 = arith.mulf %parallel_loop3A_1684, %parallel_loop3A_1683 : vector<16xf32>
      %parallel_loop3A_1698 = arith.constant 49560 : i32
      %parallel_loop3A_1699 = tpu.memref_slice %arg7[%parallel_loop3A_758, %parallel_loop3A_1698] : memref<1x66080xf32, #tpu.memory_space<vmem>> -> memref<1x16392xf32, #tpu.memory_space<vmem>>
      %parallel_loop3A_1700 = tpu.memref_squeeze %parallel_loop3A_1699 : memref<1x16392xf32, #tpu.memory_space<vmem>> -> memref<16392xf32, #tpu.memory_space<vmem>>
      tpu.vector_store_idx %parallel_loop3A_1700[%parallel_loop3A_1639], %parallel_loop3A_1697 {add = true} : memref<16392xf32, #tpu.memory_space<vmem>>[vector<16xi32>], vector<16xf32>,
      %parallel_loop3A_1701 = arith.mulf %parallel_loop3A_1633, %parallel_loop3A_1651 : vector<16xf32>
      %parallel_loop3A_1702 = arith.mulf %parallel_loop3A_1701, %parallel_loop3A_1659 : vector<16xf32>
      %parallel_loop3A_1703 = arith.constant 0 : i32
      %parallel_loop3A_1704 = tpu.memref_slice %arg7[%parallel_loop3A_755, %parallel_loop3A_1703] : memref<1x66080xf32, #tpu.memory_space<vmem>> -> memref<1x16392xf32, #tpu.memory_space<vmem>>
      %parallel_loop3A_1705 = tpu.memref_squeeze %parallel_loop3A_1704 : memref<1x16392xf32, #tpu.memory_space<vmem>> -> memref<16392xf32, #tpu.memory_space<vmem>>
      tpu.vector_store_idx %parallel_loop3A_1705[%parallel_loop3A_1642], %parallel_loop3A_1702 masked %parallel_loop3A_1645 {add = true} : memref<16392xf32, #tpu.memory_space<vmem>>[vector<16xi32>], vector<16xf32>, vector<16xi1>
      %parallel_loop3A_1706 = arith.mulf %parallel_loop3A_1701, %parallel_loop3A_1667 : vector<16xf32>
      %parallel_loop3A_1707 = arith.constant 16520 : i32
      %parallel_loop3A_1708 = tpu.memref_slice %arg7[%parallel_loop3A_756, %parallel_loop3A_1707] : memref<1x66080xf32, #tpu.memory_space<vmem>> -> memref<1x16392xf32, #tpu.memory_space<vmem>>
      %parallel_loop3A_1709 = tpu.memref_squeeze %parallel_loop3A_1708 : memref<1x16392xf32, #tpu.memory_space<vmem>> -> memref<16392xf32, #tpu.memory_space<vmem>>
      tpu.vector_store_idx %parallel_loop3A_1709[%parallel_loop3A_1642], %parallel_loop3A_1706 masked %parallel_loop3A_1645 {add = true} : memref<16392xf32, #tpu.memory_space<vmem>>[vector<16xi32>], vector<16xf32>, vector<16xi1>
      %parallel_loop3A_1710 = arith.mulf %parallel_loop3A_1701, %parallel_loop3A_1675 : vector<16xf32>
      %parallel_loop3A_1711 = arith.constant 33040 : i32
      %parallel_loop3A_1712 = tpu.memref_slice %arg7[%parallel_loop3A_757, %parallel_loop3A_1711] : memref<1x66080xf32, #tpu.memory_space<vmem>> -> memref<1x16392xf32, #tpu.memory_space<vmem>>
      %parallel_loop3A_1713 = tpu.memref_squeeze %parallel_loop3A_1712 : memref<1x16392xf32, #tpu.memory_space<vmem>> -> memref<16392xf32, #tpu.memory_space<vmem>>
      tpu.vector_store_idx %parallel_loop3A_1713[%parallel_loop3A_1642], %parallel_loop3A_1710 masked %parallel_loop3A_1645 {add = true} : memref<16392xf32, #tpu.memory_space<vmem>>[vector<16xi32>], vector<16xf32>, vector<16xi1>
      %parallel_loop3A_1714 = arith.mulf %parallel_loop3A_1701, %parallel_loop3A_1683 : vector<16xf32>
      %parallel_loop3A_1715 = arith.constant 49560 : i32
      %parallel_loop3A_1716 = tpu.memref_slice %arg7[%parallel_loop3A_758, %parallel_loop3A_1715] : memref<1x66080xf32, #tpu.memory_space<vmem>> -> memref<1x16392xf32, #tpu.memory_space<vmem>>
      %parallel_loop3A_1717 = tpu.memref_squeeze %parallel_loop3A_1716 : memref<1x16392xf32, #tpu.memory_space<vmem>> -> memref<16392xf32, #tpu.memory_space<vmem>>
      tpu.vector_store_idx %parallel_loop3A_1717[%parallel_loop3A_1642], %parallel_loop3A_1714 masked %parallel_loop3A_1645 {add = true} : memref<16392xf32, #tpu.memory_space<vmem>>[vector<16xi32>], vector<16xf32>, vector<16xi1>
      %parallel_loop3A_1718 = arith.mulf %parallel_loop3A_1648, %parallel_loop3A_1635 : vector<16xf32>
      %parallel_loop3A_1719 = arith.mulf %parallel_loop3A_1718, %parallel_loop3A_1659 : vector<16xf32>
      %parallel_loop3A_1720 = arith.constant 128 : i32
      %parallel_loop3A_1721 = tpu.memref_slice %arg7[%parallel_loop3A_759, %parallel_loop3A_1720] : memref<1x66080xf32, #tpu.memory_space<vmem>> -> memref<1x16392xf32, #tpu.memory_space<vmem>>
      %parallel_loop3A_1722 = tpu.memref_squeeze %parallel_loop3A_1721 : memref<1x16392xf32, #tpu.memory_space<vmem>> -> memref<16392xf32, #tpu.memory_space<vmem>>
      tpu.vector_store_idx %parallel_loop3A_1722[%parallel_loop3A_1639], %parallel_loop3A_1719 {add = true} : memref<16392xf32, #tpu.memory_space<vmem>>[vector<16xi32>], vector<16xf32>,
      %parallel_loop3A_1723 = arith.mulf %parallel_loop3A_1718, %parallel_loop3A_1667 : vector<16xf32>
      %parallel_loop3A_1724 = arith.constant 16648 : i32
      %parallel_loop3A_1725 = tpu.memref_slice %arg7[%parallel_loop3A_760, %parallel_loop3A_1724] : memref<1x66080xf32, #tpu.memory_space<vmem>> -> memref<1x16392xf32, #tpu.memory_space<vmem>>
      %parallel_loop3A_1726 = tpu.memref_squeeze %parallel_loop3A_1725 : memref<1x16392xf32, #tpu.memory_space<vmem>> -> memref<16392xf32, #tpu.memory_space<vmem>>
      tpu.vector_store_idx %parallel_loop3A_1726[%parallel_loop3A_1639], %parallel_loop3A_1723 {add = true} : memref<16392xf32, #tpu.memory_space<vmem>>[vector<16xi32>], vector<16xf32>,
      %parallel_loop3A_1727 = arith.mulf %parallel_loop3A_1718, %parallel_loop3A_1675 : vector<16xf32>
      %parallel_loop3A_1728 = arith.constant 33168 : i32
      %parallel_loop3A_1729 = tpu.memref_slice %arg7[%parallel_loop3A_761, %parallel_loop3A_1728] : memref<1x66080xf32, #tpu.memory_space<vmem>> -> memref<1x16392xf32, #tpu.memory_space<vmem>>
      %parallel_loop3A_1730 = tpu.memref_squeeze %parallel_loop3A_1729 : memref<1x16392xf32, #tpu.memory_space<vmem>> -> memref<16392xf32, #tpu.memory_space<vmem>>
      tpu.vector_store_idx %parallel_loop3A_1730[%parallel_loop3A_1639], %parallel_loop3A_1727 {add = true} : memref<16392xf32, #tpu.memory_space<vmem>>[vector<16xi32>], vector<16xf32>,
      %parallel_loop3A_1731 = arith.mulf %parallel_loop3A_1718, %parallel_loop3A_1683 : vector<16xf32>
      %parallel_loop3A_1732 = arith.constant 49688 : i32
      %parallel_loop3A_1733 = tpu.memref_slice %arg7[%parallel_loop3A_762, %parallel_loop3A_1732] : memref<1x66080xf32, #tpu.memory_space<vmem>> -> memref<1x16392xf32, #tpu.memory_space<vmem>>
      %parallel_loop3A_1734 = tpu.memref_squeeze %parallel_loop3A_1733 : memref<1x16392xf32, #tpu.memory_space<vmem>> -> memref<16392xf32, #tpu.memory_space<vmem>>
      tpu.vector_store_idx %parallel_loop3A_1734[%parallel_loop3A_1639], %parallel_loop3A_1731 {add = true} : memref<16392xf32, #tpu.memory_space<vmem>>[vector<16xi32>], vector<16xf32>,
      %parallel_loop3A_1735 = arith.mulf %parallel_loop3A_1633, %parallel_loop3A_1635 : vector<16xf32>
      %parallel_loop3A_1736 = arith.mulf %parallel_loop3A_1735, %parallel_loop3A_1659 : vector<16xf32>
      %parallel_loop3A_1737 = arith.constant 128 : i32
      %parallel_loop3A_1738 = tpu.memref_slice %arg7[%parallel_loop3A_759, %parallel_loop3A_1737] : memref<1x66080xf32, #tpu.memory_space<vmem>> -> memref<1x16392xf32, #tpu.memory_space<vmem>>
      %parallel_loop3A_1739 = tpu.memref_squeeze %parallel_loop3A_1738 : memref<1x16392xf32, #tpu.memory_space<vmem>> -> memref<16392xf32, #tpu.memory_space<vmem>>
      tpu.vector_store_idx %parallel_loop3A_1739[%parallel_loop3A_1642], %parallel_loop3A_1736 masked %parallel_loop3A_1645 {add = true} : memref<16392xf32, #tpu.memory_space<vmem>>[vector<16xi32>], vector<16xf32>, vector<16xi1>
      %parallel_loop3A_1740 = arith.mulf %parallel_loop3A_1735, %parallel_loop3A_1667 : vector<16xf32>
      %parallel_loop3A_1741 = arith.constant 16648 : i32
      %parallel_loop3A_1742 = tpu.memref_slice %arg7[%parallel_loop3A_760, %parallel_loop3A_1741] : memref<1x66080xf32, #tpu.memory_space<vmem>> -> memref<1x16392xf32, #tpu.memory_space<vmem>>
      %parallel_loop3A_1743 = tpu.memref_squeeze %parallel_loop3A_1742 : memref<1x16392xf32, #tpu.memory_space<vmem>> -> memref<16392xf32, #tpu.memory_space<vmem>>
      tpu.vector_store_idx %parallel_loop3A_1743[%parallel_loop3A_1642], %parallel_loop3A_1740 masked %parallel_loop3A_1645 {add = true} : memref<16392xf32, #tpu.memory_space<vmem>>[vector<16xi32>], vector<16xf32>, vector<16xi1>
      %parallel_loop3A_1744 = arith.mulf %parallel_loop3A_1735, %parallel_loop3A_1675 : vector<16xf32>
      %parallel_loop3A_1745 = arith.constant 33168 : i32
      %parallel_loop3A_1746 = tpu.memref_slice %arg7[%parallel_loop3A_761, %parallel_loop3A_1745] : memref<1x66080xf32, #tpu.memory_space<vmem>> -> memref<1x16392xf32, #tpu.memory_space<vmem>>
      %parallel_loop3A_1747 = tpu.memref_squeeze %parallel_loop3A_1746 : memref<1x16392xf32, #tpu.memory_space<vmem>> -> memref<16392xf32, #tpu.memory_space<vmem>>
      tpu.vector_store_idx %parallel_loop3A_1747[%parallel_loop3A_1642], %parallel_loop3A_1744 masked %parallel_loop3A_1645 {add = true} : memref<16392xf32, #tpu.memory_space<vmem>>[vector<16xi32>], vector<16xf32>, vector<16xi1>
      %parallel_loop3A_1748 = arith.mulf %parallel_loop3A_1735, %parallel_loop3A_1683 : vector<16xf32>
      %parallel_loop3A_1749 = arith.constant 49688 : i32
      %parallel_loop3A_1750 = tpu.memref_slice %arg7[%parallel_loop3A_762, %parallel_loop3A_1749] : memref<1x66080xf32, #tpu.memory_space<vmem>> -> memref<1x16392xf32, #tpu.memory_space<vmem>>
      %parallel_loop3A_1751 = tpu.memref_squeeze %parallel_loop3A_1750 : memref<1x16392xf32, #tpu.memory_space<vmem>> -> memref<16392xf32, #tpu.memory_space<vmem>>
      tpu.vector_store_idx %parallel_loop3A_1751[%parallel_loop3A_1642], %parallel_loop3A_1748 masked %parallel_loop3A_1645 {add = true} : memref<16392xf32, #tpu.memory_space<vmem>>[vector<16xi32>], vector<16xf32>, vector<16xi1>
    } {sc.loop_unroll_factor = 2 : i64, sc.parallel_access}
    %add3A_763 = arith.constant 0 : i32
    %add3A_764 = arith.addi %add3A_121, %add3A_763 : i32
    %mul3A_765 = arith.constant 16384 : i32
    %mul3A_766 = arith.muli %add3A_764, %mul3A_765 : i32
    %add3A_767 = arith.constant 1 : i32
    %add3A_768 = arith.addi %add3A_121, %add3A_767 : i32
    %mul3A_769 = arith.constant 16384 : i32
    %mul3A_770 = arith.muli %add3A_768, %mul3A_769 : i32
    %add3A_771 = arith.constant 2 : i32
    %add3A_772 = arith.addi %add3A_121, %add3A_771 : i32
    %mul3A_773 = arith.constant 16384 : i32
    %mul3A_774 = arith.muli %add3A_772, %mul3A_773 : i32
    %add3A_775 = arith.constant 3 : i32
    %add3A_776 = arith.addi %add3A_121, %add3A_775 : i32
    %mul3A_777 = arith.constant 16384 : i32
    %mul3A_778 = arith.muli %add3A_776, %mul3A_777 : i32
    %dma_start3A_779 = arith.constant 0 : i32
    %dma_start3A_780 = arith.constant 2 : i32
    %dma_start3A_781 = arith.constant 0 : i32
    %dma_start3A_782 = tpu.memref_slice %arg7[%dma_start3A_779, %dma_start3A_781] : memref<1x66080xf32, #tpu.memory_space<vmem>> -> memref<1x16384xf32, #tpu.memory_space<vmem>>
    %dma_start3A_783 = tpu.memref_squeeze %dma_start3A_782 : memref<1x16384xf32, #tpu.memory_space<vmem>> -> memref<16384xf32, #tpu.memory_space<vmem>>
    %dma_start3A_784 = tpu.memref_slice %arg4[%mul3A_766] : memref<4194304xf32, #tpu.memory_space<hbm>> -> memref<16384xf32, #tpu.memory_space<hbm>>
    %dma_start3A_785 = tpu.memref_slice %arg8[%dma_start3A_780] : memref<3x!tpu.dma_semaphore, #tpu.memory_space<semaphore_mem>> -> memref<1x!tpu.dma_semaphore, #tpu.memory_space<semaphore_mem>>
    %dma_start3A_786 = tpu.memref_squeeze %dma_start3A_785 : memref<1x!tpu.dma_semaphore, #tpu.memory_space<semaphore_mem>> -> memref<!tpu.dma_semaphore, #tpu.memory_space<semaphore_mem>>
    %dma_start3A_787 = tpu.memref_slice %arg4[%mul3A_766] : memref<4194304xf32, #tpu.memory_space<hbm>> -> memref<16384xf32, #tpu.memory_space<hbm>>
    %dma_start3A_788 = arith.constant 0 : i32
    %dma_start3A_789 = tpu.memref_slice %arg7[%dma_start3A_779, %dma_start3A_788] : memref<1x66080xf32, #tpu.memory_space<vmem>> -> memref<1x16384xf32, #tpu.memory_space<vmem>>
    %dma_start3A_790 = tpu.memref_squeeze %dma_start3A_789 : memref<1x16384xf32, #tpu.memory_space<vmem>> -> memref<16384xf32, #tpu.memory_space<vmem>>
    tpu.enqueue_dma source(%dma_start3A_790 : memref<16384xf32, #tpu.memory_space<vmem>>) target(%dma_start3A_787 : memref<16384xf32, #tpu.memory_space<hbm>>) target_semaphore(%dma_start3A_786 : memref<!tpu.dma_semaphore, #tpu.memory_space<semaphore_mem>>)
    %dma_start3A_791 = arith.constant 0 : i32
    %dma_start3A_792 = arith.constant 2 : i32
    %dma_start3A_793 = arith.constant 16520 : i32
    %dma_start3A_794 = tpu.memref_slice %arg7[%dma_start3A_791, %dma_start3A_793] : memref<1x66080xf32, #tpu.memory_space<vmem>> -> memref<1x16384xf32, #tpu.memory_space<vmem>>
    %dma_start3A_795 = tpu.memref_squeeze %dma_start3A_794 : memref<1x16384xf32, #tpu.memory_space<vmem>> -> memref<16384xf32, #tpu.memory_space<vmem>>
    %dma_start3A_796 = tpu.memref_slice %arg4[%mul3A_770] : memref<4194304xf32, #tpu.memory_space<hbm>> -> memref<16384xf32, #tpu.memory_space<hbm>>
    %dma_start3A_797 = tpu.memref_slice %arg8[%dma_start3A_792] : memref<3x!tpu.dma_semaphore, #tpu.memory_space<semaphore_mem>> -> memref<1x!tpu.dma_semaphore, #tpu.memory_space<semaphore_mem>>
    %dma_start3A_798 = tpu.memref_squeeze %dma_start3A_797 : memref<1x!tpu.dma_semaphore, #tpu.memory_space<semaphore_mem>> -> memref<!tpu.dma_semaphore, #tpu.memory_space<semaphore_mem>>
    %dma_start3A_799 = tpu.memref_slice %arg4[%mul3A_770] : memref<4194304xf32, #tpu.memory_space<hbm>> -> memref<16384xf32, #tpu.memory_space<hbm>>
    %dma_start3A_800 = arith.constant 16520 : i32
    %dma_start3A_801 = tpu.memref_slice %arg7[%dma_start3A_791, %dma_start3A_800] : memref<1x66080xf32, #tpu.memory_space<vmem>> -> memref<1x16384xf32, #tpu.memory_space<vmem>>
    %dma_start3A_802 = tpu.memref_squeeze %dma_start3A_801 : memref<1x16384xf32, #tpu.memory_space<vmem>> -> memref<16384xf32, #tpu.memory_space<vmem>>
    tpu.enqueue_dma source(%dma_start3A_802 : memref<16384xf32, #tpu.memory_space<vmem>>) target(%dma_start3A_799 : memref<16384xf32, #tpu.memory_space<hbm>>) target_semaphore(%dma_start3A_798 : memref<!tpu.dma_semaphore, #tpu.memory_space<semaphore_mem>>)
    %dma_start3A_803 = arith.constant 0 : i32
    %dma_start3A_804 = arith.constant 2 : i32
    %dma_start3A_805 = arith.constant 33040 : i32
    %dma_start3A_806 = tpu.memref_slice %arg7[%dma_start3A_803, %dma_start3A_805] : memref<1x66080xf32, #tpu.memory_space<vmem>> -> memref<1x16384xf32, #tpu.memory_space<vmem>>
    %dma_start3A_807 = tpu.memref_squeeze %dma_start3A_806 : memref<1x16384xf32, #tpu.memory_space<vmem>> -> memref<16384xf32, #tpu.memory_space<vmem>>
    %dma_start3A_808 = tpu.memref_slice %arg4[%mul3A_774] : memref<4194304xf32, #tpu.memory_space<hbm>> -> memref<16384xf32, #tpu.memory_space<hbm>>
    %dma_start3A_809 = tpu.memref_slice %arg8[%dma_start3A_804] : memref<3x!tpu.dma_semaphore, #tpu.memory_space<semaphore_mem>> -> memref<1x!tpu.dma_semaphore, #tpu.memory_space<semaphore_mem>>
    %dma_start3A_810 = tpu.memref_squeeze %dma_start3A_809 : memref<1x!tpu.dma_semaphore, #tpu.memory_space<semaphore_mem>> -> memref<!tpu.dma_semaphore, #tpu.memory_space<semaphore_mem>>
    %dma_start3A_811 = tpu.memref_slice %arg4[%mul3A_774] : memref<4194304xf32, #tpu.memory_space<hbm>> -> memref<16384xf32, #tpu.memory_space<hbm>>
    %dma_start3A_812 = arith.constant 33040 : i32
    %dma_start3A_813 = tpu.memref_slice %arg7[%dma_start3A_803, %dma_start3A_812] : memref<1x66080xf32, #tpu.memory_space<vmem>> -> memref<1x16384xf32, #tpu.memory_space<vmem>>
    %dma_start3A_814 = tpu.memref_squeeze %dma_start3A_813 : memref<1x16384xf32, #tpu.memory_space<vmem>> -> memref<16384xf32, #tpu.memory_space<vmem>>
    tpu.enqueue_dma source(%dma_start3A_814 : memref<16384xf32, #tpu.memory_space<vmem>>) target(%dma_start3A_811 : memref<16384xf32, #tpu.memory_space<hbm>>) target_semaphore(%dma_start3A_810 : memref<!tpu.dma_semaphore, #tpu.memory_space<semaphore_mem>>)
    %dma_start3A_815 = arith.constant 0 : i32
    %dma_start3A_816 = arith.constant 2 : i32
    %dma_start3A_817 = arith.constant 49560 : i32
    %dma_start3A_818 = tpu.memref_slice %arg7[%dma_start3A_815, %dma_start3A_817] : memref<1x66080xf32, #tpu.memory_space<vmem>> -> memref<1x16384xf32, #tpu.memory_space<vmem>>
    %dma_start3A_819 = tpu.memref_squeeze %dma_start3A_818 : memref<1x16384xf32, #tpu.memory_space<vmem>> -> memref<16384xf32, #tpu.memory_space<vmem>>
    %dma_start3A_820 = tpu.memref_slice %arg4[%mul3A_778] : memref<4194304xf32, #tpu.memory_space<hbm>> -> memref<16384xf32, #tpu.memory_space<hbm>>
    %dma_start3A_821 = tpu.memref_slice %arg8[%dma_start3A_816] : memref<3x!tpu.dma_semaphore, #tpu.memory_space<semaphore_mem>> -> memref<1x!tpu.dma_semaphore, #tpu.memory_space<semaphore_mem>>
    %dma_start3A_822 = tpu.memref_squeeze %dma_start3A_821 : memref<1x!tpu.dma_semaphore, #tpu.memory_space<semaphore_mem>> -> memref<!tpu.dma_semaphore, #tpu.memory_space<semaphore_mem>>
    %dma_start3A_823 = tpu.memref_slice %arg4[%mul3A_778] : memref<4194304xf32, #tpu.memory_space<hbm>> -> memref<16384xf32, #tpu.memory_space<hbm>>
    %dma_start3A_824 = arith.constant 49560 : i32
    %dma_start3A_825 = tpu.memref_slice %arg7[%dma_start3A_815, %dma_start3A_824] : memref<1x66080xf32, #tpu.memory_space<vmem>> -> memref<1x16384xf32, #tpu.memory_space<vmem>>
    %dma_start3A_826 = tpu.memref_squeeze %dma_start3A_825 : memref<1x16384xf32, #tpu.memory_space<vmem>> -> memref<16384xf32, #tpu.memory_space<vmem>>
    tpu.enqueue_dma source(%dma_start3A_826 : memref<16384xf32, #tpu.memory_space<vmem>>) target(%dma_start3A_823 : memref<16384xf32, #tpu.memory_space<hbm>>) target_semaphore(%dma_start3A_822 : memref<!tpu.dma_semaphore, #tpu.memory_space<semaphore_mem>>)
    %mul3A_827 = arith.constant 2 : i32
    %mul3A_828 = arith.muli %add3A, %mul3A_827 : i32
    %add3A_829 = arith.constant 1 : i32
    %add3A_830 = arith.addi %mul3A_828, %add3A_829 : i32
    %jit3A_831 = arith.constant 8 : i32
    %div3A_832 = arith.divsi %add3A_830, %jit3A_831 : i32
    %sign3A_833 = arith.constant 0 : i32
    %sign3A_834 = arith.cmpi sgt, %add3A_830, %sign3A_833 : i32
    %sign3A_835 = arith.extui %sign3A_834 : i1 to i32
    %sign3A_836 = arith.constant 0 : i32
    %sign3A_837 = arith.cmpi slt, %add3A_830, %sign3A_836 : i32
    %sign3A_838 = arith.extui %sign3A_837 : i1 to i32
    %sign3A_839 = arith.subi %sign3A_835, %sign3A_838 : i32
    %sign3A_840 = arith.constant 0 : i32
    %sign3A_841 = arith.cmpi sgt, %jit3A_831, %sign3A_840 : i32
    %sign3A_842 = arith.extui %sign3A_841 : i1 to i32
    %sign3A_843 = arith.constant 0 : i32
    %sign3A_844 = arith.cmpi slt, %jit3A_831, %sign3A_843 : i32
    %sign3A_845 = arith.extui %sign3A_844 : i1 to i32
    %sign3A_846 = arith.subi %sign3A_842, %sign3A_845 : i32
    %ne3A_847 = arith.cmpi ne, %sign3A_839, %sign3A_846 : i32
    %rem3A_848 = arith.remsi %add3A_830, %jit3A_831 : i32
    %ne3A_849 = arith.constant 0 : i32
    %ne3A_850 = arith.cmpi ne, %rem3A_848, %ne3A_849 : i32
    %and3A_851 = arith.andi %ne3A_847, %ne3A_850 : i1
    %sub3A_852 = arith.constant 1 : i32
    %sub3A_853 = arith.subi %div3A_832, %sub3A_852 : i32
    %select_n3A_854 = arith.select %and3A_851, %sub3A_853, %div3A_832 : i32
    %jit3A_855 = arith.constant 8 : i32
    %eq3A_856 = arith.constant 0 : i32
    %eq3A_857 = arith.cmpi eq, %jit3A_855, %eq3A_856 : i32
    %jit3A_858 = arith.constant 1 : i32
    %select_n3A_859 = arith.select %eq3A_857, %jit3A_858, %jit3A_855 : i32
    %rem3A_860 = arith.remsi %add3A_830, %select_n3A_859 : i32
    %ne3A_861 = arith.constant 0 : i32
    %ne3A_862 = arith.cmpi ne, %rem3A_860, %ne3A_861 : i32
    %lt3A_863 = arith.constant 0 : i32
    %lt3A_864 = arith.cmpi slt, %rem3A_860, %lt3A_863 : i32
    %lt3A_865 = arith.constant 0 : i32
    %lt3A_866 = arith.cmpi slt, %select_n3A_859, %lt3A_865 : i32
    %ne3A_867 = arith.xori %lt3A_864, %lt3A_866 : i1
    %and3A_868 = arith.andi %ne3A_867, %ne3A_862 : i1
    %add3A_869 = arith.addi %rem3A_860, %select_n3A_859 : i32
    %select_n3A_870 = arith.select %and3A_868, %add3A_869, %rem3A_860 : i32
    %mul3A_871 = arith.constant 32 : i32
    %mul3A_872 = arith.muli %select_n3A_854, %mul3A_871 : i32
    %mul3A_873 = arith.constant 4 : i32
    %mul3A_874 = arith.muli %select_n3A_870, %mul3A_873 : i32
    %add3A_875 = arith.addi %mul3A_872, %mul3A_874 : i32
    %dma_wait3A_876 = arith.constant 0 : i32
    %dma_wait3A_877 = arith.constant 2 : i32
    %dma_wait3A_878 = arith.constant 0 : i32
    %dma_wait3A_879 = tpu.memref_slice %arg7[%dma_wait3A_876, %dma_wait3A_878] : memref<1x66080xf32, #tpu.memory_space<vmem>> -> memref<1x16384xf32, #tpu.memory_space<vmem>>
    %dma_wait3A_880 = tpu.memref_squeeze %dma_wait3A_879 : memref<1x16384xf32, #tpu.memory_space<vmem>> -> memref<16384xf32, #tpu.memory_space<vmem>>
    %dma_wait3A_881 = tpu.memref_slice %arg4[%mul3A_766] : memref<4194304xf32, #tpu.memory_space<hbm>> -> memref<16384xf32, #tpu.memory_space<hbm>>
    %dma_wait3A_882 = tpu.memref_slice %arg8[%dma_wait3A_877] : memref<3x!tpu.dma_semaphore, #tpu.memory_space<semaphore_mem>> -> memref<1x!tpu.dma_semaphore, #tpu.memory_space<semaphore_mem>>
    %dma_wait3A_883 = tpu.memref_squeeze %dma_wait3A_882 : memref<1x!tpu.dma_semaphore, #tpu.memory_space<semaphore_mem>> -> memref<!tpu.dma_semaphore, #tpu.memory_space<semaphore_mem>>
    %dma_wait3A_884 = tpu.memref_slice %arg4[%mul3A_766] : memref<4194304xf32, #tpu.memory_space<hbm>> -> memref<16384xf32, #tpu.memory_space<hbm>>
    %dma_wait3A_885 = arith.constant 0 : i32
    %dma_wait3A_886 = tpu.memref_slice %arg7[%dma_wait3A_876, %dma_wait3A_885] : memref<1x66080xf32, #tpu.memory_space<vmem>> -> memref<1x16384xf32, #tpu.memory_space<vmem>>
    %dma_wait3A_887 = tpu.memref_squeeze %dma_wait3A_886 : memref<1x16384xf32, #tpu.memory_space<vmem>> -> memref<16384xf32, #tpu.memory_space<vmem>>
    tpu.wait_dma2 semaphore(%dma_wait3A_883 : memref<!tpu.dma_semaphore, #tpu.memory_space<semaphore_mem>>) src(%dma_wait3A_887 : memref<16384xf32, #tpu.memory_space<vmem>>) dst(%dma_wait3A_884 : memref<16384xf32, #tpu.memory_space<hbm>>)
    %dma_wait3A_888 = arith.constant 0 : i32
    %dma_wait3A_889 = arith.constant 2 : i32
    %dma_wait3A_890 = arith.constant 16520 : i32
    %dma_wait3A_891 = tpu.memref_slice %arg7[%dma_wait3A_888, %dma_wait3A_890] : memref<1x66080xf32, #tpu.memory_space<vmem>> -> memref<1x16384xf32, #tpu.memory_space<vmem>>
    %dma_wait3A_892 = tpu.memref_squeeze %dma_wait3A_891 : memref<1x16384xf32, #tpu.memory_space<vmem>> -> memref<16384xf32, #tpu.memory_space<vmem>>
    %dma_wait3A_893 = tpu.memref_slice %arg4[%mul3A_770] : memref<4194304xf32, #tpu.memory_space<hbm>> -> memref<16384xf32, #tpu.memory_space<hbm>>
    %dma_wait3A_894 = tpu.memref_slice %arg8[%dma_wait3A_889] : memref<3x!tpu.dma_semaphore, #tpu.memory_space<semaphore_mem>> -> memref<1x!tpu.dma_semaphore, #tpu.memory_space<semaphore_mem>>
    %dma_wait3A_895 = tpu.memref_squeeze %dma_wait3A_894 : memref<1x!tpu.dma_semaphore, #tpu.memory_space<semaphore_mem>> -> memref<!tpu.dma_semaphore, #tpu.memory_space<semaphore_mem>>
    %dma_wait3A_896 = tpu.memref_slice %arg4[%mul3A_770] : memref<4194304xf32, #tpu.memory_space<hbm>> -> memref<16384xf32, #tpu.memory_space<hbm>>
    %dma_wait3A_897 = arith.constant 16520 : i32
    %dma_wait3A_898 = tpu.memref_slice %arg7[%dma_wait3A_888, %dma_wait3A_897] : memref<1x66080xf32, #tpu.memory_space<vmem>> -> memref<1x16384xf32, #tpu.memory_space<vmem>>
    %dma_wait3A_899 = tpu.memref_squeeze %dma_wait3A_898 : memref<1x16384xf32, #tpu.memory_space<vmem>> -> memref<16384xf32, #tpu.memory_space<vmem>>
    tpu.wait_dma2 semaphore(%dma_wait3A_895 : memref<!tpu.dma_semaphore, #tpu.memory_space<semaphore_mem>>) src(%dma_wait3A_899 : memref<16384xf32, #tpu.memory_space<vmem>>) dst(%dma_wait3A_896 : memref<16384xf32, #tpu.memory_space<hbm>>)
    %parallel_loop3A_900 = arith.constant 0 : i32
    %parallel_loop3A_901 = arith.constant 2065 : i32
    %parallel_loop3A_902 = arith.constant 1 : i32
    scf.for %parallel_loop3A_1599 = %parallel_loop3A_900 to %parallel_loop3A_901 step %parallel_loop3A_902  : i32 {
      %parallel_loop3A_1600 = arith.constant 0.000000e+00 : f32
      %parallel_loop3A_1601 = vector.broadcast %parallel_loop3A_1600 : f32 to vector<16xf32>
      %parallel_loop3A_1602 = arith.constant 0 : i32
      %parallel_loop3A_1603 = arith.addi %parallel_loop3A_1602, %parallel_loop3A_1599 : i32
      %parallel_loop3A_1604 = arith.constant 16 : i32
      %parallel_loop3A_1605 = arith.muli %parallel_loop3A_1603, %parallel_loop3A_1604 : i32
      %parallel_loop3A_1606 = arith.constant 0 : i32
      %parallel_loop3A_1607 = arith.index_cast %parallel_loop3A_1606 : i32 to index
      %parallel_loop3A_1608 = arith.index_cast %parallel_loop3A_1605 : i32 to index
      %parallel_loop3A_1609 = tpu.vector_load %arg7[%parallel_loop3A_1607, %parallel_loop3A_1608] {strides = array<i32>} : memref<1x66080xf32, #tpu.memory_space<vmem>>, vector<16xf32>,
      tpu.vector_store %arg7[%parallel_loop3A_1607, %parallel_loop3A_1608], %parallel_loop3A_1601 {strides = array<i32>} : memref<1x66080xf32, #tpu.memory_space<vmem>>, vector<16xf32>,
    } {sc.loop_unroll_factor = 5 : i64, sc.parallel_access}
    %dma_wait3A_903 = arith.constant 0 : i32
    %dma_wait3A_904 = arith.constant 2 : i32
    %dma_wait3A_905 = arith.constant 33040 : i32
    %dma_wait3A_906 = tpu.memref_slice %arg7[%dma_wait3A_903, %dma_wait3A_905] : memref<1x66080xf32, #tpu.memory_space<vmem>> -> memref<1x16384xf32, #tpu.memory_space<vmem>>
    %dma_wait3A_907 = tpu.memref_squeeze %dma_wait3A_906 : memref<1x16384xf32, #tpu.memory_space<vmem>> -> memref<16384xf32, #tpu.memory_space<vmem>>
    %dma_wait3A_908 = tpu.memref_slice %arg4[%mul3A_774] : memref<4194304xf32, #tpu.memory_space<hbm>> -> memref<16384xf32, #tpu.memory_space<hbm>>
    %dma_wait3A_909 = tpu.memref_slice %arg8[%dma_wait3A_904] : memref<3x!tpu.dma_semaphore, #tpu.memory_space<semaphore_mem>> -> memref<1x!tpu.dma_semaphore, #tpu.memory_space<semaphore_mem>>
    %dma_wait3A_910 = tpu.memref_squeeze %dma_wait3A_909 : memref<1x!tpu.dma_semaphore, #tpu.memory_space<semaphore_mem>> -> memref<!tpu.dma_semaphore, #tpu.memory_space<semaphore_mem>>
    %dma_wait3A_911 = tpu.memref_slice %arg4[%mul3A_774] : memref<4194304xf32, #tpu.memory_space<hbm>> -> memref<16384xf32, #tpu.memory_space<hbm>>
    %dma_wait3A_912 = arith.constant 33040 : i32
    %dma_wait3A_913 = tpu.memref_slice %arg7[%dma_wait3A_903, %dma_wait3A_912] : memref<1x66080xf32, #tpu.memory_space<vmem>> -> memref<1x16384xf32, #tpu.memory_space<vmem>>
    %dma_wait3A_914 = tpu.memref_squeeze %dma_wait3A_913 : memref<1x16384xf32, #tpu.memory_space<vmem>> -> memref<16384xf32, #tpu.memory_space<vmem>>
    tpu.wait_dma2 semaphore(%dma_wait3A_910 : memref<!tpu.dma_semaphore, #tpu.memory_space<semaphore_mem>>) src(%dma_wait3A_914 : memref<16384xf32, #tpu.memory_space<vmem>>) dst(%dma_wait3A_911 : memref<16384xf32, #tpu.memory_space<hbm>>)
    %dma_wait3A_915 = arith.constant 0 : i32
    %dma_wait3A_916 = arith.constant 2 : i32
    %dma_wait3A_917 = arith.constant 49560 : i32
    %dma_wait3A_918 = tpu.memref_slice %arg7[%dma_wait3A_915, %dma_wait3A_917] : memref<1x66080xf32, #tpu.memory_space<vmem>> -> memref<1x16384xf32, #tpu.memory_space<vmem>>
    %dma_wait3A_919 = tpu.memref_squeeze %dma_wait3A_918 : memref<1x16384xf32, #tpu.memory_space<vmem>> -> memref<16384xf32, #tpu.memory_space<vmem>>
    %dma_wait3A_920 = tpu.memref_slice %arg4[%mul3A_778] : memref<4194304xf32, #tpu.memory_space<hbm>> -> memref<16384xf32, #tpu.memory_space<hbm>>
    %dma_wait3A_921 = tpu.memref_slice %arg8[%dma_wait3A_916] : memref<3x!tpu.dma_semaphore, #tpu.memory_space<semaphore_mem>> -> memref<1x!tpu.dma_semaphore, #tpu.memory_space<semaphore_mem>>
    %dma_wait3A_922 = tpu.memref_squeeze %dma_wait3A_921 : memref<1x!tpu.dma_semaphore, #tpu.memory_space<semaphore_mem>> -> memref<!tpu.dma_semaphore, #tpu.memory_space<semaphore_mem>>
    %dma_wait3A_923 = tpu.memref_slice %arg4[%mul3A_778] : memref<4194304xf32, #tpu.memory_space<hbm>> -> memref<16384xf32, #tpu.memory_space<hbm>>
    %dma_wait3A_924 = arith.constant 49560 : i32
    %dma_wait3A_925 = tpu.memref_slice %arg7[%dma_wait3A_915, %dma_wait3A_924] : memref<1x66080xf32, #tpu.memory_space<vmem>> -> memref<1x16384xf32, #tpu.memory_space<vmem>>
    %dma_wait3A_926 = tpu.memref_squeeze %dma_wait3A_925 : memref<1x16384xf32, #tpu.memory_space<vmem>> -> memref<16384xf32, #tpu.memory_space<vmem>>
    tpu.wait_dma2 semaphore(%dma_wait3A_922 : memref<!tpu.dma_semaphore, #tpu.memory_space<semaphore_mem>>) src(%dma_wait3A_926 : memref<16384xf32, #tpu.memory_space<vmem>>) dst(%dma_wait3A_923 : memref<16384xf32, #tpu.memory_space<hbm>>)
    %parallel_loop3A_927 = arith.constant 0 : i32
    %parallel_loop3A_928 = arith.constant 2065 : i32
    %parallel_loop3A_929 = arith.constant 1 : i32
    scf.for %parallel_loop3A_1599 = %parallel_loop3A_927 to %parallel_loop3A_928 step %parallel_loop3A_929  : i32 {
      %parallel_loop3A_1600 = arith.constant 0.000000e+00 : f32
      %parallel_loop3A_1601 = vector.broadcast %parallel_loop3A_1600 : f32 to vector<16xf32>
      %parallel_loop3A_1602 = arith.constant 2065 : i32
      %parallel_loop3A_1603 = arith.addi %parallel_loop3A_1602, %parallel_loop3A_1599 : i32
      %parallel_loop3A_1604 = arith.constant 16 : i32
      %parallel_loop3A_1605 = arith.muli %parallel_loop3A_1603, %parallel_loop3A_1604 : i32
      %parallel_loop3A_1606 = arith.constant 0 : i32
      %parallel_loop3A_1607 = arith.index_cast %parallel_loop3A_1606 : i32 to index
      %parallel_loop3A_1608 = arith.index_cast %parallel_loop3A_1605 : i32 to index
      %parallel_loop3A_1609 = tpu.vector_load %arg7[%parallel_loop3A_1607, %parallel_loop3A_1608] {strides = array<i32>} : memref<1x66080xf32, #tpu.memory_space<vmem>>, vector<16xf32>,
      tpu.vector_store %arg7[%parallel_loop3A_1607, %parallel_loop3A_1608], %parallel_loop3A_1601 {strides = array<i32>} : memref<1x66080xf32, #tpu.memory_space<vmem>>, vector<16xf32>,
    } {sc.loop_unroll_factor = 5 : i64, sc.parallel_access}
    %mul3A_930 = arith.constant 2 : i32
    %mul3A_931 = arith.muli %add3A, %mul3A_930 : i32
    %add3A_932 = arith.constant 1 : i32
    %add3A_933 = arith.addi %mul3A_931, %add3A_932 : i32
    %jit3A_934 = arith.constant 8 : i32
    %div3A_935 = arith.divsi %add3A_933, %jit3A_934 : i32
    %sign3A_936 = arith.constant 0 : i32
    %sign3A_937 = arith.cmpi sgt, %add3A_933, %sign3A_936 : i32
    %sign3A_938 = arith.extui %sign3A_937 : i1 to i32
    %sign3A_939 = arith.constant 0 : i32
    %sign3A_940 = arith.cmpi slt, %add3A_933, %sign3A_939 : i32
    %sign3A_941 = arith.extui %sign3A_940 : i1 to i32
    %sign3A_942 = arith.subi %sign3A_938, %sign3A_941 : i32
    %sign3A_943 = arith.constant 0 : i32
    %sign3A_944 = arith.cmpi sgt, %jit3A_934, %sign3A_943 : i32
    %sign3A_945 = arith.extui %sign3A_944 : i1 to i32
    %sign3A_946 = arith.constant 0 : i32
    %sign3A_947 = arith.cmpi slt, %jit3A_934, %sign3A_946 : i32
    %sign3A_948 = arith.extui %sign3A_947 : i1 to i32
    %sign3A_949 = arith.subi %sign3A_945, %sign3A_948 : i32
    %ne3A_950 = arith.cmpi ne, %sign3A_942, %sign3A_949 : i32
    %rem3A_951 = arith.remsi %add3A_933, %jit3A_934 : i32
    %ne3A_952 = arith.constant 0 : i32
    %ne3A_953 = arith.cmpi ne, %rem3A_951, %ne3A_952 : i32
    %and3A_954 = arith.andi %ne3A_950, %ne3A_953 : i1
    %sub3A_955 = arith.constant 1 : i32
    %sub3A_956 = arith.subi %div3A_935, %sub3A_955 : i32
    %select_n3A_957 = arith.select %and3A_954, %sub3A_956, %div3A_935 : i32
    %jit3A_958 = arith.constant 8 : i32
    %eq3A_959 = arith.constant 0 : i32
    %eq3A_960 = arith.cmpi eq, %jit3A_958, %eq3A_959 : i32
    %jit3A_961 = arith.constant 1 : i32
    %select_n3A_962 = arith.select %eq3A_960, %jit3A_961, %jit3A_958 : i32
    %rem3A_963 = arith.remsi %add3A_933, %select_n3A_962 : i32
    %ne3A_964 = arith.constant 0 : i32
    %ne3A_965 = arith.cmpi ne, %rem3A_963, %ne3A_964 : i32
    %lt3A_966 = arith.constant 0 : i32
    %lt3A_967 = arith.cmpi slt, %rem3A_963, %lt3A_966 : i32
    %lt3A_968 = arith.constant 0 : i32
    %lt3A_969 = arith.cmpi slt, %select_n3A_962, %lt3A_968 : i32
    %ne3A_970 = arith.xori %lt3A_967, %lt3A_969 : i1
    %and3A_971 = arith.andi %ne3A_970, %ne3A_965 : i1
    %add3A_972 = arith.addi %rem3A_963, %select_n3A_962 : i32
    %select_n3A_973 = arith.select %and3A_971, %add3A_972, %rem3A_963 : i32
    %mul3A_974 = arith.constant 32 : i32
    %mul3A_975 = arith.muli %select_n3A_957, %mul3A_974 : i32
    %mul3A_976 = arith.constant 4 : i32
    %mul3A_977 = arith.muli %select_n3A_973, %mul3A_976 : i32
    %add3A_978 = arith.addi %mul3A_975, %mul3A_977 : i32
    %mul3A_979 = arith.constant 2 : i32
    %mul3A_980 = arith.muli %select_n3A_957, %mul3A_979 : i32
    %dma_start3A_981 = arith.constant 0 : i32
    %dma_start3A_982 = arith.constant 0 : i32
    %dma_start3A_983 = arith.constant 0 : i32
    %dma_start3A_984 = arith.constant 0 : i32
    %dma_start3A_985 = tpu.memref_slice %arg5[%dma_start3A_981, %dma_start3A_983, %dma_start3A_984] : memref<2x2x4000xf32, #tpu.memory_space<vmem>> -> memref<1x2x4000xf32, #tpu.memory_space<vmem>>
    %dma_start3A_986 = tpu.memref_squeeze %dma_start3A_985 : memref<1x2x4000xf32, #tpu.memory_space<vmem>> -> memref<2x4000xf32, #tpu.memory_space<vmem>>
    %dma_start3A_987 = arith.constant 4000 : i32
    %dma_start3A_988 = tpu.memref_slice %arg2[%mul3A_980, %dma_start3A_987] : memref<16x20000xf32, #tpu.memory_space<hbm>> -> memref<2x4000xf32, #tpu.memory_space<hbm>>
    %dma_start3A_989 = tpu.memref_slice %arg8[%dma_start3A_982] : memref<3x!tpu.dma_semaphore, #tpu.memory_space<semaphore_mem>> -> memref<1x!tpu.dma_semaphore, #tpu.memory_space<semaphore_mem>>
    %dma_start3A_990 = tpu.memref_squeeze %dma_start3A_989 : memref<1x!tpu.dma_semaphore, #tpu.memory_space<semaphore_mem>> -> memref<!tpu.dma_semaphore, #tpu.memory_space<semaphore_mem>>
    %dma_start3A_991 = arith.constant 0 : i32
    %dma_start3A_992 = arith.constant 0 : i32
    %dma_start3A_993 = tpu.memref_slice %arg5[%dma_start3A_981, %dma_start3A_991, %dma_start3A_992] : memref<2x2x4000xf32, #tpu.memory_space<vmem>> -> memref<1x2x4000xf32, #tpu.memory_space<vmem>>
    %dma_start3A_994 = tpu.memref_squeeze %dma_start3A_993 : memref<1x2x4000xf32, #tpu.memory_space<vmem>> -> memref<2x4000xf32, #tpu.memory_space<vmem>>
    %dma_start3A_995 = arith.constant 4000 : i32
    %dma_start3A_996 = tpu.memref_slice %arg2[%mul3A_980, %dma_start3A_995] : memref<16x20000xf32, #tpu.memory_space<hbm>> -> memref<2x4000xf32, #tpu.memory_space<hbm>>
    tpu.enqueue_dma source(%dma_start3A_996 : memref<2x4000xf32, #tpu.memory_space<hbm>>) target(%dma_start3A_994 : memref<2x4000xf32, #tpu.memory_space<vmem>>) target_semaphore(%dma_start3A_990 : memref<!tpu.dma_semaphore, #tpu.memory_space<semaphore_mem>>)
    %dma_start3A_997 = arith.constant 0 : i32
    %dma_start3A_998 = arith.constant 0 : i32
    %dma_start3A_999 = arith.constant 0 : i32
    %dma_start3A_1000 = arith.constant 0 : i32
    %dma_start3A_1001 = tpu.memref_slice %arg6[%dma_start3A_997, %dma_start3A_999, %dma_start3A_1000] : memref<2x4x4000xf32, #tpu.memory_space<vmem>> -> memref<1x4x4000xf32, #tpu.memory_space<vmem>>
    %dma_start3A_1002 = tpu.memref_squeeze %dma_start3A_1001 : memref<1x4x4000xf32, #tpu.memory_space<vmem>> -> memref<4x4000xf32, #tpu.memory_space<vmem>>
    %dma_start3A_1003 = arith.constant 4000 : i32
    %dma_start3A_1004 = tpu.memref_slice %arg3[%add3A_978, %dma_start3A_1003] : memref<256x20000xf32, #tpu.memory_space<hbm>> -> memref<4x4000xf32, #tpu.memory_space<hbm>>
    %dma_start3A_1005 = tpu.memref_slice %arg8[%dma_start3A_998] : memref<3x!tpu.dma_semaphore, #tpu.memory_space<semaphore_mem>> -> memref<1x!tpu.dma_semaphore, #tpu.memory_space<semaphore_mem>>
    %dma_start3A_1006 = tpu.memref_squeeze %dma_start3A_1005 : memref<1x!tpu.dma_semaphore, #tpu.memory_space<semaphore_mem>> -> memref<!tpu.dma_semaphore, #tpu.memory_space<semaphore_mem>>
    %dma_start3A_1007 = arith.constant 0 : i32
    %dma_start3A_1008 = arith.constant 0 : i32
    %dma_start3A_1009 = tpu.memref_slice %arg6[%dma_start3A_997, %dma_start3A_1007, %dma_start3A_1008] : memref<2x4x4000xf32, #tpu.memory_space<vmem>> -> memref<1x4x4000xf32, #tpu.memory_space<vmem>>
    %dma_start3A_1010 = tpu.memref_squeeze %dma_start3A_1009 : memref<1x4x4000xf32, #tpu.memory_space<vmem>> -> memref<4x4000xf32, #tpu.memory_space<vmem>>
    %dma_start3A_1011 = arith.constant 4000 : i32
    %dma_start3A_1012 = tpu.memref_slice %arg3[%add3A_978, %dma_start3A_1011] : memref<256x20000xf32, #tpu.memory_space<hbm>> -> memref<4x4000xf32, #tpu.memory_space<hbm>>
    tpu.enqueue_dma source(%dma_start3A_1012 : memref<4x4000xf32, #tpu.memory_space<hbm>>) target(%dma_start3A_1010 : memref<4x4000xf32, #tpu.memory_space<vmem>>) target_semaphore(%dma_start3A_1006 : memref<!tpu.dma_semaphore, #tpu.memory_space<semaphore_mem>>)
    %dma_wait3A_1013 = arith.constant 1 : i32
    %dma_wait3A_1014 = arith.constant 1 : i32
    %dma_wait3A_1015 = arith.constant 0 : i32
    %dma_wait3A_1016 = arith.constant 0 : i32
    %dma_wait3A_1017 = tpu.memref_slice %arg5[%dma_wait3A_1013, %dma_wait3A_1015, %dma_wait3A_1016] : memref<2x2x4000xf32, #tpu.memory_space<vmem>> -> memref<1x2x4000xf32, #tpu.memory_space<vmem>>
    %dma_wait3A_1018 = tpu.memref_squeeze %dma_wait3A_1017 : memref<1x2x4000xf32, #tpu.memory_space<vmem>> -> memref<2x4000xf32, #tpu.memory_space<vmem>>
    %dma_wait3A_1019 = arith.constant 0 : i32
    %dma_wait3A_1020 = tpu.memref_slice %arg2[%mul3A_685, %dma_wait3A_1019] : memref<16x20000xf32, #tpu.memory_space<hbm>> -> memref<2x4000xf32, #tpu.memory_space<hbm>>
    %dma_wait3A_1021 = tpu.memref_slice %arg8[%dma_wait3A_1014] : memref<3x!tpu.dma_semaphore, #tpu.memory_space<semaphore_mem>> -> memref<1x!tpu.dma_semaphore, #tpu.memory_space<semaphore_mem>>
    %dma_wait3A_1022 = tpu.memref_squeeze %dma_wait3A_1021 : memref<1x!tpu.dma_semaphore, #tpu.memory_space<semaphore_mem>> -> memref<!tpu.dma_semaphore, #tpu.memory_space<semaphore_mem>>
    %dma_wait3A_1023 = arith.constant 0 : i32
    %dma_wait3A_1024 = arith.constant 0 : i32
    %dma_wait3A_1025 = tpu.memref_slice %arg5[%dma_wait3A_1013, %dma_wait3A_1023, %dma_wait3A_1024] : memref<2x2x4000xf32, #tpu.memory_space<vmem>> -> memref<1x2x4000xf32, #tpu.memory_space<vmem>>
    %dma_wait3A_1026 = tpu.memref_squeeze %dma_wait3A_1025 : memref<1x2x4000xf32, #tpu.memory_space<vmem>> -> memref<2x4000xf32, #tpu.memory_space<vmem>>
    %dma_wait3A_1027 = arith.constant 0 : i32
    %dma_wait3A_1028 = tpu.memref_slice %arg2[%mul3A_685, %dma_wait3A_1027] : memref<16x20000xf32, #tpu.memory_space<hbm>> -> memref<2x4000xf32, #tpu.memory_space<hbm>>
    tpu.wait_dma2 semaphore(%dma_wait3A_1022 : memref<!tpu.dma_semaphore, #tpu.memory_space<semaphore_mem>>) src(%dma_wait3A_1028 : memref<2x4000xf32, #tpu.memory_space<hbm>>) dst(%dma_wait3A_1026 : memref<2x4000xf32, #tpu.memory_space<vmem>>)
    %dma_wait3A_1029 = arith.constant 1 : i32
    %dma_wait3A_1030 = arith.constant 1 : i32
    %dma_wait3A_1031 = arith.constant 0 : i32
    %dma_wait3A_1032 = arith.constant 0 : i32
    %dma_wait3A_1033 = tpu.memref_slice %arg6[%dma_wait3A_1029, %dma_wait3A_1031, %dma_wait3A_1032] : memref<2x4x4000xf32, #tpu.memory_space<vmem>> -> memref<1x4x4000xf32, #tpu.memory_space<vmem>>
    %dma_wait3A_1034 = tpu.memref_squeeze %dma_wait3A_1033 : memref<1x4x4000xf32, #tpu.memory_space<vmem>> -> memref<4x4000xf32, #tpu.memory_space<vmem>>
    %dma_wait3A_1035 = arith.constant 0 : i32
    %dma_wait3A_1036 = tpu.memref_slice %arg3[%add3A_683, %dma_wait3A_1035] : memref<256x20000xf32, #tpu.memory_space<hbm>> -> memref<4x4000xf32, #tpu.memory_space<hbm>>
    %dma_wait3A_1037 = tpu.memref_slice %arg8[%dma_wait3A_1030] : memref<3x!tpu.dma_semaphore, #tpu.memory_space<semaphore_mem>> -> memref<1x!tpu.dma_semaphore, #tpu.memory_space<semaphore_mem>>
    %dma_wait3A_1038 = tpu.memref_squeeze %dma_wait3A_1037 : memref<1x!tpu.dma_semaphore, #tpu.memory_space<semaphore_mem>> -> memref<!tpu.dma_semaphore, #tpu.memory_space<semaphore_mem>>
    %dma_wait3A_1039 = arith.constant 0 : i32
    %dma_wait3A_1040 = arith.constant 0 : i32
    %dma_wait3A_1041 = tpu.memref_slice %arg6[%dma_wait3A_1029, %dma_wait3A_1039, %dma_wait3A_1040] : memref<2x4x4000xf32, #tpu.memory_space<vmem>> -> memref<1x4x4000xf32, #tpu.memory_space<vmem>>
    %dma_wait3A_1042 = tpu.memref_squeeze %dma_wait3A_1041 : memref<1x4x4000xf32, #tpu.memory_space<vmem>> -> memref<4x4000xf32, #tpu.memory_space<vmem>>
    %dma_wait3A_1043 = arith.constant 0 : i32
    %dma_wait3A_1044 = tpu.memref_slice %arg3[%add3A_683, %dma_wait3A_1043] : memref<256x20000xf32, #tpu.memory_space<hbm>> -> memref<4x4000xf32, #tpu.memory_space<hbm>>
    tpu.wait_dma2 semaphore(%dma_wait3A_1038 : memref<!tpu.dma_semaphore, #tpu.memory_space<semaphore_mem>>) src(%dma_wait3A_1044 : memref<4x4000xf32, #tpu.memory_space<hbm>>) dst(%dma_wait3A_1042 : memref<4x4000xf32, #tpu.memory_space<vmem>>)
    %parallel_loop3A_1045 = arith.constant 0 : i32
    %parallel_loop3A_1046 = arith.constant 250 : i32
    %parallel_loop3A_1047 = arith.constant 1 : i32
    %parallel_loop3A_1048 = arith.constant 1 : i32
    %parallel_loop3A_1049 = arith.constant 1 : i32
    %parallel_loop3A_1050 = arith.constant 0 : i32
    %parallel_loop3A_1051 = arith.constant 0 : i32
    %parallel_loop3A_1052 = arith.constant 0 : i32
    %parallel_loop3A_1053 = arith.constant 0 : i32
    %parallel_loop3A_1054 = arith.constant 0 : i32
    %parallel_loop3A_1055 = arith.constant 0 : i32
    %parallel_loop3A_1056 = arith.constant 0 : i32
    %parallel_loop3A_1057 = arith.constant 0 : i32
    scf.for %parallel_loop3A_1599 = %parallel_loop3A_1045 to %parallel_loop3A_1046 step %parallel_loop3A_1047  : i32 {
      %parallel_loop3A_1600 = arith.constant 16 : i32
      %parallel_loop3A_1601 = arith.muli %parallel_loop3A_1599, %parallel_loop3A_1600 : i32
      %parallel_loop3A_1602 = arith.constant 0 : i32
      %parallel_loop3A_1603 = arith.constant 0 : i32
      %parallel_loop3A_1604 = arith.constant 0 : i32
      %parallel_loop3A_1605 = tpu.memref_slice %arg5[%parallel_loop3A_1048, %parallel_loop3A_1603, %parallel_loop3A_1604] : memref<2x2x4000xf32, #tpu.memory_space<vmem>> -> memref<1x2x4000xf32, #tpu.memory_space<vmem>>
      %parallel_loop3A_1606 = tpu.memref_squeeze %parallel_loop3A_1605 : memref<1x2x4000xf32, #tpu.memory_space<vmem>> -> memref<2x4000xf32, #tpu.memory_space<vmem>>
      %parallel_loop3A_1607 = arith.index_cast %parallel_loop3A_1602 : i32 to index
      %parallel_loop3A_1608 = arith.index_cast %parallel_loop3A_1601 : i32 to index
      %parallel_loop3A_1609 = tpu.vector_load %parallel_loop3A_1606[%parallel_loop3A_1607, %parallel_loop3A_1608] {strides = array<i32>} : memref<2x4000xf32, #tpu.memory_space<vmem>>, vector<16xf32>,
      %parallel_loop3A_1610 = arith.constant 1 : i32
      %parallel_loop3A_1611 = arith.constant 0 : i32
      %parallel_loop3A_1612 = arith.constant 0 : i32
      %parallel_loop3A_1613 = tpu.memref_slice %arg5[%parallel_loop3A_1048, %parallel_loop3A_1611, %parallel_loop3A_1612] : memref<2x2x4000xf32, #tpu.memory_space<vmem>> -> memref<1x2x4000xf32, #tpu.memory_space<vmem>>
      %parallel_loop3A_1614 = tpu.memref_squeeze %parallel_loop3A_1613 : memref<1x2x4000xf32, #tpu.memory_space<vmem>> -> memref<2x4000xf32, #tpu.memory_space<vmem>>
      %parallel_loop3A_1615 = arith.index_cast %parallel_loop3A_1610 : i32 to index
      %parallel_loop3A_1616 = arith.index_cast %parallel_loop3A_1601 : i32 to index
      %parallel_loop3A_1617 = tpu.vector_load %parallel_loop3A_1614[%parallel_loop3A_1615, %parallel_loop3A_1616] {strides = array<i32>} : memref<2x4000xf32, #tpu.memory_space<vmem>>, vector<16xf32>,
      %parallel_loop3A_1618 = arith.constant 5.000000e-01 : f32
      %parallel_loop3A_1619 = vector.broadcast %parallel_loop3A_1618 : f32 to vector<16xf32>
      %parallel_loop3A_1620 = arith.addf %parallel_loop3A_1609, %parallel_loop3A_1619 : vector<16xf32>
      %parallel_loop3A_1621 = arith.constant 1.280000e+02 : f32
      %parallel_loop3A_1622 = vector.broadcast %parallel_loop3A_1621 : f32 to vector<16xf32>
      %parallel_loop3A_1623 = arith.mulf %parallel_loop3A_1620, %parallel_loop3A_1622 : vector<16xf32>
      %parallel_loop3A_1624 = arith.constant 5.000000e-01 : f32
      %parallel_loop3A_1625 = vector.broadcast %parallel_loop3A_1624 : f32 to vector<16xf32>
      %parallel_loop3A_1626 = arith.addf %parallel_loop3A_1617, %parallel_loop3A_1625 : vector<16xf32>
      %parallel_loop3A_1627 = arith.constant 1.280000e+02 : f32
      %parallel_loop3A_1628 = vector.broadcast %parallel_loop3A_1627 : f32 to vector<16xf32>
      %parallel_loop3A_1629 = arith.mulf %parallel_loop3A_1626, %parallel_loop3A_1628 : vector<16xf32>
      %parallel_loop3A_1630 = arith.fptosi %parallel_loop3A_1623 : vector<16xf32> to vector<16xi32>
      %parallel_loop3A_1631 = arith.fptosi %parallel_loop3A_1629 : vector<16xf32> to vector<16xi32>
      %parallel_loop3A_1632 = arith.sitofp %parallel_loop3A_1630 : vector<16xi32> to vector<16xf32>
      %parallel_loop3A_1633 = arith.subf %parallel_loop3A_1623, %parallel_loop3A_1632 : vector<16xf32>
      %parallel_loop3A_1634 = arith.sitofp %parallel_loop3A_1631 : vector<16xi32> to vector<16xf32>
      %parallel_loop3A_1635 = arith.subf %parallel_loop3A_1629, %parallel_loop3A_1634 : vector<16xf32>
      %parallel_loop3A_1636 = arith.constant 128 : i32
      %parallel_loop3A_1637 = vector.broadcast %parallel_loop3A_1636 : i32 to vector<16xi32>
      %parallel_loop3A_1638 = arith.muli %parallel_loop3A_1631, %parallel_loop3A_1637 : vector<16xi32>
      %parallel_loop3A_1639 = arith.addi %parallel_loop3A_1638, %parallel_loop3A_1630 : vector<16xi32>
      %parallel_loop3A_1640 = arith.constant 1 : i32
      %parallel_loop3A_1641 = vector.broadcast %parallel_loop3A_1640 : i32 to vector<16xi32>
      %parallel_loop3A_1642 = arith.addi %parallel_loop3A_1639, %parallel_loop3A_1641 : vector<16xi32>
      %parallel_loop3A_1643 = arith.constant 127 : i32
      %parallel_loop3A_1644 = vector.broadcast %parallel_loop3A_1643 : i32 to vector<16xi32>
      %parallel_loop3A_1645 = arith.cmpi slt, %parallel_loop3A_1630, %parallel_loop3A_1644 : vector<16xi32>
      %parallel_loop3A_1646 = arith.constant 1.000000e+00 : f32
      %parallel_loop3A_1647 = vector.broadcast %parallel_loop3A_1646 : f32 to vector<16xf32>
      %parallel_loop3A_1648 = arith.subf %parallel_loop3A_1647, %parallel_loop3A_1633 : vector<16xf32>
      %parallel_loop3A_1649 = arith.constant 1.000000e+00 : f32
      %parallel_loop3A_1650 = vector.broadcast %parallel_loop3A_1649 : f32 to vector<16xf32>
      %parallel_loop3A_1651 = arith.subf %parallel_loop3A_1650, %parallel_loop3A_1635 : vector<16xf32>
      %parallel_loop3A_1652 = arith.constant 0 : i32
      %parallel_loop3A_1653 = arith.constant 0 : i32
      %parallel_loop3A_1654 = arith.constant 0 : i32
      %parallel_loop3A_1655 = tpu.memref_slice %arg6[%parallel_loop3A_1049, %parallel_loop3A_1653, %parallel_loop3A_1654] : memref<2x4x4000xf32, #tpu.memory_space<vmem>> -> memref<1x4x4000xf32, #tpu.memory_space<vmem>>
      %parallel_loop3A_1656 = tpu.memref_squeeze %parallel_loop3A_1655 : memref<1x4x4000xf32, #tpu.memory_space<vmem>> -> memref<4x4000xf32, #tpu.memory_space<vmem>>
      %parallel_loop3A_1657 = arith.index_cast %parallel_loop3A_1652 : i32 to index
      %parallel_loop3A_1658 = arith.index_cast %parallel_loop3A_1601 : i32 to index
      %parallel_loop3A_1659 = tpu.vector_load %parallel_loop3A_1656[%parallel_loop3A_1657, %parallel_loop3A_1658] {strides = array<i32>} : memref<4x4000xf32, #tpu.memory_space<vmem>>, vector<16xf32>,
      %parallel_loop3A_1660 = arith.constant 1 : i32
      %parallel_loop3A_1661 = arith.constant 0 : i32
      %parallel_loop3A_1662 = arith.constant 0 : i32
      %parallel_loop3A_1663 = tpu.memref_slice %arg6[%parallel_loop3A_1049, %parallel_loop3A_1661, %parallel_loop3A_1662] : memref<2x4x4000xf32, #tpu.memory_space<vmem>> -> memref<1x4x4000xf32, #tpu.memory_space<vmem>>
      %parallel_loop3A_1664 = tpu.memref_squeeze %parallel_loop3A_1663 : memref<1x4x4000xf32, #tpu.memory_space<vmem>> -> memref<4x4000xf32, #tpu.memory_space<vmem>>
      %parallel_loop3A_1665 = arith.index_cast %parallel_loop3A_1660 : i32 to index
      %parallel_loop3A_1666 = arith.index_cast %parallel_loop3A_1601 : i32 to index
      %parallel_loop3A_1667 = tpu.vector_load %parallel_loop3A_1664[%parallel_loop3A_1665, %parallel_loop3A_1666] {strides = array<i32>} : memref<4x4000xf32, #tpu.memory_space<vmem>>, vector<16xf32>,
      %parallel_loop3A_1668 = arith.constant 2 : i32
      %parallel_loop3A_1669 = arith.constant 0 : i32
      %parallel_loop3A_1670 = arith.constant 0 : i32
      %parallel_loop3A_1671 = tpu.memref_slice %arg6[%parallel_loop3A_1049, %parallel_loop3A_1669, %parallel_loop3A_1670] : memref<2x4x4000xf32, #tpu.memory_space<vmem>> -> memref<1x4x4000xf32, #tpu.memory_space<vmem>>
      %parallel_loop3A_1672 = tpu.memref_squeeze %parallel_loop3A_1671 : memref<1x4x4000xf32, #tpu.memory_space<vmem>> -> memref<4x4000xf32, #tpu.memory_space<vmem>>
      %parallel_loop3A_1673 = arith.index_cast %parallel_loop3A_1668 : i32 to index
      %parallel_loop3A_1674 = arith.index_cast %parallel_loop3A_1601 : i32 to index
      %parallel_loop3A_1675 = tpu.vector_load %parallel_loop3A_1672[%parallel_loop3A_1673, %parallel_loop3A_1674] {strides = array<i32>} : memref<4x4000xf32, #tpu.memory_space<vmem>>, vector<16xf32>,
      %parallel_loop3A_1676 = arith.constant 3 : i32
      %parallel_loop3A_1677 = arith.constant 0 : i32
      %parallel_loop3A_1678 = arith.constant 0 : i32
      %parallel_loop3A_1679 = tpu.memref_slice %arg6[%parallel_loop3A_1049, %parallel_loop3A_1677, %parallel_loop3A_1678] : memref<2x4x4000xf32, #tpu.memory_space<vmem>> -> memref<1x4x4000xf32, #tpu.memory_space<vmem>>
      %parallel_loop3A_1680 = tpu.memref_squeeze %parallel_loop3A_1679 : memref<1x4x4000xf32, #tpu.memory_space<vmem>> -> memref<4x4000xf32, #tpu.memory_space<vmem>>
      %parallel_loop3A_1681 = arith.index_cast %parallel_loop3A_1676 : i32 to index
      %parallel_loop3A_1682 = arith.index_cast %parallel_loop3A_1601 : i32 to index
      %parallel_loop3A_1683 = tpu.vector_load %parallel_loop3A_1680[%parallel_loop3A_1681, %parallel_loop3A_1682] {strides = array<i32>} : memref<4x4000xf32, #tpu.memory_space<vmem>>, vector<16xf32>,
      %parallel_loop3A_1684 = arith.mulf %parallel_loop3A_1648, %parallel_loop3A_1651 : vector<16xf32>
      %parallel_loop3A_1685 = arith.mulf %parallel_loop3A_1684, %parallel_loop3A_1659 : vector<16xf32>
      %parallel_loop3A_1686 = arith.constant 0 : i32
      %parallel_loop3A_1687 = tpu.memref_slice %arg7[%parallel_loop3A_1050, %parallel_loop3A_1686] : memref<1x66080xf32, #tpu.memory_space<vmem>> -> memref<1x16392xf32, #tpu.memory_space<vmem>>
      %parallel_loop3A_1688 = tpu.memref_squeeze %parallel_loop3A_1687 : memref<1x16392xf32, #tpu.memory_space<vmem>> -> memref<16392xf32, #tpu.memory_space<vmem>>
      tpu.vector_store_idx %parallel_loop3A_1688[%parallel_loop3A_1639], %parallel_loop3A_1685 {add = true} : memref<16392xf32, #tpu.memory_space<vmem>>[vector<16xi32>], vector<16xf32>,
      %parallel_loop3A_1689 = arith.mulf %parallel_loop3A_1684, %parallel_loop3A_1667 : vector<16xf32>
      %parallel_loop3A_1690 = arith.constant 16520 : i32
      %parallel_loop3A_1691 = tpu.memref_slice %arg7[%parallel_loop3A_1051, %parallel_loop3A_1690] : memref<1x66080xf32, #tpu.memory_space<vmem>> -> memref<1x16392xf32, #tpu.memory_space<vmem>>
      %parallel_loop3A_1692 = tpu.memref_squeeze %parallel_loop3A_1691 : memref<1x16392xf32, #tpu.memory_space<vmem>> -> memref<16392xf32, #tpu.memory_space<vmem>>
      tpu.vector_store_idx %parallel_loop3A_1692[%parallel_loop3A_1639], %parallel_loop3A_1689 {add = true} : memref<16392xf32, #tpu.memory_space<vmem>>[vector<16xi32>], vector<16xf32>,
      %parallel_loop3A_1693 = arith.mulf %parallel_loop3A_1684, %parallel_loop3A_1675 : vector<16xf32>
      %parallel_loop3A_1694 = arith.constant 33040 : i32
      %parallel_loop3A_1695 = tpu.memref_slice %arg7[%parallel_loop3A_1052, %parallel_loop3A_1694] : memref<1x66080xf32, #tpu.memory_space<vmem>> -> memref<1x16392xf32, #tpu.memory_space<vmem>>
      %parallel_loop3A_1696 = tpu.memref_squeeze %parallel_loop3A_1695 : memref<1x16392xf32, #tpu.memory_space<vmem>> -> memref<16392xf32, #tpu.memory_space<vmem>>
      tpu.vector_store_idx %parallel_loop3A_1696[%parallel_loop3A_1639], %parallel_loop3A_1693 {add = true} : memref<16392xf32, #tpu.memory_space<vmem>>[vector<16xi32>], vector<16xf32>,
      %parallel_loop3A_1697 = arith.mulf %parallel_loop3A_1684, %parallel_loop3A_1683 : vector<16xf32>
      %parallel_loop3A_1698 = arith.constant 49560 : i32
      %parallel_loop3A_1699 = tpu.memref_slice %arg7[%parallel_loop3A_1053, %parallel_loop3A_1698] : memref<1x66080xf32, #tpu.memory_space<vmem>> -> memref<1x16392xf32, #tpu.memory_space<vmem>>
      %parallel_loop3A_1700 = tpu.memref_squeeze %parallel_loop3A_1699 : memref<1x16392xf32, #tpu.memory_space<vmem>> -> memref<16392xf32, #tpu.memory_space<vmem>>
      tpu.vector_store_idx %parallel_loop3A_1700[%parallel_loop3A_1639], %parallel_loop3A_1697 {add = true} : memref<16392xf32, #tpu.memory_space<vmem>>[vector<16xi32>], vector<16xf32>,
      %parallel_loop3A_1701 = arith.mulf %parallel_loop3A_1633, %parallel_loop3A_1651 : vector<16xf32>
      %parallel_loop3A_1702 = arith.mulf %parallel_loop3A_1701, %parallel_loop3A_1659 : vector<16xf32>
      %parallel_loop3A_1703 = arith.constant 0 : i32
      %parallel_loop3A_1704 = tpu.memref_slice %arg7[%parallel_loop3A_1050, %parallel_loop3A_1703] : memref<1x66080xf32, #tpu.memory_space<vmem>> -> memref<1x16392xf32, #tpu.memory_space<vmem>>
      %parallel_loop3A_1705 = tpu.memref_squeeze %parallel_loop3A_1704 : memref<1x16392xf32, #tpu.memory_space<vmem>> -> memref<16392xf32, #tpu.memory_space<vmem>>
      tpu.vector_store_idx %parallel_loop3A_1705[%parallel_loop3A_1642], %parallel_loop3A_1702 masked %parallel_loop3A_1645 {add = true} : memref<16392xf32, #tpu.memory_space<vmem>>[vector<16xi32>], vector<16xf32>, vector<16xi1>
      %parallel_loop3A_1706 = arith.mulf %parallel_loop3A_1701, %parallel_loop3A_1667 : vector<16xf32>
      %parallel_loop3A_1707 = arith.constant 16520 : i32
      %parallel_loop3A_1708 = tpu.memref_slice %arg7[%parallel_loop3A_1051, %parallel_loop3A_1707] : memref<1x66080xf32, #tpu.memory_space<vmem>> -> memref<1x16392xf32, #tpu.memory_space<vmem>>
      %parallel_loop3A_1709 = tpu.memref_squeeze %parallel_loop3A_1708 : memref<1x16392xf32, #tpu.memory_space<vmem>> -> memref<16392xf32, #tpu.memory_space<vmem>>
      tpu.vector_store_idx %parallel_loop3A_1709[%parallel_loop3A_1642], %parallel_loop3A_1706 masked %parallel_loop3A_1645 {add = true} : memref<16392xf32, #tpu.memory_space<vmem>>[vector<16xi32>], vector<16xf32>, vector<16xi1>
      %parallel_loop3A_1710 = arith.mulf %parallel_loop3A_1701, %parallel_loop3A_1675 : vector<16xf32>
      %parallel_loop3A_1711 = arith.constant 33040 : i32
      %parallel_loop3A_1712 = tpu.memref_slice %arg7[%parallel_loop3A_1052, %parallel_loop3A_1711] : memref<1x66080xf32, #tpu.memory_space<vmem>> -> memref<1x16392xf32, #tpu.memory_space<vmem>>
      %parallel_loop3A_1713 = tpu.memref_squeeze %parallel_loop3A_1712 : memref<1x16392xf32, #tpu.memory_space<vmem>> -> memref<16392xf32, #tpu.memory_space<vmem>>
      tpu.vector_store_idx %parallel_loop3A_1713[%parallel_loop3A_1642], %parallel_loop3A_1710 masked %parallel_loop3A_1645 {add = true} : memref<16392xf32, #tpu.memory_space<vmem>>[vector<16xi32>], vector<16xf32>, vector<16xi1>
      %parallel_loop3A_1714 = arith.mulf %parallel_loop3A_1701, %parallel_loop3A_1683 : vector<16xf32>
      %parallel_loop3A_1715 = arith.constant 49560 : i32
      %parallel_loop3A_1716 = tpu.memref_slice %arg7[%parallel_loop3A_1053, %parallel_loop3A_1715] : memref<1x66080xf32, #tpu.memory_space<vmem>> -> memref<1x16392xf32, #tpu.memory_space<vmem>>
      %parallel_loop3A_1717 = tpu.memref_squeeze %parallel_loop3A_1716 : memref<1x16392xf32, #tpu.memory_space<vmem>> -> memref<16392xf32, #tpu.memory_space<vmem>>
      tpu.vector_store_idx %parallel_loop3A_1717[%parallel_loop3A_1642], %parallel_loop3A_1714 masked %parallel_loop3A_1645 {add = true} : memref<16392xf32, #tpu.memory_space<vmem>>[vector<16xi32>], vector<16xf32>, vector<16xi1>
      %parallel_loop3A_1718 = arith.mulf %parallel_loop3A_1648, %parallel_loop3A_1635 : vector<16xf32>
      %parallel_loop3A_1719 = arith.mulf %parallel_loop3A_1718, %parallel_loop3A_1659 : vector<16xf32>
      %parallel_loop3A_1720 = arith.constant 128 : i32
      %parallel_loop3A_1721 = tpu.memref_slice %arg7[%parallel_loop3A_1054, %parallel_loop3A_1720] : memref<1x66080xf32, #tpu.memory_space<vmem>> -> memref<1x16392xf32, #tpu.memory_space<vmem>>
      %parallel_loop3A_1722 = tpu.memref_squeeze %parallel_loop3A_1721 : memref<1x16392xf32, #tpu.memory_space<vmem>> -> memref<16392xf32, #tpu.memory_space<vmem>>
      tpu.vector_store_idx %parallel_loop3A_1722[%parallel_loop3A_1639], %parallel_loop3A_1719 {add = true} : memref<16392xf32, #tpu.memory_space<vmem>>[vector<16xi32>], vector<16xf32>,
      %parallel_loop3A_1723 = arith.mulf %parallel_loop3A_1718, %parallel_loop3A_1667 : vector<16xf32>
      %parallel_loop3A_1724 = arith.constant 16648 : i32
      %parallel_loop3A_1725 = tpu.memref_slice %arg7[%parallel_loop3A_1055, %parallel_loop3A_1724] : memref<1x66080xf32, #tpu.memory_space<vmem>> -> memref<1x16392xf32, #tpu.memory_space<vmem>>
      %parallel_loop3A_1726 = tpu.memref_squeeze %parallel_loop3A_1725 : memref<1x16392xf32, #tpu.memory_space<vmem>> -> memref<16392xf32, #tpu.memory_space<vmem>>
      tpu.vector_store_idx %parallel_loop3A_1726[%parallel_loop3A_1639], %parallel_loop3A_1723 {add = true} : memref<16392xf32, #tpu.memory_space<vmem>>[vector<16xi32>], vector<16xf32>,
      %parallel_loop3A_1727 = arith.mulf %parallel_loop3A_1718, %parallel_loop3A_1675 : vector<16xf32>
      %parallel_loop3A_1728 = arith.constant 33168 : i32
      %parallel_loop3A_1729 = tpu.memref_slice %arg7[%parallel_loop3A_1056, %parallel_loop3A_1728] : memref<1x66080xf32, #tpu.memory_space<vmem>> -> memref<1x16392xf32, #tpu.memory_space<vmem>>
      %parallel_loop3A_1730 = tpu.memref_squeeze %parallel_loop3A_1729 : memref<1x16392xf32, #tpu.memory_space<vmem>> -> memref<16392xf32, #tpu.memory_space<vmem>>
      tpu.vector_store_idx %parallel_loop3A_1730[%parallel_loop3A_1639], %parallel_loop3A_1727 {add = true} : memref<16392xf32, #tpu.memory_space<vmem>>[vector<16xi32>], vector<16xf32>,
      %parallel_loop3A_1731 = arith.mulf %parallel_loop3A_1718, %parallel_loop3A_1683 : vector<16xf32>
      %parallel_loop3A_1732 = arith.constant 49688 : i32
      %parallel_loop3A_1733 = tpu.memref_slice %arg7[%parallel_loop3A_1057, %parallel_loop3A_1732] : memref<1x66080xf32, #tpu.memory_space<vmem>> -> memref<1x16392xf32, #tpu.memory_space<vmem>>
      %parallel_loop3A_1734 = tpu.memref_squeeze %parallel_loop3A_1733 : memref<1x16392xf32, #tpu.memory_space<vmem>> -> memref<16392xf32, #tpu.memory_space<vmem>>
      tpu.vector_store_idx %parallel_loop3A_1734[%parallel_loop3A_1639], %parallel_loop3A_1731 {add = true} : memref<16392xf32, #tpu.memory_space<vmem>>[vector<16xi32>], vector<16xf32>,
      %parallel_loop3A_1735 = arith.mulf %parallel_loop3A_1633, %parallel_loop3A_1635 : vector<16xf32>
      %parallel_loop3A_1736 = arith.mulf %parallel_loop3A_1735, %parallel_loop3A_1659 : vector<16xf32>
      %parallel_loop3A_1737 = arith.constant 128 : i32
      %parallel_loop3A_1738 = tpu.memref_slice %arg7[%parallel_loop3A_1054, %parallel_loop3A_1737] : memref<1x66080xf32, #tpu.memory_space<vmem>> -> memref<1x16392xf32, #tpu.memory_space<vmem>>
      %parallel_loop3A_1739 = tpu.memref_squeeze %parallel_loop3A_1738 : memref<1x16392xf32, #tpu.memory_space<vmem>> -> memref<16392xf32, #tpu.memory_space<vmem>>
      tpu.vector_store_idx %parallel_loop3A_1739[%parallel_loop3A_1642], %parallel_loop3A_1736 masked %parallel_loop3A_1645 {add = true} : memref<16392xf32, #tpu.memory_space<vmem>>[vector<16xi32>], vector<16xf32>, vector<16xi1>
      %parallel_loop3A_1740 = arith.mulf %parallel_loop3A_1735, %parallel_loop3A_1667 : vector<16xf32>
      %parallel_loop3A_1741 = arith.constant 16648 : i32
      %parallel_loop3A_1742 = tpu.memref_slice %arg7[%parallel_loop3A_1055, %parallel_loop3A_1741] : memref<1x66080xf32, #tpu.memory_space<vmem>> -> memref<1x16392xf32, #tpu.memory_space<vmem>>
      %parallel_loop3A_1743 = tpu.memref_squeeze %parallel_loop3A_1742 : memref<1x16392xf32, #tpu.memory_space<vmem>> -> memref<16392xf32, #tpu.memory_space<vmem>>
      tpu.vector_store_idx %parallel_loop3A_1743[%parallel_loop3A_1642], %parallel_loop3A_1740 masked %parallel_loop3A_1645 {add = true} : memref<16392xf32, #tpu.memory_space<vmem>>[vector<16xi32>], vector<16xf32>, vector<16xi1>
      %parallel_loop3A_1744 = arith.mulf %parallel_loop3A_1735, %parallel_loop3A_1675 : vector<16xf32>
      %parallel_loop3A_1745 = arith.constant 33168 : i32
      %parallel_loop3A_1746 = tpu.memref_slice %arg7[%parallel_loop3A_1056, %parallel_loop3A_1745] : memref<1x66080xf32, #tpu.memory_space<vmem>> -> memref<1x16392xf32, #tpu.memory_space<vmem>>
      %parallel_loop3A_1747 = tpu.memref_squeeze %parallel_loop3A_1746 : memref<1x16392xf32, #tpu.memory_space<vmem>> -> memref<16392xf32, #tpu.memory_space<vmem>>
      tpu.vector_store_idx %parallel_loop3A_1747[%parallel_loop3A_1642], %parallel_loop3A_1744 masked %parallel_loop3A_1645 {add = true} : memref<16392xf32, #tpu.memory_space<vmem>>[vector<16xi32>], vector<16xf32>, vector<16xi1>
      %parallel_loop3A_1748 = arith.mulf %parallel_loop3A_1735, %parallel_loop3A_1683 : vector<16xf32>
      %parallel_loop3A_1749 = arith.constant 49688 : i32
      %parallel_loop3A_1750 = tpu.memref_slice %arg7[%parallel_loop3A_1057, %parallel_loop3A_1749] : memref<1x66080xf32, #tpu.memory_space<vmem>> -> memref<1x16392xf32, #tpu.memory_space<vmem>>
      %parallel_loop3A_1751 = tpu.memref_squeeze %parallel_loop3A_1750 : memref<1x16392xf32, #tpu.memory_space<vmem>> -> memref<16392xf32, #tpu.memory_space<vmem>>
      tpu.vector_store_idx %parallel_loop3A_1751[%parallel_loop3A_1642], %parallel_loop3A_1748 masked %parallel_loop3A_1645 {add = true} : memref<16392xf32, #tpu.memory_space<vmem>>[vector<16xi32>], vector<16xf32>, vector<16xi1>
    } {sc.loop_unroll_factor = 2 : i64, sc.parallel_access}
    %mul3A_1058 = arith.constant 2 : i32
    %mul3A_1059 = arith.muli %add3A, %mul3A_1058 : i32
    %add3A_1060 = arith.constant 1 : i32
    %add3A_1061 = arith.addi %mul3A_1059, %add3A_1060 : i32
    %jit3A_1062 = arith.constant 8 : i32
    %div3A_1063 = arith.divsi %add3A_1061, %jit3A_1062 : i32
    %sign3A_1064 = arith.constant 0 : i32
    %sign3A_1065 = arith.cmpi sgt, %add3A_1061, %sign3A_1064 : i32
    %sign3A_1066 = arith.extui %sign3A_1065 : i1 to i32
    %sign3A_1067 = arith.constant 0 : i32
    %sign3A_1068 = arith.cmpi slt, %add3A_1061, %sign3A_1067 : i32
    %sign3A_1069 = arith.extui %sign3A_1068 : i1 to i32
    %sign3A_1070 = arith.subi %sign3A_1066, %sign3A_1069 : i32
    %sign3A_1071 = arith.constant 0 : i32
    %sign3A_1072 = arith.cmpi sgt, %jit3A_1062, %sign3A_1071 : i32
    %sign3A_1073 = arith.extui %sign3A_1072 : i1 to i32
    %sign3A_1074 = arith.constant 0 : i32
    %sign3A_1075 = arith.cmpi slt, %jit3A_1062, %sign3A_1074 : i32
    %sign3A_1076 = arith.extui %sign3A_1075 : i1 to i32
    %sign3A_1077 = arith.subi %sign3A_1073, %sign3A_1076 : i32
    %ne3A_1078 = arith.cmpi ne, %sign3A_1070, %sign3A_1077 : i32
    %rem3A_1079 = arith.remsi %add3A_1061, %jit3A_1062 : i32
    %ne3A_1080 = arith.constant 0 : i32
    %ne3A_1081 = arith.cmpi ne, %rem3A_1079, %ne3A_1080 : i32
    %and3A_1082 = arith.andi %ne3A_1078, %ne3A_1081 : i1
    %sub3A_1083 = arith.constant 1 : i32
    %sub3A_1084 = arith.subi %div3A_1063, %sub3A_1083 : i32
    %select_n3A_1085 = arith.select %and3A_1082, %sub3A_1084, %div3A_1063 : i32
    %jit3A_1086 = arith.constant 8 : i32
    %eq3A_1087 = arith.constant 0 : i32
    %eq3A_1088 = arith.cmpi eq, %jit3A_1086, %eq3A_1087 : i32
    %jit3A_1089 = arith.constant 1 : i32
    %select_n3A_1090 = arith.select %eq3A_1088, %jit3A_1089, %jit3A_1086 : i32
    %rem3A_1091 = arith.remsi %add3A_1061, %select_n3A_1090 : i32
    %ne3A_1092 = arith.constant 0 : i32
    %ne3A_1093 = arith.cmpi ne, %rem3A_1091, %ne3A_1092 : i32
    %lt3A_1094 = arith.constant 0 : i32
    %lt3A_1095 = arith.cmpi slt, %rem3A_1091, %lt3A_1094 : i32
    %lt3A_1096 = arith.constant 0 : i32
    %lt3A_1097 = arith.cmpi slt, %select_n3A_1090, %lt3A_1096 : i32
    %ne3A_1098 = arith.xori %lt3A_1095, %lt3A_1097 : i1
    %and3A_1099 = arith.andi %ne3A_1098, %ne3A_1093 : i1
    %add3A_1100 = arith.addi %rem3A_1091, %select_n3A_1090 : i32
    %select_n3A_1101 = arith.select %and3A_1099, %add3A_1100, %rem3A_1091 : i32
    %mul3A_1102 = arith.constant 32 : i32
    %mul3A_1103 = arith.muli %select_n3A_1085, %mul3A_1102 : i32
    %mul3A_1104 = arith.constant 4 : i32
    %mul3A_1105 = arith.muli %select_n3A_1101, %mul3A_1104 : i32
    %add3A_1106 = arith.addi %mul3A_1103, %mul3A_1105 : i32
    %mul3A_1107 = arith.constant 2 : i32
    %mul3A_1108 = arith.muli %select_n3A_1085, %mul3A_1107 : i32
    %dma_start3A_1109 = arith.constant 1 : i32
    %dma_start3A_1110 = arith.constant 1 : i32
    %dma_start3A_1111 = arith.constant 0 : i32
    %dma_start3A_1112 = arith.constant 0 : i32
    %dma_start3A_1113 = tpu.memref_slice %arg5[%dma_start3A_1109, %dma_start3A_1111, %dma_start3A_1112] : memref<2x2x4000xf32, #tpu.memory_space<vmem>> -> memref<1x2x4000xf32, #tpu.memory_space<vmem>>
    %dma_start3A_1114 = tpu.memref_squeeze %dma_start3A_1113 : memref<1x2x4000xf32, #tpu.memory_space<vmem>> -> memref<2x4000xf32, #tpu.memory_space<vmem>>
    %dma_start3A_1115 = arith.constant 8000 : i32
    %dma_start3A_1116 = tpu.memref_slice %arg2[%mul3A_1108, %dma_start3A_1115] : memref<16x20000xf32, #tpu.memory_space<hbm>> -> memref<2x4000xf32, #tpu.memory_space<hbm>>
    %dma_start3A_1117 = tpu.memref_slice %arg8[%dma_start3A_1110] : memref<3x!tpu.dma_semaphore, #tpu.memory_space<semaphore_mem>> -> memref<1x!tpu.dma_semaphore, #tpu.memory_space<semaphore_mem>>
    %dma_start3A_1118 = tpu.memref_squeeze %dma_start3A_1117 : memref<1x!tpu.dma_semaphore, #tpu.memory_space<semaphore_mem>> -> memref<!tpu.dma_semaphore, #tpu.memory_space<semaphore_mem>>
    %dma_start3A_1119 = arith.constant 0 : i32
    %dma_start3A_1120 = arith.constant 0 : i32
    %dma_start3A_1121 = tpu.memref_slice %arg5[%dma_start3A_1109, %dma_start3A_1119, %dma_start3A_1120] : memref<2x2x4000xf32, #tpu.memory_space<vmem>> -> memref<1x2x4000xf32, #tpu.memory_space<vmem>>
    %dma_start3A_1122 = tpu.memref_squeeze %dma_start3A_1121 : memref<1x2x4000xf32, #tpu.memory_space<vmem>> -> memref<2x4000xf32, #tpu.memory_space<vmem>>
    %dma_start3A_1123 = arith.constant 8000 : i32
    %dma_start3A_1124 = tpu.memref_slice %arg2[%mul3A_1108, %dma_start3A_1123] : memref<16x20000xf32, #tpu.memory_space<hbm>> -> memref<2x4000xf32, #tpu.memory_space<hbm>>
    tpu.enqueue_dma source(%dma_start3A_1124 : memref<2x4000xf32, #tpu.memory_space<hbm>>) target(%dma_start3A_1122 : memref<2x4000xf32, #tpu.memory_space<vmem>>) target_semaphore(%dma_start3A_1118 : memref<!tpu.dma_semaphore, #tpu.memory_space<semaphore_mem>>)
    %dma_start3A_1125 = arith.constant 1 : i32
    %dma_start3A_1126 = arith.constant 1 : i32
    %dma_start3A_1127 = arith.constant 0 : i32
    %dma_start3A_1128 = arith.constant 0 : i32
    %dma_start3A_1129 = tpu.memref_slice %arg6[%dma_start3A_1125, %dma_start3A_1127, %dma_start3A_1128] : memref<2x4x4000xf32, #tpu.memory_space<vmem>> -> memref<1x4x4000xf32, #tpu.memory_space<vmem>>
    %dma_start3A_1130 = tpu.memref_squeeze %dma_start3A_1129 : memref<1x4x4000xf32, #tpu.memory_space<vmem>> -> memref<4x4000xf32, #tpu.memory_space<vmem>>
    %dma_start3A_1131 = arith.constant 8000 : i32
    %dma_start3A_1132 = tpu.memref_slice %arg3[%add3A_1106, %dma_start3A_1131] : memref<256x20000xf32, #tpu.memory_space<hbm>> -> memref<4x4000xf32, #tpu.memory_space<hbm>>
    %dma_start3A_1133 = tpu.memref_slice %arg8[%dma_start3A_1126] : memref<3x!tpu.dma_semaphore, #tpu.memory_space<semaphore_mem>> -> memref<1x!tpu.dma_semaphore, #tpu.memory_space<semaphore_mem>>
    %dma_start3A_1134 = tpu.memref_squeeze %dma_start3A_1133 : memref<1x!tpu.dma_semaphore, #tpu.memory_space<semaphore_mem>> -> memref<!tpu.dma_semaphore, #tpu.memory_space<semaphore_mem>>
    %dma_start3A_1135 = arith.constant 0 : i32
    %dma_start3A_1136 = arith.constant 0 : i32
    %dma_start3A_1137 = tpu.memref_slice %arg6[%dma_start3A_1125, %dma_start3A_1135, %dma_start3A_1136] : memref<2x4x4000xf32, #tpu.memory_space<vmem>> -> memref<1x4x4000xf32, #tpu.memory_space<vmem>>
    %dma_start3A_1138 = tpu.memref_squeeze %dma_start3A_1137 : memref<1x4x4000xf32, #tpu.memory_space<vmem>> -> memref<4x4000xf32, #tpu.memory_space<vmem>>
    %dma_start3A_1139 = arith.constant 8000 : i32
    %dma_start3A_1140 = tpu.memref_slice %arg3[%add3A_1106, %dma_start3A_1139] : memref<256x20000xf32, #tpu.memory_space<hbm>> -> memref<4x4000xf32, #tpu.memory_space<hbm>>
    tpu.enqueue_dma source(%dma_start3A_1140 : memref<4x4000xf32, #tpu.memory_space<hbm>>) target(%dma_start3A_1138 : memref<4x4000xf32, #tpu.memory_space<vmem>>) target_semaphore(%dma_start3A_1134 : memref<!tpu.dma_semaphore, #tpu.memory_space<semaphore_mem>>)
    %dma_wait3A_1141 = arith.constant 0 : i32
    %dma_wait3A_1142 = arith.constant 0 : i32
    %dma_wait3A_1143 = arith.constant 0 : i32
    %dma_wait3A_1144 = arith.constant 0 : i32
    %dma_wait3A_1145 = tpu.memref_slice %arg5[%dma_wait3A_1141, %dma_wait3A_1143, %dma_wait3A_1144] : memref<2x2x4000xf32, #tpu.memory_space<vmem>> -> memref<1x2x4000xf32, #tpu.memory_space<vmem>>
    %dma_wait3A_1146 = tpu.memref_squeeze %dma_wait3A_1145 : memref<1x2x4000xf32, #tpu.memory_space<vmem>> -> memref<2x4000xf32, #tpu.memory_space<vmem>>
    %dma_wait3A_1147 = arith.constant 4000 : i32
    %dma_wait3A_1148 = tpu.memref_slice %arg2[%mul3A_980, %dma_wait3A_1147] : memref<16x20000xf32, #tpu.memory_space<hbm>> -> memref<2x4000xf32, #tpu.memory_space<hbm>>
    %dma_wait3A_1149 = tpu.memref_slice %arg8[%dma_wait3A_1142] : memref<3x!tpu.dma_semaphore, #tpu.memory_space<semaphore_mem>> -> memref<1x!tpu.dma_semaphore, #tpu.memory_space<semaphore_mem>>
    %dma_wait3A_1150 = tpu.memref_squeeze %dma_wait3A_1149 : memref<1x!tpu.dma_semaphore, #tpu.memory_space<semaphore_mem>> -> memref<!tpu.dma_semaphore, #tpu.memory_space<semaphore_mem>>
    %dma_wait3A_1151 = arith.constant 0 : i32
    %dma_wait3A_1152 = arith.constant 0 : i32
    %dma_wait3A_1153 = tpu.memref_slice %arg5[%dma_wait3A_1141, %dma_wait3A_1151, %dma_wait3A_1152] : memref<2x2x4000xf32, #tpu.memory_space<vmem>> -> memref<1x2x4000xf32, #tpu.memory_space<vmem>>
    %dma_wait3A_1154 = tpu.memref_squeeze %dma_wait3A_1153 : memref<1x2x4000xf32, #tpu.memory_space<vmem>> -> memref<2x4000xf32, #tpu.memory_space<vmem>>
    %dma_wait3A_1155 = arith.constant 4000 : i32
    %dma_wait3A_1156 = tpu.memref_slice %arg2[%mul3A_980, %dma_wait3A_1155] : memref<16x20000xf32, #tpu.memory_space<hbm>> -> memref<2x4000xf32, #tpu.memory_space<hbm>>
    tpu.wait_dma2 semaphore(%dma_wait3A_1150 : memref<!tpu.dma_semaphore, #tpu.memory_space<semaphore_mem>>) src(%dma_wait3A_1156 : memref<2x4000xf32, #tpu.memory_space<hbm>>) dst(%dma_wait3A_1154 : memref<2x4000xf32, #tpu.memory_space<vmem>>)
    %dma_wait3A_1157 = arith.constant 0 : i32
    %dma_wait3A_1158 = arith.constant 0 : i32
    %dma_wait3A_1159 = arith.constant 0 : i32
    %dma_wait3A_1160 = arith.constant 0 : i32
    %dma_wait3A_1161 = tpu.memref_slice %arg6[%dma_wait3A_1157, %dma_wait3A_1159, %dma_wait3A_1160] : memref<2x4x4000xf32, #tpu.memory_space<vmem>> -> memref<1x4x4000xf32, #tpu.memory_space<vmem>>
    %dma_wait3A_1162 = tpu.memref_squeeze %dma_wait3A_1161 : memref<1x4x4000xf32, #tpu.memory_space<vmem>> -> memref<4x4000xf32, #tpu.memory_space<vmem>>
    %dma_wait3A_1163 = arith.constant 4000 : i32
    %dma_wait3A_1164 = tpu.memref_slice %arg3[%add3A_978, %dma_wait3A_1163] : memref<256x20000xf32, #tpu.memory_space<hbm>> -> memref<4x4000xf32, #tpu.memory_space<hbm>>
    %dma_wait3A_1165 = tpu.memref_slice %arg8[%dma_wait3A_1158] : memref<3x!tpu.dma_semaphore, #tpu.memory_space<semaphore_mem>> -> memref<1x!tpu.dma_semaphore, #tpu.memory_space<semaphore_mem>>
    %dma_wait3A_1166 = tpu.memref_squeeze %dma_wait3A_1165 : memref<1x!tpu.dma_semaphore, #tpu.memory_space<semaphore_mem>> -> memref<!tpu.dma_semaphore, #tpu.memory_space<semaphore_mem>>
    %dma_wait3A_1167 = arith.constant 0 : i32
    %dma_wait3A_1168 = arith.constant 0 : i32
    %dma_wait3A_1169 = tpu.memref_slice %arg6[%dma_wait3A_1157, %dma_wait3A_1167, %dma_wait3A_1168] : memref<2x4x4000xf32, #tpu.memory_space<vmem>> -> memref<1x4x4000xf32, #tpu.memory_space<vmem>>
    %dma_wait3A_1170 = tpu.memref_squeeze %dma_wait3A_1169 : memref<1x4x4000xf32, #tpu.memory_space<vmem>> -> memref<4x4000xf32, #tpu.memory_space<vmem>>
    %dma_wait3A_1171 = arith.constant 4000 : i32
    %dma_wait3A_1172 = tpu.memref_slice %arg3[%add3A_978, %dma_wait3A_1171] : memref<256x20000xf32, #tpu.memory_space<hbm>> -> memref<4x4000xf32, #tpu.memory_space<hbm>>
    tpu.wait_dma2 semaphore(%dma_wait3A_1166 : memref<!tpu.dma_semaphore, #tpu.memory_space<semaphore_mem>>) src(%dma_wait3A_1172 : memref<4x4000xf32, #tpu.memory_space<hbm>>) dst(%dma_wait3A_1170 : memref<4x4000xf32, #tpu.memory_space<vmem>>)
    %parallel_loop3A_1173 = arith.constant 0 : i32
    %parallel_loop3A_1174 = arith.constant 250 : i32
    %parallel_loop3A_1175 = arith.constant 1 : i32
    %parallel_loop3A_1176 = arith.constant 0 : i32
    %parallel_loop3A_1177 = arith.constant 0 : i32
    %parallel_loop3A_1178 = arith.constant 0 : i32
    %parallel_loop3A_1179 = arith.constant 0 : i32
    %parallel_loop3A_1180 = arith.constant 0 : i32
    %parallel_loop3A_1181 = arith.constant 0 : i32
    %parallel_loop3A_1182 = arith.constant 0 : i32
    %parallel_loop3A_1183 = arith.constant 0 : i32
    %parallel_loop3A_1184 = arith.constant 0 : i32
    %parallel_loop3A_1185 = arith.constant 0 : i32
    scf.for %parallel_loop3A_1599 = %parallel_loop3A_1173 to %parallel_loop3A_1174 step %parallel_loop3A_1175  : i32 {
      %parallel_loop3A_1600 = arith.constant 16 : i32
      %parallel_loop3A_1601 = arith.muli %parallel_loop3A_1599, %parallel_loop3A_1600 : i32
      %parallel_loop3A_1602 = arith.constant 0 : i32
      %parallel_loop3A_1603 = arith.constant 0 : i32
      %parallel_loop3A_1604 = arith.constant 0 : i32
      %parallel_loop3A_1605 = tpu.memref_slice %arg5[%parallel_loop3A_1176, %parallel_loop3A_1603, %parallel_loop3A_1604] : memref<2x2x4000xf32, #tpu.memory_space<vmem>> -> memref<1x2x4000xf32, #tpu.memory_space<vmem>>
      %parallel_loop3A_1606 = tpu.memref_squeeze %parallel_loop3A_1605 : memref<1x2x4000xf32, #tpu.memory_space<vmem>> -> memref<2x4000xf32, #tpu.memory_space<vmem>>
      %parallel_loop3A_1607 = arith.index_cast %parallel_loop3A_1602 : i32 to index
      %parallel_loop3A_1608 = arith.index_cast %parallel_loop3A_1601 : i32 to index
      %parallel_loop3A_1609 = tpu.vector_load %parallel_loop3A_1606[%parallel_loop3A_1607, %parallel_loop3A_1608] {strides = array<i32>} : memref<2x4000xf32, #tpu.memory_space<vmem>>, vector<16xf32>,
      %parallel_loop3A_1610 = arith.constant 1 : i32
      %parallel_loop3A_1611 = arith.constant 0 : i32
      %parallel_loop3A_1612 = arith.constant 0 : i32
      %parallel_loop3A_1613 = tpu.memref_slice %arg5[%parallel_loop3A_1176, %parallel_loop3A_1611, %parallel_loop3A_1612] : memref<2x2x4000xf32, #tpu.memory_space<vmem>> -> memref<1x2x4000xf32, #tpu.memory_space<vmem>>
      %parallel_loop3A_1614 = tpu.memref_squeeze %parallel_loop3A_1613 : memref<1x2x4000xf32, #tpu.memory_space<vmem>> -> memref<2x4000xf32, #tpu.memory_space<vmem>>
      %parallel_loop3A_1615 = arith.index_cast %parallel_loop3A_1610 : i32 to index
      %parallel_loop3A_1616 = arith.index_cast %parallel_loop3A_1601 : i32 to index
      %parallel_loop3A_1617 = tpu.vector_load %parallel_loop3A_1614[%parallel_loop3A_1615, %parallel_loop3A_1616] {strides = array<i32>} : memref<2x4000xf32, #tpu.memory_space<vmem>>, vector<16xf32>,
      %parallel_loop3A_1618 = arith.constant 5.000000e-01 : f32
      %parallel_loop3A_1619 = vector.broadcast %parallel_loop3A_1618 : f32 to vector<16xf32>
      %parallel_loop3A_1620 = arith.addf %parallel_loop3A_1609, %parallel_loop3A_1619 : vector<16xf32>
      %parallel_loop3A_1621 = arith.constant 1.280000e+02 : f32
      %parallel_loop3A_1622 = vector.broadcast %parallel_loop3A_1621 : f32 to vector<16xf32>
      %parallel_loop3A_1623 = arith.mulf %parallel_loop3A_1620, %parallel_loop3A_1622 : vector<16xf32>
      %parallel_loop3A_1624 = arith.constant 5.000000e-01 : f32
      %parallel_loop3A_1625 = vector.broadcast %parallel_loop3A_1624 : f32 to vector<16xf32>
      %parallel_loop3A_1626 = arith.addf %parallel_loop3A_1617, %parallel_loop3A_1625 : vector<16xf32>
      %parallel_loop3A_1627 = arith.constant 1.280000e+02 : f32
      %parallel_loop3A_1628 = vector.broadcast %parallel_loop3A_1627 : f32 to vector<16xf32>
      %parallel_loop3A_1629 = arith.mulf %parallel_loop3A_1626, %parallel_loop3A_1628 : vector<16xf32>
      %parallel_loop3A_1630 = arith.fptosi %parallel_loop3A_1623 : vector<16xf32> to vector<16xi32>
      %parallel_loop3A_1631 = arith.fptosi %parallel_loop3A_1629 : vector<16xf32> to vector<16xi32>
      %parallel_loop3A_1632 = arith.sitofp %parallel_loop3A_1630 : vector<16xi32> to vector<16xf32>
      %parallel_loop3A_1633 = arith.subf %parallel_loop3A_1623, %parallel_loop3A_1632 : vector<16xf32>
      %parallel_loop3A_1634 = arith.sitofp %parallel_loop3A_1631 : vector<16xi32> to vector<16xf32>
      %parallel_loop3A_1635 = arith.subf %parallel_loop3A_1629, %parallel_loop3A_1634 : vector<16xf32>
      %parallel_loop3A_1636 = arith.constant 128 : i32
      %parallel_loop3A_1637 = vector.broadcast %parallel_loop3A_1636 : i32 to vector<16xi32>
      %parallel_loop3A_1638 = arith.muli %parallel_loop3A_1631, %parallel_loop3A_1637 : vector<16xi32>
      %parallel_loop3A_1639 = arith.addi %parallel_loop3A_1638, %parallel_loop3A_1630 : vector<16xi32>
      %parallel_loop3A_1640 = arith.constant 1 : i32
      %parallel_loop3A_1641 = vector.broadcast %parallel_loop3A_1640 : i32 to vector<16xi32>
      %parallel_loop3A_1642 = arith.addi %parallel_loop3A_1639, %parallel_loop3A_1641 : vector<16xi32>
      %parallel_loop3A_1643 = arith.constant 127 : i32
      %parallel_loop3A_1644 = vector.broadcast %parallel_loop3A_1643 : i32 to vector<16xi32>
      %parallel_loop3A_1645 = arith.cmpi slt, %parallel_loop3A_1630, %parallel_loop3A_1644 : vector<16xi32>
      %parallel_loop3A_1646 = arith.constant 1.000000e+00 : f32
      %parallel_loop3A_1647 = vector.broadcast %parallel_loop3A_1646 : f32 to vector<16xf32>
      %parallel_loop3A_1648 = arith.subf %parallel_loop3A_1647, %parallel_loop3A_1633 : vector<16xf32>
      %parallel_loop3A_1649 = arith.constant 1.000000e+00 : f32
      %parallel_loop3A_1650 = vector.broadcast %parallel_loop3A_1649 : f32 to vector<16xf32>
      %parallel_loop3A_1651 = arith.subf %parallel_loop3A_1650, %parallel_loop3A_1635 : vector<16xf32>
      %parallel_loop3A_1652 = arith.constant 0 : i32
      %parallel_loop3A_1653 = arith.constant 0 : i32
      %parallel_loop3A_1654 = arith.constant 0 : i32
      %parallel_loop3A_1655 = tpu.memref_slice %arg6[%parallel_loop3A_1177, %parallel_loop3A_1653, %parallel_loop3A_1654] : memref<2x4x4000xf32, #tpu.memory_space<vmem>> -> memref<1x4x4000xf32, #tpu.memory_space<vmem>>
      %parallel_loop3A_1656 = tpu.memref_squeeze %parallel_loop3A_1655 : memref<1x4x4000xf32, #tpu.memory_space<vmem>> -> memref<4x4000xf32, #tpu.memory_space<vmem>>
      %parallel_loop3A_1657 = arith.index_cast %parallel_loop3A_1652 : i32 to index
      %parallel_loop3A_1658 = arith.index_cast %parallel_loop3A_1601 : i32 to index
      %parallel_loop3A_1659 = tpu.vector_load %parallel_loop3A_1656[%parallel_loop3A_1657, %parallel_loop3A_1658] {strides = array<i32>} : memref<4x4000xf32, #tpu.memory_space<vmem>>, vector<16xf32>,
      %parallel_loop3A_1660 = arith.constant 1 : i32
      %parallel_loop3A_1661 = arith.constant 0 : i32
      %parallel_loop3A_1662 = arith.constant 0 : i32
      %parallel_loop3A_1663 = tpu.memref_slice %arg6[%parallel_loop3A_1177, %parallel_loop3A_1661, %parallel_loop3A_1662] : memref<2x4x4000xf32, #tpu.memory_space<vmem>> -> memref<1x4x4000xf32, #tpu.memory_space<vmem>>
      %parallel_loop3A_1664 = tpu.memref_squeeze %parallel_loop3A_1663 : memref<1x4x4000xf32, #tpu.memory_space<vmem>> -> memref<4x4000xf32, #tpu.memory_space<vmem>>
      %parallel_loop3A_1665 = arith.index_cast %parallel_loop3A_1660 : i32 to index
      %parallel_loop3A_1666 = arith.index_cast %parallel_loop3A_1601 : i32 to index
      %parallel_loop3A_1667 = tpu.vector_load %parallel_loop3A_1664[%parallel_loop3A_1665, %parallel_loop3A_1666] {strides = array<i32>} : memref<4x4000xf32, #tpu.memory_space<vmem>>, vector<16xf32>,
      %parallel_loop3A_1668 = arith.constant 2 : i32
      %parallel_loop3A_1669 = arith.constant 0 : i32
      %parallel_loop3A_1670 = arith.constant 0 : i32
      %parallel_loop3A_1671 = tpu.memref_slice %arg6[%parallel_loop3A_1177, %parallel_loop3A_1669, %parallel_loop3A_1670] : memref<2x4x4000xf32, #tpu.memory_space<vmem>> -> memref<1x4x4000xf32, #tpu.memory_space<vmem>>
      %parallel_loop3A_1672 = tpu.memref_squeeze %parallel_loop3A_1671 : memref<1x4x4000xf32, #tpu.memory_space<vmem>> -> memref<4x4000xf32, #tpu.memory_space<vmem>>
      %parallel_loop3A_1673 = arith.index_cast %parallel_loop3A_1668 : i32 to index
      %parallel_loop3A_1674 = arith.index_cast %parallel_loop3A_1601 : i32 to index
      %parallel_loop3A_1675 = tpu.vector_load %parallel_loop3A_1672[%parallel_loop3A_1673, %parallel_loop3A_1674] {strides = array<i32>} : memref<4x4000xf32, #tpu.memory_space<vmem>>, vector<16xf32>,
      %parallel_loop3A_1676 = arith.constant 3 : i32
      %parallel_loop3A_1677 = arith.constant 0 : i32
      %parallel_loop3A_1678 = arith.constant 0 : i32
      %parallel_loop3A_1679 = tpu.memref_slice %arg6[%parallel_loop3A_1177, %parallel_loop3A_1677, %parallel_loop3A_1678] : memref<2x4x4000xf32, #tpu.memory_space<vmem>> -> memref<1x4x4000xf32, #tpu.memory_space<vmem>>
      %parallel_loop3A_1680 = tpu.memref_squeeze %parallel_loop3A_1679 : memref<1x4x4000xf32, #tpu.memory_space<vmem>> -> memref<4x4000xf32, #tpu.memory_space<vmem>>
      %parallel_loop3A_1681 = arith.index_cast %parallel_loop3A_1676 : i32 to index
      %parallel_loop3A_1682 = arith.index_cast %parallel_loop3A_1601 : i32 to index
      %parallel_loop3A_1683 = tpu.vector_load %parallel_loop3A_1680[%parallel_loop3A_1681, %parallel_loop3A_1682] {strides = array<i32>} : memref<4x4000xf32, #tpu.memory_space<vmem>>, vector<16xf32>,
      %parallel_loop3A_1684 = arith.mulf %parallel_loop3A_1648, %parallel_loop3A_1651 : vector<16xf32>
      %parallel_loop3A_1685 = arith.mulf %parallel_loop3A_1684, %parallel_loop3A_1659 : vector<16xf32>
      %parallel_loop3A_1686 = arith.constant 0 : i32
      %parallel_loop3A_1687 = tpu.memref_slice %arg7[%parallel_loop3A_1178, %parallel_loop3A_1686] : memref<1x66080xf32, #tpu.memory_space<vmem>> -> memref<1x16392xf32, #tpu.memory_space<vmem>>
      %parallel_loop3A_1688 = tpu.memref_squeeze %parallel_loop3A_1687 : memref<1x16392xf32, #tpu.memory_space<vmem>> -> memref<16392xf32, #tpu.memory_space<vmem>>
      tpu.vector_store_idx %parallel_loop3A_1688[%parallel_loop3A_1639], %parallel_loop3A_1685 {add = true} : memref<16392xf32, #tpu.memory_space<vmem>>[vector<16xi32>], vector<16xf32>,
      %parallel_loop3A_1689 = arith.mulf %parallel_loop3A_1684, %parallel_loop3A_1667 : vector<16xf32>
      %parallel_loop3A_1690 = arith.constant 16520 : i32
      %parallel_loop3A_1691 = tpu.memref_slice %arg7[%parallel_loop3A_1179, %parallel_loop3A_1690] : memref<1x66080xf32, #tpu.memory_space<vmem>> -> memref<1x16392xf32, #tpu.memory_space<vmem>>
      %parallel_loop3A_1692 = tpu.memref_squeeze %parallel_loop3A_1691 : memref<1x16392xf32, #tpu.memory_space<vmem>> -> memref<16392xf32, #tpu.memory_space<vmem>>
      tpu.vector_store_idx %parallel_loop3A_1692[%parallel_loop3A_1639], %parallel_loop3A_1689 {add = true} : memref<16392xf32, #tpu.memory_space<vmem>>[vector<16xi32>], vector<16xf32>,
      %parallel_loop3A_1693 = arith.mulf %parallel_loop3A_1684, %parallel_loop3A_1675 : vector<16xf32>
      %parallel_loop3A_1694 = arith.constant 33040 : i32
      %parallel_loop3A_1695 = tpu.memref_slice %arg7[%parallel_loop3A_1180, %parallel_loop3A_1694] : memref<1x66080xf32, #tpu.memory_space<vmem>> -> memref<1x16392xf32, #tpu.memory_space<vmem>>
      %parallel_loop3A_1696 = tpu.memref_squeeze %parallel_loop3A_1695 : memref<1x16392xf32, #tpu.memory_space<vmem>> -> memref<16392xf32, #tpu.memory_space<vmem>>
      tpu.vector_store_idx %parallel_loop3A_1696[%parallel_loop3A_1639], %parallel_loop3A_1693 {add = true} : memref<16392xf32, #tpu.memory_space<vmem>>[vector<16xi32>], vector<16xf32>,
      %parallel_loop3A_1697 = arith.mulf %parallel_loop3A_1684, %parallel_loop3A_1683 : vector<16xf32>
      %parallel_loop3A_1698 = arith.constant 49560 : i32
      %parallel_loop3A_1699 = tpu.memref_slice %arg7[%parallel_loop3A_1181, %parallel_loop3A_1698] : memref<1x66080xf32, #tpu.memory_space<vmem>> -> memref<1x16392xf32, #tpu.memory_space<vmem>>
      %parallel_loop3A_1700 = tpu.memref_squeeze %parallel_loop3A_1699 : memref<1x16392xf32, #tpu.memory_space<vmem>> -> memref<16392xf32, #tpu.memory_space<vmem>>
      tpu.vector_store_idx %parallel_loop3A_1700[%parallel_loop3A_1639], %parallel_loop3A_1697 {add = true} : memref<16392xf32, #tpu.memory_space<vmem>>[vector<16xi32>], vector<16xf32>,
      %parallel_loop3A_1701 = arith.mulf %parallel_loop3A_1633, %parallel_loop3A_1651 : vector<16xf32>
      %parallel_loop3A_1702 = arith.mulf %parallel_loop3A_1701, %parallel_loop3A_1659 : vector<16xf32>
      %parallel_loop3A_1703 = arith.constant 0 : i32
      %parallel_loop3A_1704 = tpu.memref_slice %arg7[%parallel_loop3A_1178, %parallel_loop3A_1703] : memref<1x66080xf32, #tpu.memory_space<vmem>> -> memref<1x16392xf32, #tpu.memory_space<vmem>>
      %parallel_loop3A_1705 = tpu.memref_squeeze %parallel_loop3A_1704 : memref<1x16392xf32, #tpu.memory_space<vmem>> -> memref<16392xf32, #tpu.memory_space<vmem>>
      tpu.vector_store_idx %parallel_loop3A_1705[%parallel_loop3A_1642], %parallel_loop3A_1702 masked %parallel_loop3A_1645 {add = true} : memref<16392xf32, #tpu.memory_space<vmem>>[vector<16xi32>], vector<16xf32>, vector<16xi1>
      %parallel_loop3A_1706 = arith.mulf %parallel_loop3A_1701, %parallel_loop3A_1667 : vector<16xf32>
      %parallel_loop3A_1707 = arith.constant 16520 : i32
      %parallel_loop3A_1708 = tpu.memref_slice %arg7[%parallel_loop3A_1179, %parallel_loop3A_1707] : memref<1x66080xf32, #tpu.memory_space<vmem>> -> memref<1x16392xf32, #tpu.memory_space<vmem>>
      %parallel_loop3A_1709 = tpu.memref_squeeze %parallel_loop3A_1708 : memref<1x16392xf32, #tpu.memory_space<vmem>> -> memref<16392xf32, #tpu.memory_space<vmem>>
      tpu.vector_store_idx %parallel_loop3A_1709[%parallel_loop3A_1642], %parallel_loop3A_1706 masked %parallel_loop3A_1645 {add = true} : memref<16392xf32, #tpu.memory_space<vmem>>[vector<16xi32>], vector<16xf32>, vector<16xi1>
      %parallel_loop3A_1710 = arith.mulf %parallel_loop3A_1701, %parallel_loop3A_1675 : vector<16xf32>
      %parallel_loop3A_1711 = arith.constant 33040 : i32
      %parallel_loop3A_1712 = tpu.memref_slice %arg7[%parallel_loop3A_1180, %parallel_loop3A_1711] : memref<1x66080xf32, #tpu.memory_space<vmem>> -> memref<1x16392xf32, #tpu.memory_space<vmem>>
      %parallel_loop3A_1713 = tpu.memref_squeeze %parallel_loop3A_1712 : memref<1x16392xf32, #tpu.memory_space<vmem>> -> memref<16392xf32, #tpu.memory_space<vmem>>
      tpu.vector_store_idx %parallel_loop3A_1713[%parallel_loop3A_1642], %parallel_loop3A_1710 masked %parallel_loop3A_1645 {add = true} : memref<16392xf32, #tpu.memory_space<vmem>>[vector<16xi32>], vector<16xf32>, vector<16xi1>
      %parallel_loop3A_1714 = arith.mulf %parallel_loop3A_1701, %parallel_loop3A_1683 : vector<16xf32>
      %parallel_loop3A_1715 = arith.constant 49560 : i32
      %parallel_loop3A_1716 = tpu.memref_slice %arg7[%parallel_loop3A_1181, %parallel_loop3A_1715] : memref<1x66080xf32, #tpu.memory_space<vmem>> -> memref<1x16392xf32, #tpu.memory_space<vmem>>
      %parallel_loop3A_1717 = tpu.memref_squeeze %parallel_loop3A_1716 : memref<1x16392xf32, #tpu.memory_space<vmem>> -> memref<16392xf32, #tpu.memory_space<vmem>>
      tpu.vector_store_idx %parallel_loop3A_1717[%parallel_loop3A_1642], %parallel_loop3A_1714 masked %parallel_loop3A_1645 {add = true} : memref<16392xf32, #tpu.memory_space<vmem>>[vector<16xi32>], vector<16xf32>, vector<16xi1>
      %parallel_loop3A_1718 = arith.mulf %parallel_loop3A_1648, %parallel_loop3A_1635 : vector<16xf32>
      %parallel_loop3A_1719 = arith.mulf %parallel_loop3A_1718, %parallel_loop3A_1659 : vector<16xf32>
      %parallel_loop3A_1720 = arith.constant 128 : i32
      %parallel_loop3A_1721 = tpu.memref_slice %arg7[%parallel_loop3A_1182, %parallel_loop3A_1720] : memref<1x66080xf32, #tpu.memory_space<vmem>> -> memref<1x16392xf32, #tpu.memory_space<vmem>>
      %parallel_loop3A_1722 = tpu.memref_squeeze %parallel_loop3A_1721 : memref<1x16392xf32, #tpu.memory_space<vmem>> -> memref<16392xf32, #tpu.memory_space<vmem>>
      tpu.vector_store_idx %parallel_loop3A_1722[%parallel_loop3A_1639], %parallel_loop3A_1719 {add = true} : memref<16392xf32, #tpu.memory_space<vmem>>[vector<16xi32>], vector<16xf32>,
      %parallel_loop3A_1723 = arith.mulf %parallel_loop3A_1718, %parallel_loop3A_1667 : vector<16xf32>
      %parallel_loop3A_1724 = arith.constant 16648 : i32
      %parallel_loop3A_1725 = tpu.memref_slice %arg7[%parallel_loop3A_1183, %parallel_loop3A_1724] : memref<1x66080xf32, #tpu.memory_space<vmem>> -> memref<1x16392xf32, #tpu.memory_space<vmem>>
      %parallel_loop3A_1726 = tpu.memref_squeeze %parallel_loop3A_1725 : memref<1x16392xf32, #tpu.memory_space<vmem>> -> memref<16392xf32, #tpu.memory_space<vmem>>
      tpu.vector_store_idx %parallel_loop3A_1726[%parallel_loop3A_1639], %parallel_loop3A_1723 {add = true} : memref<16392xf32, #tpu.memory_space<vmem>>[vector<16xi32>], vector<16xf32>,
      %parallel_loop3A_1727 = arith.mulf %parallel_loop3A_1718, %parallel_loop3A_1675 : vector<16xf32>
      %parallel_loop3A_1728 = arith.constant 33168 : i32
      %parallel_loop3A_1729 = tpu.memref_slice %arg7[%parallel_loop3A_1184, %parallel_loop3A_1728] : memref<1x66080xf32, #tpu.memory_space<vmem>> -> memref<1x16392xf32, #tpu.memory_space<vmem>>
      %parallel_loop3A_1730 = tpu.memref_squeeze %parallel_loop3A_1729 : memref<1x16392xf32, #tpu.memory_space<vmem>> -> memref<16392xf32, #tpu.memory_space<vmem>>
      tpu.vector_store_idx %parallel_loop3A_1730[%parallel_loop3A_1639], %parallel_loop3A_1727 {add = true} : memref<16392xf32, #tpu.memory_space<vmem>>[vector<16xi32>], vector<16xf32>,
      %parallel_loop3A_1731 = arith.mulf %parallel_loop3A_1718, %parallel_loop3A_1683 : vector<16xf32>
      %parallel_loop3A_1732 = arith.constant 49688 : i32
      %parallel_loop3A_1733 = tpu.memref_slice %arg7[%parallel_loop3A_1185, %parallel_loop3A_1732] : memref<1x66080xf32, #tpu.memory_space<vmem>> -> memref<1x16392xf32, #tpu.memory_space<vmem>>
      %parallel_loop3A_1734 = tpu.memref_squeeze %parallel_loop3A_1733 : memref<1x16392xf32, #tpu.memory_space<vmem>> -> memref<16392xf32, #tpu.memory_space<vmem>>
      tpu.vector_store_idx %parallel_loop3A_1734[%parallel_loop3A_1639], %parallel_loop3A_1731 {add = true} : memref<16392xf32, #tpu.memory_space<vmem>>[vector<16xi32>], vector<16xf32>,
      %parallel_loop3A_1735 = arith.mulf %parallel_loop3A_1633, %parallel_loop3A_1635 : vector<16xf32>
      %parallel_loop3A_1736 = arith.mulf %parallel_loop3A_1735, %parallel_loop3A_1659 : vector<16xf32>
      %parallel_loop3A_1737 = arith.constant 128 : i32
      %parallel_loop3A_1738 = tpu.memref_slice %arg7[%parallel_loop3A_1182, %parallel_loop3A_1737] : memref<1x66080xf32, #tpu.memory_space<vmem>> -> memref<1x16392xf32, #tpu.memory_space<vmem>>
      %parallel_loop3A_1739 = tpu.memref_squeeze %parallel_loop3A_1738 : memref<1x16392xf32, #tpu.memory_space<vmem>> -> memref<16392xf32, #tpu.memory_space<vmem>>
      tpu.vector_store_idx %parallel_loop3A_1739[%parallel_loop3A_1642], %parallel_loop3A_1736 masked %parallel_loop3A_1645 {add = true} : memref<16392xf32, #tpu.memory_space<vmem>>[vector<16xi32>], vector<16xf32>, vector<16xi1>
      %parallel_loop3A_1740 = arith.mulf %parallel_loop3A_1735, %parallel_loop3A_1667 : vector<16xf32>
      %parallel_loop3A_1741 = arith.constant 16648 : i32
      %parallel_loop3A_1742 = tpu.memref_slice %arg7[%parallel_loop3A_1183, %parallel_loop3A_1741] : memref<1x66080xf32, #tpu.memory_space<vmem>> -> memref<1x16392xf32, #tpu.memory_space<vmem>>
      %parallel_loop3A_1743 = tpu.memref_squeeze %parallel_loop3A_1742 : memref<1x16392xf32, #tpu.memory_space<vmem>> -> memref<16392xf32, #tpu.memory_space<vmem>>
      tpu.vector_store_idx %parallel_loop3A_1743[%parallel_loop3A_1642], %parallel_loop3A_1740 masked %parallel_loop3A_1645 {add = true} : memref<16392xf32, #tpu.memory_space<vmem>>[vector<16xi32>], vector<16xf32>, vector<16xi1>
      %parallel_loop3A_1744 = arith.mulf %parallel_loop3A_1735, %parallel_loop3A_1675 : vector<16xf32>
      %parallel_loop3A_1745 = arith.constant 33168 : i32
      %parallel_loop3A_1746 = tpu.memref_slice %arg7[%parallel_loop3A_1184, %parallel_loop3A_1745] : memref<1x66080xf32, #tpu.memory_space<vmem>> -> memref<1x16392xf32, #tpu.memory_space<vmem>>
      %parallel_loop3A_1747 = tpu.memref_squeeze %parallel_loop3A_1746 : memref<1x16392xf32, #tpu.memory_space<vmem>> -> memref<16392xf32, #tpu.memory_space<vmem>>
      tpu.vector_store_idx %parallel_loop3A_1747[%parallel_loop3A_1642], %parallel_loop3A_1744 masked %parallel_loop3A_1645 {add = true} : memref<16392xf32, #tpu.memory_space<vmem>>[vector<16xi32>], vector<16xf32>, vector<16xi1>
      %parallel_loop3A_1748 = arith.mulf %parallel_loop3A_1735, %parallel_loop3A_1683 : vector<16xf32>
      %parallel_loop3A_1749 = arith.constant 49688 : i32
      %parallel_loop3A_1750 = tpu.memref_slice %arg7[%parallel_loop3A_1185, %parallel_loop3A_1749] : memref<1x66080xf32, #tpu.memory_space<vmem>> -> memref<1x16392xf32, #tpu.memory_space<vmem>>
      %parallel_loop3A_1751 = tpu.memref_squeeze %parallel_loop3A_1750 : memref<1x16392xf32, #tpu.memory_space<vmem>> -> memref<16392xf32, #tpu.memory_space<vmem>>
      tpu.vector_store_idx %parallel_loop3A_1751[%parallel_loop3A_1642], %parallel_loop3A_1748 masked %parallel_loop3A_1645 {add = true} : memref<16392xf32, #tpu.memory_space<vmem>>[vector<16xi32>], vector<16xf32>, vector<16xi1>
    } {sc.loop_unroll_factor = 2 : i64, sc.parallel_access}
    %mul3A_1186 = arith.constant 2 : i32
    %mul3A_1187 = arith.muli %add3A, %mul3A_1186 : i32
    %add3A_1188 = arith.constant 1 : i32
    %add3A_1189 = arith.addi %mul3A_1187, %add3A_1188 : i32
    %jit3A_1190 = arith.constant 8 : i32
    %div3A_1191 = arith.divsi %add3A_1189, %jit3A_1190 : i32
    %sign3A_1192 = arith.constant 0 : i32
    %sign3A_1193 = arith.cmpi sgt, %add3A_1189, %sign3A_1192 : i32
    %sign3A_1194 = arith.extui %sign3A_1193 : i1 to i32
    %sign3A_1195 = arith.constant 0 : i32
    %sign3A_1196 = arith.cmpi slt, %add3A_1189, %sign3A_1195 : i32
    %sign3A_1197 = arith.extui %sign3A_1196 : i1 to i32
    %sign3A_1198 = arith.subi %sign3A_1194, %sign3A_1197 : i32
    %sign3A_1199 = arith.constant 0 : i32
    %sign3A_1200 = arith.cmpi sgt, %jit3A_1190, %sign3A_1199 : i32
    %sign3A_1201 = arith.extui %sign3A_1200 : i1 to i32
    %sign3A_1202 = arith.constant 0 : i32
    %sign3A_1203 = arith.cmpi slt, %jit3A_1190, %sign3A_1202 : i32
    %sign3A_1204 = arith.extui %sign3A_1203 : i1 to i32
    %sign3A_1205 = arith.subi %sign3A_1201, %sign3A_1204 : i32
    %ne3A_1206 = arith.cmpi ne, %sign3A_1198, %sign3A_1205 : i32
    %rem3A_1207 = arith.remsi %add3A_1189, %jit3A_1190 : i32
    %ne3A_1208 = arith.constant 0 : i32
    %ne3A_1209 = arith.cmpi ne, %rem3A_1207, %ne3A_1208 : i32
    %and3A_1210 = arith.andi %ne3A_1206, %ne3A_1209 : i1
    %sub3A_1211 = arith.constant 1 : i32
    %sub3A_1212 = arith.subi %div3A_1191, %sub3A_1211 : i32
    %select_n3A_1213 = arith.select %and3A_1210, %sub3A_1212, %div3A_1191 : i32
    %jit3A_1214 = arith.constant 8 : i32
    %eq3A_1215 = arith.constant 0 : i32
    %eq3A_1216 = arith.cmpi eq, %jit3A_1214, %eq3A_1215 : i32
    %jit3A_1217 = arith.constant 1 : i32
    %select_n3A_1218 = arith.select %eq3A_1216, %jit3A_1217, %jit3A_1214 : i32
    %rem3A_1219 = arith.remsi %add3A_1189, %select_n3A_1218 : i32
    %ne3A_1220 = arith.constant 0 : i32
    %ne3A_1221 = arith.cmpi ne, %rem3A_1219, %ne3A_1220 : i32
    %lt3A_1222 = arith.constant 0 : i32
    %lt3A_1223 = arith.cmpi slt, %rem3A_1219, %lt3A_1222 : i32
    %lt3A_1224 = arith.constant 0 : i32
    %lt3A_1225 = arith.cmpi slt, %select_n3A_1218, %lt3A_1224 : i32
    %ne3A_1226 = arith.xori %lt3A_1223, %lt3A_1225 : i1
    %and3A_1227 = arith.andi %ne3A_1226, %ne3A_1221 : i1
    %add3A_1228 = arith.addi %rem3A_1219, %select_n3A_1218 : i32
    %select_n3A_1229 = arith.select %and3A_1227, %add3A_1228, %rem3A_1219 : i32
    %mul3A_1230 = arith.constant 32 : i32
    %mul3A_1231 = arith.muli %select_n3A_1213, %mul3A_1230 : i32
    %mul3A_1232 = arith.constant 4 : i32
    %mul3A_1233 = arith.muli %select_n3A_1229, %mul3A_1232 : i32
    %add3A_1234 = arith.addi %mul3A_1231, %mul3A_1233 : i32
    %mul3A_1235 = arith.constant 2 : i32
    %mul3A_1236 = arith.muli %select_n3A_1213, %mul3A_1235 : i32
    %dma_start3A_1237 = arith.constant 0 : i32
    %dma_start3A_1238 = arith.constant 0 : i32
    %dma_start3A_1239 = arith.constant 0 : i32
    %dma_start3A_1240 = arith.constant 0 : i32
    %dma_start3A_1241 = tpu.memref_slice %arg5[%dma_start3A_1237, %dma_start3A_1239, %dma_start3A_1240] : memref<2x2x4000xf32, #tpu.memory_space<vmem>> -> memref<1x2x4000xf32, #tpu.memory_space<vmem>>
    %dma_start3A_1242 = tpu.memref_squeeze %dma_start3A_1241 : memref<1x2x4000xf32, #tpu.memory_space<vmem>> -> memref<2x4000xf32, #tpu.memory_space<vmem>>
    %dma_start3A_1243 = arith.constant 12000 : i32
    %dma_start3A_1244 = tpu.memref_slice %arg2[%mul3A_1236, %dma_start3A_1243] : memref<16x20000xf32, #tpu.memory_space<hbm>> -> memref<2x4000xf32, #tpu.memory_space<hbm>>
    %dma_start3A_1245 = tpu.memref_slice %arg8[%dma_start3A_1238] : memref<3x!tpu.dma_semaphore, #tpu.memory_space<semaphore_mem>> -> memref<1x!tpu.dma_semaphore, #tpu.memory_space<semaphore_mem>>
    %dma_start3A_1246 = tpu.memref_squeeze %dma_start3A_1245 : memref<1x!tpu.dma_semaphore, #tpu.memory_space<semaphore_mem>> -> memref<!tpu.dma_semaphore, #tpu.memory_space<semaphore_mem>>
    %dma_start3A_1247 = arith.constant 0 : i32
    %dma_start3A_1248 = arith.constant 0 : i32
    %dma_start3A_1249 = tpu.memref_slice %arg5[%dma_start3A_1237, %dma_start3A_1247, %dma_start3A_1248] : memref<2x2x4000xf32, #tpu.memory_space<vmem>> -> memref<1x2x4000xf32, #tpu.memory_space<vmem>>
    %dma_start3A_1250 = tpu.memref_squeeze %dma_start3A_1249 : memref<1x2x4000xf32, #tpu.memory_space<vmem>> -> memref<2x4000xf32, #tpu.memory_space<vmem>>
    %dma_start3A_1251 = arith.constant 12000 : i32
    %dma_start3A_1252 = tpu.memref_slice %arg2[%mul3A_1236, %dma_start3A_1251] : memref<16x20000xf32, #tpu.memory_space<hbm>> -> memref<2x4000xf32, #tpu.memory_space<hbm>>
    tpu.enqueue_dma source(%dma_start3A_1252 : memref<2x4000xf32, #tpu.memory_space<hbm>>) target(%dma_start3A_1250 : memref<2x4000xf32, #tpu.memory_space<vmem>>) target_semaphore(%dma_start3A_1246 : memref<!tpu.dma_semaphore, #tpu.memory_space<semaphore_mem>>)
    %dma_start3A_1253 = arith.constant 0 : i32
    %dma_start3A_1254 = arith.constant 0 : i32
    %dma_start3A_1255 = arith.constant 0 : i32
    %dma_start3A_1256 = arith.constant 0 : i32
    %dma_start3A_1257 = tpu.memref_slice %arg6[%dma_start3A_1253, %dma_start3A_1255, %dma_start3A_1256] : memref<2x4x4000xf32, #tpu.memory_space<vmem>> -> memref<1x4x4000xf32, #tpu.memory_space<vmem>>
    %dma_start3A_1258 = tpu.memref_squeeze %dma_start3A_1257 : memref<1x4x4000xf32, #tpu.memory_space<vmem>> -> memref<4x4000xf32, #tpu.memory_space<vmem>>
    %dma_start3A_1259 = arith.constant 12000 : i32
    %dma_start3A_1260 = tpu.memref_slice %arg3[%add3A_1234, %dma_start3A_1259] : memref<256x20000xf32, #tpu.memory_space<hbm>> -> memref<4x4000xf32, #tpu.memory_space<hbm>>
    %dma_start3A_1261 = tpu.memref_slice %arg8[%dma_start3A_1254] : memref<3x!tpu.dma_semaphore, #tpu.memory_space<semaphore_mem>> -> memref<1x!tpu.dma_semaphore, #tpu.memory_space<semaphore_mem>>
    %dma_start3A_1262 = tpu.memref_squeeze %dma_start3A_1261 : memref<1x!tpu.dma_semaphore, #tpu.memory_space<semaphore_mem>> -> memref<!tpu.dma_semaphore, #tpu.memory_space<semaphore_mem>>
    %dma_start3A_1263 = arith.constant 0 : i32
    %dma_start3A_1264 = arith.constant 0 : i32
    %dma_start3A_1265 = tpu.memref_slice %arg6[%dma_start3A_1253, %dma_start3A_1263, %dma_start3A_1264] : memref<2x4x4000xf32, #tpu.memory_space<vmem>> -> memref<1x4x4000xf32, #tpu.memory_space<vmem>>
    %dma_start3A_1266 = tpu.memref_squeeze %dma_start3A_1265 : memref<1x4x4000xf32, #tpu.memory_space<vmem>> -> memref<4x4000xf32, #tpu.memory_space<vmem>>
    %dma_start3A_1267 = arith.constant 12000 : i32
    %dma_start3A_1268 = tpu.memref_slice %arg3[%add3A_1234, %dma_start3A_1267] : memref<256x20000xf32, #tpu.memory_space<hbm>> -> memref<4x4000xf32, #tpu.memory_space<hbm>>
    tpu.enqueue_dma source(%dma_start3A_1268 : memref<4x4000xf32, #tpu.memory_space<hbm>>) target(%dma_start3A_1266 : memref<4x4000xf32, #tpu.memory_space<vmem>>) target_semaphore(%dma_start3A_1262 : memref<!tpu.dma_semaphore, #tpu.memory_space<semaphore_mem>>)
    %dma_wait3A_1269 = arith.constant 1 : i32
    %dma_wait3A_1270 = arith.constant 1 : i32
    %dma_wait3A_1271 = arith.constant 0 : i32
    %dma_wait3A_1272 = arith.constant 0 : i32
    %dma_wait3A_1273 = tpu.memref_slice %arg5[%dma_wait3A_1269, %dma_wait3A_1271, %dma_wait3A_1272] : memref<2x2x4000xf32, #tpu.memory_space<vmem>> -> memref<1x2x4000xf32, #tpu.memory_space<vmem>>
    %dma_wait3A_1274 = tpu.memref_squeeze %dma_wait3A_1273 : memref<1x2x4000xf32, #tpu.memory_space<vmem>> -> memref<2x4000xf32, #tpu.memory_space<vmem>>
    %dma_wait3A_1275 = arith.constant 8000 : i32
    %dma_wait3A_1276 = tpu.memref_slice %arg2[%mul3A_1108, %dma_wait3A_1275] : memref<16x20000xf32, #tpu.memory_space<hbm>> -> memref<2x4000xf32, #tpu.memory_space<hbm>>
    %dma_wait3A_1277 = tpu.memref_slice %arg8[%dma_wait3A_1270] : memref<3x!tpu.dma_semaphore, #tpu.memory_space<semaphore_mem>> -> memref<1x!tpu.dma_semaphore, #tpu.memory_space<semaphore_mem>>
    %dma_wait3A_1278 = tpu.memref_squeeze %dma_wait3A_1277 : memref<1x!tpu.dma_semaphore, #tpu.memory_space<semaphore_mem>> -> memref<!tpu.dma_semaphore, #tpu.memory_space<semaphore_mem>>
    %dma_wait3A_1279 = arith.constant 0 : i32
    %dma_wait3A_1280 = arith.constant 0 : i32
    %dma_wait3A_1281 = tpu.memref_slice %arg5[%dma_wait3A_1269, %dma_wait3A_1279, %dma_wait3A_1280] : memref<2x2x4000xf32, #tpu.memory_space<vmem>> -> memref<1x2x4000xf32, #tpu.memory_space<vmem>>
    %dma_wait3A_1282 = tpu.memref_squeeze %dma_wait3A_1281 : memref<1x2x4000xf32, #tpu.memory_space<vmem>> -> memref<2x4000xf32, #tpu.memory_space<vmem>>
    %dma_wait3A_1283 = arith.constant 8000 : i32
    %dma_wait3A_1284 = tpu.memref_slice %arg2[%mul3A_1108, %dma_wait3A_1283] : memref<16x20000xf32, #tpu.memory_space<hbm>> -> memref<2x4000xf32, #tpu.memory_space<hbm>>
    tpu.wait_dma2 semaphore(%dma_wait3A_1278 : memref<!tpu.dma_semaphore, #tpu.memory_space<semaphore_mem>>) src(%dma_wait3A_1284 : memref<2x4000xf32, #tpu.memory_space<hbm>>) dst(%dma_wait3A_1282 : memref<2x4000xf32, #tpu.memory_space<vmem>>)
    %dma_wait3A_1285 = arith.constant 1 : i32
    %dma_wait3A_1286 = arith.constant 1 : i32
    %dma_wait3A_1287 = arith.constant 0 : i32
    %dma_wait3A_1288 = arith.constant 0 : i32
    %dma_wait3A_1289 = tpu.memref_slice %arg6[%dma_wait3A_1285, %dma_wait3A_1287, %dma_wait3A_1288] : memref<2x4x4000xf32, #tpu.memory_space<vmem>> -> memref<1x4x4000xf32, #tpu.memory_space<vmem>>
    %dma_wait3A_1290 = tpu.memref_squeeze %dma_wait3A_1289 : memref<1x4x4000xf32, #tpu.memory_space<vmem>> -> memref<4x4000xf32, #tpu.memory_space<vmem>>
    %dma_wait3A_1291 = arith.constant 8000 : i32
    %dma_wait3A_1292 = tpu.memref_slice %arg3[%add3A_1106, %dma_wait3A_1291] : memref<256x20000xf32, #tpu.memory_space<hbm>> -> memref<4x4000xf32, #tpu.memory_space<hbm>>
    %dma_wait3A_1293 = tpu.memref_slice %arg8[%dma_wait3A_1286] : memref<3x!tpu.dma_semaphore, #tpu.memory_space<semaphore_mem>> -> memref<1x!tpu.dma_semaphore, #tpu.memory_space<semaphore_mem>>
    %dma_wait3A_1294 = tpu.memref_squeeze %dma_wait3A_1293 : memref<1x!tpu.dma_semaphore, #tpu.memory_space<semaphore_mem>> -> memref<!tpu.dma_semaphore, #tpu.memory_space<semaphore_mem>>
    %dma_wait3A_1295 = arith.constant 0 : i32
    %dma_wait3A_1296 = arith.constant 0 : i32
    %dma_wait3A_1297 = tpu.memref_slice %arg6[%dma_wait3A_1285, %dma_wait3A_1295, %dma_wait3A_1296] : memref<2x4x4000xf32, #tpu.memory_space<vmem>> -> memref<1x4x4000xf32, #tpu.memory_space<vmem>>
    %dma_wait3A_1298 = tpu.memref_squeeze %dma_wait3A_1297 : memref<1x4x4000xf32, #tpu.memory_space<vmem>> -> memref<4x4000xf32, #tpu.memory_space<vmem>>
    %dma_wait3A_1299 = arith.constant 8000 : i32
    %dma_wait3A_1300 = tpu.memref_slice %arg3[%add3A_1106, %dma_wait3A_1299] : memref<256x20000xf32, #tpu.memory_space<hbm>> -> memref<4x4000xf32, #tpu.memory_space<hbm>>
    tpu.wait_dma2 semaphore(%dma_wait3A_1294 : memref<!tpu.dma_semaphore, #tpu.memory_space<semaphore_mem>>) src(%dma_wait3A_1300 : memref<4x4000xf32, #tpu.memory_space<hbm>>) dst(%dma_wait3A_1298 : memref<4x4000xf32, #tpu.memory_space<vmem>>)
    %parallel_loop3A_1301 = arith.constant 0 : i32
    %parallel_loop3A_1302 = arith.constant 250 : i32
    %parallel_loop3A_1303 = arith.constant 1 : i32
    %parallel_loop3A_1304 = arith.constant 1 : i32
    %parallel_loop3A_1305 = arith.constant 1 : i32
    %parallel_loop3A_1306 = arith.constant 0 : i32
    %parallel_loop3A_1307 = arith.constant 0 : i32
    %parallel_loop3A_1308 = arith.constant 0 : i32
    %parallel_loop3A_1309 = arith.constant 0 : i32
    %parallel_loop3A_1310 = arith.constant 0 : i32
    %parallel_loop3A_1311 = arith.constant 0 : i32
    %parallel_loop3A_1312 = arith.constant 0 : i32
    %parallel_loop3A_1313 = arith.constant 0 : i32
    scf.for %parallel_loop3A_1599 = %parallel_loop3A_1301 to %parallel_loop3A_1302 step %parallel_loop3A_1303  : i32 {
      %parallel_loop3A_1600 = arith.constant 16 : i32
      %parallel_loop3A_1601 = arith.muli %parallel_loop3A_1599, %parallel_loop3A_1600 : i32
      %parallel_loop3A_1602 = arith.constant 0 : i32
      %parallel_loop3A_1603 = arith.constant 0 : i32
      %parallel_loop3A_1604 = arith.constant 0 : i32
      %parallel_loop3A_1605 = tpu.memref_slice %arg5[%parallel_loop3A_1304, %parallel_loop3A_1603, %parallel_loop3A_1604] : memref<2x2x4000xf32, #tpu.memory_space<vmem>> -> memref<1x2x4000xf32, #tpu.memory_space<vmem>>
      %parallel_loop3A_1606 = tpu.memref_squeeze %parallel_loop3A_1605 : memref<1x2x4000xf32, #tpu.memory_space<vmem>> -> memref<2x4000xf32, #tpu.memory_space<vmem>>
      %parallel_loop3A_1607 = arith.index_cast %parallel_loop3A_1602 : i32 to index
      %parallel_loop3A_1608 = arith.index_cast %parallel_loop3A_1601 : i32 to index
      %parallel_loop3A_1609 = tpu.vector_load %parallel_loop3A_1606[%parallel_loop3A_1607, %parallel_loop3A_1608] {strides = array<i32>} : memref<2x4000xf32, #tpu.memory_space<vmem>>, vector<16xf32>,
      %parallel_loop3A_1610 = arith.constant 1 : i32
      %parallel_loop3A_1611 = arith.constant 0 : i32
      %parallel_loop3A_1612 = arith.constant 0 : i32
      %parallel_loop3A_1613 = tpu.memref_slice %arg5[%parallel_loop3A_1304, %parallel_loop3A_1611, %parallel_loop3A_1612] : memref<2x2x4000xf32, #tpu.memory_space<vmem>> -> memref<1x2x4000xf32, #tpu.memory_space<vmem>>
      %parallel_loop3A_1614 = tpu.memref_squeeze %parallel_loop3A_1613 : memref<1x2x4000xf32, #tpu.memory_space<vmem>> -> memref<2x4000xf32, #tpu.memory_space<vmem>>
      %parallel_loop3A_1615 = arith.index_cast %parallel_loop3A_1610 : i32 to index
      %parallel_loop3A_1616 = arith.index_cast %parallel_loop3A_1601 : i32 to index
      %parallel_loop3A_1617 = tpu.vector_load %parallel_loop3A_1614[%parallel_loop3A_1615, %parallel_loop3A_1616] {strides = array<i32>} : memref<2x4000xf32, #tpu.memory_space<vmem>>, vector<16xf32>,
      %parallel_loop3A_1618 = arith.constant 5.000000e-01 : f32
      %parallel_loop3A_1619 = vector.broadcast %parallel_loop3A_1618 : f32 to vector<16xf32>
      %parallel_loop3A_1620 = arith.addf %parallel_loop3A_1609, %parallel_loop3A_1619 : vector<16xf32>
      %parallel_loop3A_1621 = arith.constant 1.280000e+02 : f32
      %parallel_loop3A_1622 = vector.broadcast %parallel_loop3A_1621 : f32 to vector<16xf32>
      %parallel_loop3A_1623 = arith.mulf %parallel_loop3A_1620, %parallel_loop3A_1622 : vector<16xf32>
      %parallel_loop3A_1624 = arith.constant 5.000000e-01 : f32
      %parallel_loop3A_1625 = vector.broadcast %parallel_loop3A_1624 : f32 to vector<16xf32>
      %parallel_loop3A_1626 = arith.addf %parallel_loop3A_1617, %parallel_loop3A_1625 : vector<16xf32>
      %parallel_loop3A_1627 = arith.constant 1.280000e+02 : f32
      %parallel_loop3A_1628 = vector.broadcast %parallel_loop3A_1627 : f32 to vector<16xf32>
      %parallel_loop3A_1629 = arith.mulf %parallel_loop3A_1626, %parallel_loop3A_1628 : vector<16xf32>
      %parallel_loop3A_1630 = arith.fptosi %parallel_loop3A_1623 : vector<16xf32> to vector<16xi32>
      %parallel_loop3A_1631 = arith.fptosi %parallel_loop3A_1629 : vector<16xf32> to vector<16xi32>
      %parallel_loop3A_1632 = arith.sitofp %parallel_loop3A_1630 : vector<16xi32> to vector<16xf32>
      %parallel_loop3A_1633 = arith.subf %parallel_loop3A_1623, %parallel_loop3A_1632 : vector<16xf32>
      %parallel_loop3A_1634 = arith.sitofp %parallel_loop3A_1631 : vector<16xi32> to vector<16xf32>
      %parallel_loop3A_1635 = arith.subf %parallel_loop3A_1629, %parallel_loop3A_1634 : vector<16xf32>
      %parallel_loop3A_1636 = arith.constant 128 : i32
      %parallel_loop3A_1637 = vector.broadcast %parallel_loop3A_1636 : i32 to vector<16xi32>
      %parallel_loop3A_1638 = arith.muli %parallel_loop3A_1631, %parallel_loop3A_1637 : vector<16xi32>
      %parallel_loop3A_1639 = arith.addi %parallel_loop3A_1638, %parallel_loop3A_1630 : vector<16xi32>
      %parallel_loop3A_1640 = arith.constant 1 : i32
      %parallel_loop3A_1641 = vector.broadcast %parallel_loop3A_1640 : i32 to vector<16xi32>
      %parallel_loop3A_1642 = arith.addi %parallel_loop3A_1639, %parallel_loop3A_1641 : vector<16xi32>
      %parallel_loop3A_1643 = arith.constant 127 : i32
      %parallel_loop3A_1644 = vector.broadcast %parallel_loop3A_1643 : i32 to vector<16xi32>
      %parallel_loop3A_1645 = arith.cmpi slt, %parallel_loop3A_1630, %parallel_loop3A_1644 : vector<16xi32>
      %parallel_loop3A_1646 = arith.constant 1.000000e+00 : f32
      %parallel_loop3A_1647 = vector.broadcast %parallel_loop3A_1646 : f32 to vector<16xf32>
      %parallel_loop3A_1648 = arith.subf %parallel_loop3A_1647, %parallel_loop3A_1633 : vector<16xf32>
      %parallel_loop3A_1649 = arith.constant 1.000000e+00 : f32
      %parallel_loop3A_1650 = vector.broadcast %parallel_loop3A_1649 : f32 to vector<16xf32>
      %parallel_loop3A_1651 = arith.subf %parallel_loop3A_1650, %parallel_loop3A_1635 : vector<16xf32>
      %parallel_loop3A_1652 = arith.constant 0 : i32
      %parallel_loop3A_1653 = arith.constant 0 : i32
      %parallel_loop3A_1654 = arith.constant 0 : i32
      %parallel_loop3A_1655 = tpu.memref_slice %arg6[%parallel_loop3A_1305, %parallel_loop3A_1653, %parallel_loop3A_1654] : memref<2x4x4000xf32, #tpu.memory_space<vmem>> -> memref<1x4x4000xf32, #tpu.memory_space<vmem>>
      %parallel_loop3A_1656 = tpu.memref_squeeze %parallel_loop3A_1655 : memref<1x4x4000xf32, #tpu.memory_space<vmem>> -> memref<4x4000xf32, #tpu.memory_space<vmem>>
      %parallel_loop3A_1657 = arith.index_cast %parallel_loop3A_1652 : i32 to index
      %parallel_loop3A_1658 = arith.index_cast %parallel_loop3A_1601 : i32 to index
      %parallel_loop3A_1659 = tpu.vector_load %parallel_loop3A_1656[%parallel_loop3A_1657, %parallel_loop3A_1658] {strides = array<i32>} : memref<4x4000xf32, #tpu.memory_space<vmem>>, vector<16xf32>,
      %parallel_loop3A_1660 = arith.constant 1 : i32
      %parallel_loop3A_1661 = arith.constant 0 : i32
      %parallel_loop3A_1662 = arith.constant 0 : i32
      %parallel_loop3A_1663 = tpu.memref_slice %arg6[%parallel_loop3A_1305, %parallel_loop3A_1661, %parallel_loop3A_1662] : memref<2x4x4000xf32, #tpu.memory_space<vmem>> -> memref<1x4x4000xf32, #tpu.memory_space<vmem>>
      %parallel_loop3A_1664 = tpu.memref_squeeze %parallel_loop3A_1663 : memref<1x4x4000xf32, #tpu.memory_space<vmem>> -> memref<4x4000xf32, #tpu.memory_space<vmem>>
      %parallel_loop3A_1665 = arith.index_cast %parallel_loop3A_1660 : i32 to index
      %parallel_loop3A_1666 = arith.index_cast %parallel_loop3A_1601 : i32 to index
      %parallel_loop3A_1667 = tpu.vector_load %parallel_loop3A_1664[%parallel_loop3A_1665, %parallel_loop3A_1666] {strides = array<i32>} : memref<4x4000xf32, #tpu.memory_space<vmem>>, vector<16xf32>,
      %parallel_loop3A_1668 = arith.constant 2 : i32
      %parallel_loop3A_1669 = arith.constant 0 : i32
      %parallel_loop3A_1670 = arith.constant 0 : i32
      %parallel_loop3A_1671 = tpu.memref_slice %arg6[%parallel_loop3A_1305, %parallel_loop3A_1669, %parallel_loop3A_1670] : memref<2x4x4000xf32, #tpu.memory_space<vmem>> -> memref<1x4x4000xf32, #tpu.memory_space<vmem>>
      %parallel_loop3A_1672 = tpu.memref_squeeze %parallel_loop3A_1671 : memref<1x4x4000xf32, #tpu.memory_space<vmem>> -> memref<4x4000xf32, #tpu.memory_space<vmem>>
      %parallel_loop3A_1673 = arith.index_cast %parallel_loop3A_1668 : i32 to index
      %parallel_loop3A_1674 = arith.index_cast %parallel_loop3A_1601 : i32 to index
      %parallel_loop3A_1675 = tpu.vector_load %parallel_loop3A_1672[%parallel_loop3A_1673, %parallel_loop3A_1674] {strides = array<i32>} : memref<4x4000xf32, #tpu.memory_space<vmem>>, vector<16xf32>,
      %parallel_loop3A_1676 = arith.constant 3 : i32
      %parallel_loop3A_1677 = arith.constant 0 : i32
      %parallel_loop3A_1678 = arith.constant 0 : i32
      %parallel_loop3A_1679 = tpu.memref_slice %arg6[%parallel_loop3A_1305, %parallel_loop3A_1677, %parallel_loop3A_1678] : memref<2x4x4000xf32, #tpu.memory_space<vmem>> -> memref<1x4x4000xf32, #tpu.memory_space<vmem>>
      %parallel_loop3A_1680 = tpu.memref_squeeze %parallel_loop3A_1679 : memref<1x4x4000xf32, #tpu.memory_space<vmem>> -> memref<4x4000xf32, #tpu.memory_space<vmem>>
      %parallel_loop3A_1681 = arith.index_cast %parallel_loop3A_1676 : i32 to index
      %parallel_loop3A_1682 = arith.index_cast %parallel_loop3A_1601 : i32 to index
      %parallel_loop3A_1683 = tpu.vector_load %parallel_loop3A_1680[%parallel_loop3A_1681, %parallel_loop3A_1682] {strides = array<i32>} : memref<4x4000xf32, #tpu.memory_space<vmem>>, vector<16xf32>,
      %parallel_loop3A_1684 = arith.mulf %parallel_loop3A_1648, %parallel_loop3A_1651 : vector<16xf32>
      %parallel_loop3A_1685 = arith.mulf %parallel_loop3A_1684, %parallel_loop3A_1659 : vector<16xf32>
      %parallel_loop3A_1686 = arith.constant 0 : i32
      %parallel_loop3A_1687 = tpu.memref_slice %arg7[%parallel_loop3A_1306, %parallel_loop3A_1686] : memref<1x66080xf32, #tpu.memory_space<vmem>> -> memref<1x16392xf32, #tpu.memory_space<vmem>>
      %parallel_loop3A_1688 = tpu.memref_squeeze %parallel_loop3A_1687 : memref<1x16392xf32, #tpu.memory_space<vmem>> -> memref<16392xf32, #tpu.memory_space<vmem>>
      tpu.vector_store_idx %parallel_loop3A_1688[%parallel_loop3A_1639], %parallel_loop3A_1685 {add = true} : memref<16392xf32, #tpu.memory_space<vmem>>[vector<16xi32>], vector<16xf32>,
      %parallel_loop3A_1689 = arith.mulf %parallel_loop3A_1684, %parallel_loop3A_1667 : vector<16xf32>
      %parallel_loop3A_1690 = arith.constant 16520 : i32
      %parallel_loop3A_1691 = tpu.memref_slice %arg7[%parallel_loop3A_1307, %parallel_loop3A_1690] : memref<1x66080xf32, #tpu.memory_space<vmem>> -> memref<1x16392xf32, #tpu.memory_space<vmem>>
      %parallel_loop3A_1692 = tpu.memref_squeeze %parallel_loop3A_1691 : memref<1x16392xf32, #tpu.memory_space<vmem>> -> memref<16392xf32, #tpu.memory_space<vmem>>
      tpu.vector_store_idx %parallel_loop3A_1692[%parallel_loop3A_1639], %parallel_loop3A_1689 {add = true} : memref<16392xf32, #tpu.memory_space<vmem>>[vector<16xi32>], vector<16xf32>,
      %parallel_loop3A_1693 = arith.mulf %parallel_loop3A_1684, %parallel_loop3A_1675 : vector<16xf32>
      %parallel_loop3A_1694 = arith.constant 33040 : i32
      %parallel_loop3A_1695 = tpu.memref_slice %arg7[%parallel_loop3A_1308, %parallel_loop3A_1694] : memref<1x66080xf32, #tpu.memory_space<vmem>> -> memref<1x16392xf32, #tpu.memory_space<vmem>>
      %parallel_loop3A_1696 = tpu.memref_squeeze %parallel_loop3A_1695 : memref<1x16392xf32, #tpu.memory_space<vmem>> -> memref<16392xf32, #tpu.memory_space<vmem>>
      tpu.vector_store_idx %parallel_loop3A_1696[%parallel_loop3A_1639], %parallel_loop3A_1693 {add = true} : memref<16392xf32, #tpu.memory_space<vmem>>[vector<16xi32>], vector<16xf32>,
      %parallel_loop3A_1697 = arith.mulf %parallel_loop3A_1684, %parallel_loop3A_1683 : vector<16xf32>
      %parallel_loop3A_1698 = arith.constant 49560 : i32
      %parallel_loop3A_1699 = tpu.memref_slice %arg7[%parallel_loop3A_1309, %parallel_loop3A_1698] : memref<1x66080xf32, #tpu.memory_space<vmem>> -> memref<1x16392xf32, #tpu.memory_space<vmem>>
      %parallel_loop3A_1700 = tpu.memref_squeeze %parallel_loop3A_1699 : memref<1x16392xf32, #tpu.memory_space<vmem>> -> memref<16392xf32, #tpu.memory_space<vmem>>
      tpu.vector_store_idx %parallel_loop3A_1700[%parallel_loop3A_1639], %parallel_loop3A_1697 {add = true} : memref<16392xf32, #tpu.memory_space<vmem>>[vector<16xi32>], vector<16xf32>,
      %parallel_loop3A_1701 = arith.mulf %parallel_loop3A_1633, %parallel_loop3A_1651 : vector<16xf32>
      %parallel_loop3A_1702 = arith.mulf %parallel_loop3A_1701, %parallel_loop3A_1659 : vector<16xf32>
      %parallel_loop3A_1703 = arith.constant 0 : i32
      %parallel_loop3A_1704 = tpu.memref_slice %arg7[%parallel_loop3A_1306, %parallel_loop3A_1703] : memref<1x66080xf32, #tpu.memory_space<vmem>> -> memref<1x16392xf32, #tpu.memory_space<vmem>>
      %parallel_loop3A_1705 = tpu.memref_squeeze %parallel_loop3A_1704 : memref<1x16392xf32, #tpu.memory_space<vmem>> -> memref<16392xf32, #tpu.memory_space<vmem>>
      tpu.vector_store_idx %parallel_loop3A_1705[%parallel_loop3A_1642], %parallel_loop3A_1702 masked %parallel_loop3A_1645 {add = true} : memref<16392xf32, #tpu.memory_space<vmem>>[vector<16xi32>], vector<16xf32>, vector<16xi1>
      %parallel_loop3A_1706 = arith.mulf %parallel_loop3A_1701, %parallel_loop3A_1667 : vector<16xf32>
      %parallel_loop3A_1707 = arith.constant 16520 : i32
      %parallel_loop3A_1708 = tpu.memref_slice %arg7[%parallel_loop3A_1307, %parallel_loop3A_1707] : memref<1x66080xf32, #tpu.memory_space<vmem>> -> memref<1x16392xf32, #tpu.memory_space<vmem>>
      %parallel_loop3A_1709 = tpu.memref_squeeze %parallel_loop3A_1708 : memref<1x16392xf32, #tpu.memory_space<vmem>> -> memref<16392xf32, #tpu.memory_space<vmem>>
      tpu.vector_store_idx %parallel_loop3A_1709[%parallel_loop3A_1642], %parallel_loop3A_1706 masked %parallel_loop3A_1645 {add = true} : memref<16392xf32, #tpu.memory_space<vmem>>[vector<16xi32>], vector<16xf32>, vector<16xi1>
      %parallel_loop3A_1710 = arith.mulf %parallel_loop3A_1701, %parallel_loop3A_1675 : vector<16xf32>
      %parallel_loop3A_1711 = arith.constant 33040 : i32
      %parallel_loop3A_1712 = tpu.memref_slice %arg7[%parallel_loop3A_1308, %parallel_loop3A_1711] : memref<1x66080xf32, #tpu.memory_space<vmem>> -> memref<1x16392xf32, #tpu.memory_space<vmem>>
      %parallel_loop3A_1713 = tpu.memref_squeeze %parallel_loop3A_1712 : memref<1x16392xf32, #tpu.memory_space<vmem>> -> memref<16392xf32, #tpu.memory_space<vmem>>
      tpu.vector_store_idx %parallel_loop3A_1713[%parallel_loop3A_1642], %parallel_loop3A_1710 masked %parallel_loop3A_1645 {add = true} : memref<16392xf32, #tpu.memory_space<vmem>>[vector<16xi32>], vector<16xf32>, vector<16xi1>
      %parallel_loop3A_1714 = arith.mulf %parallel_loop3A_1701, %parallel_loop3A_1683 : vector<16xf32>
      %parallel_loop3A_1715 = arith.constant 49560 : i32
      %parallel_loop3A_1716 = tpu.memref_slice %arg7[%parallel_loop3A_1309, %parallel_loop3A_1715] : memref<1x66080xf32, #tpu.memory_space<vmem>> -> memref<1x16392xf32, #tpu.memory_space<vmem>>
      %parallel_loop3A_1717 = tpu.memref_squeeze %parallel_loop3A_1716 : memref<1x16392xf32, #tpu.memory_space<vmem>> -> memref<16392xf32, #tpu.memory_space<vmem>>
      tpu.vector_store_idx %parallel_loop3A_1717[%parallel_loop3A_1642], %parallel_loop3A_1714 masked %parallel_loop3A_1645 {add = true} : memref<16392xf32, #tpu.memory_space<vmem>>[vector<16xi32>], vector<16xf32>, vector<16xi1>
      %parallel_loop3A_1718 = arith.mulf %parallel_loop3A_1648, %parallel_loop3A_1635 : vector<16xf32>
      %parallel_loop3A_1719 = arith.mulf %parallel_loop3A_1718, %parallel_loop3A_1659 : vector<16xf32>
      %parallel_loop3A_1720 = arith.constant 128 : i32
      %parallel_loop3A_1721 = tpu.memref_slice %arg7[%parallel_loop3A_1310, %parallel_loop3A_1720] : memref<1x66080xf32, #tpu.memory_space<vmem>> -> memref<1x16392xf32, #tpu.memory_space<vmem>>
      %parallel_loop3A_1722 = tpu.memref_squeeze %parallel_loop3A_1721 : memref<1x16392xf32, #tpu.memory_space<vmem>> -> memref<16392xf32, #tpu.memory_space<vmem>>
      tpu.vector_store_idx %parallel_loop3A_1722[%parallel_loop3A_1639], %parallel_loop3A_1719 {add = true} : memref<16392xf32, #tpu.memory_space<vmem>>[vector<16xi32>], vector<16xf32>,
      %parallel_loop3A_1723 = arith.mulf %parallel_loop3A_1718, %parallel_loop3A_1667 : vector<16xf32>
      %parallel_loop3A_1724 = arith.constant 16648 : i32
      %parallel_loop3A_1725 = tpu.memref_slice %arg7[%parallel_loop3A_1311, %parallel_loop3A_1724] : memref<1x66080xf32, #tpu.memory_space<vmem>> -> memref<1x16392xf32, #tpu.memory_space<vmem>>
      %parallel_loop3A_1726 = tpu.memref_squeeze %parallel_loop3A_1725 : memref<1x16392xf32, #tpu.memory_space<vmem>> -> memref<16392xf32, #tpu.memory_space<vmem>>
      tpu.vector_store_idx %parallel_loop3A_1726[%parallel_loop3A_1639], %parallel_loop3A_1723 {add = true} : memref<16392xf32, #tpu.memory_space<vmem>>[vector<16xi32>], vector<16xf32>,
      %parallel_loop3A_1727 = arith.mulf %parallel_loop3A_1718, %parallel_loop3A_1675 : vector<16xf32>
      %parallel_loop3A_1728 = arith.constant 33168 : i32
      %parallel_loop3A_1729 = tpu.memref_slice %arg7[%parallel_loop3A_1312, %parallel_loop3A_1728] : memref<1x66080xf32, #tpu.memory_space<vmem>> -> memref<1x16392xf32, #tpu.memory_space<vmem>>
      %parallel_loop3A_1730 = tpu.memref_squeeze %parallel_loop3A_1729 : memref<1x16392xf32, #tpu.memory_space<vmem>> -> memref<16392xf32, #tpu.memory_space<vmem>>
      tpu.vector_store_idx %parallel_loop3A_1730[%parallel_loop3A_1639], %parallel_loop3A_1727 {add = true} : memref<16392xf32, #tpu.memory_space<vmem>>[vector<16xi32>], vector<16xf32>,
      %parallel_loop3A_1731 = arith.mulf %parallel_loop3A_1718, %parallel_loop3A_1683 : vector<16xf32>
      %parallel_loop3A_1732 = arith.constant 49688 : i32
      %parallel_loop3A_1733 = tpu.memref_slice %arg7[%parallel_loop3A_1313, %parallel_loop3A_1732] : memref<1x66080xf32, #tpu.memory_space<vmem>> -> memref<1x16392xf32, #tpu.memory_space<vmem>>
      %parallel_loop3A_1734 = tpu.memref_squeeze %parallel_loop3A_1733 : memref<1x16392xf32, #tpu.memory_space<vmem>> -> memref<16392xf32, #tpu.memory_space<vmem>>
      tpu.vector_store_idx %parallel_loop3A_1734[%parallel_loop3A_1639], %parallel_loop3A_1731 {add = true} : memref<16392xf32, #tpu.memory_space<vmem>>[vector<16xi32>], vector<16xf32>,
      %parallel_loop3A_1735 = arith.mulf %parallel_loop3A_1633, %parallel_loop3A_1635 : vector<16xf32>
      %parallel_loop3A_1736 = arith.mulf %parallel_loop3A_1735, %parallel_loop3A_1659 : vector<16xf32>
      %parallel_loop3A_1737 = arith.constant 128 : i32
      %parallel_loop3A_1738 = tpu.memref_slice %arg7[%parallel_loop3A_1310, %parallel_loop3A_1737] : memref<1x66080xf32, #tpu.memory_space<vmem>> -> memref<1x16392xf32, #tpu.memory_space<vmem>>
      %parallel_loop3A_1739 = tpu.memref_squeeze %parallel_loop3A_1738 : memref<1x16392xf32, #tpu.memory_space<vmem>> -> memref<16392xf32, #tpu.memory_space<vmem>>
      tpu.vector_store_idx %parallel_loop3A_1739[%parallel_loop3A_1642], %parallel_loop3A_1736 masked %parallel_loop3A_1645 {add = true} : memref<16392xf32, #tpu.memory_space<vmem>>[vector<16xi32>], vector<16xf32>, vector<16xi1>
      %parallel_loop3A_1740 = arith.mulf %parallel_loop3A_1735, %parallel_loop3A_1667 : vector<16xf32>
      %parallel_loop3A_1741 = arith.constant 16648 : i32
      %parallel_loop3A_1742 = tpu.memref_slice %arg7[%parallel_loop3A_1311, %parallel_loop3A_1741] : memref<1x66080xf32, #tpu.memory_space<vmem>> -> memref<1x16392xf32, #tpu.memory_space<vmem>>
      %parallel_loop3A_1743 = tpu.memref_squeeze %parallel_loop3A_1742 : memref<1x16392xf32, #tpu.memory_space<vmem>> -> memref<16392xf32, #tpu.memory_space<vmem>>
      tpu.vector_store_idx %parallel_loop3A_1743[%parallel_loop3A_1642], %parallel_loop3A_1740 masked %parallel_loop3A_1645 {add = true} : memref<16392xf32, #tpu.memory_space<vmem>>[vector<16xi32>], vector<16xf32>, vector<16xi1>
      %parallel_loop3A_1744 = arith.mulf %parallel_loop3A_1735, %parallel_loop3A_1675 : vector<16xf32>
      %parallel_loop3A_1745 = arith.constant 33168 : i32
      %parallel_loop3A_1746 = tpu.memref_slice %arg7[%parallel_loop3A_1312, %parallel_loop3A_1745] : memref<1x66080xf32, #tpu.memory_space<vmem>> -> memref<1x16392xf32, #tpu.memory_space<vmem>>
      %parallel_loop3A_1747 = tpu.memref_squeeze %parallel_loop3A_1746 : memref<1x16392xf32, #tpu.memory_space<vmem>> -> memref<16392xf32, #tpu.memory_space<vmem>>
      tpu.vector_store_idx %parallel_loop3A_1747[%parallel_loop3A_1642], %parallel_loop3A_1744 masked %parallel_loop3A_1645 {add = true} : memref<16392xf32, #tpu.memory_space<vmem>>[vector<16xi32>], vector<16xf32>, vector<16xi1>
      %parallel_loop3A_1748 = arith.mulf %parallel_loop3A_1735, %parallel_loop3A_1683 : vector<16xf32>
      %parallel_loop3A_1749 = arith.constant 49688 : i32
      %parallel_loop3A_1750 = tpu.memref_slice %arg7[%parallel_loop3A_1313, %parallel_loop3A_1749] : memref<1x66080xf32, #tpu.memory_space<vmem>> -> memref<1x16392xf32, #tpu.memory_space<vmem>>
      %parallel_loop3A_1751 = tpu.memref_squeeze %parallel_loop3A_1750 : memref<1x16392xf32, #tpu.memory_space<vmem>> -> memref<16392xf32, #tpu.memory_space<vmem>>
      tpu.vector_store_idx %parallel_loop3A_1751[%parallel_loop3A_1642], %parallel_loop3A_1748 masked %parallel_loop3A_1645 {add = true} : memref<16392xf32, #tpu.memory_space<vmem>>[vector<16xi32>], vector<16xf32>, vector<16xi1>
    } {sc.loop_unroll_factor = 2 : i64, sc.parallel_access}
    %mul3A_1314 = arith.constant 2 : i32
    %mul3A_1315 = arith.muli %add3A, %mul3A_1314 : i32
    %add3A_1316 = arith.constant 1 : i32
    %add3A_1317 = arith.addi %mul3A_1315, %add3A_1316 : i32
    %jit3A_1318 = arith.constant 8 : i32
    %div3A_1319 = arith.divsi %add3A_1317, %jit3A_1318 : i32
    %sign3A_1320 = arith.constant 0 : i32
    %sign3A_1321 = arith.cmpi sgt, %add3A_1317, %sign3A_1320 : i32
    %sign3A_1322 = arith.extui %sign3A_1321 : i1 to i32
    %sign3A_1323 = arith.constant 0 : i32
    %sign3A_1324 = arith.cmpi slt, %add3A_1317, %sign3A_1323 : i32
    %sign3A_1325 = arith.extui %sign3A_1324 : i1 to i32
    %sign3A_1326 = arith.subi %sign3A_1322, %sign3A_1325 : i32
    %sign3A_1327 = arith.constant 0 : i32
    %sign3A_1328 = arith.cmpi sgt, %jit3A_1318, %sign3A_1327 : i32
    %sign3A_1329 = arith.extui %sign3A_1328 : i1 to i32
    %sign3A_1330 = arith.constant 0 : i32
    %sign3A_1331 = arith.cmpi slt, %jit3A_1318, %sign3A_1330 : i32
    %sign3A_1332 = arith.extui %sign3A_1331 : i1 to i32
    %sign3A_1333 = arith.subi %sign3A_1329, %sign3A_1332 : i32
    %ne3A_1334 = arith.cmpi ne, %sign3A_1326, %sign3A_1333 : i32
    %rem3A_1335 = arith.remsi %add3A_1317, %jit3A_1318 : i32
    %ne3A_1336 = arith.constant 0 : i32
    %ne3A_1337 = arith.cmpi ne, %rem3A_1335, %ne3A_1336 : i32
    %and3A_1338 = arith.andi %ne3A_1334, %ne3A_1337 : i1
    %sub3A_1339 = arith.constant 1 : i32
    %sub3A_1340 = arith.subi %div3A_1319, %sub3A_1339 : i32
    %select_n3A_1341 = arith.select %and3A_1338, %sub3A_1340, %div3A_1319 : i32
    %jit3A_1342 = arith.constant 8 : i32
    %eq3A_1343 = arith.constant 0 : i32
    %eq3A_1344 = arith.cmpi eq, %jit3A_1342, %eq3A_1343 : i32
    %jit3A_1345 = arith.constant 1 : i32
    %select_n3A_1346 = arith.select %eq3A_1344, %jit3A_1345, %jit3A_1342 : i32
    %rem3A_1347 = arith.remsi %add3A_1317, %select_n3A_1346 : i32
    %ne3A_1348 = arith.constant 0 : i32
    %ne3A_1349 = arith.cmpi ne, %rem3A_1347, %ne3A_1348 : i32
    %lt3A_1350 = arith.constant 0 : i32
    %lt3A_1351 = arith.cmpi slt, %rem3A_1347, %lt3A_1350 : i32
    %lt3A_1352 = arith.constant 0 : i32
    %lt3A_1353 = arith.cmpi slt, %select_n3A_1346, %lt3A_1352 : i32
    %ne3A_1354 = arith.xori %lt3A_1351, %lt3A_1353 : i1
    %and3A_1355 = arith.andi %ne3A_1354, %ne3A_1349 : i1
    %add3A_1356 = arith.addi %rem3A_1347, %select_n3A_1346 : i32
    %select_n3A_1357 = arith.select %and3A_1355, %add3A_1356, %rem3A_1347 : i32
    %mul3A_1358 = arith.constant 32 : i32
    %mul3A_1359 = arith.muli %select_n3A_1341, %mul3A_1358 : i32
    %mul3A_1360 = arith.constant 4 : i32
    %mul3A_1361 = arith.muli %select_n3A_1357, %mul3A_1360 : i32
    %add3A_1362 = arith.addi %mul3A_1359, %mul3A_1361 : i32
    %mul3A_1363 = arith.constant 2 : i32
    %mul3A_1364 = arith.muli %select_n3A_1341, %mul3A_1363 : i32
    %dma_start3A_1365 = arith.constant 1 : i32
    %dma_start3A_1366 = arith.constant 1 : i32
    %dma_start3A_1367 = arith.constant 0 : i32
    %dma_start3A_1368 = arith.constant 0 : i32
    %dma_start3A_1369 = tpu.memref_slice %arg5[%dma_start3A_1365, %dma_start3A_1367, %dma_start3A_1368] : memref<2x2x4000xf32, #tpu.memory_space<vmem>> -> memref<1x2x4000xf32, #tpu.memory_space<vmem>>
    %dma_start3A_1370 = tpu.memref_squeeze %dma_start3A_1369 : memref<1x2x4000xf32, #tpu.memory_space<vmem>> -> memref<2x4000xf32, #tpu.memory_space<vmem>>
    %dma_start3A_1371 = arith.constant 16000 : i32
    %dma_start3A_1372 = tpu.memref_slice %arg2[%mul3A_1364, %dma_start3A_1371] : memref<16x20000xf32, #tpu.memory_space<hbm>> -> memref<2x4000xf32, #tpu.memory_space<hbm>>
    %dma_start3A_1373 = tpu.memref_slice %arg8[%dma_start3A_1366] : memref<3x!tpu.dma_semaphore, #tpu.memory_space<semaphore_mem>> -> memref<1x!tpu.dma_semaphore, #tpu.memory_space<semaphore_mem>>
    %dma_start3A_1374 = tpu.memref_squeeze %dma_start3A_1373 : memref<1x!tpu.dma_semaphore, #tpu.memory_space<semaphore_mem>> -> memref<!tpu.dma_semaphore, #tpu.memory_space<semaphore_mem>>
    %dma_start3A_1375 = arith.constant 0 : i32
    %dma_start3A_1376 = arith.constant 0 : i32
    %dma_start3A_1377 = tpu.memref_slice %arg5[%dma_start3A_1365, %dma_start3A_1375, %dma_start3A_1376] : memref<2x2x4000xf32, #tpu.memory_space<vmem>> -> memref<1x2x4000xf32, #tpu.memory_space<vmem>>
    %dma_start3A_1378 = tpu.memref_squeeze %dma_start3A_1377 : memref<1x2x4000xf32, #tpu.memory_space<vmem>> -> memref<2x4000xf32, #tpu.memory_space<vmem>>
    %dma_start3A_1379 = arith.constant 16000 : i32
    %dma_start3A_1380 = tpu.memref_slice %arg2[%mul3A_1364, %dma_start3A_1379] : memref<16x20000xf32, #tpu.memory_space<hbm>> -> memref<2x4000xf32, #tpu.memory_space<hbm>>
    tpu.enqueue_dma source(%dma_start3A_1380 : memref<2x4000xf32, #tpu.memory_space<hbm>>) target(%dma_start3A_1378 : memref<2x4000xf32, #tpu.memory_space<vmem>>) target_semaphore(%dma_start3A_1374 : memref<!tpu.dma_semaphore, #tpu.memory_space<semaphore_mem>>)
    %dma_start3A_1381 = arith.constant 1 : i32
    %dma_start3A_1382 = arith.constant 1 : i32
    %dma_start3A_1383 = arith.constant 0 : i32
    %dma_start3A_1384 = arith.constant 0 : i32
    %dma_start3A_1385 = tpu.memref_slice %arg6[%dma_start3A_1381, %dma_start3A_1383, %dma_start3A_1384] : memref<2x4x4000xf32, #tpu.memory_space<vmem>> -> memref<1x4x4000xf32, #tpu.memory_space<vmem>>
    %dma_start3A_1386 = tpu.memref_squeeze %dma_start3A_1385 : memref<1x4x4000xf32, #tpu.memory_space<vmem>> -> memref<4x4000xf32, #tpu.memory_space<vmem>>
    %dma_start3A_1387 = arith.constant 16000 : i32
    %dma_start3A_1388 = tpu.memref_slice %arg3[%add3A_1362, %dma_start3A_1387] : memref<256x20000xf32, #tpu.memory_space<hbm>> -> memref<4x4000xf32, #tpu.memory_space<hbm>>
    %dma_start3A_1389 = tpu.memref_slice %arg8[%dma_start3A_1382] : memref<3x!tpu.dma_semaphore, #tpu.memory_space<semaphore_mem>> -> memref<1x!tpu.dma_semaphore, #tpu.memory_space<semaphore_mem>>
    %dma_start3A_1390 = tpu.memref_squeeze %dma_start3A_1389 : memref<1x!tpu.dma_semaphore, #tpu.memory_space<semaphore_mem>> -> memref<!tpu.dma_semaphore, #tpu.memory_space<semaphore_mem>>
    %dma_start3A_1391 = arith.constant 0 : i32
    %dma_start3A_1392 = arith.constant 0 : i32
    %dma_start3A_1393 = tpu.memref_slice %arg6[%dma_start3A_1381, %dma_start3A_1391, %dma_start3A_1392] : memref<2x4x4000xf32, #tpu.memory_space<vmem>> -> memref<1x4x4000xf32, #tpu.memory_space<vmem>>
    %dma_start3A_1394 = tpu.memref_squeeze %dma_start3A_1393 : memref<1x4x4000xf32, #tpu.memory_space<vmem>> -> memref<4x4000xf32, #tpu.memory_space<vmem>>
    %dma_start3A_1395 = arith.constant 16000 : i32
    %dma_start3A_1396 = tpu.memref_slice %arg3[%add3A_1362, %dma_start3A_1395] : memref<256x20000xf32, #tpu.memory_space<hbm>> -> memref<4x4000xf32, #tpu.memory_space<hbm>>
    tpu.enqueue_dma source(%dma_start3A_1396 : memref<4x4000xf32, #tpu.memory_space<hbm>>) target(%dma_start3A_1394 : memref<4x4000xf32, #tpu.memory_space<vmem>>) target_semaphore(%dma_start3A_1390 : memref<!tpu.dma_semaphore, #tpu.memory_space<semaphore_mem>>)
    %dma_wait3A_1397 = arith.constant 0 : i32
    %dma_wait3A_1398 = arith.constant 0 : i32
    %dma_wait3A_1399 = arith.constant 0 : i32
    %dma_wait3A_1400 = arith.constant 0 : i32
    %dma_wait3A_1401 = tpu.memref_slice %arg5[%dma_wait3A_1397, %dma_wait3A_1399, %dma_wait3A_1400] : memref<2x2x4000xf32, #tpu.memory_space<vmem>> -> memref<1x2x4000xf32, #tpu.memory_space<vmem>>
    %dma_wait3A_1402 = tpu.memref_squeeze %dma_wait3A_1401 : memref<1x2x4000xf32, #tpu.memory_space<vmem>> -> memref<2x4000xf32, #tpu.memory_space<vmem>>
    %dma_wait3A_1403 = arith.constant 12000 : i32
    %dma_wait3A_1404 = tpu.memref_slice %arg2[%mul3A_1236, %dma_wait3A_1403] : memref<16x20000xf32, #tpu.memory_space<hbm>> -> memref<2x4000xf32, #tpu.memory_space<hbm>>
    %dma_wait3A_1405 = tpu.memref_slice %arg8[%dma_wait3A_1398] : memref<3x!tpu.dma_semaphore, #tpu.memory_space<semaphore_mem>> -> memref<1x!tpu.dma_semaphore, #tpu.memory_space<semaphore_mem>>
    %dma_wait3A_1406 = tpu.memref_squeeze %dma_wait3A_1405 : memref<1x!tpu.dma_semaphore, #tpu.memory_space<semaphore_mem>> -> memref<!tpu.dma_semaphore, #tpu.memory_space<semaphore_mem>>
    %dma_wait3A_1407 = arith.constant 0 : i32
    %dma_wait3A_1408 = arith.constant 0 : i32
    %dma_wait3A_1409 = tpu.memref_slice %arg5[%dma_wait3A_1397, %dma_wait3A_1407, %dma_wait3A_1408] : memref<2x2x4000xf32, #tpu.memory_space<vmem>> -> memref<1x2x4000xf32, #tpu.memory_space<vmem>>
    %dma_wait3A_1410 = tpu.memref_squeeze %dma_wait3A_1409 : memref<1x2x4000xf32, #tpu.memory_space<vmem>> -> memref<2x4000xf32, #tpu.memory_space<vmem>>
    %dma_wait3A_1411 = arith.constant 12000 : i32
    %dma_wait3A_1412 = tpu.memref_slice %arg2[%mul3A_1236, %dma_wait3A_1411] : memref<16x20000xf32, #tpu.memory_space<hbm>> -> memref<2x4000xf32, #tpu.memory_space<hbm>>
    tpu.wait_dma2 semaphore(%dma_wait3A_1406 : memref<!tpu.dma_semaphore, #tpu.memory_space<semaphore_mem>>) src(%dma_wait3A_1412 : memref<2x4000xf32, #tpu.memory_space<hbm>>) dst(%dma_wait3A_1410 : memref<2x4000xf32, #tpu.memory_space<vmem>>)
    %dma_wait3A_1413 = arith.constant 0 : i32
    %dma_wait3A_1414 = arith.constant 0 : i32
    %dma_wait3A_1415 = arith.constant 0 : i32
    %dma_wait3A_1416 = arith.constant 0 : i32
    %dma_wait3A_1417 = tpu.memref_slice %arg6[%dma_wait3A_1413, %dma_wait3A_1415, %dma_wait3A_1416] : memref<2x4x4000xf32, #tpu.memory_space<vmem>> -> memref<1x4x4000xf32, #tpu.memory_space<vmem>>
    %dma_wait3A_1418 = tpu.memref_squeeze %dma_wait3A_1417 : memref<1x4x4000xf32, #tpu.memory_space<vmem>> -> memref<4x4000xf32, #tpu.memory_space<vmem>>
    %dma_wait3A_1419 = arith.constant 12000 : i32
    %dma_wait3A_1420 = tpu.memref_slice %arg3[%add3A_1234, %dma_wait3A_1419] : memref<256x20000xf32, #tpu.memory_space<hbm>> -> memref<4x4000xf32, #tpu.memory_space<hbm>>
    %dma_wait3A_1421 = tpu.memref_slice %arg8[%dma_wait3A_1414] : memref<3x!tpu.dma_semaphore, #tpu.memory_space<semaphore_mem>> -> memref<1x!tpu.dma_semaphore, #tpu.memory_space<semaphore_mem>>
    %dma_wait3A_1422 = tpu.memref_squeeze %dma_wait3A_1421 : memref<1x!tpu.dma_semaphore, #tpu.memory_space<semaphore_mem>> -> memref<!tpu.dma_semaphore, #tpu.memory_space<semaphore_mem>>
    %dma_wait3A_1423 = arith.constant 0 : i32
    %dma_wait3A_1424 = arith.constant 0 : i32
    %dma_wait3A_1425 = tpu.memref_slice %arg6[%dma_wait3A_1413, %dma_wait3A_1423, %dma_wait3A_1424] : memref<2x4x4000xf32, #tpu.memory_space<vmem>> -> memref<1x4x4000xf32, #tpu.memory_space<vmem>>
    %dma_wait3A_1426 = tpu.memref_squeeze %dma_wait3A_1425 : memref<1x4x4000xf32, #tpu.memory_space<vmem>> -> memref<4x4000xf32, #tpu.memory_space<vmem>>
    %dma_wait3A_1427 = arith.constant 12000 : i32
    %dma_wait3A_1428 = tpu.memref_slice %arg3[%add3A_1234, %dma_wait3A_1427] : memref<256x20000xf32, #tpu.memory_space<hbm>> -> memref<4x4000xf32, #tpu.memory_space<hbm>>
    tpu.wait_dma2 semaphore(%dma_wait3A_1422 : memref<!tpu.dma_semaphore, #tpu.memory_space<semaphore_mem>>) src(%dma_wait3A_1428 : memref<4x4000xf32, #tpu.memory_space<hbm>>) dst(%dma_wait3A_1426 : memref<4x4000xf32, #tpu.memory_space<vmem>>)
    %parallel_loop3A_1429 = arith.constant 0 : i32
    %parallel_loop3A_1430 = arith.constant 250 : i32
    %parallel_loop3A_1431 = arith.constant 1 : i32
    %parallel_loop3A_1432 = arith.constant 0 : i32
    %parallel_loop3A_1433 = arith.constant 0 : i32
    %parallel_loop3A_1434 = arith.constant 0 : i32
    %parallel_loop3A_1435 = arith.constant 0 : i32
    %parallel_loop3A_1436 = arith.constant 0 : i32
    %parallel_loop3A_1437 = arith.constant 0 : i32
    %parallel_loop3A_1438 = arith.constant 0 : i32
    %parallel_loop3A_1439 = arith.constant 0 : i32
    %parallel_loop3A_1440 = arith.constant 0 : i32
    %parallel_loop3A_1441 = arith.constant 0 : i32
    scf.for %parallel_loop3A_1599 = %parallel_loop3A_1429 to %parallel_loop3A_1430 step %parallel_loop3A_1431  : i32 {
      %parallel_loop3A_1600 = arith.constant 16 : i32
      %parallel_loop3A_1601 = arith.muli %parallel_loop3A_1599, %parallel_loop3A_1600 : i32
      %parallel_loop3A_1602 = arith.constant 0 : i32
      %parallel_loop3A_1603 = arith.constant 0 : i32
      %parallel_loop3A_1604 = arith.constant 0 : i32
      %parallel_loop3A_1605 = tpu.memref_slice %arg5[%parallel_loop3A_1432, %parallel_loop3A_1603, %parallel_loop3A_1604] : memref<2x2x4000xf32, #tpu.memory_space<vmem>> -> memref<1x2x4000xf32, #tpu.memory_space<vmem>>
      %parallel_loop3A_1606 = tpu.memref_squeeze %parallel_loop3A_1605 : memref<1x2x4000xf32, #tpu.memory_space<vmem>> -> memref<2x4000xf32, #tpu.memory_space<vmem>>
      %parallel_loop3A_1607 = arith.index_cast %parallel_loop3A_1602 : i32 to index
      %parallel_loop3A_1608 = arith.index_cast %parallel_loop3A_1601 : i32 to index
      %parallel_loop3A_1609 = tpu.vector_load %parallel_loop3A_1606[%parallel_loop3A_1607, %parallel_loop3A_1608] {strides = array<i32>} : memref<2x4000xf32, #tpu.memory_space<vmem>>, vector<16xf32>,
      %parallel_loop3A_1610 = arith.constant 1 : i32
      %parallel_loop3A_1611 = arith.constant 0 : i32
      %parallel_loop3A_1612 = arith.constant 0 : i32
      %parallel_loop3A_1613 = tpu.memref_slice %arg5[%parallel_loop3A_1432, %parallel_loop3A_1611, %parallel_loop3A_1612] : memref<2x2x4000xf32, #tpu.memory_space<vmem>> -> memref<1x2x4000xf32, #tpu.memory_space<vmem>>
      %parallel_loop3A_1614 = tpu.memref_squeeze %parallel_loop3A_1613 : memref<1x2x4000xf32, #tpu.memory_space<vmem>> -> memref<2x4000xf32, #tpu.memory_space<vmem>>
      %parallel_loop3A_1615 = arith.index_cast %parallel_loop3A_1610 : i32 to index
      %parallel_loop3A_1616 = arith.index_cast %parallel_loop3A_1601 : i32 to index
      %parallel_loop3A_1617 = tpu.vector_load %parallel_loop3A_1614[%parallel_loop3A_1615, %parallel_loop3A_1616] {strides = array<i32>} : memref<2x4000xf32, #tpu.memory_space<vmem>>, vector<16xf32>,
      %parallel_loop3A_1618 = arith.constant 5.000000e-01 : f32
      %parallel_loop3A_1619 = vector.broadcast %parallel_loop3A_1618 : f32 to vector<16xf32>
      %parallel_loop3A_1620 = arith.addf %parallel_loop3A_1609, %parallel_loop3A_1619 : vector<16xf32>
      %parallel_loop3A_1621 = arith.constant 1.280000e+02 : f32
      %parallel_loop3A_1622 = vector.broadcast %parallel_loop3A_1621 : f32 to vector<16xf32>
      %parallel_loop3A_1623 = arith.mulf %parallel_loop3A_1620, %parallel_loop3A_1622 : vector<16xf32>
      %parallel_loop3A_1624 = arith.constant 5.000000e-01 : f32
      %parallel_loop3A_1625 = vector.broadcast %parallel_loop3A_1624 : f32 to vector<16xf32>
      %parallel_loop3A_1626 = arith.addf %parallel_loop3A_1617, %parallel_loop3A_1625 : vector<16xf32>
      %parallel_loop3A_1627 = arith.constant 1.280000e+02 : f32
      %parallel_loop3A_1628 = vector.broadcast %parallel_loop3A_1627 : f32 to vector<16xf32>
      %parallel_loop3A_1629 = arith.mulf %parallel_loop3A_1626, %parallel_loop3A_1628 : vector<16xf32>
      %parallel_loop3A_1630 = arith.fptosi %parallel_loop3A_1623 : vector<16xf32> to vector<16xi32>
      %parallel_loop3A_1631 = arith.fptosi %parallel_loop3A_1629 : vector<16xf32> to vector<16xi32>
      %parallel_loop3A_1632 = arith.sitofp %parallel_loop3A_1630 : vector<16xi32> to vector<16xf32>
      %parallel_loop3A_1633 = arith.subf %parallel_loop3A_1623, %parallel_loop3A_1632 : vector<16xf32>
      %parallel_loop3A_1634 = arith.sitofp %parallel_loop3A_1631 : vector<16xi32> to vector<16xf32>
      %parallel_loop3A_1635 = arith.subf %parallel_loop3A_1629, %parallel_loop3A_1634 : vector<16xf32>
      %parallel_loop3A_1636 = arith.constant 128 : i32
      %parallel_loop3A_1637 = vector.broadcast %parallel_loop3A_1636 : i32 to vector<16xi32>
      %parallel_loop3A_1638 = arith.muli %parallel_loop3A_1631, %parallel_loop3A_1637 : vector<16xi32>
      %parallel_loop3A_1639 = arith.addi %parallel_loop3A_1638, %parallel_loop3A_1630 : vector<16xi32>
      %parallel_loop3A_1640 = arith.constant 1 : i32
      %parallel_loop3A_1641 = vector.broadcast %parallel_loop3A_1640 : i32 to vector<16xi32>
      %parallel_loop3A_1642 = arith.addi %parallel_loop3A_1639, %parallel_loop3A_1641 : vector<16xi32>
      %parallel_loop3A_1643 = arith.constant 127 : i32
      %parallel_loop3A_1644 = vector.broadcast %parallel_loop3A_1643 : i32 to vector<16xi32>
      %parallel_loop3A_1645 = arith.cmpi slt, %parallel_loop3A_1630, %parallel_loop3A_1644 : vector<16xi32>
      %parallel_loop3A_1646 = arith.constant 1.000000e+00 : f32
      %parallel_loop3A_1647 = vector.broadcast %parallel_loop3A_1646 : f32 to vector<16xf32>
      %parallel_loop3A_1648 = arith.subf %parallel_loop3A_1647, %parallel_loop3A_1633 : vector<16xf32>
      %parallel_loop3A_1649 = arith.constant 1.000000e+00 : f32
      %parallel_loop3A_1650 = vector.broadcast %parallel_loop3A_1649 : f32 to vector<16xf32>
      %parallel_loop3A_1651 = arith.subf %parallel_loop3A_1650, %parallel_loop3A_1635 : vector<16xf32>
      %parallel_loop3A_1652 = arith.constant 0 : i32
      %parallel_loop3A_1653 = arith.constant 0 : i32
      %parallel_loop3A_1654 = arith.constant 0 : i32
      %parallel_loop3A_1655 = tpu.memref_slice %arg6[%parallel_loop3A_1433, %parallel_loop3A_1653, %parallel_loop3A_1654] : memref<2x4x4000xf32, #tpu.memory_space<vmem>> -> memref<1x4x4000xf32, #tpu.memory_space<vmem>>
      %parallel_loop3A_1656 = tpu.memref_squeeze %parallel_loop3A_1655 : memref<1x4x4000xf32, #tpu.memory_space<vmem>> -> memref<4x4000xf32, #tpu.memory_space<vmem>>
      %parallel_loop3A_1657 = arith.index_cast %parallel_loop3A_1652 : i32 to index
      %parallel_loop3A_1658 = arith.index_cast %parallel_loop3A_1601 : i32 to index
      %parallel_loop3A_1659 = tpu.vector_load %parallel_loop3A_1656[%parallel_loop3A_1657, %parallel_loop3A_1658] {strides = array<i32>} : memref<4x4000xf32, #tpu.memory_space<vmem>>, vector<16xf32>,
      %parallel_loop3A_1660 = arith.constant 1 : i32
      %parallel_loop3A_1661 = arith.constant 0 : i32
      %parallel_loop3A_1662 = arith.constant 0 : i32
      %parallel_loop3A_1663 = tpu.memref_slice %arg6[%parallel_loop3A_1433, %parallel_loop3A_1661, %parallel_loop3A_1662] : memref<2x4x4000xf32, #tpu.memory_space<vmem>> -> memref<1x4x4000xf32, #tpu.memory_space<vmem>>
      %parallel_loop3A_1664 = tpu.memref_squeeze %parallel_loop3A_1663 : memref<1x4x4000xf32, #tpu.memory_space<vmem>> -> memref<4x4000xf32, #tpu.memory_space<vmem>>
      %parallel_loop3A_1665 = arith.index_cast %parallel_loop3A_1660 : i32 to index
      %parallel_loop3A_1666 = arith.index_cast %parallel_loop3A_1601 : i32 to index
      %parallel_loop3A_1667 = tpu.vector_load %parallel_loop3A_1664[%parallel_loop3A_1665, %parallel_loop3A_1666] {strides = array<i32>} : memref<4x4000xf32, #tpu.memory_space<vmem>>, vector<16xf32>,
      %parallel_loop3A_1668 = arith.constant 2 : i32
      %parallel_loop3A_1669 = arith.constant 0 : i32
      %parallel_loop3A_1670 = arith.constant 0 : i32
      %parallel_loop3A_1671 = tpu.memref_slice %arg6[%parallel_loop3A_1433, %parallel_loop3A_1669, %parallel_loop3A_1670] : memref<2x4x4000xf32, #tpu.memory_space<vmem>> -> memref<1x4x4000xf32, #tpu.memory_space<vmem>>
      %parallel_loop3A_1672 = tpu.memref_squeeze %parallel_loop3A_1671 : memref<1x4x4000xf32, #tpu.memory_space<vmem>> -> memref<4x4000xf32, #tpu.memory_space<vmem>>
      %parallel_loop3A_1673 = arith.index_cast %parallel_loop3A_1668 : i32 to index
      %parallel_loop3A_1674 = arith.index_cast %parallel_loop3A_1601 : i32 to index
      %parallel_loop3A_1675 = tpu.vector_load %parallel_loop3A_1672[%parallel_loop3A_1673, %parallel_loop3A_1674] {strides = array<i32>} : memref<4x4000xf32, #tpu.memory_space<vmem>>, vector<16xf32>,
      %parallel_loop3A_1676 = arith.constant 3 : i32
      %parallel_loop3A_1677 = arith.constant 0 : i32
      %parallel_loop3A_1678 = arith.constant 0 : i32
      %parallel_loop3A_1679 = tpu.memref_slice %arg6[%parallel_loop3A_1433, %parallel_loop3A_1677, %parallel_loop3A_1678] : memref<2x4x4000xf32, #tpu.memory_space<vmem>> -> memref<1x4x4000xf32, #tpu.memory_space<vmem>>
      %parallel_loop3A_1680 = tpu.memref_squeeze %parallel_loop3A_1679 : memref<1x4x4000xf32, #tpu.memory_space<vmem>> -> memref<4x4000xf32, #tpu.memory_space<vmem>>
      %parallel_loop3A_1681 = arith.index_cast %parallel_loop3A_1676 : i32 to index
      %parallel_loop3A_1682 = arith.index_cast %parallel_loop3A_1601 : i32 to index
      %parallel_loop3A_1683 = tpu.vector_load %parallel_loop3A_1680[%parallel_loop3A_1681, %parallel_loop3A_1682] {strides = array<i32>} : memref<4x4000xf32, #tpu.memory_space<vmem>>, vector<16xf32>,
      %parallel_loop3A_1684 = arith.mulf %parallel_loop3A_1648, %parallel_loop3A_1651 : vector<16xf32>
      %parallel_loop3A_1685 = arith.mulf %parallel_loop3A_1684, %parallel_loop3A_1659 : vector<16xf32>
      %parallel_loop3A_1686 = arith.constant 0 : i32
      %parallel_loop3A_1687 = tpu.memref_slice %arg7[%parallel_loop3A_1434, %parallel_loop3A_1686] : memref<1x66080xf32, #tpu.memory_space<vmem>> -> memref<1x16392xf32, #tpu.memory_space<vmem>>
      %parallel_loop3A_1688 = tpu.memref_squeeze %parallel_loop3A_1687 : memref<1x16392xf32, #tpu.memory_space<vmem>> -> memref<16392xf32, #tpu.memory_space<vmem>>
      tpu.vector_store_idx %parallel_loop3A_1688[%parallel_loop3A_1639], %parallel_loop3A_1685 {add = true} : memref<16392xf32, #tpu.memory_space<vmem>>[vector<16xi32>], vector<16xf32>,
      %parallel_loop3A_1689 = arith.mulf %parallel_loop3A_1684, %parallel_loop3A_1667 : vector<16xf32>
      %parallel_loop3A_1690 = arith.constant 16520 : i32
      %parallel_loop3A_1691 = tpu.memref_slice %arg7[%parallel_loop3A_1435, %parallel_loop3A_1690] : memref<1x66080xf32, #tpu.memory_space<vmem>> -> memref<1x16392xf32, #tpu.memory_space<vmem>>
      %parallel_loop3A_1692 = tpu.memref_squeeze %parallel_loop3A_1691 : memref<1x16392xf32, #tpu.memory_space<vmem>> -> memref<16392xf32, #tpu.memory_space<vmem>>
      tpu.vector_store_idx %parallel_loop3A_1692[%parallel_loop3A_1639], %parallel_loop3A_1689 {add = true} : memref<16392xf32, #tpu.memory_space<vmem>>[vector<16xi32>], vector<16xf32>,
      %parallel_loop3A_1693 = arith.mulf %parallel_loop3A_1684, %parallel_loop3A_1675 : vector<16xf32>
      %parallel_loop3A_1694 = arith.constant 33040 : i32
      %parallel_loop3A_1695 = tpu.memref_slice %arg7[%parallel_loop3A_1436, %parallel_loop3A_1694] : memref<1x66080xf32, #tpu.memory_space<vmem>> -> memref<1x16392xf32, #tpu.memory_space<vmem>>
      %parallel_loop3A_1696 = tpu.memref_squeeze %parallel_loop3A_1695 : memref<1x16392xf32, #tpu.memory_space<vmem>> -> memref<16392xf32, #tpu.memory_space<vmem>>
      tpu.vector_store_idx %parallel_loop3A_1696[%parallel_loop3A_1639], %parallel_loop3A_1693 {add = true} : memref<16392xf32, #tpu.memory_space<vmem>>[vector<16xi32>], vector<16xf32>,
      %parallel_loop3A_1697 = arith.mulf %parallel_loop3A_1684, %parallel_loop3A_1683 : vector<16xf32>
      %parallel_loop3A_1698 = arith.constant 49560 : i32
      %parallel_loop3A_1699 = tpu.memref_slice %arg7[%parallel_loop3A_1437, %parallel_loop3A_1698] : memref<1x66080xf32, #tpu.memory_space<vmem>> -> memref<1x16392xf32, #tpu.memory_space<vmem>>
      %parallel_loop3A_1700 = tpu.memref_squeeze %parallel_loop3A_1699 : memref<1x16392xf32, #tpu.memory_space<vmem>> -> memref<16392xf32, #tpu.memory_space<vmem>>
      tpu.vector_store_idx %parallel_loop3A_1700[%parallel_loop3A_1639], %parallel_loop3A_1697 {add = true} : memref<16392xf32, #tpu.memory_space<vmem>>[vector<16xi32>], vector<16xf32>,
      %parallel_loop3A_1701 = arith.mulf %parallel_loop3A_1633, %parallel_loop3A_1651 : vector<16xf32>
      %parallel_loop3A_1702 = arith.mulf %parallel_loop3A_1701, %parallel_loop3A_1659 : vector<16xf32>
      %parallel_loop3A_1703 = arith.constant 0 : i32
      %parallel_loop3A_1704 = tpu.memref_slice %arg7[%parallel_loop3A_1434, %parallel_loop3A_1703] : memref<1x66080xf32, #tpu.memory_space<vmem>> -> memref<1x16392xf32, #tpu.memory_space<vmem>>
      %parallel_loop3A_1705 = tpu.memref_squeeze %parallel_loop3A_1704 : memref<1x16392xf32, #tpu.memory_space<vmem>> -> memref<16392xf32, #tpu.memory_space<vmem>>
      tpu.vector_store_idx %parallel_loop3A_1705[%parallel_loop3A_1642], %parallel_loop3A_1702 masked %parallel_loop3A_1645 {add = true} : memref<16392xf32, #tpu.memory_space<vmem>>[vector<16xi32>], vector<16xf32>, vector<16xi1>
      %parallel_loop3A_1706 = arith.mulf %parallel_loop3A_1701, %parallel_loop3A_1667 : vector<16xf32>
      %parallel_loop3A_1707 = arith.constant 16520 : i32
      %parallel_loop3A_1708 = tpu.memref_slice %arg7[%parallel_loop3A_1435, %parallel_loop3A_1707] : memref<1x66080xf32, #tpu.memory_space<vmem>> -> memref<1x16392xf32, #tpu.memory_space<vmem>>
      %parallel_loop3A_1709 = tpu.memref_squeeze %parallel_loop3A_1708 : memref<1x16392xf32, #tpu.memory_space<vmem>> -> memref<16392xf32, #tpu.memory_space<vmem>>
      tpu.vector_store_idx %parallel_loop3A_1709[%parallel_loop3A_1642], %parallel_loop3A_1706 masked %parallel_loop3A_1645 {add = true} : memref<16392xf32, #tpu.memory_space<vmem>>[vector<16xi32>], vector<16xf32>, vector<16xi1>
      %parallel_loop3A_1710 = arith.mulf %parallel_loop3A_1701, %parallel_loop3A_1675 : vector<16xf32>
      %parallel_loop3A_1711 = arith.constant 33040 : i32
      %parallel_loop3A_1712 = tpu.memref_slice %arg7[%parallel_loop3A_1436, %parallel_loop3A_1711] : memref<1x66080xf32, #tpu.memory_space<vmem>> -> memref<1x16392xf32, #tpu.memory_space<vmem>>
      %parallel_loop3A_1713 = tpu.memref_squeeze %parallel_loop3A_1712 : memref<1x16392xf32, #tpu.memory_space<vmem>> -> memref<16392xf32, #tpu.memory_space<vmem>>
      tpu.vector_store_idx %parallel_loop3A_1713[%parallel_loop3A_1642], %parallel_loop3A_1710 masked %parallel_loop3A_1645 {add = true} : memref<16392xf32, #tpu.memory_space<vmem>>[vector<16xi32>], vector<16xf32>, vector<16xi1>
      %parallel_loop3A_1714 = arith.mulf %parallel_loop3A_1701, %parallel_loop3A_1683 : vector<16xf32>
      %parallel_loop3A_1715 = arith.constant 49560 : i32
      %parallel_loop3A_1716 = tpu.memref_slice %arg7[%parallel_loop3A_1437, %parallel_loop3A_1715] : memref<1x66080xf32, #tpu.memory_space<vmem>> -> memref<1x16392xf32, #tpu.memory_space<vmem>>
      %parallel_loop3A_1717 = tpu.memref_squeeze %parallel_loop3A_1716 : memref<1x16392xf32, #tpu.memory_space<vmem>> -> memref<16392xf32, #tpu.memory_space<vmem>>
      tpu.vector_store_idx %parallel_loop3A_1717[%parallel_loop3A_1642], %parallel_loop3A_1714 masked %parallel_loop3A_1645 {add = true} : memref<16392xf32, #tpu.memory_space<vmem>>[vector<16xi32>], vector<16xf32>, vector<16xi1>
      %parallel_loop3A_1718 = arith.mulf %parallel_loop3A_1648, %parallel_loop3A_1635 : vector<16xf32>
      %parallel_loop3A_1719 = arith.mulf %parallel_loop3A_1718, %parallel_loop3A_1659 : vector<16xf32>
      %parallel_loop3A_1720 = arith.constant 128 : i32
      %parallel_loop3A_1721 = tpu.memref_slice %arg7[%parallel_loop3A_1438, %parallel_loop3A_1720] : memref<1x66080xf32, #tpu.memory_space<vmem>> -> memref<1x16392xf32, #tpu.memory_space<vmem>>
      %parallel_loop3A_1722 = tpu.memref_squeeze %parallel_loop3A_1721 : memref<1x16392xf32, #tpu.memory_space<vmem>> -> memref<16392xf32, #tpu.memory_space<vmem>>
      tpu.vector_store_idx %parallel_loop3A_1722[%parallel_loop3A_1639], %parallel_loop3A_1719 {add = true} : memref<16392xf32, #tpu.memory_space<vmem>>[vector<16xi32>], vector<16xf32>,
      %parallel_loop3A_1723 = arith.mulf %parallel_loop3A_1718, %parallel_loop3A_1667 : vector<16xf32>
      %parallel_loop3A_1724 = arith.constant 16648 : i32
      %parallel_loop3A_1725 = tpu.memref_slice %arg7[%parallel_loop3A_1439, %parallel_loop3A_1724] : memref<1x66080xf32, #tpu.memory_space<vmem>> -> memref<1x16392xf32, #tpu.memory_space<vmem>>
      %parallel_loop3A_1726 = tpu.memref_squeeze %parallel_loop3A_1725 : memref<1x16392xf32, #tpu.memory_space<vmem>> -> memref<16392xf32, #tpu.memory_space<vmem>>
      tpu.vector_store_idx %parallel_loop3A_1726[%parallel_loop3A_1639], %parallel_loop3A_1723 {add = true} : memref<16392xf32, #tpu.memory_space<vmem>>[vector<16xi32>], vector<16xf32>,
      %parallel_loop3A_1727 = arith.mulf %parallel_loop3A_1718, %parallel_loop3A_1675 : vector<16xf32>
      %parallel_loop3A_1728 = arith.constant 33168 : i32
      %parallel_loop3A_1729 = tpu.memref_slice %arg7[%parallel_loop3A_1440, %parallel_loop3A_1728] : memref<1x66080xf32, #tpu.memory_space<vmem>> -> memref<1x16392xf32, #tpu.memory_space<vmem>>
      %parallel_loop3A_1730 = tpu.memref_squeeze %parallel_loop3A_1729 : memref<1x16392xf32, #tpu.memory_space<vmem>> -> memref<16392xf32, #tpu.memory_space<vmem>>
      tpu.vector_store_idx %parallel_loop3A_1730[%parallel_loop3A_1639], %parallel_loop3A_1727 {add = true} : memref<16392xf32, #tpu.memory_space<vmem>>[vector<16xi32>], vector<16xf32>,
      %parallel_loop3A_1731 = arith.mulf %parallel_loop3A_1718, %parallel_loop3A_1683 : vector<16xf32>
      %parallel_loop3A_1732 = arith.constant 49688 : i32
      %parallel_loop3A_1733 = tpu.memref_slice %arg7[%parallel_loop3A_1441, %parallel_loop3A_1732] : memref<1x66080xf32, #tpu.memory_space<vmem>> -> memref<1x16392xf32, #tpu.memory_space<vmem>>
      %parallel_loop3A_1734 = tpu.memref_squeeze %parallel_loop3A_1733 : memref<1x16392xf32, #tpu.memory_space<vmem>> -> memref<16392xf32, #tpu.memory_space<vmem>>
      tpu.vector_store_idx %parallel_loop3A_1734[%parallel_loop3A_1639], %parallel_loop3A_1731 {add = true} : memref<16392xf32, #tpu.memory_space<vmem>>[vector<16xi32>], vector<16xf32>,
      %parallel_loop3A_1735 = arith.mulf %parallel_loop3A_1633, %parallel_loop3A_1635 : vector<16xf32>
      %parallel_loop3A_1736 = arith.mulf %parallel_loop3A_1735, %parallel_loop3A_1659 : vector<16xf32>
      %parallel_loop3A_1737 = arith.constant 128 : i32
      %parallel_loop3A_1738 = tpu.memref_slice %arg7[%parallel_loop3A_1438, %parallel_loop3A_1737] : memref<1x66080xf32, #tpu.memory_space<vmem>> -> memref<1x16392xf32, #tpu.memory_space<vmem>>
      %parallel_loop3A_1739 = tpu.memref_squeeze %parallel_loop3A_1738 : memref<1x16392xf32, #tpu.memory_space<vmem>> -> memref<16392xf32, #tpu.memory_space<vmem>>
      tpu.vector_store_idx %parallel_loop3A_1739[%parallel_loop3A_1642], %parallel_loop3A_1736 masked %parallel_loop3A_1645 {add = true} : memref<16392xf32, #tpu.memory_space<vmem>>[vector<16xi32>], vector<16xf32>, vector<16xi1>
      %parallel_loop3A_1740 = arith.mulf %parallel_loop3A_1735, %parallel_loop3A_1667 : vector<16xf32>
      %parallel_loop3A_1741 = arith.constant 16648 : i32
      %parallel_loop3A_1742 = tpu.memref_slice %arg7[%parallel_loop3A_1439, %parallel_loop3A_1741] : memref<1x66080xf32, #tpu.memory_space<vmem>> -> memref<1x16392xf32, #tpu.memory_space<vmem>>
      %parallel_loop3A_1743 = tpu.memref_squeeze %parallel_loop3A_1742 : memref<1x16392xf32, #tpu.memory_space<vmem>> -> memref<16392xf32, #tpu.memory_space<vmem>>
      tpu.vector_store_idx %parallel_loop3A_1743[%parallel_loop3A_1642], %parallel_loop3A_1740 masked %parallel_loop3A_1645 {add = true} : memref<16392xf32, #tpu.memory_space<vmem>>[vector<16xi32>], vector<16xf32>, vector<16xi1>
      %parallel_loop3A_1744 = arith.mulf %parallel_loop3A_1735, %parallel_loop3A_1675 : vector<16xf32>
      %parallel_loop3A_1745 = arith.constant 33168 : i32
      %parallel_loop3A_1746 = tpu.memref_slice %arg7[%parallel_loop3A_1440, %parallel_loop3A_1745] : memref<1x66080xf32, #tpu.memory_space<vmem>> -> memref<1x16392xf32, #tpu.memory_space<vmem>>
      %parallel_loop3A_1747 = tpu.memref_squeeze %parallel_loop3A_1746 : memref<1x16392xf32, #tpu.memory_space<vmem>> -> memref<16392xf32, #tpu.memory_space<vmem>>
      tpu.vector_store_idx %parallel_loop3A_1747[%parallel_loop3A_1642], %parallel_loop3A_1744 masked %parallel_loop3A_1645 {add = true} : memref<16392xf32, #tpu.memory_space<vmem>>[vector<16xi32>], vector<16xf32>, vector<16xi1>
      %parallel_loop3A_1748 = arith.mulf %parallel_loop3A_1735, %parallel_loop3A_1683 : vector<16xf32>
      %parallel_loop3A_1749 = arith.constant 49688 : i32
      %parallel_loop3A_1750 = tpu.memref_slice %arg7[%parallel_loop3A_1441, %parallel_loop3A_1749] : memref<1x66080xf32, #tpu.memory_space<vmem>> -> memref<1x16392xf32, #tpu.memory_space<vmem>>
      %parallel_loop3A_1751 = tpu.memref_squeeze %parallel_loop3A_1750 : memref<1x16392xf32, #tpu.memory_space<vmem>> -> memref<16392xf32, #tpu.memory_space<vmem>>
      tpu.vector_store_idx %parallel_loop3A_1751[%parallel_loop3A_1642], %parallel_loop3A_1748 masked %parallel_loop3A_1645 {add = true} : memref<16392xf32, #tpu.memory_space<vmem>>[vector<16xi32>], vector<16xf32>, vector<16xi1>
    } {sc.loop_unroll_factor = 2 : i64, sc.parallel_access}
    %dma_wait3A_1442 = arith.constant 1 : i32
    %dma_wait3A_1443 = arith.constant 1 : i32
    %dma_wait3A_1444 = arith.constant 0 : i32
    %dma_wait3A_1445 = arith.constant 0 : i32
    %dma_wait3A_1446 = tpu.memref_slice %arg5[%dma_wait3A_1442, %dma_wait3A_1444, %dma_wait3A_1445] : memref<2x2x4000xf32, #tpu.memory_space<vmem>> -> memref<1x2x4000xf32, #tpu.memory_space<vmem>>
    %dma_wait3A_1447 = tpu.memref_squeeze %dma_wait3A_1446 : memref<1x2x4000xf32, #tpu.memory_space<vmem>> -> memref<2x4000xf32, #tpu.memory_space<vmem>>
    %dma_wait3A_1448 = arith.constant 16000 : i32
    %dma_wait3A_1449 = tpu.memref_slice %arg2[%mul3A_1364, %dma_wait3A_1448] : memref<16x20000xf32, #tpu.memory_space<hbm>> -> memref<2x4000xf32, #tpu.memory_space<hbm>>
    %dma_wait3A_1450 = tpu.memref_slice %arg8[%dma_wait3A_1443] : memref<3x!tpu.dma_semaphore, #tpu.memory_space<semaphore_mem>> -> memref<1x!tpu.dma_semaphore, #tpu.memory_space<semaphore_mem>>
    %dma_wait3A_1451 = tpu.memref_squeeze %dma_wait3A_1450 : memref<1x!tpu.dma_semaphore, #tpu.memory_space<semaphore_mem>> -> memref<!tpu.dma_semaphore, #tpu.memory_space<semaphore_mem>>
    %dma_wait3A_1452 = arith.constant 0 : i32
    %dma_wait3A_1453 = arith.constant 0 : i32
    %dma_wait3A_1454 = tpu.memref_slice %arg5[%dma_wait3A_1442, %dma_wait3A_1452, %dma_wait3A_1453] : memref<2x2x4000xf32, #tpu.memory_space<vmem>> -> memref<1x2x4000xf32, #tpu.memory_space<vmem>>
    %dma_wait3A_1455 = tpu.memref_squeeze %dma_wait3A_1454 : memref<1x2x4000xf32, #tpu.memory_space<vmem>> -> memref<2x4000xf32, #tpu.memory_space<vmem>>
    %dma_wait3A_1456 = arith.constant 16000 : i32
    %dma_wait3A_1457 = tpu.memref_slice %arg2[%mul3A_1364, %dma_wait3A_1456] : memref<16x20000xf32, #tpu.memory_space<hbm>> -> memref<2x4000xf32, #tpu.memory_space<hbm>>
    tpu.wait_dma2 semaphore(%dma_wait3A_1451 : memref<!tpu.dma_semaphore, #tpu.memory_space<semaphore_mem>>) src(%dma_wait3A_1457 : memref<2x4000xf32, #tpu.memory_space<hbm>>) dst(%dma_wait3A_1455 : memref<2x4000xf32, #tpu.memory_space<vmem>>)
    %dma_wait3A_1458 = arith.constant 1 : i32
    %dma_wait3A_1459 = arith.constant 1 : i32
    %dma_wait3A_1460 = arith.constant 0 : i32
    %dma_wait3A_1461 = arith.constant 0 : i32
    %dma_wait3A_1462 = tpu.memref_slice %arg6[%dma_wait3A_1458, %dma_wait3A_1460, %dma_wait3A_1461] : memref<2x4x4000xf32, #tpu.memory_space<vmem>> -> memref<1x4x4000xf32, #tpu.memory_space<vmem>>
    %dma_wait3A_1463 = tpu.memref_squeeze %dma_wait3A_1462 : memref<1x4x4000xf32, #tpu.memory_space<vmem>> -> memref<4x4000xf32, #tpu.memory_space<vmem>>
    %dma_wait3A_1464 = arith.constant 16000 : i32
    %dma_wait3A_1465 = tpu.memref_slice %arg3[%add3A_1362, %dma_wait3A_1464] : memref<256x20000xf32, #tpu.memory_space<hbm>> -> memref<4x4000xf32, #tpu.memory_space<hbm>>
    %dma_wait3A_1466 = tpu.memref_slice %arg8[%dma_wait3A_1459] : memref<3x!tpu.dma_semaphore, #tpu.memory_space<semaphore_mem>> -> memref<1x!tpu.dma_semaphore, #tpu.memory_space<semaphore_mem>>
    %dma_wait3A_1467 = tpu.memref_squeeze %dma_wait3A_1466 : memref<1x!tpu.dma_semaphore, #tpu.memory_space<semaphore_mem>> -> memref<!tpu.dma_semaphore, #tpu.memory_space<semaphore_mem>>
    %dma_wait3A_1468 = arith.constant 0 : i32
    %dma_wait3A_1469 = arith.constant 0 : i32
    %dma_wait3A_1470 = tpu.memref_slice %arg6[%dma_wait3A_1458, %dma_wait3A_1468, %dma_wait3A_1469] : memref<2x4x4000xf32, #tpu.memory_space<vmem>> -> memref<1x4x4000xf32, #tpu.memory_space<vmem>>
    %dma_wait3A_1471 = tpu.memref_squeeze %dma_wait3A_1470 : memref<1x4x4000xf32, #tpu.memory_space<vmem>> -> memref<4x4000xf32, #tpu.memory_space<vmem>>
    %dma_wait3A_1472 = arith.constant 16000 : i32
    %dma_wait3A_1473 = tpu.memref_slice %arg3[%add3A_1362, %dma_wait3A_1472] : memref<256x20000xf32, #tpu.memory_space<hbm>> -> memref<4x4000xf32, #tpu.memory_space<hbm>>
    tpu.wait_dma2 semaphore(%dma_wait3A_1467 : memref<!tpu.dma_semaphore, #tpu.memory_space<semaphore_mem>>) src(%dma_wait3A_1473 : memref<4x4000xf32, #tpu.memory_space<hbm>>) dst(%dma_wait3A_1471 : memref<4x4000xf32, #tpu.memory_space<vmem>>)
    %parallel_loop3A_1474 = arith.constant 0 : i32
    %parallel_loop3A_1475 = arith.constant 250 : i32
    %parallel_loop3A_1476 = arith.constant 1 : i32
    %parallel_loop3A_1477 = arith.constant 1 : i32
    %parallel_loop3A_1478 = arith.constant 1 : i32
    %parallel_loop3A_1479 = arith.constant 0 : i32
    %parallel_loop3A_1480 = arith.constant 0 : i32
    %parallel_loop3A_1481 = arith.constant 0 : i32
    %parallel_loop3A_1482 = arith.constant 0 : i32
    %parallel_loop3A_1483 = arith.constant 0 : i32
    %parallel_loop3A_1484 = arith.constant 0 : i32
    %parallel_loop3A_1485 = arith.constant 0 : i32
    %parallel_loop3A_1486 = arith.constant 0 : i32
    scf.for %parallel_loop3A_1599 = %parallel_loop3A_1474 to %parallel_loop3A_1475 step %parallel_loop3A_1476  : i32 {
      %parallel_loop3A_1600 = arith.constant 16 : i32
      %parallel_loop3A_1601 = arith.muli %parallel_loop3A_1599, %parallel_loop3A_1600 : i32
      %parallel_loop3A_1602 = arith.constant 0 : i32
      %parallel_loop3A_1603 = arith.constant 0 : i32
      %parallel_loop3A_1604 = arith.constant 0 : i32
      %parallel_loop3A_1605 = tpu.memref_slice %arg5[%parallel_loop3A_1477, %parallel_loop3A_1603, %parallel_loop3A_1604] : memref<2x2x4000xf32, #tpu.memory_space<vmem>> -> memref<1x2x4000xf32, #tpu.memory_space<vmem>>
      %parallel_loop3A_1606 = tpu.memref_squeeze %parallel_loop3A_1605 : memref<1x2x4000xf32, #tpu.memory_space<vmem>> -> memref<2x4000xf32, #tpu.memory_space<vmem>>
      %parallel_loop3A_1607 = arith.index_cast %parallel_loop3A_1602 : i32 to index
      %parallel_loop3A_1608 = arith.index_cast %parallel_loop3A_1601 : i32 to index
      %parallel_loop3A_1609 = tpu.vector_load %parallel_loop3A_1606[%parallel_loop3A_1607, %parallel_loop3A_1608] {strides = array<i32>} : memref<2x4000xf32, #tpu.memory_space<vmem>>, vector<16xf32>,
      %parallel_loop3A_1610 = arith.constant 1 : i32
      %parallel_loop3A_1611 = arith.constant 0 : i32
      %parallel_loop3A_1612 = arith.constant 0 : i32
      %parallel_loop3A_1613 = tpu.memref_slice %arg5[%parallel_loop3A_1477, %parallel_loop3A_1611, %parallel_loop3A_1612] : memref<2x2x4000xf32, #tpu.memory_space<vmem>> -> memref<1x2x4000xf32, #tpu.memory_space<vmem>>
      %parallel_loop3A_1614 = tpu.memref_squeeze %parallel_loop3A_1613 : memref<1x2x4000xf32, #tpu.memory_space<vmem>> -> memref<2x4000xf32, #tpu.memory_space<vmem>>
      %parallel_loop3A_1615 = arith.index_cast %parallel_loop3A_1610 : i32 to index
      %parallel_loop3A_1616 = arith.index_cast %parallel_loop3A_1601 : i32 to index
      %parallel_loop3A_1617 = tpu.vector_load %parallel_loop3A_1614[%parallel_loop3A_1615, %parallel_loop3A_1616] {strides = array<i32>} : memref<2x4000xf32, #tpu.memory_space<vmem>>, vector<16xf32>,
      %parallel_loop3A_1618 = arith.constant 5.000000e-01 : f32
      %parallel_loop3A_1619 = vector.broadcast %parallel_loop3A_1618 : f32 to vector<16xf32>
      %parallel_loop3A_1620 = arith.addf %parallel_loop3A_1609, %parallel_loop3A_1619 : vector<16xf32>
      %parallel_loop3A_1621 = arith.constant 1.280000e+02 : f32
      %parallel_loop3A_1622 = vector.broadcast %parallel_loop3A_1621 : f32 to vector<16xf32>
      %parallel_loop3A_1623 = arith.mulf %parallel_loop3A_1620, %parallel_loop3A_1622 : vector<16xf32>
      %parallel_loop3A_1624 = arith.constant 5.000000e-01 : f32
      %parallel_loop3A_1625 = vector.broadcast %parallel_loop3A_1624 : f32 to vector<16xf32>
      %parallel_loop3A_1626 = arith.addf %parallel_loop3A_1617, %parallel_loop3A_1625 : vector<16xf32>
      %parallel_loop3A_1627 = arith.constant 1.280000e+02 : f32
      %parallel_loop3A_1628 = vector.broadcast %parallel_loop3A_1627 : f32 to vector<16xf32>
      %parallel_loop3A_1629 = arith.mulf %parallel_loop3A_1626, %parallel_loop3A_1628 : vector<16xf32>
      %parallel_loop3A_1630 = arith.fptosi %parallel_loop3A_1623 : vector<16xf32> to vector<16xi32>
      %parallel_loop3A_1631 = arith.fptosi %parallel_loop3A_1629 : vector<16xf32> to vector<16xi32>
      %parallel_loop3A_1632 = arith.sitofp %parallel_loop3A_1630 : vector<16xi32> to vector<16xf32>
      %parallel_loop3A_1633 = arith.subf %parallel_loop3A_1623, %parallel_loop3A_1632 : vector<16xf32>
      %parallel_loop3A_1634 = arith.sitofp %parallel_loop3A_1631 : vector<16xi32> to vector<16xf32>
      %parallel_loop3A_1635 = arith.subf %parallel_loop3A_1629, %parallel_loop3A_1634 : vector<16xf32>
      %parallel_loop3A_1636 = arith.constant 128 : i32
      %parallel_loop3A_1637 = vector.broadcast %parallel_loop3A_1636 : i32 to vector<16xi32>
      %parallel_loop3A_1638 = arith.muli %parallel_loop3A_1631, %parallel_loop3A_1637 : vector<16xi32>
      %parallel_loop3A_1639 = arith.addi %parallel_loop3A_1638, %parallel_loop3A_1630 : vector<16xi32>
      %parallel_loop3A_1640 = arith.constant 1 : i32
      %parallel_loop3A_1641 = vector.broadcast %parallel_loop3A_1640 : i32 to vector<16xi32>
      %parallel_loop3A_1642 = arith.addi %parallel_loop3A_1639, %parallel_loop3A_1641 : vector<16xi32>
      %parallel_loop3A_1643 = arith.constant 127 : i32
      %parallel_loop3A_1644 = vector.broadcast %parallel_loop3A_1643 : i32 to vector<16xi32>
      %parallel_loop3A_1645 = arith.cmpi slt, %parallel_loop3A_1630, %parallel_loop3A_1644 : vector<16xi32>
      %parallel_loop3A_1646 = arith.constant 1.000000e+00 : f32
      %parallel_loop3A_1647 = vector.broadcast %parallel_loop3A_1646 : f32 to vector<16xf32>
      %parallel_loop3A_1648 = arith.subf %parallel_loop3A_1647, %parallel_loop3A_1633 : vector<16xf32>
      %parallel_loop3A_1649 = arith.constant 1.000000e+00 : f32
      %parallel_loop3A_1650 = vector.broadcast %parallel_loop3A_1649 : f32 to vector<16xf32>
      %parallel_loop3A_1651 = arith.subf %parallel_loop3A_1650, %parallel_loop3A_1635 : vector<16xf32>
      %parallel_loop3A_1652 = arith.constant 0 : i32
      %parallel_loop3A_1653 = arith.constant 0 : i32
      %parallel_loop3A_1654 = arith.constant 0 : i32
      %parallel_loop3A_1655 = tpu.memref_slice %arg6[%parallel_loop3A_1478, %parallel_loop3A_1653, %parallel_loop3A_1654] : memref<2x4x4000xf32, #tpu.memory_space<vmem>> -> memref<1x4x4000xf32, #tpu.memory_space<vmem>>
      %parallel_loop3A_1656 = tpu.memref_squeeze %parallel_loop3A_1655 : memref<1x4x4000xf32, #tpu.memory_space<vmem>> -> memref<4x4000xf32, #tpu.memory_space<vmem>>
      %parallel_loop3A_1657 = arith.index_cast %parallel_loop3A_1652 : i32 to index
      %parallel_loop3A_1658 = arith.index_cast %parallel_loop3A_1601 : i32 to index
      %parallel_loop3A_1659 = tpu.vector_load %parallel_loop3A_1656[%parallel_loop3A_1657, %parallel_loop3A_1658] {strides = array<i32>} : memref<4x4000xf32, #tpu.memory_space<vmem>>, vector<16xf32>,
      %parallel_loop3A_1660 = arith.constant 1 : i32
      %parallel_loop3A_1661 = arith.constant 0 : i32
      %parallel_loop3A_1662 = arith.constant 0 : i32
      %parallel_loop3A_1663 = tpu.memref_slice %arg6[%parallel_loop3A_1478, %parallel_loop3A_1661, %parallel_loop3A_1662] : memref<2x4x4000xf32, #tpu.memory_space<vmem>> -> memref<1x4x4000xf32, #tpu.memory_space<vmem>>
      %parallel_loop3A_1664 = tpu.memref_squeeze %parallel_loop3A_1663 : memref<1x4x4000xf32, #tpu.memory_space<vmem>> -> memref<4x4000xf32, #tpu.memory_space<vmem>>
      %parallel_loop3A_1665 = arith.index_cast %parallel_loop3A_1660 : i32 to index
      %parallel_loop3A_1666 = arith.index_cast %parallel_loop3A_1601 : i32 to index
      %parallel_loop3A_1667 = tpu.vector_load %parallel_loop3A_1664[%parallel_loop3A_1665, %parallel_loop3A_1666] {strides = array<i32>} : memref<4x4000xf32, #tpu.memory_space<vmem>>, vector<16xf32>,
      %parallel_loop3A_1668 = arith.constant 2 : i32
      %parallel_loop3A_1669 = arith.constant 0 : i32
      %parallel_loop3A_1670 = arith.constant 0 : i32
      %parallel_loop3A_1671 = tpu.memref_slice %arg6[%parallel_loop3A_1478, %parallel_loop3A_1669, %parallel_loop3A_1670] : memref<2x4x4000xf32, #tpu.memory_space<vmem>> -> memref<1x4x4000xf32, #tpu.memory_space<vmem>>
      %parallel_loop3A_1672 = tpu.memref_squeeze %parallel_loop3A_1671 : memref<1x4x4000xf32, #tpu.memory_space<vmem>> -> memref<4x4000xf32, #tpu.memory_space<vmem>>
      %parallel_loop3A_1673 = arith.index_cast %parallel_loop3A_1668 : i32 to index
      %parallel_loop3A_1674 = arith.index_cast %parallel_loop3A_1601 : i32 to index
      %parallel_loop3A_1675 = tpu.vector_load %parallel_loop3A_1672[%parallel_loop3A_1673, %parallel_loop3A_1674] {strides = array<i32>} : memref<4x4000xf32, #tpu.memory_space<vmem>>, vector<16xf32>,
      %parallel_loop3A_1676 = arith.constant 3 : i32
      %parallel_loop3A_1677 = arith.constant 0 : i32
      %parallel_loop3A_1678 = arith.constant 0 : i32
      %parallel_loop3A_1679 = tpu.memref_slice %arg6[%parallel_loop3A_1478, %parallel_loop3A_1677, %parallel_loop3A_1678] : memref<2x4x4000xf32, #tpu.memory_space<vmem>> -> memref<1x4x4000xf32, #tpu.memory_space<vmem>>
      %parallel_loop3A_1680 = tpu.memref_squeeze %parallel_loop3A_1679 : memref<1x4x4000xf32, #tpu.memory_space<vmem>> -> memref<4x4000xf32, #tpu.memory_space<vmem>>
      %parallel_loop3A_1681 = arith.index_cast %parallel_loop3A_1676 : i32 to index
      %parallel_loop3A_1682 = arith.index_cast %parallel_loop3A_1601 : i32 to index
      %parallel_loop3A_1683 = tpu.vector_load %parallel_loop3A_1680[%parallel_loop3A_1681, %parallel_loop3A_1682] {strides = array<i32>} : memref<4x4000xf32, #tpu.memory_space<vmem>>, vector<16xf32>,
      %parallel_loop3A_1684 = arith.mulf %parallel_loop3A_1648, %parallel_loop3A_1651 : vector<16xf32>
      %parallel_loop3A_1685 = arith.mulf %parallel_loop3A_1684, %parallel_loop3A_1659 : vector<16xf32>
      %parallel_loop3A_1686 = arith.constant 0 : i32
      %parallel_loop3A_1687 = tpu.memref_slice %arg7[%parallel_loop3A_1479, %parallel_loop3A_1686] : memref<1x66080xf32, #tpu.memory_space<vmem>> -> memref<1x16392xf32, #tpu.memory_space<vmem>>
      %parallel_loop3A_1688 = tpu.memref_squeeze %parallel_loop3A_1687 : memref<1x16392xf32, #tpu.memory_space<vmem>> -> memref<16392xf32, #tpu.memory_space<vmem>>
      tpu.vector_store_idx %parallel_loop3A_1688[%parallel_loop3A_1639], %parallel_loop3A_1685 {add = true} : memref<16392xf32, #tpu.memory_space<vmem>>[vector<16xi32>], vector<16xf32>,
      %parallel_loop3A_1689 = arith.mulf %parallel_loop3A_1684, %parallel_loop3A_1667 : vector<16xf32>
      %parallel_loop3A_1690 = arith.constant 16520 : i32
      %parallel_loop3A_1691 = tpu.memref_slice %arg7[%parallel_loop3A_1480, %parallel_loop3A_1690] : memref<1x66080xf32, #tpu.memory_space<vmem>> -> memref<1x16392xf32, #tpu.memory_space<vmem>>
      %parallel_loop3A_1692 = tpu.memref_squeeze %parallel_loop3A_1691 : memref<1x16392xf32, #tpu.memory_space<vmem>> -> memref<16392xf32, #tpu.memory_space<vmem>>
      tpu.vector_store_idx %parallel_loop3A_1692[%parallel_loop3A_1639], %parallel_loop3A_1689 {add = true} : memref<16392xf32, #tpu.memory_space<vmem>>[vector<16xi32>], vector<16xf32>,
      %parallel_loop3A_1693 = arith.mulf %parallel_loop3A_1684, %parallel_loop3A_1675 : vector<16xf32>
      %parallel_loop3A_1694 = arith.constant 33040 : i32
      %parallel_loop3A_1695 = tpu.memref_slice %arg7[%parallel_loop3A_1481, %parallel_loop3A_1694] : memref<1x66080xf32, #tpu.memory_space<vmem>> -> memref<1x16392xf32, #tpu.memory_space<vmem>>
      %parallel_loop3A_1696 = tpu.memref_squeeze %parallel_loop3A_1695 : memref<1x16392xf32, #tpu.memory_space<vmem>> -> memref<16392xf32, #tpu.memory_space<vmem>>
      tpu.vector_store_idx %parallel_loop3A_1696[%parallel_loop3A_1639], %parallel_loop3A_1693 {add = true} : memref<16392xf32, #tpu.memory_space<vmem>>[vector<16xi32>], vector<16xf32>,
      %parallel_loop3A_1697 = arith.mulf %parallel_loop3A_1684, %parallel_loop3A_1683 : vector<16xf32>
      %parallel_loop3A_1698 = arith.constant 49560 : i32
      %parallel_loop3A_1699 = tpu.memref_slice %arg7[%parallel_loop3A_1482, %parallel_loop3A_1698] : memref<1x66080xf32, #tpu.memory_space<vmem>> -> memref<1x16392xf32, #tpu.memory_space<vmem>>
      %parallel_loop3A_1700 = tpu.memref_squeeze %parallel_loop3A_1699 : memref<1x16392xf32, #tpu.memory_space<vmem>> -> memref<16392xf32, #tpu.memory_space<vmem>>
      tpu.vector_store_idx %parallel_loop3A_1700[%parallel_loop3A_1639], %parallel_loop3A_1697 {add = true} : memref<16392xf32, #tpu.memory_space<vmem>>[vector<16xi32>], vector<16xf32>,
      %parallel_loop3A_1701 = arith.mulf %parallel_loop3A_1633, %parallel_loop3A_1651 : vector<16xf32>
      %parallel_loop3A_1702 = arith.mulf %parallel_loop3A_1701, %parallel_loop3A_1659 : vector<16xf32>
      %parallel_loop3A_1703 = arith.constant 0 : i32
      %parallel_loop3A_1704 = tpu.memref_slice %arg7[%parallel_loop3A_1479, %parallel_loop3A_1703] : memref<1x66080xf32, #tpu.memory_space<vmem>> -> memref<1x16392xf32, #tpu.memory_space<vmem>>
      %parallel_loop3A_1705 = tpu.memref_squeeze %parallel_loop3A_1704 : memref<1x16392xf32, #tpu.memory_space<vmem>> -> memref<16392xf32, #tpu.memory_space<vmem>>
      tpu.vector_store_idx %parallel_loop3A_1705[%parallel_loop3A_1642], %parallel_loop3A_1702 masked %parallel_loop3A_1645 {add = true} : memref<16392xf32, #tpu.memory_space<vmem>>[vector<16xi32>], vector<16xf32>, vector<16xi1>
      %parallel_loop3A_1706 = arith.mulf %parallel_loop3A_1701, %parallel_loop3A_1667 : vector<16xf32>
      %parallel_loop3A_1707 = arith.constant 16520 : i32
      %parallel_loop3A_1708 = tpu.memref_slice %arg7[%parallel_loop3A_1480, %parallel_loop3A_1707] : memref<1x66080xf32, #tpu.memory_space<vmem>> -> memref<1x16392xf32, #tpu.memory_space<vmem>>
      %parallel_loop3A_1709 = tpu.memref_squeeze %parallel_loop3A_1708 : memref<1x16392xf32, #tpu.memory_space<vmem>> -> memref<16392xf32, #tpu.memory_space<vmem>>
      tpu.vector_store_idx %parallel_loop3A_1709[%parallel_loop3A_1642], %parallel_loop3A_1706 masked %parallel_loop3A_1645 {add = true} : memref<16392xf32, #tpu.memory_space<vmem>>[vector<16xi32>], vector<16xf32>, vector<16xi1>
      %parallel_loop3A_1710 = arith.mulf %parallel_loop3A_1701, %parallel_loop3A_1675 : vector<16xf32>
      %parallel_loop3A_1711 = arith.constant 33040 : i32
      %parallel_loop3A_1712 = tpu.memref_slice %arg7[%parallel_loop3A_1481, %parallel_loop3A_1711] : memref<1x66080xf32, #tpu.memory_space<vmem>> -> memref<1x16392xf32, #tpu.memory_space<vmem>>
      %parallel_loop3A_1713 = tpu.memref_squeeze %parallel_loop3A_1712 : memref<1x16392xf32, #tpu.memory_space<vmem>> -> memref<16392xf32, #tpu.memory_space<vmem>>
      tpu.vector_store_idx %parallel_loop3A_1713[%parallel_loop3A_1642], %parallel_loop3A_1710 masked %parallel_loop3A_1645 {add = true} : memref<16392xf32, #tpu.memory_space<vmem>>[vector<16xi32>], vector<16xf32>, vector<16xi1>
      %parallel_loop3A_1714 = arith.mulf %parallel_loop3A_1701, %parallel_loop3A_1683 : vector<16xf32>
      %parallel_loop3A_1715 = arith.constant 49560 : i32
      %parallel_loop3A_1716 = tpu.memref_slice %arg7[%parallel_loop3A_1482, %parallel_loop3A_1715] : memref<1x66080xf32, #tpu.memory_space<vmem>> -> memref<1x16392xf32, #tpu.memory_space<vmem>>
      %parallel_loop3A_1717 = tpu.memref_squeeze %parallel_loop3A_1716 : memref<1x16392xf32, #tpu.memory_space<vmem>> -> memref<16392xf32, #tpu.memory_space<vmem>>
      tpu.vector_store_idx %parallel_loop3A_1717[%parallel_loop3A_1642], %parallel_loop3A_1714 masked %parallel_loop3A_1645 {add = true} : memref<16392xf32, #tpu.memory_space<vmem>>[vector<16xi32>], vector<16xf32>, vector<16xi1>
      %parallel_loop3A_1718 = arith.mulf %parallel_loop3A_1648, %parallel_loop3A_1635 : vector<16xf32>
      %parallel_loop3A_1719 = arith.mulf %parallel_loop3A_1718, %parallel_loop3A_1659 : vector<16xf32>
      %parallel_loop3A_1720 = arith.constant 128 : i32
      %parallel_loop3A_1721 = tpu.memref_slice %arg7[%parallel_loop3A_1483, %parallel_loop3A_1720] : memref<1x66080xf32, #tpu.memory_space<vmem>> -> memref<1x16392xf32, #tpu.memory_space<vmem>>
      %parallel_loop3A_1722 = tpu.memref_squeeze %parallel_loop3A_1721 : memref<1x16392xf32, #tpu.memory_space<vmem>> -> memref<16392xf32, #tpu.memory_space<vmem>>
      tpu.vector_store_idx %parallel_loop3A_1722[%parallel_loop3A_1639], %parallel_loop3A_1719 {add = true} : memref<16392xf32, #tpu.memory_space<vmem>>[vector<16xi32>], vector<16xf32>,
      %parallel_loop3A_1723 = arith.mulf %parallel_loop3A_1718, %parallel_loop3A_1667 : vector<16xf32>
      %parallel_loop3A_1724 = arith.constant 16648 : i32
      %parallel_loop3A_1725 = tpu.memref_slice %arg7[%parallel_loop3A_1484, %parallel_loop3A_1724] : memref<1x66080xf32, #tpu.memory_space<vmem>> -> memref<1x16392xf32, #tpu.memory_space<vmem>>
      %parallel_loop3A_1726 = tpu.memref_squeeze %parallel_loop3A_1725 : memref<1x16392xf32, #tpu.memory_space<vmem>> -> memref<16392xf32, #tpu.memory_space<vmem>>
      tpu.vector_store_idx %parallel_loop3A_1726[%parallel_loop3A_1639], %parallel_loop3A_1723 {add = true} : memref<16392xf32, #tpu.memory_space<vmem>>[vector<16xi32>], vector<16xf32>,
      %parallel_loop3A_1727 = arith.mulf %parallel_loop3A_1718, %parallel_loop3A_1675 : vector<16xf32>
      %parallel_loop3A_1728 = arith.constant 33168 : i32
      %parallel_loop3A_1729 = tpu.memref_slice %arg7[%parallel_loop3A_1485, %parallel_loop3A_1728] : memref<1x66080xf32, #tpu.memory_space<vmem>> -> memref<1x16392xf32, #tpu.memory_space<vmem>>
      %parallel_loop3A_1730 = tpu.memref_squeeze %parallel_loop3A_1729 : memref<1x16392xf32, #tpu.memory_space<vmem>> -> memref<16392xf32, #tpu.memory_space<vmem>>
      tpu.vector_store_idx %parallel_loop3A_1730[%parallel_loop3A_1639], %parallel_loop3A_1727 {add = true} : memref<16392xf32, #tpu.memory_space<vmem>>[vector<16xi32>], vector<16xf32>,
      %parallel_loop3A_1731 = arith.mulf %parallel_loop3A_1718, %parallel_loop3A_1683 : vector<16xf32>
      %parallel_loop3A_1732 = arith.constant 49688 : i32
      %parallel_loop3A_1733 = tpu.memref_slice %arg7[%parallel_loop3A_1486, %parallel_loop3A_1732] : memref<1x66080xf32, #tpu.memory_space<vmem>> -> memref<1x16392xf32, #tpu.memory_space<vmem>>
      %parallel_loop3A_1734 = tpu.memref_squeeze %parallel_loop3A_1733 : memref<1x16392xf32, #tpu.memory_space<vmem>> -> memref<16392xf32, #tpu.memory_space<vmem>>
      tpu.vector_store_idx %parallel_loop3A_1734[%parallel_loop3A_1639], %parallel_loop3A_1731 {add = true} : memref<16392xf32, #tpu.memory_space<vmem>>[vector<16xi32>], vector<16xf32>,
      %parallel_loop3A_1735 = arith.mulf %parallel_loop3A_1633, %parallel_loop3A_1635 : vector<16xf32>
      %parallel_loop3A_1736 = arith.mulf %parallel_loop3A_1735, %parallel_loop3A_1659 : vector<16xf32>
      %parallel_loop3A_1737 = arith.constant 128 : i32
      %parallel_loop3A_1738 = tpu.memref_slice %arg7[%parallel_loop3A_1483, %parallel_loop3A_1737] : memref<1x66080xf32, #tpu.memory_space<vmem>> -> memref<1x16392xf32, #tpu.memory_space<vmem>>
      %parallel_loop3A_1739 = tpu.memref_squeeze %parallel_loop3A_1738 : memref<1x16392xf32, #tpu.memory_space<vmem>> -> memref<16392xf32, #tpu.memory_space<vmem>>
      tpu.vector_store_idx %parallel_loop3A_1739[%parallel_loop3A_1642], %parallel_loop3A_1736 masked %parallel_loop3A_1645 {add = true} : memref<16392xf32, #tpu.memory_space<vmem>>[vector<16xi32>], vector<16xf32>, vector<16xi1>
      %parallel_loop3A_1740 = arith.mulf %parallel_loop3A_1735, %parallel_loop3A_1667 : vector<16xf32>
      %parallel_loop3A_1741 = arith.constant 16648 : i32
      %parallel_loop3A_1742 = tpu.memref_slice %arg7[%parallel_loop3A_1484, %parallel_loop3A_1741] : memref<1x66080xf32, #tpu.memory_space<vmem>> -> memref<1x16392xf32, #tpu.memory_space<vmem>>
      %parallel_loop3A_1743 = tpu.memref_squeeze %parallel_loop3A_1742 : memref<1x16392xf32, #tpu.memory_space<vmem>> -> memref<16392xf32, #tpu.memory_space<vmem>>
      tpu.vector_store_idx %parallel_loop3A_1743[%parallel_loop3A_1642], %parallel_loop3A_1740 masked %parallel_loop3A_1645 {add = true} : memref<16392xf32, #tpu.memory_space<vmem>>[vector<16xi32>], vector<16xf32>, vector<16xi1>
      %parallel_loop3A_1744 = arith.mulf %parallel_loop3A_1735, %parallel_loop3A_1675 : vector<16xf32>
      %parallel_loop3A_1745 = arith.constant 33168 : i32
      %parallel_loop3A_1746 = tpu.memref_slice %arg7[%parallel_loop3A_1485, %parallel_loop3A_1745] : memref<1x66080xf32, #tpu.memory_space<vmem>> -> memref<1x16392xf32, #tpu.memory_space<vmem>>
      %parallel_loop3A_1747 = tpu.memref_squeeze %parallel_loop3A_1746 : memref<1x16392xf32, #tpu.memory_space<vmem>> -> memref<16392xf32, #tpu.memory_space<vmem>>
      tpu.vector_store_idx %parallel_loop3A_1747[%parallel_loop3A_1642], %parallel_loop3A_1744 masked %parallel_loop3A_1645 {add = true} : memref<16392xf32, #tpu.memory_space<vmem>>[vector<16xi32>], vector<16xf32>, vector<16xi1>
      %parallel_loop3A_1748 = arith.mulf %parallel_loop3A_1735, %parallel_loop3A_1683 : vector<16xf32>
      %parallel_loop3A_1749 = arith.constant 49688 : i32
      %parallel_loop3A_1750 = tpu.memref_slice %arg7[%parallel_loop3A_1486, %parallel_loop3A_1749] : memref<1x66080xf32, #tpu.memory_space<vmem>> -> memref<1x16392xf32, #tpu.memory_space<vmem>>
      %parallel_loop3A_1751 = tpu.memref_squeeze %parallel_loop3A_1750 : memref<1x16392xf32, #tpu.memory_space<vmem>> -> memref<16392xf32, #tpu.memory_space<vmem>>
      tpu.vector_store_idx %parallel_loop3A_1751[%parallel_loop3A_1642], %parallel_loop3A_1748 masked %parallel_loop3A_1645 {add = true} : memref<16392xf32, #tpu.memory_space<vmem>>[vector<16xi32>], vector<16xf32>, vector<16xi1>
    } {sc.loop_unroll_factor = 2 : i64, sc.parallel_access}
    %add3A_1487 = arith.constant 0 : i32
    %add3A_1488 = arith.addi %add3A_875, %add3A_1487 : i32
    %mul3A_1489 = arith.constant 16384 : i32
    %mul3A_1490 = arith.muli %add3A_1488, %mul3A_1489 : i32
    %add3A_1491 = arith.constant 1 : i32
    %add3A_1492 = arith.addi %add3A_875, %add3A_1491 : i32
    %mul3A_1493 = arith.constant 16384 : i32
    %mul3A_1494 = arith.muli %add3A_1492, %mul3A_1493 : i32
    %add3A_1495 = arith.constant 2 : i32
    %add3A_1496 = arith.addi %add3A_875, %add3A_1495 : i32
    %mul3A_1497 = arith.constant 16384 : i32
    %mul3A_1498 = arith.muli %add3A_1496, %mul3A_1497 : i32
    %add3A_1499 = arith.constant 3 : i32
    %add3A_1500 = arith.addi %add3A_875, %add3A_1499 : i32
    %mul3A_1501 = arith.constant 16384 : i32
    %mul3A_1502 = arith.muli %add3A_1500, %mul3A_1501 : i32
    %dma_start3A_1503 = arith.constant 0 : i32
    %dma_start3A_1504 = arith.constant 2 : i32
    %dma_start3A_1505 = arith.constant 0 : i32
    %dma_start3A_1506 = tpu.memref_slice %arg7[%dma_start3A_1503, %dma_start3A_1505] : memref<1x66080xf32, #tpu.memory_space<vmem>> -> memref<1x16384xf32, #tpu.memory_space<vmem>>
    %dma_start3A_1507 = tpu.memref_squeeze %dma_start3A_1506 : memref<1x16384xf32, #tpu.memory_space<vmem>> -> memref<16384xf32, #tpu.memory_space<vmem>>
    %dma_start3A_1508 = tpu.memref_slice %arg4[%mul3A_1490] : memref<4194304xf32, #tpu.memory_space<hbm>> -> memref<16384xf32, #tpu.memory_space<hbm>>
    %dma_start3A_1509 = tpu.memref_slice %arg8[%dma_start3A_1504] : memref<3x!tpu.dma_semaphore, #tpu.memory_space<semaphore_mem>> -> memref<1x!tpu.dma_semaphore, #tpu.memory_space<semaphore_mem>>
    %dma_start3A_1510 = tpu.memref_squeeze %dma_start3A_1509 : memref<1x!tpu.dma_semaphore, #tpu.memory_space<semaphore_mem>> -> memref<!tpu.dma_semaphore, #tpu.memory_space<semaphore_mem>>
    %dma_start3A_1511 = tpu.memref_slice %arg4[%mul3A_1490] : memref<4194304xf32, #tpu.memory_space<hbm>> -> memref<16384xf32, #tpu.memory_space<hbm>>
    %dma_start3A_1512 = arith.constant 0 : i32
    %dma_start3A_1513 = tpu.memref_slice %arg7[%dma_start3A_1503, %dma_start3A_1512] : memref<1x66080xf32, #tpu.memory_space<vmem>> -> memref<1x16384xf32, #tpu.memory_space<vmem>>
    %dma_start3A_1514 = tpu.memref_squeeze %dma_start3A_1513 : memref<1x16384xf32, #tpu.memory_space<vmem>> -> memref<16384xf32, #tpu.memory_space<vmem>>
    tpu.enqueue_dma source(%dma_start3A_1514 : memref<16384xf32, #tpu.memory_space<vmem>>) target(%dma_start3A_1511 : memref<16384xf32, #tpu.memory_space<hbm>>) target_semaphore(%dma_start3A_1510 : memref<!tpu.dma_semaphore, #tpu.memory_space<semaphore_mem>>)
    %dma_start3A_1515 = arith.constant 0 : i32
    %dma_start3A_1516 = arith.constant 2 : i32
    %dma_start3A_1517 = arith.constant 16520 : i32
    %dma_start3A_1518 = tpu.memref_slice %arg7[%dma_start3A_1515, %dma_start3A_1517] : memref<1x66080xf32, #tpu.memory_space<vmem>> -> memref<1x16384xf32, #tpu.memory_space<vmem>>
    %dma_start3A_1519 = tpu.memref_squeeze %dma_start3A_1518 : memref<1x16384xf32, #tpu.memory_space<vmem>> -> memref<16384xf32, #tpu.memory_space<vmem>>
    %dma_start3A_1520 = tpu.memref_slice %arg4[%mul3A_1494] : memref<4194304xf32, #tpu.memory_space<hbm>> -> memref<16384xf32, #tpu.memory_space<hbm>>
    %dma_start3A_1521 = tpu.memref_slice %arg8[%dma_start3A_1516] : memref<3x!tpu.dma_semaphore, #tpu.memory_space<semaphore_mem>> -> memref<1x!tpu.dma_semaphore, #tpu.memory_space<semaphore_mem>>
    %dma_start3A_1522 = tpu.memref_squeeze %dma_start3A_1521 : memref<1x!tpu.dma_semaphore, #tpu.memory_space<semaphore_mem>> -> memref<!tpu.dma_semaphore, #tpu.memory_space<semaphore_mem>>
    %dma_start3A_1523 = tpu.memref_slice %arg4[%mul3A_1494] : memref<4194304xf32, #tpu.memory_space<hbm>> -> memref<16384xf32, #tpu.memory_space<hbm>>
    %dma_start3A_1524 = arith.constant 16520 : i32
    %dma_start3A_1525 = tpu.memref_slice %arg7[%dma_start3A_1515, %dma_start3A_1524] : memref<1x66080xf32, #tpu.memory_space<vmem>> -> memref<1x16384xf32, #tpu.memory_space<vmem>>
    %dma_start3A_1526 = tpu.memref_squeeze %dma_start3A_1525 : memref<1x16384xf32, #tpu.memory_space<vmem>> -> memref<16384xf32, #tpu.memory_space<vmem>>
    tpu.enqueue_dma source(%dma_start3A_1526 : memref<16384xf32, #tpu.memory_space<vmem>>) target(%dma_start3A_1523 : memref<16384xf32, #tpu.memory_space<hbm>>) target_semaphore(%dma_start3A_1522 : memref<!tpu.dma_semaphore, #tpu.memory_space<semaphore_mem>>)
    %dma_start3A_1527 = arith.constant 0 : i32
    %dma_start3A_1528 = arith.constant 2 : i32
    %dma_start3A_1529 = arith.constant 33040 : i32
    %dma_start3A_1530 = tpu.memref_slice %arg7[%dma_start3A_1527, %dma_start3A_1529] : memref<1x66080xf32, #tpu.memory_space<vmem>> -> memref<1x16384xf32, #tpu.memory_space<vmem>>
    %dma_start3A_1531 = tpu.memref_squeeze %dma_start3A_1530 : memref<1x16384xf32, #tpu.memory_space<vmem>> -> memref<16384xf32, #tpu.memory_space<vmem>>
    %dma_start3A_1532 = tpu.memref_slice %arg4[%mul3A_1498] : memref<4194304xf32, #tpu.memory_space<hbm>> -> memref<16384xf32, #tpu.memory_space<hbm>>
    %dma_start3A_1533 = tpu.memref_slice %arg8[%dma_start3A_1528] : memref<3x!tpu.dma_semaphore, #tpu.memory_space<semaphore_mem>> -> memref<1x!tpu.dma_semaphore, #tpu.memory_space<semaphore_mem>>
    %dma_start3A_1534 = tpu.memref_squeeze %dma_start3A_1533 : memref<1x!tpu.dma_semaphore, #tpu.memory_space<semaphore_mem>> -> memref<!tpu.dma_semaphore, #tpu.memory_space<semaphore_mem>>
    %dma_start3A_1535 = tpu.memref_slice %arg4[%mul3A_1498] : memref<4194304xf32, #tpu.memory_space<hbm>> -> memref<16384xf32, #tpu.memory_space<hbm>>
    %dma_start3A_1536 = arith.constant 33040 : i32
    %dma_start3A_1537 = tpu.memref_slice %arg7[%dma_start3A_1527, %dma_start3A_1536] : memref<1x66080xf32, #tpu.memory_space<vmem>> -> memref<1x16384xf32, #tpu.memory_space<vmem>>
    %dma_start3A_1538 = tpu.memref_squeeze %dma_start3A_1537 : memref<1x16384xf32, #tpu.memory_space<vmem>> -> memref<16384xf32, #tpu.memory_space<vmem>>
    tpu.enqueue_dma source(%dma_start3A_1538 : memref<16384xf32, #tpu.memory_space<vmem>>) target(%dma_start3A_1535 : memref<16384xf32, #tpu.memory_space<hbm>>) target_semaphore(%dma_start3A_1534 : memref<!tpu.dma_semaphore, #tpu.memory_space<semaphore_mem>>)
    %dma_start3A_1539 = arith.constant 0 : i32
    %dma_start3A_1540 = arith.constant 2 : i32
    %dma_start3A_1541 = arith.constant 49560 : i32
    %dma_start3A_1542 = tpu.memref_slice %arg7[%dma_start3A_1539, %dma_start3A_1541] : memref<1x66080xf32, #tpu.memory_space<vmem>> -> memref<1x16384xf32, #tpu.memory_space<vmem>>
    %dma_start3A_1543 = tpu.memref_squeeze %dma_start3A_1542 : memref<1x16384xf32, #tpu.memory_space<vmem>> -> memref<16384xf32, #tpu.memory_space<vmem>>
    %dma_start3A_1544 = tpu.memref_slice %arg4[%mul3A_1502] : memref<4194304xf32, #tpu.memory_space<hbm>> -> memref<16384xf32, #tpu.memory_space<hbm>>
    %dma_start3A_1545 = tpu.memref_slice %arg8[%dma_start3A_1540] : memref<3x!tpu.dma_semaphore, #tpu.memory_space<semaphore_mem>> -> memref<1x!tpu.dma_semaphore, #tpu.memory_space<semaphore_mem>>
    %dma_start3A_1546 = tpu.memref_squeeze %dma_start3A_1545 : memref<1x!tpu.dma_semaphore, #tpu.memory_space<semaphore_mem>> -> memref<!tpu.dma_semaphore, #tpu.memory_space<semaphore_mem>>
    %dma_start3A_1547 = tpu.memref_slice %arg4[%mul3A_1502] : memref<4194304xf32, #tpu.memory_space<hbm>> -> memref<16384xf32, #tpu.memory_space<hbm>>
    %dma_start3A_1548 = arith.constant 49560 : i32
    %dma_start3A_1549 = tpu.memref_slice %arg7[%dma_start3A_1539, %dma_start3A_1548] : memref<1x66080xf32, #tpu.memory_space<vmem>> -> memref<1x16384xf32, #tpu.memory_space<vmem>>
    %dma_start3A_1550 = tpu.memref_squeeze %dma_start3A_1549 : memref<1x16384xf32, #tpu.memory_space<vmem>> -> memref<16384xf32, #tpu.memory_space<vmem>>
    tpu.enqueue_dma source(%dma_start3A_1550 : memref<16384xf32, #tpu.memory_space<vmem>>) target(%dma_start3A_1547 : memref<16384xf32, #tpu.memory_space<hbm>>) target_semaphore(%dma_start3A_1546 : memref<!tpu.dma_semaphore, #tpu.memory_space<semaphore_mem>>)
    %dma_wait3A_1551 = arith.constant 0 : i32
    %dma_wait3A_1552 = arith.constant 2 : i32
    %dma_wait3A_1553 = arith.constant 0 : i32
    %dma_wait3A_1554 = tpu.memref_slice %arg7[%dma_wait3A_1551, %dma_wait3A_1553] : memref<1x66080xf32, #tpu.memory_space<vmem>> -> memref<1x16384xf32, #tpu.memory_space<vmem>>
    %dma_wait3A_1555 = tpu.memref_squeeze %dma_wait3A_1554 : memref<1x16384xf32, #tpu.memory_space<vmem>> -> memref<16384xf32, #tpu.memory_space<vmem>>
    %dma_wait3A_1556 = tpu.memref_slice %arg4[%mul3A_1490] : memref<4194304xf32, #tpu.memory_space<hbm>> -> memref<16384xf32, #tpu.memory_space<hbm>>
    %dma_wait3A_1557 = tpu.memref_slice %arg8[%dma_wait3A_1552] : memref<3x!tpu.dma_semaphore, #tpu.memory_space<semaphore_mem>> -> memref<1x!tpu.dma_semaphore, #tpu.memory_space<semaphore_mem>>
    %dma_wait3A_1558 = tpu.memref_squeeze %dma_wait3A_1557 : memref<1x!tpu.dma_semaphore, #tpu.memory_space<semaphore_mem>> -> memref<!tpu.dma_semaphore, #tpu.memory_space<semaphore_mem>>
    %dma_wait3A_1559 = tpu.memref_slice %arg4[%mul3A_1490] : memref<4194304xf32, #tpu.memory_space<hbm>> -> memref<16384xf32, #tpu.memory_space<hbm>>
    %dma_wait3A_1560 = arith.constant 0 : i32
    %dma_wait3A_1561 = tpu.memref_slice %arg7[%dma_wait3A_1551, %dma_wait3A_1560] : memref<1x66080xf32, #tpu.memory_space<vmem>> -> memref<1x16384xf32, #tpu.memory_space<vmem>>
    %dma_wait3A_1562 = tpu.memref_squeeze %dma_wait3A_1561 : memref<1x16384xf32, #tpu.memory_space<vmem>> -> memref<16384xf32, #tpu.memory_space<vmem>>
    tpu.wait_dma2 semaphore(%dma_wait3A_1558 : memref<!tpu.dma_semaphore, #tpu.memory_space<semaphore_mem>>) src(%dma_wait3A_1562 : memref<16384xf32, #tpu.memory_space<vmem>>) dst(%dma_wait3A_1559 : memref<16384xf32, #tpu.memory_space<hbm>>)
    %dma_wait3A_1563 = arith.constant 0 : i32
    %dma_wait3A_1564 = arith.constant 2 : i32
    %dma_wait3A_1565 = arith.constant 16520 : i32
    %dma_wait3A_1566 = tpu.memref_slice %arg7[%dma_wait3A_1563, %dma_wait3A_1565] : memref<1x66080xf32, #tpu.memory_space<vmem>> -> memref<1x16384xf32, #tpu.memory_space<vmem>>
    %dma_wait3A_1567 = tpu.memref_squeeze %dma_wait3A_1566 : memref<1x16384xf32, #tpu.memory_space<vmem>> -> memref<16384xf32, #tpu.memory_space<vmem>>
    %dma_wait3A_1568 = tpu.memref_slice %arg4[%mul3A_1494] : memref<4194304xf32, #tpu.memory_space<hbm>> -> memref<16384xf32, #tpu.memory_space<hbm>>
    %dma_wait3A_1569 = tpu.memref_slice %arg8[%dma_wait3A_1564] : memref<3x!tpu.dma_semaphore, #tpu.memory_space<semaphore_mem>> -> memref<1x!tpu.dma_semaphore, #tpu.memory_space<semaphore_mem>>
    %dma_wait3A_1570 = tpu.memref_squeeze %dma_wait3A_1569 : memref<1x!tpu.dma_semaphore, #tpu.memory_space<semaphore_mem>> -> memref<!tpu.dma_semaphore, #tpu.memory_space<semaphore_mem>>
    %dma_wait3A_1571 = tpu.memref_slice %arg4[%mul3A_1494] : memref<4194304xf32, #tpu.memory_space<hbm>> -> memref<16384xf32, #tpu.memory_space<hbm>>
    %dma_wait3A_1572 = arith.constant 16520 : i32
    %dma_wait3A_1573 = tpu.memref_slice %arg7[%dma_wait3A_1563, %dma_wait3A_1572] : memref<1x66080xf32, #tpu.memory_space<vmem>> -> memref<1x16384xf32, #tpu.memory_space<vmem>>
    %dma_wait3A_1574 = tpu.memref_squeeze %dma_wait3A_1573 : memref<1x16384xf32, #tpu.memory_space<vmem>> -> memref<16384xf32, #tpu.memory_space<vmem>>
    tpu.wait_dma2 semaphore(%dma_wait3A_1570 : memref<!tpu.dma_semaphore, #tpu.memory_space<semaphore_mem>>) src(%dma_wait3A_1574 : memref<16384xf32, #tpu.memory_space<vmem>>) dst(%dma_wait3A_1571 : memref<16384xf32, #tpu.memory_space<hbm>>)
    %dma_wait3A_1575 = arith.constant 0 : i32
    %dma_wait3A_1576 = arith.constant 2 : i32
    %dma_wait3A_1577 = arith.constant 33040 : i32
    %dma_wait3A_1578 = tpu.memref_slice %arg7[%dma_wait3A_1575, %dma_wait3A_1577] : memref<1x66080xf32, #tpu.memory_space<vmem>> -> memref<1x16384xf32, #tpu.memory_space<vmem>>
    %dma_wait3A_1579 = tpu.memref_squeeze %dma_wait3A_1578 : memref<1x16384xf32, #tpu.memory_space<vmem>> -> memref<16384xf32, #tpu.memory_space<vmem>>
    %dma_wait3A_1580 = tpu.memref_slice %arg4[%mul3A_1498] : memref<4194304xf32, #tpu.memory_space<hbm>> -> memref<16384xf32, #tpu.memory_space<hbm>>
    %dma_wait3A_1581 = tpu.memref_slice %arg8[%dma_wait3A_1576] : memref<3x!tpu.dma_semaphore, #tpu.memory_space<semaphore_mem>> -> memref<1x!tpu.dma_semaphore, #tpu.memory_space<semaphore_mem>>
    %dma_wait3A_1582 = tpu.memref_squeeze %dma_wait3A_1581 : memref<1x!tpu.dma_semaphore, #tpu.memory_space<semaphore_mem>> -> memref<!tpu.dma_semaphore, #tpu.memory_space<semaphore_mem>>
    %dma_wait3A_1583 = tpu.memref_slice %arg4[%mul3A_1498] : memref<4194304xf32, #tpu.memory_space<hbm>> -> memref<16384xf32, #tpu.memory_space<hbm>>
    %dma_wait3A_1584 = arith.constant 33040 : i32
    %dma_wait3A_1585 = tpu.memref_slice %arg7[%dma_wait3A_1575, %dma_wait3A_1584] : memref<1x66080xf32, #tpu.memory_space<vmem>> -> memref<1x16384xf32, #tpu.memory_space<vmem>>
    %dma_wait3A_1586 = tpu.memref_squeeze %dma_wait3A_1585 : memref<1x16384xf32, #tpu.memory_space<vmem>> -> memref<16384xf32, #tpu.memory_space<vmem>>
    tpu.wait_dma2 semaphore(%dma_wait3A_1582 : memref<!tpu.dma_semaphore, #tpu.memory_space<semaphore_mem>>) src(%dma_wait3A_1586 : memref<16384xf32, #tpu.memory_space<vmem>>) dst(%dma_wait3A_1583 : memref<16384xf32, #tpu.memory_space<hbm>>)
    %dma_wait3A_1587 = arith.constant 0 : i32
    %dma_wait3A_1588 = arith.constant 2 : i32
    %dma_wait3A_1589 = arith.constant 49560 : i32
    %dma_wait3A_1590 = tpu.memref_slice %arg7[%dma_wait3A_1587, %dma_wait3A_1589] : memref<1x66080xf32, #tpu.memory_space<vmem>> -> memref<1x16384xf32, #tpu.memory_space<vmem>>
    %dma_wait3A_1591 = tpu.memref_squeeze %dma_wait3A_1590 : memref<1x16384xf32, #tpu.memory_space<vmem>> -> memref<16384xf32, #tpu.memory_space<vmem>>
    %dma_wait3A_1592 = tpu.memref_slice %arg4[%mul3A_1502] : memref<4194304xf32, #tpu.memory_space<hbm>> -> memref<16384xf32, #tpu.memory_space<hbm>>
    %dma_wait3A_1593 = tpu.memref_slice %arg8[%dma_wait3A_1588] : memref<3x!tpu.dma_semaphore, #tpu.memory_space<semaphore_mem>> -> memref<1x!tpu.dma_semaphore, #tpu.memory_space<semaphore_mem>>
    %dma_wait3A_1594 = tpu.memref_squeeze %dma_wait3A_1593 : memref<1x!tpu.dma_semaphore, #tpu.memory_space<semaphore_mem>> -> memref<!tpu.dma_semaphore, #tpu.memory_space<semaphore_mem>>
    %dma_wait3A_1595 = tpu.memref_slice %arg4[%mul3A_1502] : memref<4194304xf32, #tpu.memory_space<hbm>> -> memref<16384xf32, #tpu.memory_space<hbm>>
    %dma_wait3A_1596 = arith.constant 49560 : i32
    %dma_wait3A_1597 = tpu.memref_slice %arg7[%dma_wait3A_1587, %dma_wait3A_1596] : memref<1x66080xf32, #tpu.memory_space<vmem>> -> memref<1x16384xf32, #tpu.memory_space<vmem>>
    %dma_wait3A_1598 = tpu.memref_squeeze %dma_wait3A_1597 : memref<1x16384xf32, #tpu.memory_space<vmem>> -> memref<16384xf32, #tpu.memory_space<vmem>>
    tpu.wait_dma2 semaphore(%dma_wait3A_1594 : memref<!tpu.dma_semaphore, #tpu.memory_space<semaphore_mem>>) src(%dma_wait3A_1598 : memref<16384xf32, #tpu.memory_space<vmem>>) dst(%dma_wait3A_1595 : memref<16384xf32, #tpu.memory_space<hbm>>)
    return
  }
}

</mosaic_0001>

<sc_bundles>
// kernel: _splat.3.cloned.1.call-start
scs
__scs_entry_jumppad:
0x0: {  	(pc) =	sbr.rel $0x88, $3  }
0x1: {  	(tag) =	ssettag $0x0;
	lr =	simm.s32 $0x1  }
0x2: {  	[smem:$0x3F9F] =	sst lr;
	_ =	strace $0xD0000000  }
0x3: {  	_ = 	snop  }
0x4: {  	_ = 	snop  }
0x5: {  	_ = 	snop  }
0x6: {  	_ = 	snop  }
0x7: {  	_ = 	snop  }
__scs_overlays_trampoline_lowered:
0x8: {  	[smem:$0x3FAE] =	sst s0  }
0x9: {  	[smem:$0x3FAF] =	sst s1  }
0xa: {  	[smem:$0x3FB0] =	sst s2  }
0xb: {  	[smem:$0x3FB1] =	sst s3  }
0xc: {  	[smem:$0x3FB2] =	sst s4  }
0xd: {  	[smem:$0x3FB3] =	sst s5  }
0xe: {  	[smem:$0x3FB4] =	sst s6  }
0xf: {  	[smem:$0x3FB5] =	sst s7  }
0x10: {  	[smem:$0x3FB6] =	sst s8  }
0x11: {  	[smem:$0x3FB7] =	sst s9;
	s0 =	simm.s32 @!p0 $0x0  }
0x12: {  	s1 =	sld [smem:$0x3F9D];
	s0 =	simm.s32 @p0 $0x1  }
0x13: {  	[smem:$0x3FB8] =	sst s0;
	s0 =	simm.s32 @!p1 $0x0  }
0x14: {  	s2 =	sld [smem:$0x3F9C];
	s0 =	simm.s32 @p1 $0x1  }
0x15: {  	[smem:$0x3FB9] =	sst s0;
	s0 =	simm.s32 @!p2 $0x0  }
0x16: {  	s3 =	sld [smem:$0x3FDB];
	s0 =	simm.s32 @p2 $0x1  }
0x17: {  	s4 =	simm.s32 $0x1BF5;
	[smem:$0x3FBB] =	sst s0  }
0x18: {  	s0 =	sld [smem:$0x3F9E];
	_ =	swait.ge [sflag:s4], $0x0  }
0x19: {  	s7 =	sld [smem:$0x3F9F]  }
0x1a: {  	s8 =	sadd.s32 $0xFFFFE003, lr  }
0x1b: {  	s9 =	sadd.s32 $0xFFFFFEF7, lr;
	s5 =	simm.s32 $0xFFFFFFFF;
	p2 =	slt.u32 s8, $0xFFFFF086  }
0x1c: {  	p1 =	slt.u32 s9, $0xF7A;
	s5 =	simm.s32 @!p2 $0x0  }
0x1d: {  	s5 =	simm.s32 @p1 $0x1;
	p0 =	seq.s32 s7, s2  }
0x1e: {  	s7 =	smul.u32 @!p0 $0xF7A, s2;
	p2 =	seq.s32 @!p0 s5, $0x0  }
0x1f: {  	s9 =	smul.u32 $0xF7A, s1;
	s8 =	simm.s32 @!p0 $0x1BF5;
	p2 =	por !p2, p0  }
0x20: {  	[sflag:s8] =	ssyncset.s32 @!p0 $0xFFFFF086;
	s6 =	sadd.s32 @!p0 s3, s7;
	s7 =	simm.s32 @!p0 $0x108  }
0x21: {  	s3 =	sadd.s32 s3, s9;
	s6 =	sadd.s32 @!p0 $0x88, s6;
	s7 =	simm.s32 @p2 $0x1082  }
0x22: {  	[simem:s7], [sflag:s8] =	dma.local @!p0 [hbm:s6], $0xF7A  }
0x23: {  	s9 =	sor.u32 $0xD0000000, s2;
	s6 =	simm.s32 $0x108;
	_ =	swait.ge @!p0 [sflag:s8], $0x0  }
0x24: {  	s3 =	sadd.s32 $0x88, s3;
	s6 =	simm.s32 @!p1 $0x1082;
	[sflag:s4] =	ssyncset.s32 $0xFFFFF086  }
0x25: {  	[simem:s6], [sflag:s4] =	dma.local [hbm:s3], $0xF7A  }
0x26: {  	[smem:$0x3F9F] =	sst s1;
	(tag) =	ssettag s2;
	_ =	strace s9  }
0x27: {  	s1 =	sld [smem:$0x3FAF]  }
0x28: {  	s2 =	sld [smem:$0x3FB0]  }
0x29: {  	s4 =	sld [smem:$0x3FB2]  }
0x2a: {  	p0 =	seq.s32 s5, $0x0;
	s5 =	sld [smem:$0x3FB3]  }
0x2b: {  	s6 =	sld [smem:$0x3FB4]  }
0x2c: {  	s7 =	sld [smem:$0x3FB5]  }
0x2d: {  	s3 =	simm.s32 $0x108;
	s8 =	sld [smem:$0x3FB6]  }
0x2e: {  	s3 =	simm.s32 @!p0 $0x1082;
	s9 =	sld [smem:$0x3FB7]  }
0x2f: {  	lr =	sadd.s32 s0, s3;
	s0 =	sld [smem:$0x3FAE]  }
0x30: {  	s3 =	sld [smem:$0x3FB1]  }
0x31: {  	[smem:$0x3FBA] =	sst s10  }
0x32: {  	s10 =	sld [smem:$0x3FB8];
	_ =	sdelay $0x3  }
0x33: {  	p0 =	seq.s32 s10, $0x1;
	s10 =	sld [smem:$0x3FBA];
	_ =	sdelay $0x3  }
0x34: {  	[smem:$0x3FBA] =	sst s10  }
0x35: {  	s10 =	sld [smem:$0x3FB9];
	_ =	sdelay $0x3  }
0x36: {  	p1 =	seq.s32 s10, $0x1;
	s10 =	sld [smem:$0x3FBA];
	_ =	sdelay $0x3  }
0x37: {  	[smem:$0x3FBA] =	sst s10  }
0x38: {  	s10 =	sld [smem:$0x3FBB]  }
0x39: {  	_ = 	snop;
	(pc) =	sbr.ind lr, $3  }
0x3a: {  	_ = 	snop  }
0x3b: {  	_ = 	snop  }
0x3c: {  	p2 =	seq.s32 s10, $0x1;
	s10 =	sld [smem:$0x3FBA]  }
0x3d: {  	_ =	shalt  }
0x3e: {  	_ =	shalt  }
0x3f: {  	_ =	shalt  }
0x40: {  	_ =	shalt  }
0x41: {  	_ =	shalt  }
0x42: {  	_ =	shalt  }
0x43: {  	_ =	shalt  }
0x44: {  	_ =	shalt  }
0x45: {  	_ =	shalt  }
0x46: {  	_ =	shalt  }
0x47: {  	_ =	shalt  }
0x48: {  	_ =	shalt  }
0x49: {  	_ =	shalt  }
0x4a: {  	_ =	shalt  }
0x4b: {  	_ =	shalt  }
0x4c: {  	_ =	shalt  }
0x4d: {  	_ =	shalt  }
0x4e: {  	_ =	shalt  }
0x4f: {  	_ =	shalt  }
0x50: {  	_ =	shalt  }
0x51: {  	_ =	shalt  }
0x52: {  	_ =	shalt  }
0x53: {  	_ =	shalt  }
0x54: {  	_ =	shalt  }
0x55: {  	_ =	shalt  }
0x56: {  	_ =	shalt  }
0x57: {  	_ =	shalt  }
0x58: {  	_ =	shalt  }
0x59: {  	_ =	shalt  }
0x5a: {  	_ =	shalt  }
0x5b: {  	_ =	shalt  }
0x5c: {  	_ =	shalt  }
0x5d: {  	_ =	shalt  }
0x5e: {  	_ =	shalt  }
0x5f: {  	_ =	shalt  }
0x60: {  	_ =	shalt  }
0x61: {  	_ =	shalt  }
0x62: {  	_ =	shalt  }
0x63: {  	_ =	shalt  }
0x64: {  	_ =	shalt  }
0x65: {  	_ =	shalt  }
0x66: {  	_ =	shalt  }
0x67: {  	_ =	shalt  }
0x68: {  	_ =	shalt  }
0x69: {  	_ =	shalt  }
0x6a: {  	_ =	shalt  }
0x6b: {  	_ =	shalt  }
0x6c: {  	_ =	shalt  }
0x6d: {  	_ =	shalt  }
0x6e: {  	_ =	shalt  }
0x6f: {  	_ =	shalt  }
0x70: {  	_ =	shalt  }
0x71: {  	_ =	shalt  }
0x72: {  	_ =	shalt  }
0x73: {  	_ =	shalt  }
0x74: {  	_ =	shalt  }
0x75: {  	_ =	shalt  }
0x76: {  	_ =	shalt  }
0x77: {  	_ =	shalt  }
0x78: {  	_ =	shalt  }
0x79: {  	_ =	shalt  }
0x7a: {  	_ =	shalt  }
0x7b: {  	_ =	shalt  }
0x7c: {  	_ =	shalt  }
0x7d: {  	_ =	shalt  }
0x7e: {  	_ =	shalt  }
0x7f: {  	_ =	shalt  }
0x80: {  	_ =	shalt  }
0x81: {  	_ =	shalt  }
0x82: {  	_ =	shalt  }
0x83: {  	_ =	shalt  }
0x84: {  	_ =	shalt  }
0x85: {  	_ =	shalt  }
0x86: {  	_ =	shalt  }
0x87: {  	_ =	shalt  }
.Lfunc_end0:
.L_simem_size_0:
called_computation_lowered:
.L_overlay_start_0:
0x88: {  	s2 =	sld [smem:$0x3FD9]  }
0x89: {  	s3 =	sld [smem:$0x3FFE];
	_ =	sdelay $0x1  }
0x8a: {  	s1 =	srdreg.scid  }
0x8b: {  	s0 =	sand.u32 $0x1, s1  }
0x8c: {  	s17 =	sshll.u32 s0, $0xA;
	s2 =	sadd.s32 s3, s2  }
0x8d: {  	s2 =	sadd.s32 s2, s17  }
0x8e: {  	[smem:$0x3FC6] =	sst s2  }
0x8f: {  	_ = 	snop  }
0x90: {  	s2 =	sld [smem:$0x3FD0];
	(tm) =	ssettm $0x1  }
0x91: {  	s18 =	sld [smem:$0x3FFB];
	_ =	sdelay $0x3  }
0x92: {  	_ =	strace s18  }
0x93: {  	s3 =	sld [smem:$0x3FFC];
	_ =	sdelay $0x3  }
0x94: {  	_ =	strace s3  }
0x95: {  	s3 =	sld [smem:$0x3FFD];
	_ =	sdelay $0x3  }
0x96: {  	_ =	strace s3  }
0x97: {  	_ =	strace $0x8FFFFFFF  }
0x98: {  	s19 =	sld [smem:$0x3FDB];
	_ =	sdelay $0x1  }
0x99: {  	s4 =	simm.s32 $_scs_section_size  }
0x9a: {  	s5 =	simm.s32 $_size__tile_overlayer_lowered;
	s6 =	simm.s32 $_tile_overlayer_lowered  }
0x9b: {  	s22 =	simm.s32 $0x1BFF;
	s21 =	sshll.u32 s6, $0x1;
	s3 =	sadd.s32 s4, s19  }
0x9c: {  	s7 =	simm.s32 $0x0;
	s20 =	sshll.u32 s5, $0x1;
	s5 =	sadd.s32 s21, s3  }
0x9d: {  	[timem:s7], [sflag:s22] =	dma.local [hbm:s5], s20  }
0x9e: {  	_ =	swait.ge [sflag:s22], s20  }
0x9f: {  	s4 =	ssub.s32 $0x0, s20;
	[sflag:s22] =	ssyncset.done $0x0  }
0xa0: {  	[sflag:s22] =	ssyncadd.s32 s4;
	_ =	sdelay $0x1  }
0xa1: {  	s23 =	simm.s32 $0x1B8B  }
0xa2: {  	_ =	swait.ge [sflag:s23], $0x1  }
0xa3: {  	[sflag:s23] =	ssyncset.done $0x0  }
0xa4: {  	s25 =	simm.s32 $0x1B8E;
	s24 =	sld [smem:$0x3FFE];
	[sflag:s23] =	ssyncadd.s32 $0xFFFFFFFF  }
0xa5: {  	s26 =	simm.s32 $execute0_lowered;
	[smem:$0x3FD2] =	sst s25  }
0xa6: {  	s5 =	sshll.u32 s26, $0x1;
	_ =	strace $0x80000046;
	[dreg:$0x1] =	wrdreg $0xFFFFFFFF  }
0xa7: {  	s28 =	simm.s32 $_size_execute0_lowered;
	s3 =	sadd.s32 s3, s5;
	[dreg:$0x0] =	wrdreg $0x0  }
0xa8: {  	s5 =	sshll.u32 s28, $0x1;
	[dreg:$0x2] =	wrdreg s3  }
0xa9: {  	[dreg:$0x3] =	wrdreg s5  }
0xaa: {  	[dreg:$0x4] =	wrdreg $0xC0  }
0xab: {  	_ =	task [dreg:s7], $0x5FFFF  }
0xac: {  	[dreg:$0x1] =	wrdreg $0xFFFFFFFF  }
0xad: {  	[dreg:$0x0] =	wrdreg $0x60  }
0xae: {  	[dreg:$0x2] =	wrdreg s24  }
0xaf: {  	[dreg:$0x3] =	wrdreg s2  }
0xb0: {  	[dreg:$0x4] =	wrdreg $0x9  }
0xb1: {  	_ =	task.clear_ibuf [dreg:s7], $0x5FFFF;
	_ =	strace $0x90000046  }
0xb2: {  	s29 =	simm.s32 $0x9;
	_ =	strace $0x80000048  }
0xb3: {  	_ =	swait.ge [sflag:s29], $0x1  }
0xb4: {  	[sflag:s29] =	ssyncadd.s32 $0xFFFFFFFF  }
0xb5: {  	_ =	strace $0x90000048  }
0xb6: {  	_ =	sfence  }
0xb7: {  	s30 =	sld [smem:$0x0];
	_ =	sdelay $0x2  }
0xb8: {  	s31 =	sshll.u32 s1, $0xD;
	s1 =	sshrl.u32 s1, $0x2  }
0xb9: {  	s3 =	sand.u32 $0x4000, s31;
	s1 =	sadd.s32 s1, s30  }
0xba: {  	s0 =	sor.u32 s3, s0;
	s1 =	sshll.u32 s1, $0x11  }
0xbb: {  	s0 =	sor.u32 s1, s0  }
0xbc: {  	s0 =	sadd.s32 $0x8F2B, s0  }
0xbd: {  	[sflag:s0] =	ssyncadd.remote.s32 $0x1  }
0xbe: {  	_ =	sfence.sel $0xFFFF  }
0xbf: {  	[dreg:$0x0] =	wrdreg $0xFFFFFFFF;
	(pc) =	sbr.abs _section_cstart, $3  }
0xc0: {  	[dreg:$0x1] =	wrdreg $0xFFFFFFFF  }
0xc1: {  	_ =	task.clear_ibuf [dreg:s7], $0x2FFFF;
	_ =	strace $0x9FFFFFFF  }
0xc2: {  	(tm) =	ssettm $0x7FFFFFFF  }
0xc3: {  	_ =	shalt  }
tec
execute0_lowered:
.L_overlay_start_1:
0x0: {  	(tag) =	ssettag $0x1  }
0x1: {  	s0 =	rddreg [dreg:$0x0]  }
0x2: {  	s1 =	rddreg [dreg:$0x1];
	s2 =	simm.s32 $0x0  }
0x3: {  	s5 =	stileid.u32;
	s3 =	srdreg.scid;
	s28 =	simm.s32 $0xFA0  }
0x4: {  	s29 =	simm.s32 $0x4E20;
	s30 =	simm.s32 $0x3E80;
	s31 =	simm.s32 $0x1F40  }
0x5: {  	[smem:$0x7FF] =	sst s2;
	s3 =	sand.u32 $0x1, s3;
	s4 =	sshll.u32 s5, $0x4  }
0x6: {  	s5 =	sshrl.u32 s5, $0x1;
	s19 =	sadd.s32 $0x800, s1;
	s20 =	sadd.s32 $0x1000, s1  }
0x7: {  	s6 =	sshll.u32 s3, $0x3;
	s4 =	sand.u32 $0x10, s4;
	s7 =	smul.u32 $0x9C40, s5  }
0x8: {  	s5 =	sshll.u32 s5, $0x5;
	s3 =	ssub.s32 $0x2, s3;
	s4 =	sor.u32 s6, s4  }
0x9: {  	_ =	strace $0x80000047;
	s13 =	sshrl.u32 s3, $0x1;
	s6 =	sor.u32 s5, s4  }
0xa: {  	s12 =	sshrl.u32 s7, $0x3;
	s10 =	ssub.s32 s3, s13;
	s5 =	smul.u32 $0x4E20, s6  }
0xb: {  	s8 =	sadd.s32 s12, s0;
	s0 =	sadd.s32 $0x600, s0;
	s12 =	sor.u32 $0x4, s6  }
0xc: {  	s6 =	sshll.u32 s6, $0xB;
	s3 =	sadd.s32 $0x9CA00, s8;
	s7 =	sadd.s32 $0x9CDE8, s8  }
0xd: {  	s13 =	smul.u32 $0x4E20, s12;
	s18 =	sadd.s32 s1, s6;
	s21 =	sadd.s32 s6, s20  }
0xe: {  	s24 =	sshll.u32 s12, $0xB;
	s12 =	simm.s32 $0x17D18;
	[dreg:$0x7] =	wrdreg s18  }
0xf: {  	s14 =	sshrl.u32 s5, $0x3;
	s5 =	sadd.s32 $0x9CBF4, s8;
	[dreg:$0x9] =	wrdreg s21  }
0x10: {  	s25 =	sadd.s32 s24, s20;
	s18 =	simm.s32 $0x2;
	s20 =	simm.s32 $0x0  }
0x11: {  	s4 =	sadd.s32 s0, s14;
	s16 =	sshrl.u32 s13, $0x3;
	s14 =	sadd.s32 $0x1800, s1  }
0x12: {  	s1 =	sadd.s32 s1, s24;
	[dreg:$0xf] =	wrdreg s25;
	s25 =	smax.u32 s10, $0x1  }
0x13: {  	s10 =	simm.s32 $0x13C90;
	s15 =	sadd.s32 $0x1F4, s4;
	s9 =	sadd.s32 $0x3E8, s4  }
0x14: {  	s11 =	sadd.s32 $0x5DC, s4;
	s17 =	sadd.s32 $0x7D0, s4;
	[dreg:$0xd] =	wrdreg s1  }
0x15: {  	s13 =	sadd.s32 s0, s16;
	s0 =	sadd.s32 s24, s19;
	[dreg:$0x3] =	wrdreg s15  }
0x16: {  	s26 =	sadd.s32 s24, s14;
	s1 =	simm.s32 $0x1;
	[dreg:$0x4] =	wrdreg s9  }
0x17: {  	s16 =	simm.s32 $0x13D10;
	s9 =	sadd.s32 $0x9CFDC, s8;
	[dreg:$0x5] =	wrdreg s11  }
0x18: {  	s11 =	sadd.s32 $0x9D1D0, s8;
	[dreg:$0x6] =	wrdreg s17;
	s15 =	sadd.s32 s6, s19  }
0x19: {  	s6 =	sadd.s32 s6, s14;
	s22 =	sadd.s32 $0x1F4, s13;
	[dreg:$0xe] =	wrdreg s0  }
0x1a: {  	s23 =	sadd.s32 $0x3E8, s13;
	[dreg:$0x10] =	wrdreg s26;
	s24 =	sadd.s32 $0x5DC, s13  }
0x1b: {  	s26 =	sadd.s32 $0x7D0, s13;
	s0 =	simm.s32 $0x7D00;
	[dreg:$0x8] =	wrdreg s15  }
0x1c: {  	s8 =	simm.s32 $0xFC08;
	s14 =	simm.s32 $0xBC00;
	[dreg:$0xa] =	wrdreg s6  }
0x1d: {  	s17 =	simm.s32 $0x17D98;
	s19 =	simm.s32 $0x3;
	[dreg:$0xb] =	wrdreg s22  }
0x1e: {  	v0 =	vimm.f32 $0.0e+00;
	[dreg:$0xc] =	wrdreg s23;
	s6 =	simm.s32 $0xBB80;
	s15 =	simm.s32 $0xFC88  }
.LBB2_1:
0x1f: {  	[tilespmem:s2], [sflag:$0x1] =	stream.strided.gather [hbm4b:s3+s28], $0x1F40, s29, s28, $0x38;
	[tilespmem:$0x1BDA0] =	vst v63  }
0x20: {  	s21 =	simm.s32 $0xBBD0  }
0x21: {  	[tilespmem:s30], [sflag:$0x1] =	stream.strided.gather [hbm4b:s4+s28], $0x3E80, s29, s28, $0x38;
	[tilespmem:$0x1BDA0] =	vst v63  }
0x22: {  	[tilespmem:s21+$0xFFFFFFB0] =	vst v0  }
0x23: {  	[tilespmem:s21+$0x40] =	vst v0  }
0x24: {  	[tilespmem:s21+$0x30] =	vst v0  }
0x25: {  	[tilespmem:s21+$0x20] =	vst v0  }
0x26: {  	[tilespmem:s21+$0x10] =	vst v0  }
0x27: {  	[tilespmem:s21+$0x0] =	vst v0  }
0x28: {  	[tilespmem:s21+$0xFFFFFFF0] =	vst v0  }
0x29: {  	[tilespmem:s21+$0xFFFFFFE0] =	vst v0  }
0x2a: {  	s22 =	simm.s32 $0x0;
	[tilespmem:s21+$0xFFFFFFD0] =	vst v0  }
.LBB2_2:
0x2b: {  	s22 =	sadd.s32 $0xA, s22;
	[tilespmem:s21+$0xFFFFFFC0] =	vst v0;
	s21 =	sadd.s32 $0xA0, s21  }
0x2c: {  	[tilespmem:s21+$0xFFFFFFB0] =	vst v0;
	p0 =	slt.u32 s22, $0x1018  }
0x2d: {  	[tilespmem:s21+$0x40] =	vst v0  }
0x2e: {  	[tilespmem:s21+$0x30] =	vst v0  }
0x2f: {  	[tilespmem:s21+$0x20] =	vst v0  }
.Ltmp0:
0x30: {  	[tilespmem:s21+$0x10] =	vst v0;
	(pc) =	sbr.rel @p0 .LBB2_2-.Ltmp0, $4  }
0x31: {  	[tilespmem:s21+$0x0] =	vst v0  }
0x32: {  	[tilespmem:s21+$0xFFFFFFF0] =	vst v0  }
0x33: {  	[tilespmem:s21+$0xFFFFFFE0] =	vst v0  }
0x34: {  	[tilespmem:s21+$0xFFFFFFD0] =	vst v0  }
0x35: {  	[tilespmem:s21+$0xFFFFFFC0] =	vst v0  }
0x36: {  	[tilespmem:s31], [sflag:$0x2] =	stream.strided.gather [hbm4b:s5+s28], $0x1F40, s29, s28, $0x38;
	[tilespmem:$0x1BDA0] =	vst v63  }
0x37: {  	s21 =	rddreg [dreg:$0x3]  }
0x38: {  	[tilespmem:s0], [sflag:$0x2] =	stream.strided.gather [hbm4b:s21+s28], $0x3E80, s29, s28, $0x38;
	[tilespmem:$0x1BDA0] =	vst v63  }
0x39: {  	_ =	swait.ge [sflag:s1], $0x1F40  }
0x3a: {  	[sflag:s1] =	ssyncset.done $0x0  }
0x3b: {  	[sflag:s1] =	ssyncadd.s32 $0xFFFFE0C0  }
0x3c: {  	_ =	swait.ge [sflag:s1], $0x3E80  }
0x3d: {  	[sflag:s1] =	ssyncset.done $0x0  }
0x3e: {  	s23 =	simm.s32 $0xFB0;
	[sflag:s1] =	ssyncadd.s32 $0xFFFFC180  }
0x3f: {  	v1 =	vld [tilespmem:s23+$0xFFFFF060]  }
0x40: {  	v2 =	vld [tilespmem:s23+$0x0];
	_ =	sdelay $0x4  }
0x41: {  	v1 =	vadd.f32 $5.000000000e-01, v1;
	v2 =	vadd.f32 $5.000000000e-01, v2;
	_ =	sdelay $0x1  }
0x42: {  	v1 =	vmul.f32 $1.280000000e+02, v1;
	v2 =	vmul.f32 $1.280000000e+02, v2;
	_ =	sdelay $0x1  }
0x43: {  	v3 =	vld [tilespmem:s23+$0xFFFFFFF0];
	v4 =	vtrunc.f32 v1;
	v5 =	vtrunc.f32 v2  }
0x44: {  	v6 =	vld [tilespmem:s23+$0xFFFFF050];
	v4 =	vcvt.f32.s32 v4;
	v5 =	vcvt.f32.s32 v5;
	_ =	sdelay $0x1  }
0x45: {  	v7 =	vcvt.s32.f32 v4;
	v8 =	vcvt.s32.f32 v5;
	_ =	sdelay $0x1  }
0x46: {  	s21 =	simm.s32 $0x5DC0;
	v1 =	vsub.f32 v1, v7;
	v2 =	vsub.f32 v2, v8  }
0x47: {  	v3 =	vadd.f32 $5.000000000e-01, v3;
	v6 =	vadd.f32 $5.000000000e-01, v6;
	v7 =	vld [tilespmem:s21+$0xFFFFE0D0]  }
0x48: {  	v10 =	vld [tilespmem:s21+$0xFFFFF070];
	v5 =	vshll.u32 v5, $0x7;
	v8 =	vsub.f32 $1.000000000e+00, v1;
	v9 =	vsub.f32 $1.000000000e+00, v2  }
0x49: {  	v11 =	vld [tilespmem:s21+$0x10];
	v3 =	vmul.f32 $1.280000000e+02, v3;
	v5 =	vadd.s32 v4, v5  }
0x4a: {  	v12 =	vld [tilespmem:s21+$0xFB0];
	v6 =	vmul.f32 $1.280000000e+02, v6;
	v13 =	vmul.f32 v9, v8  }
0x4b: {  	v18 =	vld [tilespmem:s21+$0xFFFFE0C0];
	v14 =	vtrunc.f32 v3  }
0x4c: {  	v19 =	vld [tilespmem:s21+$0xFFFFF060];
	v15 =	vtrunc.f32 v6;
	vm0 =	vlt.s32 v4, $0x7F;
	v4 =	vmul.f32 v13, v7  }
0x4d: {  	v20 =	vld [tilespmem:s21+$0x0];
	v14 =	vcvt.f32.s32 v14;
	v16 =	vadd.s32 $0x1, v5;
	v17 =	vmul.f32 v13, v10  }
0x4e: {  	v9 =	vmul.f32 v9, v1;
	[tilespmem:v5+s6+$0x0] =	vst.idx.add.f32.msk $0xffff, v4;
	v4 =	vmul.f32 v13, v11  }
0x4f: {  	v21 =	vcvt.f32.s32 v15;
	v13 =	vmul.f32 v13, v12;
	[tilespmem:v5+s8+$0x0] =	vst.idx.add.f32.msk $0xffff, v17  }
0x50: {  	v15 =	vcvt.s32.f32 v14;
	[tilespmem:v5+s10+$0x0] =	vst.idx.add.f32.msk $0xffff, v4;
	v4 =	vmul.f32 v9, v7  }
0x51: {  	v8 =	vmul.f32 v2, v8;
	[tilespmem:v5+s12+$0x0] =	vst.idx.add.f32.msk $0xffff, v13;
	v13 =	vmul.f32 v9, v10  }
0x52: {  	v3 =	vsub.f32 v3, v15;
	v17 =	vcvt.s32.f32 v21;
	[tilespmem:v16+s6+$0x0] =	vst.idx.add.f32.msk vm0, v4;
	v4 =	vmul.f32 v9, v11  }
0x53: {  	v1 =	vmul.f32 v2, v1;
	v9 =	vmul.f32 v9, v12;
	[tilespmem:v16+s8+$0x0] =	vst.idx.add.f32.msk vm0, v13  }
0x54: {  	v13 =	vsub.f32 v6, v17;
	[tilespmem:v16+s10+$0x0] =	vst.idx.add.f32.msk vm0, v4;
	v4 =	vmul.f32 v8, v7  }
0x55: {  	v6 =	vshll.u32 v14, $0x7;
	v14 =	vsub.f32 $1.000000000e+00, v3;
	[tilespmem:v16+s12+$0x0] =	vst.idx.add.f32.msk vm0, v9;
	v9 =	vmul.f32 v8, v10  }
0x56: {  	v17 =	vmul.f32 v8, v11;
	v2 =	vadd.s32 v21, v6;
	v15 =	vsub.f32 $1.000000000e+00, v13;
	[tilespmem:v5+s14+$0x0] =	vst.idx.add.f32.msk $0xffff, v4  }
0x57: {  	v7 =	vmul.f32 v1, v7;
	v6 =	vmul.f32 v14, v13;
	[tilespmem:v5+s15+$0x0] =	vst.idx.add.f32.msk $0xffff, v9  }
0x58: {  	v8 =	vmul.f32 v8, v12;
	v4 =	vmul.f32 v14, v15;
	[tilespmem:v5+s16+$0x0] =	vst.idx.add.f32.msk $0xffff, v17  }
0x59: {  	v9 =	vmul.f32 v1, v11;
	v14 =	vmul.f32 v6, v18;
	v17 =	vld [tilespmem:s21+$0xFA0]  }
0x5a: {  	[tilespmem:v5+s17+$0x0] =	vst.idx.add.f32.msk $0xffff, v8;
	v8 =	vmul.f32 v1, v10;
	v5 =	vmul.f32 v3, v15  }
0x5b: {  	v1 =	vmul.f32 v1, v12;
	v22 =	vmul.f32 v4, v20;
	[tilespmem:v16+s14+$0x0] =	vst.idx.add.f32.msk vm0, v7  }
0x5c: {  	v7 =	vmul.f32 v3, v13;
	v3 =	vmul.f32 v4, v18;
	[tilespmem:v16+s15+$0x0] =	vst.idx.add.f32.msk vm0, v8  }
0x5d: {  	v15 =	vmul.f32 v6, v19;
	v8 =	vmul.f32 v4, v19;
	[tilespmem:v16+s16+$0x0] =	vst.idx.add.f32.msk vm0, v9  }
0x5e: {  	v13 =	vmul.f32 v5, v18;
	v12 =	vmul.f32 v5, v19;
	[tilespmem:v2+s6+$0x0] =	vst.idx.add.f32.msk $0xffff, v3  }
0x5f: {  	v11 =	vmul.f32 v5, v20;
	v10 =	vmul.f32 v7, v18;
	[tilespmem:v16+s17+$0x0] =	vst.idx.add.f32.msk vm0, v1  }
0x60: {  	v9 =	vmul.f32 v7, v19;
	v16 =	vmul.f32 v6, v20;
	vm0 =	vlt.s32 v21, $0x7F;
	[tilespmem:v2+s8+$0x0] =	vst.idx.add.f32.msk $0xffff, v8  }
0x61: {  	s22 =	simm.s32 $0x0;
	s23 =	simm.s32 $0xFD0;
	v1 =	vadd.s32 $0x1, v2;
	v8 =	vmul.f32 v7, v20;
	[tilespmem:v2+s10+$0x0] =	vst.idx.add.f32.msk $0xffff, v22;
	vm0 =	vmmov vm0  }
.LBB2_4:
0x62: {  	v18 =	vld [tilespmem:s23+$0xFFFFF060];
	v4 =	vmul.f32 v4, v17;
	v6 =	vmul.f32 v6, v17  }
0x63: {  	v5 =	vmul.f32 v5, v17;
	v3 =	vmul.f32 v7, v17;
	v19 =	vld [tilespmem:s23+$0x0]  }
0x64: {  	v7 =	vld [tilespmem:s23+$0xFFFFFFF0]  }
0x65: {  	v17 =	vld [tilespmem:s23+$0xFFFFF050]  }
0x66: {  	[tilespmem:v2+s12+$0x0] =	vst.idx.add.f32.msk $0xffff, v4  }
0x67: {  	[tilespmem:v1+s6+$0x0] =	vst.idx.add.f32.msk vm0, v14  }
0x68: {  	v4 =	vadd.f32 $5.000000000e-01, v18;
	v14 =	vadd.f32 $5.000000000e-01, v19;
	[tilespmem:v1+s8+$0x0] =	vst.idx.add.f32.msk vm0, v15  }
0x69: {  	v7 =	vadd.f32 $5.000000000e-01, v7;
	[tilespmem:v1+s10+$0x0] =	vst.idx.add.f32.msk vm0, v16  }
0x6a: {  	v4 =	vmul.f32 $1.280000000e+02, v4;
	v15 =	vadd.f32 $5.000000000e-01, v17;
	v14 =	vmul.f32 $1.280000000e+02, v14;
	[tilespmem:v1+s12+$0x0] =	vst.idx.add.f32.msk vm0, v6  }
0x6b: {  	v6 =	vmul.f32 $1.280000000e+02, v7;
	[tilespmem:v2+s14+$0x0] =	vst.idx.add.f32.msk $0xffff, v13  }
0x6c: {  	v7 =	vtrunc.f32 v4;
	v13 =	vtrunc.f32 v14;
	[tilespmem:v2+s15+$0x0] =	vst.idx.add.f32.msk $0xffff, v12  }
0x6d: {  	v7 =	vcvt.f32.s32 v7;
	v12 =	vcvt.f32.s32 v13;
	[tilespmem:v2+s16+$0x0] =	vst.idx.add.f32.msk $0xffff, v11  }
0x6e: {  	v11 =	vmul.f32 $1.280000000e+02, v15;
	v13 =	vtrunc.f32 v6;
	[tilespmem:v2+s17+$0x0] =	vst.idx.add.f32.msk $0xffff, v5  }
0x6f: {  	v2 =	vcvt.s32.f32 v7;
	v5 =	vcvt.s32.f32 v12;
	[tilespmem:v1+s14+$0x0] =	vst.idx.add.f32.msk vm0, v10  }
0x70: {  	v13 =	vcvt.f32.s32 v13;
	v10 =	vtrunc.f32 v11;
	[tilespmem:v1+s15+$0x0] =	vst.idx.add.f32.msk vm0, v9  }
0x71: {  	s21 =	sadd.s32 $0x20, s21;
	v9 =	vcvt.f32.s32 v10;
	v10 =	vsub.f32 v4, v2;
	v14 =	vsub.f32 v14, v5;
	[tilespmem:v1+s16+$0x0] =	vst.idx.add.f32.msk vm0, v8  }
0x72: {  	s22 =	sadd.s32 $0x2, s22;
	v2 =	vcvt.s32.f32 v13;
	v4 =	vshll.u32 v13, $0x7;
	v8 =	vld [tilespmem:s21+$0xFFFFE0D0]  }
0x73: {  	p0 =	slt.u32 s22, $0xF8;
	v5 =	vshll.u32 v12, $0x7;
	v12 =	vsub.f32 $1.000000000e+00, v10;
	v13 =	vsub.f32 $1.000000000e+00, v14;
	v16 =	vld [tilespmem:s21+$0xFFFFF070]  }
0x74: {  	v15 =	vcvt.s32.f32 v9;
	v17 =	vsub.f32 v6, v2;
	v18 =	vadd.s32 v7, v5;
	v19 =	vld [tilespmem:s21+$0x10]  }
0x75: {  	v2 =	vadd.s32 v9, v4;
	vm1 =	vlt.s32 v9, $0x7F;
	v9 =	vld [tilespmem:s21+$0xFB0];
	v5 =	vmul.f32 v13, v12  }
0x76: {  	v20 =	vadd.s32 $0x1, v2;
	v11 =	vsub.f32 v11, v15;
	v6 =	vsub.f32 $1.000000000e+00, v17;
	v21 =	vld [tilespmem:s21+$0xFFFFE0C0]  }
0x77: {  	vm2 =	vlt.s32 v7, $0x7F;
	v22 =	vld [tilespmem:s21+$0xFFFFF060];
	v4 =	vmul.f32 v5, v8  }
0x78: {  	v24 =	vadd.s32 $0x1, v18;
	v7 =	vsub.f32 $1.000000000e+00, v11;
	v23 =	vld [tilespmem:s21+$0x0];
	v15 =	vmul.f32 v5, v16  }
0x79: {  	v13 =	vmul.f32 v13, v10;
	[tilespmem:v18+s6+$0x0] =	vst.idx.add.f32.msk $0xffff, v4;
	v25 =	vmul.f32 v5, v19  }
0x7a: {  	v4 =	vmul.f32 v6, v7;
	[tilespmem:v18+s8+$0x0] =	vst.idx.add.f32.msk $0xffff, v15;
	v15 =	vmul.f32 v5, v9  }
0x7b: {  	v6 =	vmul.f32 v6, v11;
	[tilespmem:v18+s10+$0x0] =	vst.idx.add.f32.msk $0xffff, v25;
	v25 =	vmul.f32 v13, v8  }
0x7c: {  	v5 =	vmul.f32 v17, v7;
	[tilespmem:v18+s12+$0x0] =	vst.idx.add.f32.msk $0xffff, v15;
	v15 =	vmul.f32 v13, v16  }
0x7d: {  	v12 =	vmul.f32 v14, v12;
	[tilespmem:v24+s6+$0x0] =	vst.idx.add.f32.msk vm2, v25;
	v25 =	vmul.f32 v13, v19  }
0x7e: {  	v7 =	vmul.f32 v17, v11;
	v11 =	vmul.f32 v13, v9;
	[tilespmem:v24+s8+$0x0] =	vst.idx.add.f32.msk vm2, v15  }
0x7f: {  	v26 =	vmul.f32 v4, v21;
	v13 =	vmul.f32 v12, v8;
	[tilespmem:v24+s10+$0x0] =	vst.idx.add.f32.msk vm2, v25  }
0x80: {  	v25 =	vmul.f32 v4, v22;
	[tilespmem:v24+s12+$0x0] =	vst.idx.add.f32.msk vm2, v11;
	v11 =	vmul.f32 v12, v16  }
0x81: {  	v10 =	vmul.f32 v14, v10;
	[tilespmem:v18+s14+$0x0] =	vst.idx.add.f32.msk $0xffff, v13;
	v13 =	vmul.f32 v12, v19  }
0x82: {  	v27 =	vmul.f32 v4, v23;
	[tilespmem:v18+s15+$0x0] =	vst.idx.add.f32.msk $0xffff, v11;
	v11 =	vmul.f32 v12, v9  }
0x83: {  	v14 =	vmul.f32 v6, v21;
	v8 =	vmul.f32 v10, v8;
	[tilespmem:v18+s16+$0x0] =	vst.idx.add.f32.msk $0xffff, v13  }
0x84: {  	v15 =	vmul.f32 v6, v22;
	[tilespmem:v18+s17+$0x0] =	vst.idx.add.f32.msk $0xffff, v11;
	v11 =	vmul.f32 v10, v16  }
0x85: {  	v16 =	vmul.f32 v6, v23;
	[tilespmem:v24+s14+$0x0] =	vst.idx.add.f32.msk vm2, v8;
	v8 =	vmul.f32 v10, v19  }
0x86: {  	v17 =	vmul.f32 v10, v9;
	v13 =	vmul.f32 v5, v21;
	[tilespmem:v24+s15+$0x0] =	vst.idx.add.f32.msk vm2, v11  }
0x87: {  	v12 =	vmul.f32 v5, v22;
	v11 =	vmul.f32 v5, v23;
	[tilespmem:v24+s16+$0x0] =	vst.idx.add.f32.msk vm2, v8  }
0x88: {  	v9 =	vmul.f32 v7, v22;
	v10 =	vmul.f32 v7, v21;
	[tilespmem:v24+s17+$0x0] =	vst.idx.add.f32.msk vm2, v17  }
.Ltmp1:
0x89: {  	v8 =	vmul.f32 v7, v23;
	v17 =	vld [tilespmem:s21+$0xFA0];
	(pc) =	sbr.rel @p0 .LBB2_4-.Ltmp1, $4  }
0x8a: {  	[tilespmem:v2+s6+$0x0] =	vst.idx.add.f32.msk $0xffff, v26  }
0x8b: {  	[tilespmem:v2+s8+$0x0] =	vst.idx.add.f32.msk $0xffff, v25  }
0x8c: {  	[tilespmem:v2+s10+$0x0] =	vst.idx.add.f32.msk $0xffff, v27  }
0x8d: {  	s23 =	sadd.s32 $0x20, s23;
	[tilespmem:v1+s17+$0x0] =	vst.idx.add.f32.msk vm0, v3;
	v1 =	vmov v20;
	vm0 =	vmmov vm1  }
0x8e: {  	_ =	sdelay $0x1  }
0x8f: {  	v3 =	vmul.f32 v4, v17;
	_ =	sdelay $0x1  }
0x90: {  	[tilespmem:v2+s12+$0x0] =	vst.idx.add.f32.msk $0xffff, v3  }
0x91: {  	[tilespmem:v1+s6+$0x0] =	vst.idx.add.f32.msk vm0, v14  }
0x92: {  	v3 =	vmul.f32 v6, v17;
	[tilespmem:v1+s8+$0x0] =	vst.idx.add.f32.msk vm0, v15  }
0x93: {  	[tilespmem:v1+s10+$0x0] =	vst.idx.add.f32.msk vm0, v16  }
0x94: {  	[tilespmem:v1+s12+$0x0] =	vst.idx.add.f32.msk vm0, v3  }
0x95: {  	[tilespmem:v2+s14+$0x0] =	vst.idx.add.f32.msk $0xffff, v13  }
0x96: {  	v3 =	vmul.f32 v5, v17;
	[tilespmem:v2+s15+$0x0] =	vst.idx.add.f32.msk $0xffff, v12  }
0x97: {  	[tilespmem:v2+s16+$0x0] =	vst.idx.add.f32.msk $0xffff, v11  }
0x98: {  	[tilespmem:v2+s17+$0x0] =	vst.idx.add.f32.msk $0xffff, v3  }
0x99: {  	[tilespmem:v1+s14+$0x0] =	vst.idx.add.f32.msk vm0, v10  }
0x9a: {  	v2 =	vmul.f32 v7, v17;
	[tilespmem:v1+s15+$0x0] =	vst.idx.add.f32.msk vm0, v9  }
0x9b: {  	[tilespmem:v1+s16+$0x0] =	vst.idx.add.f32.msk vm0, v8  }
0x9c: {  	s21 =	simm.s32 $0x0;
	[tilespmem:v1+s17+$0x0] =	vst.idx.add.f32.msk vm0, v2  }
0x9d: {  	[tilespmem:s21], [sflag:$0x1] =	stream.strided.gather [hbm4b:s7+s28], $0x1F40, s29, s28, $0x38;
	[tilespmem:$0x1BDA0] =	vst v63  }
0x9e: {  	s22 =	rddreg [dreg:$0x4]  }
0x9f: {  	[tilespmem:s30], [sflag:$0x1] =	stream.strided.gather [hbm4b:s22+s28], $0x3E80, s29, s28, $0x38;
	[tilespmem:$0x1BDA0] =	vst v63  }
0xa0: {  	_ =	swait.ge [sflag:s18], $0x1F40  }
0xa1: {  	[sflag:s18] =	ssyncset.done $0x0  }
0xa2: {  	[sflag:s18] =	ssyncadd.s32 $0xFFFFE0C0  }
0xa3: {  	_ =	swait.ge [sflag:s18], $0x3E80  }
0xa4: {  	[sflag:s18] =	ssyncset.done $0x0  }
0xa5: {  	s23 =	simm.s32 $0x0;
	[sflag:s18] =	ssyncadd.s32 $0xFFFFC180  }
0xa6: {  	v1 =	vld [tilespmem:s23+$0x1F50]  }
0xa7: {  	v2 =	vld [tilespmem:s23+$0x2EF0];
	_ =	sdelay $0x4  }
0xa8: {  	v1 =	vadd.f32 $5.000000000e-01, v1;
	v2 =	vadd.f32 $5.000000000e-01, v2  }
0xa9: {  	v3 =	vld [tilespmem:s23+$0x1F40]  }
0xaa: {  	v1 =	vmul.f32 $1.280000000e+02, v1;
	v2 =	vmul.f32 $1.280000000e+02, v2  }
0xab: {  	v4 =	vld [tilespmem:s23+$0x2EE0]  }
0xac: {  	v5 =	vtrunc.f32 v1;
	v6 =	vtrunc.f32 v2  }
0xad: {  	v5 =	vcvt.f32.s32 v5;
	v6 =	vcvt.f32.s32 v6  }
0xae: {  	v3 =	vadd.f32 $5.000000000e-01, v3  }
0xaf: {  	v7 =	vcvt.s32.f32 v5;
	v8 =	vcvt.s32.f32 v6  }
0xb0: {  	v4 =	vadd.f32 $5.000000000e-01, v4;
	v3 =	vmul.f32 $1.280000000e+02, v3  }
0xb1: {  	v9 =	vld [tilespmem:s23+$0x7D00];
	v7 =	vsub.f32 v1, v7;
	v2 =	vsub.f32 v2, v8  }
0xb2: {  	v10 =	vtrunc.f32 v3;
	v6 =	vshll.u32 v6, $0x7;
	v1 =	vmul.f32 $1.280000000e+02, v4;
	v8 =	vld [tilespmem:s23+$0x7D10]  }
0xb3: {  	v12 =	vld [tilespmem:s23+$0x8CB0];
	v4 =	vcvt.f32.s32 v10;
	v10 =	vsub.f32 $1.000000000e+00, v7;
	v11 =	vsub.f32 $1.000000000e+00, v2  }
0xb4: {  	v14 =	vld [tilespmem:s23+$0x9C50];
	v6 =	vadd.s32 v5, v6  }
0xb5: {  	v16 =	vld [tilespmem:s23+$0xABF0];
	v17 =	vmul.f32 v11, v10  }
0xb6: {  	v19 =	vld [tilespmem:s23+$0x8CA0]  }
0xb7: {  	v20 =	vld [tilespmem:s23+$0x9C40];
	vm0 =	vlt.s32 v5, $0x7F;
	v5 =	vmul.f32 v17, v8  }
0xb8: {  	v21 =	vld [tilespmem:s23+$0xABE0];
	v22 =	vadd.s32 $0x1, v6;
	v18 =	vmul.f32 v17, v12  }
0xb9: {  	v11 =	vmul.f32 v11, v7;
	[tilespmem:v6+s6+$0x0] =	vst.idx.add.f32.msk $0xffff, v5;
	v5 =	vmul.f32 v17, v14  }
0xba: {  	v13 =	vtrunc.f32 v1;
	v17 =	vmul.f32 v17, v16;
	[tilespmem:v6+s8+$0x0] =	vst.idx.add.f32.msk $0xffff, v18  }
0xbb: {  	v15 =	vcvt.s32.f32 v4;
	[tilespmem:v6+s10+$0x0] =	vst.idx.add.f32.msk $0xffff, v5;
	v5 =	vmul.f32 v11, v8  }
0xbc: {  	v13 =	vcvt.f32.s32 v13;
	[tilespmem:v6+s12+$0x0] =	vst.idx.add.f32.msk $0xffff, v17;
	v17 =	vmul.f32 v11, v12  }
0xbd: {  	v10 =	vmul.f32 v2, v10;
	[tilespmem:v22+s6+$0x0] =	vst.idx.add.f32.msk vm0, v5;
	v5 =	vmul.f32 v11, v14  }
0xbe: {  	v3 =	vsub.f32 v3, v15;
	v15 =	vcvt.s32.f32 v13;
	v11 =	vmul.f32 v11, v16;
	[tilespmem:v22+s8+$0x0] =	vst.idx.add.f32.msk vm0, v17  }
0xbf: {  	v2 =	vmul.f32 v2, v7;
	[tilespmem:v22+s10+$0x0] =	vst.idx.add.f32.msk vm0, v5;
	v5 =	vmul.f32 v10, v8  }
0xc0: {  	v13 =	vshll.u32 v13, $0x7;
	v15 =	vsub.f32 v1, v15;
	[tilespmem:v22+s12+$0x0] =	vst.idx.add.f32.msk vm0, v11;
	v11 =	vmul.f32 v10, v12  }
0xc1: {  	v1 =	vadd.s32 v4, v13;
	v13 =	vsub.f32 $1.000000000e+00, v3;
	[tilespmem:v6+s14+$0x0] =	vst.idx.add.f32.msk $0xffff, v5;
	v5 =	vmul.f32 v10, v14  }
0xc2: {  	v7 =	vmul.f32 v10, v16;
	v18 =	vsub.f32 $1.000000000e+00, v15;
	[tilespmem:v6+s15+$0x0] =	vst.idx.add.f32.msk $0xffff, v11  }
0xc3: {  	v24 =	vmul.f32 v15, v13;
	[tilespmem:v6+s16+$0x0] =	vst.idx.add.f32.msk $0xffff, v5;
	v5 =	vmul.f32 v2, v8  }
0xc4: {  	v23 =	vmul.f32 v18, v13;
	[tilespmem:v6+s17+$0x0] =	vst.idx.add.f32.msk $0xffff, v7;
	v6 =	vmul.f32 v2, v12  }
0xc5: {  	v13 =	vmul.f32 v24, v19;
	[tilespmem:v22+s14+$0x0] =	vst.idx.add.f32.msk vm0, v5;
	v5 =	vmul.f32 v2, v14  }
0xc6: {  	v17 =	vmul.f32 v18, v3;
	v2 =	vmul.f32 v2, v16;
	[tilespmem:v22+s15+$0x0] =	vst.idx.add.f32.msk vm0, v6  }
0xc7: {  	v3 =	vmul.f32 v15, v3;
	v15 =	vmul.f32 v24, v9;
	[tilespmem:v22+s16+$0x0] =	vst.idx.add.f32.msk vm0, v5  }
0xc8: {  	v18 =	vmul.f32 v17, v9;
	v10 =	vmul.f32 v23, v9;
	[tilespmem:v22+s17+$0x0] =	vst.idx.add.f32.msk vm0, v2;
	vm0 =	vlt.s32 v4, $0x7F  }
0xc9: {  	v11 =	vmul.f32 v24, v20;
	v8 =	vmul.f32 v23, v19;
	vm0 =	vmmov vm0  }
0xca: {  	[tilespmem:v1+s6+$0x0] =	vst.idx.add.f32.msk $0xffff, v10;
	v10 =	vmul.f32 v3, v9;
	v9 =	vmul.f32 v3, v19;
	v2 =	vadd.s32 $0x1, v1  }
0xcb: {  	v7 =	vmul.f32 v23, v20;
	v23 =	vmul.f32 v23, v21  }
0xcc: {  	v12 =	vmul.f32 v24, v21;
	v14 =	vmul.f32 v17, v19;
	[tilespmem:v1+s8+$0x0] =	vst.idx.add.f32.msk $0xffff, v8  }
0xcd: {  	v16 =	vmul.f32 v17, v20;
	v17 =	vmul.f32 v17, v21;
	[tilespmem:v1+s10+$0x0] =	vst.idx.add.f32.msk $0xffff, v7  }
0xce: {  	s21 =	simm.s32 $0x0;
	s22 =	simm.s32 $0x80;
	v8 =	vmul.f32 v3, v20;
	v7 =	vmul.f32 v3, v21;
	[tilespmem:v1+s12+$0x0] =	vst.idx.add.f32.msk $0xffff, v23  }
.LBB2_6:
0xcf: {  	s23 =	sshra.s32 s22, $0x2;
	[tilespmem:v2+s6+$0x0] =	vst.idx.add.f32.msk vm0, v18  }
0xd0: {  	v6 =	vld [tilespmem:s23+$0x1F50]  }
0xd1: {  	v18 =	vld [tilespmem:s23+$0x2EF0]  }
0xd2: {  	v19 =	vld [tilespmem:s23+$0x1F40]  }
0xd3: {  	v20 =	vld [tilespmem:s23+$0x2EE0]  }
0xd4: {  	v4 =	vld [tilespmem:s23+$0x7D00]  }
0xd5: {  	v3 =	vld [tilespmem:s23+$0x8CA0]  }
0xd6: {  	v21 =	vadd.f32 $5.000000000e-01, v6;
	v5 =	vld [tilespmem:s23+$0x9C40];
	v18 =	vadd.f32 $5.000000000e-01, v18  }
0xd7: {  	v19 =	vadd.f32 $5.000000000e-01, v19;
	v6 =	vld [tilespmem:s23+$0xABE0]  }
0xd8: {  	v21 =	vmul.f32 $1.280000000e+02, v21;
	v20 =	vadd.f32 $5.000000000e-01, v20;
	v18 =	vmul.f32 $1.280000000e+02, v18;
	[tilespmem:v2+s8+$0x0] =	vst.idx.add.f32.msk vm0, v14  }
0xd9: {  	v14 =	vmul.f32 $1.280000000e+02, v19;
	[tilespmem:v2+s10+$0x0] =	vst.idx.add.f32.msk vm0, v16  }
0xda: {  	v16 =	vtrunc.f32 v21;
	v19 =	vtrunc.f32 v18;
	[tilespmem:v2+s12+$0x0] =	vst.idx.add.f32.msk vm0, v17  }
0xdb: {  	v16 =	vcvt.f32.s32 v16;
	v17 =	vcvt.f32.s32 v19;
	[tilespmem:v1+s14+$0x0] =	vst.idx.add.f32.msk $0xffff, v15  }
0xdc: {  	v15 =	vmul.f32 $1.280000000e+02, v20;
	v19 =	vtrunc.f32 v14;
	[tilespmem:v1+s15+$0x0] =	vst.idx.add.f32.msk $0xffff, v13  }
0xdd: {  	v13 =	vcvt.s32.f32 v16;
	v20 =	vcvt.s32.f32 v17;
	[tilespmem:v1+s16+$0x0] =	vst.idx.add.f32.msk $0xffff, v11  }
0xde: {  	v11 =	vcvt.f32.s32 v19;
	v19 =	vtrunc.f32 v15;
	[tilespmem:v1+s17+$0x0] =	vst.idx.add.f32.msk $0xffff, v12  }
0xdf: {  	s21 =	sadd.s32 $0x2, s21;
	v1 =	vcvt.f32.s32 v19;
	v12 =	vsub.f32 v21, v13;
	v13 =	vsub.f32 v18, v20;
	[tilespmem:v2+s14+$0x0] =	vst.idx.add.f32.msk vm0, v10  }
0xe0: {  	p0 =	slt.u32 s21, $0xF8;
	v10 =	vcvt.s32.f32 v11;
	vm2 =	vlt.s32 v11, $0x7F;
	v18 =	vld [tilespmem:s23+$0x7D10]  }
0xe1: {  	v17 =	vshll.u32 v17, $0x7;
	v19 =	vsub.f32 $1.000000000e+00, v12;
	v20 =	vsub.f32 $1.000000000e+00, v13;
	v21 =	vld [tilespmem:s23+$0x8CB0]  }
0xe2: {  	v17 =	vadd.s32 v16, v17;
	v10 =	vsub.f32 v14, v10;
	v14 =	vcvt.s32.f32 v1;
	v22 =	vld [tilespmem:s23+$0x9C50]  }
0xe3: {  	v1 =	vshll.u32 v1, $0x7;
	v23 =	vld [tilespmem:s23+$0xABF0];
	v24 =	vmul.f32 v20, v19  }
0xe4: {  	v1 =	vadd.s32 v11, v1;
	v14 =	vsub.f32 v15, v14;
	v11 =	vsub.f32 $1.000000000e+00, v10;
	[tilespmem:v2+s15+$0x0] =	vst.idx.add.f32.msk vm0, v9  }
0xe5: {  	vm1 =	vlt.s32 v16, $0x7F;
	v9 =	vadd.s32 $0x1, v1;
	v15 =	vmul.f32 v24, v18;
	[tilespmem:v2+s16+$0x0] =	vst.idx.add.f32.msk vm0, v8  }
0xe6: {  	v25 =	vadd.s32 $0x1, v17;
	v8 =	vsub.f32 $1.000000000e+00, v14;
	v16 =	vmul.f32 v24, v21;
	[tilespmem:v2+s17+$0x0] =	vst.idx.add.f32.msk vm0, v7;
	v2 =	vmovc v9  }
0xe7: {  	v9 =	vmul.f32 v20, v12;
	vm0 =	vmmov vm2;
	[tilespmem:v17+s6+$0x0] =	vst.idx.add.f32.msk $0xffff, v15;
	v7 =	vmul.f32 v24, v22  }
0xe8: {  	v15 =	vmul.f32 v8, v11;
	[tilespmem:v17+s8+$0x0] =	vst.idx.add.f32.msk $0xffff, v16;
	v16 =	vmul.f32 v24, v23  }
0xe9: {  	v8 =	vmul.f32 v8, v10;
	[tilespmem:v17+s10+$0x0] =	vst.idx.add.f32.msk $0xffff, v7;
	v7 =	vmul.f32 v9, v18  }
0xea: {  	v20 =	vmul.f32 v14, v11;
	v11 =	vmul.f32 v9, v21;
	[tilespmem:v17+s12+$0x0] =	vst.idx.add.f32.msk $0xffff, v16  }
0xeb: {  	v16 =	vmul.f32 v13, v19;
	[tilespmem:v25+s6+$0x0] =	vst.idx.add.f32.msk vm1, v7;
	v7 =	vmul.f32 v9, v22  }
0xec: {  	v19 =	vmul.f32 v14, v10;
	v9 =	vmul.f32 v9, v23;
	[tilespmem:v25+s8+$0x0] =	vst.idx.add.f32.msk vm1, v11  }
0xed: {  	v10 =	vmul.f32 v15, v4;
	[tilespmem:v25+s10+$0x0] =	vst.idx.add.f32.msk vm1, v7;
	v7 =	vmul.f32 v16, v18  }
0xee: {  	v24 =	vmul.f32 v15, v3;
	[tilespmem:v25+s12+$0x0] =	vst.idx.add.f32.msk vm1, v9;
	v9 =	vmul.f32 v16, v21  }
0xef: {  	v11 =	vmul.f32 v13, v12;
	[tilespmem:v17+s14+$0x0] =	vst.idx.add.f32.msk $0xffff, v7;
	v7 =	vmul.f32 v16, v22  }
0xf0: {  	v26 =	vmul.f32 v15, v5;
	[tilespmem:v17+s15+$0x0] =	vst.idx.add.f32.msk $0xffff, v9;
	v9 =	vmul.f32 v16, v23  }
0xf1: {  	v27 =	vmul.f32 v15, v6;
	[tilespmem:v17+s16+$0x0] =	vst.idx.add.f32.msk $0xffff, v7;
	v7 =	vmul.f32 v11, v18  }
0xf2: {  	v18 =	vmul.f32 v8, v4;
	[tilespmem:v17+s17+$0x0] =	vst.idx.add.f32.msk $0xffff, v9;
	v9 =	vmul.f32 v11, v21  }
0xf3: {  	v14 =	vmul.f32 v8, v3;
	[tilespmem:v25+s14+$0x0] =	vst.idx.add.f32.msk vm1, v7;
	v7 =	vmul.f32 v11, v22  }
0xf4: {  	v16 =	vmul.f32 v8, v5;
	[tilespmem:v25+s15+$0x0] =	vst.idx.add.f32.msk vm1, v9;
	v9 =	vmul.f32 v11, v23  }
0xf5: {  	v15 =	vmul.f32 v20, v4;
	v17 =	vmul.f32 v8, v6;
	[tilespmem:v25+s16+$0x0] =	vst.idx.add.f32.msk vm1, v7  }
.Ltmp2:
0xf6: {  	v13 =	vmul.f32 v20, v3;
	v11 =	vmul.f32 v20, v5;
	[tilespmem:v25+s17+$0x0] =	vst.idx.add.f32.msk vm1, v9;
	(pc) =	sbr.rel @p0 .LBB2_6-.Ltmp2, $4  }
0xf7: {  	v12 =	vmul.f32 v20, v6;
	[tilespmem:v1+s6+$0x0] =	vst.idx.add.f32.msk $0xffff, v10;
	v10 =	vmul.f32 v19, v4  }
0xf8: {  	v8 =	vmul.f32 v19, v5;
	v9 =	vmul.f32 v19, v3;
	[tilespmem:v1+s8+$0x0] =	vst.idx.add.f32.msk $0xffff, v24  }
0xf9: {  	v7 =	vmul.f32 v19, v6;
	[tilespmem:v1+s10+$0x0] =	vst.idx.add.f32.msk $0xffff, v26  }
0xfa: {  	s22 =	sadd.s32 $0x80, s22;
	[tilespmem:v1+s12+$0x0] =	vst.idx.add.f32.msk $0xffff, v27  }
0xfb: {  	_ =	sdelay $0x4  }
0xfc: {  	[tilespmem:v2+s6+$0x0] =	vst.idx.add.f32.msk vm0, v18  }
0xfd: {  	[tilespmem:v2+s8+$0x0] =	vst.idx.add.f32.msk vm0, v14  }
0xfe: {  	[tilespmem:v2+s10+$0x0] =	vst.idx.add.f32.msk vm0, v16  }
0xff: {  	[tilespmem:v2+s12+$0x0] =	vst.idx.add.f32.msk vm0, v17  }
0x100: {  	[tilespmem:v1+s14+$0x0] =	vst.idx.add.f32.msk $0xffff, v15  }
0x101: {  	[tilespmem:v1+s15+$0x0] =	vst.idx.add.f32.msk $0xffff, v13  }
0x102: {  	[tilespmem:v1+s16+$0x0] =	vst.idx.add.f32.msk $0xffff, v11  }
0x103: {  	[tilespmem:v1+s17+$0x0] =	vst.idx.add.f32.msk $0xffff, v12  }
0x104: {  	[tilespmem:v2+s14+$0x0] =	vst.idx.add.f32.msk vm0, v10  }
0x105: {  	[tilespmem:v2+s15+$0x0] =	vst.idx.add.f32.msk vm0, v9  }
0x106: {  	[tilespmem:v2+s16+$0x0] =	vst.idx.add.f32.msk vm0, v8  }
0x107: {  	[tilespmem:v2+s17+$0x0] =	vst.idx.add.f32.msk vm0, v7  }
0x108: {  	[tilespmem:s31], [sflag:$0x2] =	stream.strided.gather [hbm4b:s9+s28], $0x1F40, s29, s28, $0x38;
	[tilespmem:$0x1BDA0] =	vst v63  }
0x109: {  	s21 =	rddreg [dreg:$0x5]  }
0x10a: {  	[tilespmem:s0], [sflag:$0x2] =	stream.strided.gather [hbm4b:s21+s28], $0x3E80, s29, s28, $0x38;
	[tilespmem:$0x1BDA0] =	vst v63  }
0x10b: {  	_ =	swait.ge [sflag:s1], $0x1F40  }
0x10c: {  	[sflag:s1] =	ssyncset.done $0x0  }
0x10d: {  	[sflag:s1] =	ssyncadd.s32 $0xFFFFE0C0  }
0x10e: {  	_ =	swait.ge [sflag:s1], $0x3E80  }
0x10f: {  	[sflag:s1] =	ssyncset.done $0x0  }
0x110: {  	s23 =	simm.s32 $0xFB0;
	[sflag:s1] =	ssyncadd.s32 $0xFFFFC180  }
0x111: {  	v1 =	vld [tilespmem:s23+$0xFFFFF060]  }
0x112: {  	v2 =	vld [tilespmem:s23+$0x0];
	_ =	sdelay $0x4  }
0x113: {  	v1 =	vadd.f32 $5.000000000e-01, v1;
	v2 =	vadd.f32 $5.000000000e-01, v2;
	_ =	sdelay $0x1  }
0x114: {  	v1 =	vmul.f32 $1.280000000e+02, v1;
	v2 =	vmul.f32 $1.280000000e+02, v2;
	_ =	sdelay $0x1  }
0x115: {  	v3 =	vld [tilespmem:s23+$0xFFFFFFF0];
	v4 =	vtrunc.f32 v1;
	v5 =	vtrunc.f32 v2  }
0x116: {  	v6 =	vld [tilespmem:s23+$0xFFFFF050];
	v4 =	vcvt.f32.s32 v4;
	v5 =	vcvt.f32.s32 v5;
	_ =	sdelay $0x1  }
0x117: {  	v7 =	vcvt.s32.f32 v4;
	v8 =	vcvt.s32.f32 v5;
	_ =	sdelay $0x1  }
0x118: {  	s21 =	simm.s32 $0x5DC0;
	v1 =	vsub.f32 v1, v7;
	v2 =	vsub.f32 v2, v8  }
0x119: {  	v3 =	vadd.f32 $5.000000000e-01, v3;
	v6 =	vadd.f32 $5.000000000e-01, v6;
	v7 =	vld [tilespmem:s21+$0xFFFFE0D0]  }
0x11a: {  	v10 =	vld [tilespmem:s21+$0xFFFFF070];
	v5 =	vshll.u32 v5, $0x7;
	v8 =	vsub.f32 $1.000000000e+00, v1;
	v9 =	vsub.f32 $1.000000000e+00, v2  }
0x11b: {  	v11 =	vld [tilespmem:s21+$0x10];
	v3 =	vmul.f32 $1.280000000e+02, v3;
	v5 =	vadd.s32 v4, v5  }
0x11c: {  	v12 =	vld [tilespmem:s21+$0xFB0];
	v6 =	vmul.f32 $1.280000000e+02, v6;
	v13 =	vmul.f32 v9, v8  }
0x11d: {  	v18 =	vld [tilespmem:s21+$0xFFFFE0C0];
	v14 =	vtrunc.f32 v3  }
0x11e: {  	v19 =	vld [tilespmem:s21+$0xFFFFF060];
	v15 =	vtrunc.f32 v6;
	vm0 =	vlt.s32 v4, $0x7F;
	v4 =	vmul.f32 v13, v7  }
0x11f: {  	v20 =	vld [tilespmem:s21+$0x0];
	v14 =	vcvt.f32.s32 v14;
	v16 =	vadd.s32 $0x1, v5;
	v17 =	vmul.f32 v13, v10  }
0x120: {  	v9 =	vmul.f32 v9, v1;
	[tilespmem:v5+s6+$0x0] =	vst.idx.add.f32.msk $0xffff, v4;
	v4 =	vmul.f32 v13, v11  }
0x121: {  	v21 =	vcvt.f32.s32 v15;
	v13 =	vmul.f32 v13, v12;
	[tilespmem:v5+s8+$0x0] =	vst.idx.add.f32.msk $0xffff, v17  }
0x122: {  	v15 =	vcvt.s32.f32 v14;
	[tilespmem:v5+s10+$0x0] =	vst.idx.add.f32.msk $0xffff, v4;
	v4 =	vmul.f32 v9, v7  }
0x123: {  	v8 =	vmul.f32 v2, v8;
	[tilespmem:v5+s12+$0x0] =	vst.idx.add.f32.msk $0xffff, v13;
	v13 =	vmul.f32 v9, v10  }
0x124: {  	v3 =	vsub.f32 v3, v15;
	v17 =	vcvt.s32.f32 v21;
	[tilespmem:v16+s6+$0x0] =	vst.idx.add.f32.msk vm0, v4;
	v4 =	vmul.f32 v9, v11  }
0x125: {  	v1 =	vmul.f32 v2, v1;
	v9 =	vmul.f32 v9, v12;
	[tilespmem:v16+s8+$0x0] =	vst.idx.add.f32.msk vm0, v13  }
0x126: {  	v13 =	vsub.f32 v6, v17;
	[tilespmem:v16+s10+$0x0] =	vst.idx.add.f32.msk vm0, v4;
	v4 =	vmul.f32 v8, v7  }
0x127: {  	v6 =	vshll.u32 v14, $0x7;
	v14 =	vsub.f32 $1.000000000e+00, v3;
	[tilespmem:v16+s12+$0x0] =	vst.idx.add.f32.msk vm0, v9;
	v9 =	vmul.f32 v8, v10  }
0x128: {  	v17 =	vmul.f32 v8, v11;
	v2 =	vadd.s32 v21, v6;
	v15 =	vsub.f32 $1.000000000e+00, v13;
	[tilespmem:v5+s14+$0x0] =	vst.idx.add.f32.msk $0xffff, v4  }
0x129: {  	v7 =	vmul.f32 v1, v7;
	v6 =	vmul.f32 v14, v13;
	[tilespmem:v5+s15+$0x0] =	vst.idx.add.f32.msk $0xffff, v9  }
0x12a: {  	v8 =	vmul.f32 v8, v12;
	v4 =	vmul.f32 v14, v15;
	[tilespmem:v5+s16+$0x0] =	vst.idx.add.f32.msk $0xffff, v17  }
0x12b: {  	v9 =	vmul.f32 v1, v11;
	v14 =	vmul.f32 v6, v18;
	v17 =	vld [tilespmem:s21+$0xFA0]  }
0x12c: {  	[tilespmem:v5+s17+$0x0] =	vst.idx.add.f32.msk $0xffff, v8;
	v8 =	vmul.f32 v1, v10;
	v5 =	vmul.f32 v3, v15  }
0x12d: {  	v1 =	vmul.f32 v1, v12;
	v22 =	vmul.f32 v4, v20;
	[tilespmem:v16+s14+$0x0] =	vst.idx.add.f32.msk vm0, v7  }
0x12e: {  	v7 =	vmul.f32 v3, v13;
	v3 =	vmul.f32 v4, v18;
	[tilespmem:v16+s15+$0x0] =	vst.idx.add.f32.msk vm0, v8  }
0x12f: {  	v15 =	vmul.f32 v6, v19;
	v8 =	vmul.f32 v4, v19;
	[tilespmem:v16+s16+$0x0] =	vst.idx.add.f32.msk vm0, v9  }
0x130: {  	v13 =	vmul.f32 v5, v18;
	v12 =	vmul.f32 v5, v19;
	[tilespmem:v2+s6+$0x0] =	vst.idx.add.f32.msk $0xffff, v3  }
0x131: {  	v11 =	vmul.f32 v5, v20;
	v10 =	vmul.f32 v7, v18;
	[tilespmem:v16+s17+$0x0] =	vst.idx.add.f32.msk vm0, v1  }
0x132: {  	v9 =	vmul.f32 v7, v19;
	v16 =	vmul.f32 v6, v20;
	vm0 =	vlt.s32 v21, $0x7F;
	[tilespmem:v2+s8+$0x0] =	vst.idx.add.f32.msk $0xffff, v8  }
0x133: {  	s22 =	simm.s32 $0x0;
	s23 =	simm.s32 $0xFD0;
	v1 =	vadd.s32 $0x1, v2;
	v8 =	vmul.f32 v7, v20;
	[tilespmem:v2+s10+$0x0] =	vst.idx.add.f32.msk $0xffff, v22;
	vm0 =	vmmov vm0  }
.LBB2_8:
0x134: {  	v18 =	vld [tilespmem:s23+$0xFFFFF060];
	v4 =	vmul.f32 v4, v17;
	v6 =	vmul.f32 v6, v17  }
0x135: {  	v5 =	vmul.f32 v5, v17;
	v3 =	vmul.f32 v7, v17;
	v19 =	vld [tilespmem:s23+$0x0]  }
0x136: {  	v7 =	vld [tilespmem:s23+$0xFFFFFFF0]  }
0x137: {  	v17 =	vld [tilespmem:s23+$0xFFFFF050]  }
0x138: {  	[tilespmem:v2+s12+$0x0] =	vst.idx.add.f32.msk $0xffff, v4  }
0x139: {  	[tilespmem:v1+s6+$0x0] =	vst.idx.add.f32.msk vm0, v14  }
0x13a: {  	v4 =	vadd.f32 $5.000000000e-01, v18;
	v14 =	vadd.f32 $5.000000000e-01, v19;
	[tilespmem:v1+s8+$0x0] =	vst.idx.add.f32.msk vm0, v15  }
0x13b: {  	v7 =	vadd.f32 $5.000000000e-01, v7;
	[tilespmem:v1+s10+$0x0] =	vst.idx.add.f32.msk vm0, v16  }
0x13c: {  	v4 =	vmul.f32 $1.280000000e+02, v4;
	v15 =	vadd.f32 $5.000000000e-01, v17;
	v14 =	vmul.f32 $1.280000000e+02, v14;
	[tilespmem:v1+s12+$0x0] =	vst.idx.add.f32.msk vm0, v6  }
0x13d: {  	v6 =	vmul.f32 $1.280000000e+02, v7;
	[tilespmem:v2+s14+$0x0] =	vst.idx.add.f32.msk $0xffff, v13  }
0x13e: {  	v7 =	vtrunc.f32 v4;
	v13 =	vtrunc.f32 v14;
	[tilespmem:v2+s15+$0x0] =	vst.idx.add.f32.msk $0xffff, v12  }
0x13f: {  	v7 =	vcvt.f32.s32 v7;
	v12 =	vcvt.f32.s32 v13;
	[tilespmem:v2+s16+$0x0] =	vst.idx.add.f32.msk $0xffff, v11  }
0x140: {  	v11 =	vmul.f32 $1.280000000e+02, v15;
	v13 =	vtrunc.f32 v6;
	[tilespmem:v2+s17+$0x0] =	vst.idx.add.f32.msk $0xffff, v5  }
0x141: {  	v2 =	vcvt.s32.f32 v7;
	v5 =	vcvt.s32.f32 v12;
	[tilespmem:v1+s14+$0x0] =	vst.idx.add.f32.msk vm0, v10  }
0x142: {  	v13 =	vcvt.f32.s32 v13;
	v10 =	vtrunc.f32 v11;
	[tilespmem:v1+s15+$0x0] =	vst.idx.add.f32.msk vm0, v9  }
0x143: {  	s21 =	sadd.s32 $0x20, s21;
	v9 =	vcvt.f32.s32 v10;
	v10 =	vsub.f32 v4, v2;
	v14 =	vsub.f32 v14, v5;
	[tilespmem:v1+s16+$0x0] =	vst.idx.add.f32.msk vm0, v8  }
0x144: {  	s22 =	sadd.s32 $0x2, s22;
	v2 =	vcvt.s32.f32 v13;
	v4 =	vshll.u32 v13, $0x7;
	v8 =	vld [tilespmem:s21+$0xFFFFE0D0]  }
0x145: {  	p0 =	slt.u32 s22, $0xF8;
	v5 =	vshll.u32 v12, $0x7;
	v12 =	vsub.f32 $1.000000000e+00, v10;
	v13 =	vsub.f32 $1.000000000e+00, v14;
	v16 =	vld [tilespmem:s21+$0xFFFFF070]  }
0x146: {  	v15 =	vcvt.s32.f32 v9;
	v17 =	vsub.f32 v6, v2;
	v18 =	vadd.s32 v7, v5;
	v19 =	vld [tilespmem:s21+$0x10]  }
0x147: {  	v2 =	vadd.s32 v9, v4;
	vm1 =	vlt.s32 v9, $0x7F;
	v9 =	vld [tilespmem:s21+$0xFB0];
	v5 =	vmul.f32 v13, v12  }
0x148: {  	v20 =	vadd.s32 $0x1, v2;
	v11 =	vsub.f32 v11, v15;
	v6 =	vsub.f32 $1.000000000e+00, v17;
	v21 =	vld [tilespmem:s21+$0xFFFFE0C0]  }
0x149: {  	vm2 =	vlt.s32 v7, $0x7F;
	v22 =	vld [tilespmem:s21+$0xFFFFF060];
	v4 =	vmul.f32 v5, v8  }
0x14a: {  	v24 =	vadd.s32 $0x1, v18;
	v7 =	vsub.f32 $1.000000000e+00, v11;
	v23 =	vld [tilespmem:s21+$0x0];
	v15 =	vmul.f32 v5, v16  }
0x14b: {  	v13 =	vmul.f32 v13, v10;
	[tilespmem:v18+s6+$0x0] =	vst.idx.add.f32.msk $0xffff, v4;
	v25 =	vmul.f32 v5, v19  }
0x14c: {  	v4 =	vmul.f32 v6, v7;
	[tilespmem:v18+s8+$0x0] =	vst.idx.add.f32.msk $0xffff, v15;
	v15 =	vmul.f32 v5, v9  }
0x14d: {  	v6 =	vmul.f32 v6, v11;
	[tilespmem:v18+s10+$0x0] =	vst.idx.add.f32.msk $0xffff, v25;
	v25 =	vmul.f32 v13, v8  }
0x14e: {  	v5 =	vmul.f32 v17, v7;
	[tilespmem:v18+s12+$0x0] =	vst.idx.add.f32.msk $0xffff, v15;
	v15 =	vmul.f32 v13, v16  }
0x14f: {  	v12 =	vmul.f32 v14, v12;
	[tilespmem:v24+s6+$0x0] =	vst.idx.add.f32.msk vm2, v25;
	v25 =	vmul.f32 v13, v19  }
0x150: {  	v7 =	vmul.f32 v17, v11;
	v11 =	vmul.f32 v13, v9;
	[tilespmem:v24+s8+$0x0] =	vst.idx.add.f32.msk vm2, v15  }
0x151: {  	v26 =	vmul.f32 v4, v21;
	v13 =	vmul.f32 v12, v8;
	[tilespmem:v24+s10+$0x0] =	vst.idx.add.f32.msk vm2, v25  }
0x152: {  	v25 =	vmul.f32 v4, v22;
	[tilespmem:v24+s12+$0x0] =	vst.idx.add.f32.msk vm2, v11;
	v11 =	vmul.f32 v12, v16  }
0x153: {  	v10 =	vmul.f32 v14, v10;
	[tilespmem:v18+s14+$0x0] =	vst.idx.add.f32.msk $0xffff, v13;
	v13 =	vmul.f32 v12, v19  }
0x154: {  	v27 =	vmul.f32 v4, v23;
	[tilespmem:v18+s15+$0x0] =	vst.idx.add.f32.msk $0xffff, v11;
	v11 =	vmul.f32 v12, v9  }
0x155: {  	v14 =	vmul.f32 v6, v21;
	v8 =	vmul.f32 v10, v8;
	[tilespmem:v18+s16+$0x0] =	vst.idx.add.f32.msk $0xffff, v13  }
0x156: {  	v15 =	vmul.f32 v6, v22;
	[tilespmem:v18+s17+$0x0] =	vst.idx.add.f32.msk $0xffff, v11;
	v11 =	vmul.f32 v10, v16  }
0x157: {  	v16 =	vmul.f32 v6, v23;
	[tilespmem:v24+s14+$0x0] =	vst.idx.add.f32.msk vm2, v8;
	v8 =	vmul.f32 v10, v19  }
0x158: {  	v17 =	vmul.f32 v10, v9;
	v13 =	vmul.f32 v5, v21;
	[tilespmem:v24+s15+$0x0] =	vst.idx.add.f32.msk vm2, v11  }
0x159: {  	v12 =	vmul.f32 v5, v22;
	v11 =	vmul.f32 v5, v23;
	[tilespmem:v24+s16+$0x0] =	vst.idx.add.f32.msk vm2, v8  }
0x15a: {  	v9 =	vmul.f32 v7, v22;
	v10 =	vmul.f32 v7, v21;
	[tilespmem:v24+s17+$0x0] =	vst.idx.add.f32.msk vm2, v17  }
.Ltmp3:
0x15b: {  	v8 =	vmul.f32 v7, v23;
	v17 =	vld [tilespmem:s21+$0xFA0];
	(pc) =	sbr.rel @p0 .LBB2_8-.Ltmp3, $4  }
0x15c: {  	[tilespmem:v2+s6+$0x0] =	vst.idx.add.f32.msk $0xffff, v26  }
0x15d: {  	[tilespmem:v2+s8+$0x0] =	vst.idx.add.f32.msk $0xffff, v25  }
0x15e: {  	[tilespmem:v2+s10+$0x0] =	vst.idx.add.f32.msk $0xffff, v27  }
0x15f: {  	s23 =	sadd.s32 $0x20, s23;
	[tilespmem:v1+s17+$0x0] =	vst.idx.add.f32.msk vm0, v3;
	v1 =	vmov v20;
	vm0 =	vmmov vm1  }
0x160: {  	_ =	sdelay $0x1  }
0x161: {  	v3 =	vmul.f32 v4, v17;
	_ =	sdelay $0x1  }
0x162: {  	[tilespmem:v2+s12+$0x0] =	vst.idx.add.f32.msk $0xffff, v3  }
0x163: {  	[tilespmem:v1+s6+$0x0] =	vst.idx.add.f32.msk vm0, v14  }
0x164: {  	v3 =	vmul.f32 v6, v17;
	[tilespmem:v1+s8+$0x0] =	vst.idx.add.f32.msk vm0, v15  }
0x165: {  	[tilespmem:v1+s10+$0x0] =	vst.idx.add.f32.msk vm0, v16  }
0x166: {  	[tilespmem:v1+s12+$0x0] =	vst.idx.add.f32.msk vm0, v3  }
0x167: {  	[tilespmem:v2+s14+$0x0] =	vst.idx.add.f32.msk $0xffff, v13  }
0x168: {  	v3 =	vmul.f32 v5, v17;
	[tilespmem:v2+s15+$0x0] =	vst.idx.add.f32.msk $0xffff, v12  }
0x169: {  	[tilespmem:v2+s16+$0x0] =	vst.idx.add.f32.msk $0xffff, v11  }
0x16a: {  	[tilespmem:v2+s17+$0x0] =	vst.idx.add.f32.msk $0xffff, v3  }
0x16b: {  	[tilespmem:v1+s14+$0x0] =	vst.idx.add.f32.msk vm0, v10  }
0x16c: {  	v2 =	vmul.f32 v7, v17;
	[tilespmem:v1+s15+$0x0] =	vst.idx.add.f32.msk vm0, v9  }
0x16d: {  	[tilespmem:v1+s16+$0x0] =	vst.idx.add.f32.msk vm0, v8  }
0x16e: {  	s21 =	simm.s32 $0x0;
	[tilespmem:v1+s17+$0x0] =	vst.idx.add.f32.msk vm0, v2  }
0x16f: {  	[tilespmem:s21], [sflag:$0x1] =	stream.strided.gather [hbm4b:s11+s28], $0x1F40, s29, s28, $0x38;
	[tilespmem:$0x1BDA0] =	vst v63  }
0x170: {  	s22 =	rddreg [dreg:$0x6]  }
0x171: {  	[tilespmem:s30], [sflag:$0x1] =	stream.strided.gather [hbm4b:s22+s28], $0x3E80, s29, s28, $0x38;
	[tilespmem:$0x1BDA0] =	vst v63  }
0x172: {  	_ =	swait.ge [sflag:s18], $0x1F40  }
0x173: {  	[sflag:s18] =	ssyncset.done $0x0  }
0x174: {  	[sflag:s18] =	ssyncadd.s32 $0xFFFFE0C0  }
0x175: {  	_ =	swait.ge [sflag:s18], $0x3E80  }
0x176: {  	[sflag:s18] =	ssyncset.done $0x0  }
0x177: {  	s23 =	simm.s32 $0x0;
	[sflag:s18] =	ssyncadd.s32 $0xFFFFC180  }
0x178: {  	v1 =	vld [tilespmem:s23+$0x1F50]  }
0x179: {  	v2 =	vld [tilespmem:s23+$0x2EF0];
	_ =	sdelay $0x4  }
0x17a: {  	v1 =	vadd.f32 $5.000000000e-01, v1;
	v2 =	vadd.f32 $5.000000000e-01, v2  }
0x17b: {  	v3 =	vld [tilespmem:s23+$0x1F40]  }
0x17c: {  	v1 =	vmul.f32 $1.280000000e+02, v1;
	v2 =	vmul.f32 $1.280000000e+02, v2  }
0x17d: {  	v4 =	vld [tilespmem:s23+$0x2EE0]  }
0x17e: {  	v5 =	vtrunc.f32 v1;
	v6 =	vtrunc.f32 v2  }
0x17f: {  	v5 =	vcvt.f32.s32 v5;
	v6 =	vcvt.f32.s32 v6  }
0x180: {  	v3 =	vadd.f32 $5.000000000e-01, v3  }
0x181: {  	v7 =	vcvt.s32.f32 v5;
	v8 =	vcvt.s32.f32 v6  }
0x182: {  	v4 =	vadd.f32 $5.000000000e-01, v4;
	v3 =	vmul.f32 $1.280000000e+02, v3  }
0x183: {  	v9 =	vld [tilespmem:s23+$0x7D00];
	v7 =	vsub.f32 v1, v7;
	v2 =	vsub.f32 v2, v8  }
0x184: {  	v10 =	vtrunc.f32 v3;
	v6 =	vshll.u32 v6, $0x7;
	v1 =	vmul.f32 $1.280000000e+02, v4;
	v8 =	vld [tilespmem:s23+$0x7D10]  }
0x185: {  	v12 =	vld [tilespmem:s23+$0x8CB0];
	v4 =	vcvt.f32.s32 v10;
	v10 =	vsub.f32 $1.000000000e+00, v7;
	v11 =	vsub.f32 $1.000000000e+00, v2  }
0x186: {  	v14 =	vld [tilespmem:s23+$0x9C50];
	v6 =	vadd.s32 v5, v6  }
0x187: {  	v16 =	vld [tilespmem:s23+$0xABF0];
	v17 =	vmul.f32 v11, v10  }
0x188: {  	v19 =	vld [tilespmem:s23+$0x8CA0]  }
0x189: {  	v20 =	vld [tilespmem:s23+$0x9C40];
	vm0 =	vlt.s32 v5, $0x7F;
	v5 =	vmul.f32 v17, v8  }
0x18a: {  	v21 =	vld [tilespmem:s23+$0xABE0];
	v22 =	vadd.s32 $0x1, v6;
	v18 =	vmul.f32 v17, v12  }
0x18b: {  	v11 =	vmul.f32 v11, v7;
	[tilespmem:v6+s6+$0x0] =	vst.idx.add.f32.msk $0xffff, v5;
	v5 =	vmul.f32 v17, v14  }
0x18c: {  	v13 =	vtrunc.f32 v1;
	v17 =	vmul.f32 v17, v16;
	[tilespmem:v6+s8+$0x0] =	vst.idx.add.f32.msk $0xffff, v18  }
0x18d: {  	v15 =	vcvt.s32.f32 v4;
	[tilespmem:v6+s10+$0x0] =	vst.idx.add.f32.msk $0xffff, v5;
	v5 =	vmul.f32 v11, v8  }
0x18e: {  	v13 =	vcvt.f32.s32 v13;
	[tilespmem:v6+s12+$0x0] =	vst.idx.add.f32.msk $0xffff, v17;
	v17 =	vmul.f32 v11, v12  }
0x18f: {  	v10 =	vmul.f32 v2, v10;
	[tilespmem:v22+s6+$0x0] =	vst.idx.add.f32.msk vm0, v5;
	v5 =	vmul.f32 v11, v14  }
0x190: {  	v3 =	vsub.f32 v3, v15;
	v15 =	vcvt.s32.f32 v13;
	v11 =	vmul.f32 v11, v16;
	[tilespmem:v22+s8+$0x0] =	vst.idx.add.f32.msk vm0, v17  }
0x191: {  	v2 =	vmul.f32 v2, v7;
	[tilespmem:v22+s10+$0x0] =	vst.idx.add.f32.msk vm0, v5;
	v5 =	vmul.f32 v10, v8  }
0x192: {  	v13 =	vshll.u32 v13, $0x7;
	v15 =	vsub.f32 v1, v15;
	[tilespmem:v22+s12+$0x0] =	vst.idx.add.f32.msk vm0, v11;
	v11 =	vmul.f32 v10, v12  }
0x193: {  	v1 =	vadd.s32 v4, v13;
	v13 =	vsub.f32 $1.000000000e+00, v3;
	[tilespmem:v6+s14+$0x0] =	vst.idx.add.f32.msk $0xffff, v5;
	v5 =	vmul.f32 v10, v14  }
0x194: {  	v7 =	vmul.f32 v10, v16;
	v18 =	vsub.f32 $1.000000000e+00, v15;
	[tilespmem:v6+s15+$0x0] =	vst.idx.add.f32.msk $0xffff, v11  }
0x195: {  	v24 =	vmul.f32 v15, v13;
	[tilespmem:v6+s16+$0x0] =	vst.idx.add.f32.msk $0xffff, v5;
	v5 =	vmul.f32 v2, v8  }
0x196: {  	v23 =	vmul.f32 v18, v13;
	[tilespmem:v6+s17+$0x0] =	vst.idx.add.f32.msk $0xffff, v7;
	v6 =	vmul.f32 v2, v12  }
0x197: {  	v13 =	vmul.f32 v24, v19;
	[tilespmem:v22+s14+$0x0] =	vst.idx.add.f32.msk vm0, v5;
	v5 =	vmul.f32 v2, v14  }
0x198: {  	v17 =	vmul.f32 v18, v3;
	v2 =	vmul.f32 v2, v16;
	[tilespmem:v22+s15+$0x0] =	vst.idx.add.f32.msk vm0, v6  }
0x199: {  	v3 =	vmul.f32 v15, v3;
	v15 =	vmul.f32 v24, v9;
	[tilespmem:v22+s16+$0x0] =	vst.idx.add.f32.msk vm0, v5  }
0x19a: {  	v18 =	vmul.f32 v17, v9;
	v10 =	vmul.f32 v23, v9;
	[tilespmem:v22+s17+$0x0] =	vst.idx.add.f32.msk vm0, v2;
	vm0 =	vlt.s32 v4, $0x7F  }
0x19b: {  	v11 =	vmul.f32 v24, v20;
	v8 =	vmul.f32 v23, v19;
	vm0 =	vmmov vm0  }
0x19c: {  	[tilespmem:v1+s6+$0x0] =	vst.idx.add.f32.msk $0xffff, v10;
	v10 =	vmul.f32 v3, v9;
	v9 =	vmul.f32 v3, v19;
	v2 =	vadd.s32 $0x1, v1  }
0x19d: {  	v7 =	vmul.f32 v23, v20;
	v23 =	vmul.f32 v23, v21  }
0x19e: {  	v12 =	vmul.f32 v24, v21;
	v14 =	vmul.f32 v17, v19;
	[tilespmem:v1+s8+$0x0] =	vst.idx.add.f32.msk $0xffff, v8  }
0x19f: {  	v16 =	vmul.f32 v17, v20;
	v17 =	vmul.f32 v17, v21;
	[tilespmem:v1+s10+$0x0] =	vst.idx.add.f32.msk $0xffff, v7  }
0x1a0: {  	s21 =	simm.s32 $0x0;
	s22 =	simm.s32 $0x80;
	v8 =	vmul.f32 v3, v20;
	v7 =	vmul.f32 v3, v21;
	[tilespmem:v1+s12+$0x0] =	vst.idx.add.f32.msk $0xffff, v23  }
.LBB2_10:
0x1a1: {  	s23 =	sshra.s32 s22, $0x2;
	[tilespmem:v2+s6+$0x0] =	vst.idx.add.f32.msk vm0, v18  }
0x1a2: {  	v6 =	vld [tilespmem:s23+$0x1F50]  }
0x1a3: {  	v18 =	vld [tilespmem:s23+$0x2EF0]  }
0x1a4: {  	v19 =	vld [tilespmem:s23+$0x1F40]  }
0x1a5: {  	v20 =	vld [tilespmem:s23+$0x2EE0]  }
0x1a6: {  	v4 =	vld [tilespmem:s23+$0x7D00]  }
0x1a7: {  	v3 =	vld [tilespmem:s23+$0x8CA0]  }
0x1a8: {  	v21 =	vadd.f32 $5.000000000e-01, v6;
	v5 =	vld [tilespmem:s23+$0x9C40];
	v18 =	vadd.f32 $5.000000000e-01, v18  }
0x1a9: {  	v19 =	vadd.f32 $5.000000000e-01, v19;
	v6 =	vld [tilespmem:s23+$0xABE0]  }
0x1aa: {  	v21 =	vmul.f32 $1.280000000e+02, v21;
	v20 =	vadd.f32 $5.000000000e-01, v20;
	v18 =	vmul.f32 $1.280000000e+02, v18;
	[tilespmem:v2+s8+$0x0] =	vst.idx.add.f32.msk vm0, v14  }
0x1ab: {  	v14 =	vmul.f32 $1.280000000e+02, v19;
	[tilespmem:v2+s10+$0x0] =	vst.idx.add.f32.msk vm0, v16  }
0x1ac: {  	v16 =	vtrunc.f32 v21;
	v19 =	vtrunc.f32 v18;
	[tilespmem:v2+s12+$0x0] =	vst.idx.add.f32.msk vm0, v17  }
0x1ad: {  	v16 =	vcvt.f32.s32 v16;
	v17 =	vcvt.f32.s32 v19;
	[tilespmem:v1+s14+$0x0] =	vst.idx.add.f32.msk $0xffff, v15  }
0x1ae: {  	v15 =	vmul.f32 $1.280000000e+02, v20;
	v19 =	vtrunc.f32 v14;
	[tilespmem:v1+s15+$0x0] =	vst.idx.add.f32.msk $0xffff, v13  }
0x1af: {  	v13 =	vcvt.s32.f32 v16;
	v20 =	vcvt.s32.f32 v17;
	[tilespmem:v1+s16+$0x0] =	vst.idx.add.f32.msk $0xffff, v11  }
0x1b0: {  	v11 =	vcvt.f32.s32 v19;
	v19 =	vtrunc.f32 v15;
	[tilespmem:v1+s17+$0x0] =	vst.idx.add.f32.msk $0xffff, v12  }
0x1b1: {  	s21 =	sadd.s32 $0x2, s21;
	v1 =	vcvt.f32.s32 v19;
	v12 =	vsub.f32 v21, v13;
	v13 =	vsub.f32 v18, v20;
	[tilespmem:v2+s14+$0x0] =	vst.idx.add.f32.msk vm0, v10  }
0x1b2: {  	p0 =	slt.u32 s21, $0xF8;
	v10 =	vcvt.s32.f32 v11;
	vm2 =	vlt.s32 v11, $0x7F;
	v18 =	vld [tilespmem:s23+$0x7D10]  }
0x1b3: {  	v17 =	vshll.u32 v17, $0x7;
	v19 =	vsub.f32 $1.000000000e+00, v12;
	v20 =	vsub.f32 $1.000000000e+00, v13;
	v21 =	vld [tilespmem:s23+$0x8CB0]  }
0x1b4: {  	v17 =	vadd.s32 v16, v17;
	v10 =	vsub.f32 v14, v10;
	v14 =	vcvt.s32.f32 v1;
	v22 =	vld [tilespmem:s23+$0x9C50]  }
0x1b5: {  	v1 =	vshll.u32 v1, $0x7;
	v23 =	vld [tilespmem:s23+$0xABF0];
	v24 =	vmul.f32 v20, v19  }
0x1b6: {  	v1 =	vadd.s32 v11, v1;
	v14 =	vsub.f32 v15, v14;
	v11 =	vsub.f32 $1.000000000e+00, v10;
	[tilespmem:v2+s15+$0x0] =	vst.idx.add.f32.msk vm0, v9  }
0x1b7: {  	vm1 =	vlt.s32 v16, $0x7F;
	v9 =	vadd.s32 $0x1, v1;
	v15 =	vmul.f32 v24, v18;
	[tilespmem:v2+s16+$0x0] =	vst.idx.add.f32.msk vm0, v8  }
0x1b8: {  	v25 =	vadd.s32 $0x1, v17;
	v8 =	vsub.f32 $1.000000000e+00, v14;
	v16 =	vmul.f32 v24, v21;
	[tilespmem:v2+s17+$0x0] =	vst.idx.add.f32.msk vm0, v7;
	v2 =	vmovc v9  }
0x1b9: {  	v9 =	vmul.f32 v20, v12;
	vm0 =	vmmov vm2;
	[tilespmem:v17+s6+$0x0] =	vst.idx.add.f32.msk $0xffff, v15;
	v7 =	vmul.f32 v24, v22  }
0x1ba: {  	v15 =	vmul.f32 v8, v11;
	[tilespmem:v17+s8+$0x0] =	vst.idx.add.f32.msk $0xffff, v16;
	v16 =	vmul.f32 v24, v23  }
0x1bb: {  	v8 =	vmul.f32 v8, v10;
	[tilespmem:v17+s10+$0x0] =	vst.idx.add.f32.msk $0xffff, v7;
	v7 =	vmul.f32 v9, v18  }
0x1bc: {  	v20 =	vmul.f32 v14, v11;
	v11 =	vmul.f32 v9, v21;
	[tilespmem:v17+s12+$0x0] =	vst.idx.add.f32.msk $0xffff, v16  }
0x1bd: {  	v16 =	vmul.f32 v13, v19;
	[tilespmem:v25+s6+$0x0] =	vst.idx.add.f32.msk vm1, v7;
	v7 =	vmul.f32 v9, v22  }
0x1be: {  	v19 =	vmul.f32 v14, v10;
	v9 =	vmul.f32 v9, v23;
	[tilespmem:v25+s8+$0x0] =	vst.idx.add.f32.msk vm1, v11  }
0x1bf: {  	v10 =	vmul.f32 v15, v4;
	[tilespmem:v25+s10+$0x0] =	vst.idx.add.f32.msk vm1, v7;
	v7 =	vmul.f32 v16, v18  }
0x1c0: {  	v24 =	vmul.f32 v15, v3;
	[tilespmem:v25+s12+$0x0] =	vst.idx.add.f32.msk vm1, v9;
	v9 =	vmul.f32 v16, v21  }
0x1c1: {  	v11 =	vmul.f32 v13, v12;
	[tilespmem:v17+s14+$0x0] =	vst.idx.add.f32.msk $0xffff, v7;
	v7 =	vmul.f32 v16, v22  }
0x1c2: {  	v26 =	vmul.f32 v15, v5;
	[tilespmem:v17+s15+$0x0] =	vst.idx.add.f32.msk $0xffff, v9;
	v9 =	vmul.f32 v16, v23  }
0x1c3: {  	v27 =	vmul.f32 v15, v6;
	[tilespmem:v17+s16+$0x0] =	vst.idx.add.f32.msk $0xffff, v7;
	v7 =	vmul.f32 v11, v18  }
0x1c4: {  	v18 =	vmul.f32 v8, v4;
	[tilespmem:v17+s17+$0x0] =	vst.idx.add.f32.msk $0xffff, v9;
	v9 =	vmul.f32 v11, v21  }
0x1c5: {  	v14 =	vmul.f32 v8, v3;
	[tilespmem:v25+s14+$0x0] =	vst.idx.add.f32.msk vm1, v7;
	v7 =	vmul.f32 v11, v22  }
0x1c6: {  	v16 =	vmul.f32 v8, v5;
	[tilespmem:v25+s15+$0x0] =	vst.idx.add.f32.msk vm1, v9;
	v9 =	vmul.f32 v11, v23  }
0x1c7: {  	v15 =	vmul.f32 v20, v4;
	v17 =	vmul.f32 v8, v6;
	[tilespmem:v25+s16+$0x0] =	vst.idx.add.f32.msk vm1, v7  }
.Ltmp4:
0x1c8: {  	v13 =	vmul.f32 v20, v3;
	v11 =	vmul.f32 v20, v5;
	[tilespmem:v25+s17+$0x0] =	vst.idx.add.f32.msk vm1, v9;
	(pc) =	sbr.rel @p0 .LBB2_10-.Ltmp4, $4  }
0x1c9: {  	v12 =	vmul.f32 v20, v6;
	[tilespmem:v1+s6+$0x0] =	vst.idx.add.f32.msk $0xffff, v10;
	v10 =	vmul.f32 v19, v4  }
0x1ca: {  	v8 =	vmul.f32 v19, v5;
	v9 =	vmul.f32 v19, v3;
	[tilespmem:v1+s8+$0x0] =	vst.idx.add.f32.msk $0xffff, v24  }
0x1cb: {  	v7 =	vmul.f32 v19, v6;
	[tilespmem:v1+s10+$0x0] =	vst.idx.add.f32.msk $0xffff, v26  }
0x1cc: {  	s22 =	sadd.s32 $0x80, s22;
	[tilespmem:v1+s12+$0x0] =	vst.idx.add.f32.msk $0xffff, v27  }
0x1cd: {  	_ =	sdelay $0x4  }
0x1ce: {  	[tilespmem:v2+s6+$0x0] =	vst.idx.add.f32.msk vm0, v18  }
0x1cf: {  	[tilespmem:v2+s8+$0x0] =	vst.idx.add.f32.msk vm0, v14  }
0x1d0: {  	[tilespmem:v2+s10+$0x0] =	vst.idx.add.f32.msk vm0, v16  }
0x1d1: {  	[tilespmem:v2+s12+$0x0] =	vst.idx.add.f32.msk vm0, v17  }
0x1d2: {  	[tilespmem:v1+s14+$0x0] =	vst.idx.add.f32.msk $0xffff, v15  }
0x1d3: {  	[tilespmem:v1+s15+$0x0] =	vst.idx.add.f32.msk $0xffff, v13  }
0x1d4: {  	[tilespmem:v1+s16+$0x0] =	vst.idx.add.f32.msk $0xffff, v11  }
0x1d5: {  	[tilespmem:v1+s17+$0x0] =	vst.idx.add.f32.msk $0xffff, v12  }
0x1d6: {  	[tilespmem:v2+s14+$0x0] =	vst.idx.add.f32.msk vm0, v10  }
0x1d7: {  	[tilespmem:v2+s15+$0x0] =	vst.idx.add.f32.msk vm0, v9  }
0x1d8: {  	[tilespmem:v2+s16+$0x0] =	vst.idx.add.f32.msk vm0, v8  }
0x1d9: {  	[tilespmem:v2+s17+$0x0] =	vst.idx.add.f32.msk vm0, v7  }
0x1da: {  	[tilespmem:s31], [sflag:$0x2] =	stream.strided.gather [hbm4b:s3+s28], $0x1F40, s29, s28, $0x38;
	[tilespmem:$0x1BDA0] =	vst v63  }
0x1db: {  	_ = 	snop  }
0x1dc: {  	[tilespmem:s0], [sflag:$0x2] =	stream.strided.gather [hbm4b:s13+s28], $0x3E80, s29, s28, $0x38;
	[tilespmem:$0x1BDA0] =	vst v63  }
0x1dd: {  	_ =	swait.ge [sflag:s1], $0x1F40  }
0x1de: {  	[sflag:s1] =	ssyncset.done $0x0  }
0x1df: {  	[sflag:s1] =	ssyncadd.s32 $0xFFFFE0C0  }
0x1e0: {  	_ =	swait.ge [sflag:s1], $0x3E80  }
0x1e1: {  	[sflag:s1] =	ssyncset.done $0x0  }
0x1e2: {  	s21 =	simm.s32 $0xFB0;
	[sflag:s1] =	ssyncadd.s32 $0xFFFFC180  }
0x1e3: {  	v1 =	vld [tilespmem:s21+$0xFFFFF060]  }
0x1e4: {  	v2 =	vld [tilespmem:s21+$0x0];
	_ =	sdelay $0x4  }
0x1e5: {  	v1 =	vadd.f32 $5.000000000e-01, v1;
	v2 =	vadd.f32 $5.000000000e-01, v2;
	_ =	sdelay $0x1  }
0x1e6: {  	v1 =	vmul.f32 $1.280000000e+02, v1;
	v2 =	vmul.f32 $1.280000000e+02, v2;
	_ =	sdelay $0x1  }
0x1e7: {  	v3 =	vld [tilespmem:s21+$0xFFFFFFF0];
	v4 =	vtrunc.f32 v1;
	v5 =	vtrunc.f32 v2  }
0x1e8: {  	v6 =	vld [tilespmem:s21+$0xFFFFF050];
	v4 =	vcvt.f32.s32 v4;
	v5 =	vcvt.f32.s32 v5;
	_ =	sdelay $0x1  }
0x1e9: {  	v7 =	vcvt.s32.f32 v4;
	v8 =	vcvt.s32.f32 v5;
	_ =	sdelay $0x1  }
0x1ea: {  	s21 =	simm.s32 $0x5DC0;
	v1 =	vsub.f32 v1, v7;
	v2 =	vsub.f32 v2, v8  }
0x1eb: {  	v3 =	vadd.f32 $5.000000000e-01, v3;
	v6 =	vadd.f32 $5.000000000e-01, v6;
	v7 =	vld [tilespmem:s21+$0xFFFFE0D0]  }
0x1ec: {  	v10 =	vld [tilespmem:s21+$0xFFFFF070];
	v5 =	vshll.u32 v5, $0x7;
	v8 =	vsub.f32 $1.000000000e+00, v1;
	v9 =	vsub.f32 $1.000000000e+00, v2  }
0x1ed: {  	v11 =	vld [tilespmem:s21+$0x10];
	v3 =	vmul.f32 $1.280000000e+02, v3;
	v5 =	vadd.s32 v4, v5  }
0x1ee: {  	v12 =	vld [tilespmem:s21+$0xFB0];
	v6 =	vmul.f32 $1.280000000e+02, v6;
	v13 =	vmul.f32 v9, v8  }
0x1ef: {  	v18 =	vld [tilespmem:s21+$0xFFFFE0C0];
	v14 =	vtrunc.f32 v3  }
0x1f0: {  	v19 =	vld [tilespmem:s21+$0xFFFFF060];
	v15 =	vtrunc.f32 v6;
	vm0 =	vlt.s32 v4, $0x7F;
	v4 =	vmul.f32 v13, v7  }
0x1f1: {  	v20 =	vld [tilespmem:s21+$0x0];
	v14 =	vcvt.f32.s32 v14;
	v16 =	vadd.s32 $0x1, v5;
	v17 =	vmul.f32 v13, v10  }
0x1f2: {  	v9 =	vmul.f32 v9, v1;
	[tilespmem:v5+s6+$0x0] =	vst.idx.add.f32.msk $0xffff, v4;
	v4 =	vmul.f32 v13, v11  }
0x1f3: {  	v21 =	vcvt.f32.s32 v15;
	v13 =	vmul.f32 v13, v12;
	[tilespmem:v5+s8+$0x0] =	vst.idx.add.f32.msk $0xffff, v17  }
0x1f4: {  	v15 =	vcvt.s32.f32 v14;
	[tilespmem:v5+s10+$0x0] =	vst.idx.add.f32.msk $0xffff, v4;
	v4 =	vmul.f32 v9, v7  }
0x1f5: {  	v8 =	vmul.f32 v2, v8;
	[tilespmem:v5+s12+$0x0] =	vst.idx.add.f32.msk $0xffff, v13;
	v13 =	vmul.f32 v9, v10  }
0x1f6: {  	v3 =	vsub.f32 v3, v15;
	v17 =	vcvt.s32.f32 v21;
	[tilespmem:v16+s6+$0x0] =	vst.idx.add.f32.msk vm0, v4;
	v4 =	vmul.f32 v9, v11  }
0x1f7: {  	v1 =	vmul.f32 v2, v1;
	v9 =	vmul.f32 v9, v12;
	[tilespmem:v16+s8+$0x0] =	vst.idx.add.f32.msk vm0, v13  }
0x1f8: {  	v13 =	vsub.f32 v6, v17;
	[tilespmem:v16+s10+$0x0] =	vst.idx.add.f32.msk vm0, v4;
	v4 =	vmul.f32 v8, v7  }
0x1f9: {  	v6 =	vshll.u32 v14, $0x7;
	v14 =	vsub.f32 $1.000000000e+00, v3;
	[tilespmem:v16+s12+$0x0] =	vst.idx.add.f32.msk vm0, v9;
	v9 =	vmul.f32 v8, v10  }
0x1fa: {  	v17 =	vmul.f32 v8, v11;
	v2 =	vadd.s32 v21, v6;
	v15 =	vsub.f32 $1.000000000e+00, v13;
	[tilespmem:v5+s14+$0x0] =	vst.idx.add.f32.msk $0xffff, v4  }
0x1fb: {  	v7 =	vmul.f32 v1, v7;
	v6 =	vmul.f32 v14, v13;
	[tilespmem:v5+s15+$0x0] =	vst.idx.add.f32.msk $0xffff, v9  }
0x1fc: {  	v8 =	vmul.f32 v8, v12;
	v4 =	vmul.f32 v14, v15;
	[tilespmem:v5+s16+$0x0] =	vst.idx.add.f32.msk $0xffff, v17  }
0x1fd: {  	v9 =	vmul.f32 v1, v11;
	v14 =	vmul.f32 v6, v18;
	v17 =	vld [tilespmem:s21+$0xFA0]  }
0x1fe: {  	[tilespmem:v5+s17+$0x0] =	vst.idx.add.f32.msk $0xffff, v8;
	v8 =	vmul.f32 v1, v10;
	v5 =	vmul.f32 v3, v15  }
0x1ff: {  	v1 =	vmul.f32 v1, v12;
	v22 =	vmul.f32 v4, v20;
	[tilespmem:v16+s14+$0x0] =	vst.idx.add.f32.msk vm0, v7  }
0x200: {  	v7 =	vmul.f32 v3, v13;
	v3 =	vmul.f32 v4, v18;
	[tilespmem:v16+s15+$0x0] =	vst.idx.add.f32.msk vm0, v8  }
0x201: {  	v15 =	vmul.f32 v6, v19;
	v8 =	vmul.f32 v4, v19;
	[tilespmem:v16+s16+$0x0] =	vst.idx.add.f32.msk vm0, v9  }
0x202: {  	v13 =	vmul.f32 v5, v18;
	v12 =	vmul.f32 v5, v19;
	[tilespmem:v2+s6+$0x0] =	vst.idx.add.f32.msk $0xffff, v3  }
0x203: {  	v11 =	vmul.f32 v5, v20;
	v10 =	vmul.f32 v7, v18;
	[tilespmem:v16+s17+$0x0] =	vst.idx.add.f32.msk vm0, v1  }
0x204: {  	v9 =	vmul.f32 v7, v19;
	v16 =	vmul.f32 v6, v20;
	vm0 =	vlt.s32 v21, $0x7F;
	[tilespmem:v2+s8+$0x0] =	vst.idx.add.f32.msk $0xffff, v8  }
0x205: {  	s22 =	simm.s32 $0x0;
	s23 =	simm.s32 $0xFD0;
	v1 =	vadd.s32 $0x1, v2;
	v8 =	vmul.f32 v7, v20;
	[tilespmem:v2+s10+$0x0] =	vst.idx.add.f32.msk $0xffff, v22;
	vm0 =	vmmov vm0  }
.LBB2_12:
0x206: {  	v18 =	vld [tilespmem:s23+$0xFFFFF060];
	v4 =	vmul.f32 v4, v17;
	v6 =	vmul.f32 v6, v17  }
0x207: {  	v5 =	vmul.f32 v5, v17;
	v3 =	vmul.f32 v7, v17;
	v19 =	vld [tilespmem:s23+$0x0]  }
0x208: {  	v7 =	vld [tilespmem:s23+$0xFFFFFFF0]  }
0x209: {  	v17 =	vld [tilespmem:s23+$0xFFFFF050]  }
0x20a: {  	[tilespmem:v2+s12+$0x0] =	vst.idx.add.f32.msk $0xffff, v4  }
0x20b: {  	[tilespmem:v1+s6+$0x0] =	vst.idx.add.f32.msk vm0, v14  }
0x20c: {  	v4 =	vadd.f32 $5.000000000e-01, v18;
	v14 =	vadd.f32 $5.000000000e-01, v19;
	[tilespmem:v1+s8+$0x0] =	vst.idx.add.f32.msk vm0, v15  }
0x20d: {  	v7 =	vadd.f32 $5.000000000e-01, v7;
	[tilespmem:v1+s10+$0x0] =	vst.idx.add.f32.msk vm0, v16  }
0x20e: {  	v4 =	vmul.f32 $1.280000000e+02, v4;
	v15 =	vadd.f32 $5.000000000e-01, v17;
	v14 =	vmul.f32 $1.280000000e+02, v14;
	[tilespmem:v1+s12+$0x0] =	vst.idx.add.f32.msk vm0, v6  }
0x20f: {  	v6 =	vmul.f32 $1.280000000e+02, v7;
	[tilespmem:v2+s14+$0x0] =	vst.idx.add.f32.msk $0xffff, v13  }
0x210: {  	v7 =	vtrunc.f32 v4;
	v13 =	vtrunc.f32 v14;
	[tilespmem:v2+s15+$0x0] =	vst.idx.add.f32.msk $0xffff, v12  }
0x211: {  	v7 =	vcvt.f32.s32 v7;
	v12 =	vcvt.f32.s32 v13;
	[tilespmem:v2+s16+$0x0] =	vst.idx.add.f32.msk $0xffff, v11  }
0x212: {  	v11 =	vmul.f32 $1.280000000e+02, v15;
	v13 =	vtrunc.f32 v6;
	[tilespmem:v2+s17+$0x0] =	vst.idx.add.f32.msk $0xffff, v5  }
0x213: {  	v2 =	vcvt.s32.f32 v7;
	v5 =	vcvt.s32.f32 v12;
	[tilespmem:v1+s14+$0x0] =	vst.idx.add.f32.msk vm0, v10  }
0x214: {  	v13 =	vcvt.f32.s32 v13;
	v10 =	vtrunc.f32 v11;
	[tilespmem:v1+s15+$0x0] =	vst.idx.add.f32.msk vm0, v9  }
0x215: {  	s21 =	sadd.s32 $0x20, s21;
	v9 =	vcvt.f32.s32 v10;
	v10 =	vsub.f32 v4, v2;
	v14 =	vsub.f32 v14, v5;
	[tilespmem:v1+s16+$0x0] =	vst.idx.add.f32.msk vm0, v8  }
0x216: {  	s22 =	sadd.s32 $0x2, s22;
	v2 =	vcvt.s32.f32 v13;
	v4 =	vshll.u32 v13, $0x7;
	v8 =	vld [tilespmem:s21+$0xFFFFE0D0]  }
0x217: {  	p0 =	slt.u32 s22, $0xF8;
	v5 =	vshll.u32 v12, $0x7;
	v12 =	vsub.f32 $1.000000000e+00, v10;
	v13 =	vsub.f32 $1.000000000e+00, v14;
	v16 =	vld [tilespmem:s21+$0xFFFFF070]  }
0x218: {  	v15 =	vcvt.s32.f32 v9;
	v17 =	vsub.f32 v6, v2;
	v18 =	vadd.s32 v7, v5;
	v19 =	vld [tilespmem:s21+$0x10]  }
0x219: {  	v2 =	vadd.s32 v9, v4;
	vm1 =	vlt.s32 v9, $0x7F;
	v9 =	vld [tilespmem:s21+$0xFB0];
	v5 =	vmul.f32 v13, v12  }
0x21a: {  	v20 =	vadd.s32 $0x1, v2;
	v11 =	vsub.f32 v11, v15;
	v6 =	vsub.f32 $1.000000000e+00, v17;
	v21 =	vld [tilespmem:s21+$0xFFFFE0C0]  }
0x21b: {  	vm2 =	vlt.s32 v7, $0x7F;
	v22 =	vld [tilespmem:s21+$0xFFFFF060];
	v4 =	vmul.f32 v5, v8  }
0x21c: {  	v24 =	vadd.s32 $0x1, v18;
	v7 =	vsub.f32 $1.000000000e+00, v11;
	v23 =	vld [tilespmem:s21+$0x0];
	v15 =	vmul.f32 v5, v16  }
0x21d: {  	v13 =	vmul.f32 v13, v10;
	[tilespmem:v18+s6+$0x0] =	vst.idx.add.f32.msk $0xffff, v4;
	v25 =	vmul.f32 v5, v19  }
0x21e: {  	v4 =	vmul.f32 v6, v7;
	[tilespmem:v18+s8+$0x0] =	vst.idx.add.f32.msk $0xffff, v15;
	v15 =	vmul.f32 v5, v9  }
0x21f: {  	v6 =	vmul.f32 v6, v11;
	[tilespmem:v18+s10+$0x0] =	vst.idx.add.f32.msk $0xffff, v25;
	v25 =	vmul.f32 v13, v8  }
0x220: {  	v5 =	vmul.f32 v17, v7;
	[tilespmem:v18+s12+$0x0] =	vst.idx.add.f32.msk $0xffff, v15;
	v15 =	vmul.f32 v13, v16  }
0x221: {  	v12 =	vmul.f32 v14, v12;
	[tilespmem:v24+s6+$0x0] =	vst.idx.add.f32.msk vm2, v25;
	v25 =	vmul.f32 v13, v19  }
0x222: {  	v7 =	vmul.f32 v17, v11;
	v11 =	vmul.f32 v13, v9;
	[tilespmem:v24+s8+$0x0] =	vst.idx.add.f32.msk vm2, v15  }
0x223: {  	v26 =	vmul.f32 v4, v21;
	v13 =	vmul.f32 v12, v8;
	[tilespmem:v24+s10+$0x0] =	vst.idx.add.f32.msk vm2, v25  }
0x224: {  	v25 =	vmul.f32 v4, v22;
	[tilespmem:v24+s12+$0x0] =	vst.idx.add.f32.msk vm2, v11;
	v11 =	vmul.f32 v12, v16  }
0x225: {  	v10 =	vmul.f32 v14, v10;
	[tilespmem:v18+s14+$0x0] =	vst.idx.add.f32.msk $0xffff, v13;
	v13 =	vmul.f32 v12, v19  }
0x226: {  	v27 =	vmul.f32 v4, v23;
	[tilespmem:v18+s15+$0x0] =	vst.idx.add.f32.msk $0xffff, v11;
	v11 =	vmul.f32 v12, v9  }
0x227: {  	v14 =	vmul.f32 v6, v21;
	v8 =	vmul.f32 v10, v8;
	[tilespmem:v18+s16+$0x0] =	vst.idx.add.f32.msk $0xffff, v13  }
0x228: {  	v15 =	vmul.f32 v6, v22;
	[tilespmem:v18+s17+$0x0] =	vst.idx.add.f32.msk $0xffff, v11;
	v11 =	vmul.f32 v10, v16  }
0x229: {  	v16 =	vmul.f32 v6, v23;
	[tilespmem:v24+s14+$0x0] =	vst.idx.add.f32.msk vm2, v8;
	v8 =	vmul.f32 v10, v19  }
0x22a: {  	v17 =	vmul.f32 v10, v9;
	v13 =	vmul.f32 v5, v21;
	[tilespmem:v24+s15+$0x0] =	vst.idx.add.f32.msk vm2, v11  }
0x22b: {  	v12 =	vmul.f32 v5, v22;
	v11 =	vmul.f32 v5, v23;
	[tilespmem:v24+s16+$0x0] =	vst.idx.add.f32.msk vm2, v8  }
0x22c: {  	v9 =	vmul.f32 v7, v22;
	v10 =	vmul.f32 v7, v21;
	[tilespmem:v24+s17+$0x0] =	vst.idx.add.f32.msk vm2, v17  }
.Ltmp5:
0x22d: {  	v8 =	vmul.f32 v7, v23;
	v17 =	vld [tilespmem:s21+$0xFA0];
	(pc) =	sbr.rel @p0 .LBB2_12-.Ltmp5, $4  }
0x22e: {  	[tilespmem:v2+s6+$0x0] =	vst.idx.add.f32.msk $0xffff, v26  }
0x22f: {  	[tilespmem:v2+s8+$0x0] =	vst.idx.add.f32.msk $0xffff, v25  }
0x230: {  	[tilespmem:v2+s10+$0x0] =	vst.idx.add.f32.msk $0xffff, v27  }
0x231: {  	s23 =	sadd.s32 $0x20, s23;
	[tilespmem:v1+s17+$0x0] =	vst.idx.add.f32.msk vm0, v3;
	v1 =	vmov v20;
	vm0 =	vmmov vm1  }
0x232: {  	_ =	sdelay $0x1  }
0x233: {  	v3 =	vmul.f32 v4, v17;
	_ =	sdelay $0x1  }
0x234: {  	[tilespmem:v2+s12+$0x0] =	vst.idx.add.f32.msk $0xffff, v3  }
0x235: {  	[tilespmem:v1+s6+$0x0] =	vst.idx.add.f32.msk vm0, v14  }
0x236: {  	v3 =	vmul.f32 v6, v17;
	[tilespmem:v1+s8+$0x0] =	vst.idx.add.f32.msk vm0, v15  }
0x237: {  	[tilespmem:v1+s10+$0x0] =	vst.idx.add.f32.msk vm0, v16  }
0x238: {  	[tilespmem:v1+s12+$0x0] =	vst.idx.add.f32.msk vm0, v3  }
0x239: {  	[tilespmem:v2+s14+$0x0] =	vst.idx.add.f32.msk $0xffff, v13  }
0x23a: {  	v3 =	vmul.f32 v5, v17;
	[tilespmem:v2+s15+$0x0] =	vst.idx.add.f32.msk $0xffff, v12  }
0x23b: {  	[tilespmem:v2+s16+$0x0] =	vst.idx.add.f32.msk $0xffff, v11  }
0x23c: {  	[tilespmem:v2+s17+$0x0] =	vst.idx.add.f32.msk $0xffff, v3  }
0x23d: {  	[tilespmem:v1+s14+$0x0] =	vst.idx.add.f32.msk vm0, v10  }
0x23e: {  	v2 =	vmul.f32 v7, v17;
	[tilespmem:v1+s15+$0x0] =	vst.idx.add.f32.msk vm0, v9  }
0x23f: {  	[tilespmem:v1+s16+$0x0] =	vst.idx.add.f32.msk vm0, v8  }
0x240: {  	[tilespmem:v1+s17+$0x0] =	vst.idx.add.f32.msk vm0, v2  }
0x241: {  	s21 =	rddreg [dreg:$0x7]  }
0x242: {  	[hbm4b:s21+s2] =	stream.linear.scatter [tilespmem:s6], [sflag:$0x3], $0x4000, $0x38;
	[tilespmem:$0x1BDA0] =	vst v63  }
0x243: {  	s23 =	rddreg [dreg:$0x8]  }
0x244: {  	[hbm4b:s23+s2] =	stream.linear.scatter [tilespmem:s8], [sflag:$0x3], $0x4000, $0x38;
	[tilespmem:$0x1BDA0] =	vst v63  }
0x245: {  	s22 =	rddreg [dreg:$0x9]  }
0x246: {  	[hbm4b:s22+s2] =	stream.linear.scatter [tilespmem:s10], [sflag:$0x3], $0x4000, $0x38;
	[tilespmem:$0x1BDA0] =	vst v63  }
0x247: {  	s23 =	rddreg [dreg:$0xa]  }
0x248: {  	[hbm4b:s23+s2] =	stream.linear.scatter [tilespmem:s12], [sflag:$0x3], $0x4000, $0x38;
	[tilespmem:$0x1BDA0] =	vst v63  }
0x249: {  	_ =	swait.ge [sflag:s19], $0x4000  }
0x24a: {  	[sflag:s19] =	ssyncset.done $0x0  }
0x24b: {  	[sflag:s19] =	ssyncadd.s32 $0xFFFFC000  }
0x24c: {  	_ =	swait.ge [sflag:s19], $0x4000  }
0x24d: {  	[sflag:s19] =	ssyncset.done $0x0  }
0x24e: {  	s21 =	simm.s32 $0xBBA0;
	[sflag:s19] =	ssyncadd.s32 $0xFFFFC000  }
0x24f: {  	[tilespmem:s21+$0xFFFFFFE0] =	vst v0  }
0x250: {  	[tilespmem:s21+$0x20] =	vst v0  }
0x251: {  	[tilespmem:s21+$0x10] =	vst v0  }
0x252: {  	s22 =	simm.s32 $0x0;
	[tilespmem:s21+$0x0] =	vst v0  }
.LBB2_14:
0x253: {  	s22 =	sadd.s32 $0x5, s22  }
0x254: {  	[tilespmem:s21+$0xFFFFFFF0] =	vst v0;
	s21 =	sadd.s32 $0x50, s21;
	p0 =	slt.u32 s22, $0x80C  }
.Ltmp6:
0x255: {  	[tilespmem:s21+$0xFFFFFFE0] =	vst v0;
	(pc) =	sbr.rel @p0 .LBB2_14-.Ltmp6, $4  }
0x256: {  	_ = 	snop  }
0x257: {  	[tilespmem:s21+$0x20] =	vst v0  }
0x258: {  	[tilespmem:s21+$0x10] =	vst v0  }
0x259: {  	[tilespmem:s21+$0x0] =	vst v0  }
0x25a: {  	[tilespmem:s21+$0xFFFFFFF0] =	vst v0  }
0x25b: {  	_ =	swait.ge [sflag:s19], $0x4000  }
0x25c: {  	[sflag:s19] =	ssyncset.done $0x0  }
0x25d: {  	[sflag:s19] =	ssyncadd.s32 $0xFFFFC000  }
0x25e: {  	_ =	swait.ge [sflag:s19], $0x4000  }
0x25f: {  	[sflag:s19] =	ssyncset.done $0x0  }
0x260: {  	s21 =	simm.s32 $0x13CD0;
	[sflag:s19] =	ssyncadd.s32 $0xFFFFC000  }
0x261: {  	[tilespmem:s21+$0xFFFFFFC0] =	vst v0  }
0x262: {  	[tilespmem:s21+$0x0] =	vst v0  }
0x263: {  	[tilespmem:s21+$0xFFFFFFF0] =	vst v0  }
0x264: {  	s22 =	simm.s32 $0x0;
	[tilespmem:s21+$0xFFFFFFE0] =	vst v0  }
.LBB2_16:
0x265: {  	s22 =	sadd.s32 $0x5, s22  }
0x266: {  	[tilespmem:s21+$0xFFFFFFD0] =	vst v0;
	s21 =	sadd.s32 $0x50, s21;
	p0 =	slt.u32 s22, $0x80C  }
.Ltmp7:
0x267: {  	[tilespmem:s21+$0xFFFFFFC0] =	vst v0;
	(pc) =	sbr.rel @p0 .LBB2_16-.Ltmp7, $4  }
0x268: {  	_ = 	snop  }
0x269: {  	[tilespmem:s21+$0x0] =	vst v0  }
0x26a: {  	[tilespmem:s21+$0xFFFFFFF0] =	vst v0  }
0x26b: {  	[tilespmem:s21+$0xFFFFFFE0] =	vst v0  }
0x26c: {  	[tilespmem:s21+$0xFFFFFFD0] =	vst v0;
	s23 =	simm.s32 $0x0  }
0x26d: {  	[tilespmem:s23], [sflag:$0x1] =	stream.strided.gather [hbm4b:s5+s28], $0x1F40, s29, s28, $0x38;
	[tilespmem:$0x1BDA0] =	vst v63  }
0x26e: {  	s22 =	rddreg [dreg:$0xb]  }
0x26f: {  	[tilespmem:s30], [sflag:$0x1] =	stream.strided.gather [hbm4b:s22+s28], $0x3E80, s29, s28, $0x38;
	[tilespmem:$0x1BDA0] =	vst v63  }
0x270: {  	_ =	swait.ge [sflag:s18], $0x1F40  }
0x271: {  	[sflag:s18] =	ssyncset.done $0x0  }
0x272: {  	[sflag:s18] =	ssyncadd.s32 $0xFFFFE0C0  }
0x273: {  	_ =	swait.ge [sflag:s18], $0x3E80  }
0x274: {  	[sflag:s18] =	ssyncset.done $0x0  }
0x275: {  	s23 =	simm.s32 $0x0;
	[sflag:s18] =	ssyncadd.s32 $0xFFFFC180  }
0x276: {  	v1 =	vld [tilespmem:s23+$0x1F50]  }
0x277: {  	v2 =	vld [tilespmem:s23+$0x2EF0];
	_ =	sdelay $0x4  }
0x278: {  	v1 =	vadd.f32 $5.000000000e-01, v1;
	v2 =	vadd.f32 $5.000000000e-01, v2  }
0x279: {  	v3 =	vld [tilespmem:s23+$0x1F40]  }
0x27a: {  	v1 =	vmul.f32 $1.280000000e+02, v1;
	v2 =	vmul.f32 $1.280000000e+02, v2  }
0x27b: {  	v4 =	vld [tilespmem:s23+$0x2EE0]  }
0x27c: {  	v5 =	vtrunc.f32 v1;
	v6 =	vtrunc.f32 v2  }
0x27d: {  	v5 =	vcvt.f32.s32 v5;
	v6 =	vcvt.f32.s32 v6  }
0x27e: {  	v3 =	vadd.f32 $5.000000000e-01, v3  }
0x27f: {  	v7 =	vcvt.s32.f32 v5;
	v8 =	vcvt.s32.f32 v6  }
0x280: {  	v4 =	vadd.f32 $5.000000000e-01, v4;
	v3 =	vmul.f32 $1.280000000e+02, v3  }
0x281: {  	v9 =	vld [tilespmem:s23+$0x7D00];
	v7 =	vsub.f32 v1, v7;
	v2 =	vsub.f32 v2, v8  }
0x282: {  	v10 =	vtrunc.f32 v3;
	v6 =	vshll.u32 v6, $0x7;
	v1 =	vmul.f32 $1.280000000e+02, v4;
	v8 =	vld [tilespmem:s23+$0x7D10]  }
0x283: {  	v12 =	vld [tilespmem:s23+$0x8CB0];
	v4 =	vcvt.f32.s32 v10;
	v10 =	vsub.f32 $1.000000000e+00, v7;
	v11 =	vsub.f32 $1.000000000e+00, v2  }
0x284: {  	v14 =	vld [tilespmem:s23+$0x9C50];
	v6 =	vadd.s32 v5, v6  }
0x285: {  	v16 =	vld [tilespmem:s23+$0xABF0];
	v17 =	vmul.f32 v11, v10  }
0x286: {  	v19 =	vld [tilespmem:s23+$0x8CA0]  }
0x287: {  	v20 =	vld [tilespmem:s23+$0x9C40];
	vm0 =	vlt.s32 v5, $0x7F;
	v5 =	vmul.f32 v17, v8  }
0x288: {  	v21 =	vld [tilespmem:s23+$0xABE0];
	v22 =	vadd.s32 $0x1, v6;
	v18 =	vmul.f32 v17, v12  }
0x289: {  	v11 =	vmul.f32 v11, v7;
	[tilespmem:v6+s6+$0x0] =	vst.idx.add.f32.msk $0xffff, v5;
	v5 =	vmul.f32 v17, v14  }
0x28a: {  	v13 =	vtrunc.f32 v1;
	v17 =	vmul.f32 v17, v16;
	[tilespmem:v6+s8+$0x0] =	vst.idx.add.f32.msk $0xffff, v18  }
0x28b: {  	v15 =	vcvt.s32.f32 v4;
	[tilespmem:v6+s10+$0x0] =	vst.idx.add.f32.msk $0xffff, v5;
	v5 =	vmul.f32 v11, v8  }
0x28c: {  	v13 =	vcvt.f32.s32 v13;
	[tilespmem:v6+s12+$0x0] =	vst.idx.add.f32.msk $0xffff, v17;
	v17 =	vmul.f32 v11, v12  }
0x28d: {  	v10 =	vmul.f32 v2, v10;
	[tilespmem:v22+s6+$0x0] =	vst.idx.add.f32.msk vm0, v5;
	v5 =	vmul.f32 v11, v14  }
0x28e: {  	v3 =	vsub.f32 v3, v15;
	v15 =	vcvt.s32.f32 v13;
	v11 =	vmul.f32 v11, v16;
	[tilespmem:v22+s8+$0x0] =	vst.idx.add.f32.msk vm0, v17  }
0x28f: {  	v2 =	vmul.f32 v2, v7;
	[tilespmem:v22+s10+$0x0] =	vst.idx.add.f32.msk vm0, v5;
	v5 =	vmul.f32 v10, v8  }
0x290: {  	v13 =	vshll.u32 v13, $0x7;
	v15 =	vsub.f32 v1, v15;
	[tilespmem:v22+s12+$0x0] =	vst.idx.add.f32.msk vm0, v11;
	v11 =	vmul.f32 v10, v12  }
0x291: {  	v1 =	vadd.s32 v4, v13;
	v13 =	vsub.f32 $1.000000000e+00, v3;
	[tilespmem:v6+s14+$0x0] =	vst.idx.add.f32.msk $0xffff, v5;
	v5 =	vmul.f32 v10, v14  }
0x292: {  	v7 =	vmul.f32 v10, v16;
	v18 =	vsub.f32 $1.000000000e+00, v15;
	[tilespmem:v6+s15+$0x0] =	vst.idx.add.f32.msk $0xffff, v11  }
0x293: {  	v24 =	vmul.f32 v15, v13;
	[tilespmem:v6+s16+$0x0] =	vst.idx.add.f32.msk $0xffff, v5;
	v5 =	vmul.f32 v2, v8  }
0x294: {  	v23 =	vmul.f32 v18, v13;
	[tilespmem:v6+s17+$0x0] =	vst.idx.add.f32.msk $0xffff, v7;
	v6 =	vmul.f32 v2, v12  }
0x295: {  	v13 =	vmul.f32 v24, v19;
	[tilespmem:v22+s14+$0x0] =	vst.idx.add.f32.msk vm0, v5;
	v5 =	vmul.f32 v2, v14  }
0x296: {  	v17 =	vmul.f32 v18, v3;
	v2 =	vmul.f32 v2, v16;
	[tilespmem:v22+s15+$0x0] =	vst.idx.add.f32.msk vm0, v6  }
0x297: {  	v3 =	vmul.f32 v15, v3;
	v15 =	vmul.f32 v24, v9;
	[tilespmem:v22+s16+$0x0] =	vst.idx.add.f32.msk vm0, v5  }
0x298: {  	v18 =	vmul.f32 v17, v9;
	v10 =	vmul.f32 v23, v9;
	[tilespmem:v22+s17+$0x0] =	vst.idx.add.f32.msk vm0, v2;
	vm0 =	vlt.s32 v4, $0x7F  }
0x299: {  	v11 =	vmul.f32 v24, v20;
	v8 =	vmul.f32 v23, v19;
	vm0 =	vmmov vm0  }
0x29a: {  	[tilespmem:v1+s6+$0x0] =	vst.idx.add.f32.msk $0xffff, v10;
	v10 =	vmul.f32 v3, v9;
	v9 =	vmul.f32 v3, v19;
	v2 =	vadd.s32 $0x1, v1  }
0x29b: {  	v7 =	vmul.f32 v23, v20;
	v23 =	vmul.f32 v23, v21  }
0x29c: {  	v12 =	vmul.f32 v24, v21;
	v14 =	vmul.f32 v17, v19;
	[tilespmem:v1+s8+$0x0] =	vst.idx.add.f32.msk $0xffff, v8  }
0x29d: {  	v16 =	vmul.f32 v17, v20;
	v17 =	vmul.f32 v17, v21;
	[tilespmem:v1+s10+$0x0] =	vst.idx.add.f32.msk $0xffff, v7  }
0x29e: {  	s21 =	simm.s32 $0x0;
	s22 =	simm.s32 $0x80;
	v8 =	vmul.f32 v3, v20;
	v7 =	vmul.f32 v3, v21;
	[tilespmem:v1+s12+$0x0] =	vst.idx.add.f32.msk $0xffff, v23  }
.LBB2_18:
0x29f: {  	s23 =	sshra.s32 s22, $0x2;
	[tilespmem:v2+s6+$0x0] =	vst.idx.add.f32.msk vm0, v18  }
0x2a0: {  	v6 =	vld [tilespmem:s23+$0x1F50]  }
0x2a1: {  	v18 =	vld [tilespmem:s23+$0x2EF0]  }
0x2a2: {  	v19 =	vld [tilespmem:s23+$0x1F40]  }
0x2a3: {  	v20 =	vld [tilespmem:s23+$0x2EE0]  }
0x2a4: {  	v4 =	vld [tilespmem:s23+$0x7D00]  }
0x2a5: {  	v3 =	vld [tilespmem:s23+$0x8CA0]  }
0x2a6: {  	v21 =	vadd.f32 $5.000000000e-01, v6;
	v5 =	vld [tilespmem:s23+$0x9C40];
	v18 =	vadd.f32 $5.000000000e-01, v18  }
0x2a7: {  	v19 =	vadd.f32 $5.000000000e-01, v19;
	v6 =	vld [tilespmem:s23+$0xABE0]  }
0x2a8: {  	v21 =	vmul.f32 $1.280000000e+02, v21;
	v20 =	vadd.f32 $5.000000000e-01, v20;
	v18 =	vmul.f32 $1.280000000e+02, v18;
	[tilespmem:v2+s8+$0x0] =	vst.idx.add.f32.msk vm0, v14  }
0x2a9: {  	v14 =	vmul.f32 $1.280000000e+02, v19;
	[tilespmem:v2+s10+$0x0] =	vst.idx.add.f32.msk vm0, v16  }
0x2aa: {  	v16 =	vtrunc.f32 v21;
	v19 =	vtrunc.f32 v18;
	[tilespmem:v2+s12+$0x0] =	vst.idx.add.f32.msk vm0, v17  }
0x2ab: {  	v16 =	vcvt.f32.s32 v16;
	v17 =	vcvt.f32.s32 v19;
	[tilespmem:v1+s14+$0x0] =	vst.idx.add.f32.msk $0xffff, v15  }
0x2ac: {  	v15 =	vmul.f32 $1.280000000e+02, v20;
	v19 =	vtrunc.f32 v14;
	[tilespmem:v1+s15+$0x0] =	vst.idx.add.f32.msk $0xffff, v13  }
0x2ad: {  	v13 =	vcvt.s32.f32 v16;
	v20 =	vcvt.s32.f32 v17;
	[tilespmem:v1+s16+$0x0] =	vst.idx.add.f32.msk $0xffff, v11  }
0x2ae: {  	v11 =	vcvt.f32.s32 v19;
	v19 =	vtrunc.f32 v15;
	[tilespmem:v1+s17+$0x0] =	vst.idx.add.f32.msk $0xffff, v12  }
0x2af: {  	s21 =	sadd.s32 $0x2, s21;
	v1 =	vcvt.f32.s32 v19;
	v12 =	vsub.f32 v21, v13;
	v13 =	vsub.f32 v18, v20;
	[tilespmem:v2+s14+$0x0] =	vst.idx.add.f32.msk vm0, v10  }
0x2b0: {  	p0 =	slt.u32 s21, $0xF8;
	v10 =	vcvt.s32.f32 v11;
	vm2 =	vlt.s32 v11, $0x7F;
	v18 =	vld [tilespmem:s23+$0x7D10]  }
0x2b1: {  	v17 =	vshll.u32 v17, $0x7;
	v19 =	vsub.f32 $1.000000000e+00, v12;
	v20 =	vsub.f32 $1.000000000e+00, v13;
	v21 =	vld [tilespmem:s23+$0x8CB0]  }
0x2b2: {  	v17 =	vadd.s32 v16, v17;
	v10 =	vsub.f32 v14, v10;
	v14 =	vcvt.s32.f32 v1;
	v22 =	vld [tilespmem:s23+$0x9C50]  }
0x2b3: {  	v1 =	vshll.u32 v1, $0x7;
	v23 =	vld [tilespmem:s23+$0xABF0];
	v24 =	vmul.f32 v20, v19  }
0x2b4: {  	v1 =	vadd.s32 v11, v1;
	v14 =	vsub.f32 v15, v14;
	v11 =	vsub.f32 $1.000000000e+00, v10;
	[tilespmem:v2+s15+$0x0] =	vst.idx.add.f32.msk vm0, v9  }
0x2b5: {  	vm1 =	vlt.s32 v16, $0x7F;
	v9 =	vadd.s32 $0x1, v1;
	v15 =	vmul.f32 v24, v18;
	[tilespmem:v2+s16+$0x0] =	vst.idx.add.f32.msk vm0, v8  }
0x2b6: {  	v25 =	vadd.s32 $0x1, v17;
	v8 =	vsub.f32 $1.000000000e+00, v14;
	v16 =	vmul.f32 v24, v21;
	[tilespmem:v2+s17+$0x0] =	vst.idx.add.f32.msk vm0, v7;
	v2 =	vmovc v9  }
0x2b7: {  	v9 =	vmul.f32 v20, v12;
	vm0 =	vmmov vm2;
	[tilespmem:v17+s6+$0x0] =	vst.idx.add.f32.msk $0xffff, v15;
	v7 =	vmul.f32 v24, v22  }
0x2b8: {  	v15 =	vmul.f32 v8, v11;
	[tilespmem:v17+s8+$0x0] =	vst.idx.add.f32.msk $0xffff, v16;
	v16 =	vmul.f32 v24, v23  }
0x2b9: {  	v8 =	vmul.f32 v8, v10;
	[tilespmem:v17+s10+$0x0] =	vst.idx.add.f32.msk $0xffff, v7;
	v7 =	vmul.f32 v9, v18  }
0x2ba: {  	v20 =	vmul.f32 v14, v11;
	v11 =	vmul.f32 v9, v21;
	[tilespmem:v17+s12+$0x0] =	vst.idx.add.f32.msk $0xffff, v16  }
0x2bb: {  	v16 =	vmul.f32 v13, v19;
	[tilespmem:v25+s6+$0x0] =	vst.idx.add.f32.msk vm1, v7;
	v7 =	vmul.f32 v9, v22  }
0x2bc: {  	v19 =	vmul.f32 v14, v10;
	v9 =	vmul.f32 v9, v23;
	[tilespmem:v25+s8+$0x0] =	vst.idx.add.f32.msk vm1, v11  }
0x2bd: {  	v10 =	vmul.f32 v15, v4;
	[tilespmem:v25+s10+$0x0] =	vst.idx.add.f32.msk vm1, v7;
	v7 =	vmul.f32 v16, v18  }
0x2be: {  	v24 =	vmul.f32 v15, v3;
	[tilespmem:v25+s12+$0x0] =	vst.idx.add.f32.msk vm1, v9;
	v9 =	vmul.f32 v16, v21  }
0x2bf: {  	v11 =	vmul.f32 v13, v12;
	[tilespmem:v17+s14+$0x0] =	vst.idx.add.f32.msk $0xffff, v7;
	v7 =	vmul.f32 v16, v22  }
0x2c0: {  	v26 =	vmul.f32 v15, v5;
	[tilespmem:v17+s15+$0x0] =	vst.idx.add.f32.msk $0xffff, v9;
	v9 =	vmul.f32 v16, v23  }
0x2c1: {  	v27 =	vmul.f32 v15, v6;
	[tilespmem:v17+s16+$0x0] =	vst.idx.add.f32.msk $0xffff, v7;
	v7 =	vmul.f32 v11, v18  }
0x2c2: {  	v18 =	vmul.f32 v8, v4;
	[tilespmem:v17+s17+$0x0] =	vst.idx.add.f32.msk $0xffff, v9;
	v9 =	vmul.f32 v11, v21  }
0x2c3: {  	v14 =	vmul.f32 v8, v3;
	[tilespmem:v25+s14+$0x0] =	vst.idx.add.f32.msk vm1, v7;
	v7 =	vmul.f32 v11, v22  }
0x2c4: {  	v16 =	vmul.f32 v8, v5;
	[tilespmem:v25+s15+$0x0] =	vst.idx.add.f32.msk vm1, v9;
	v9 =	vmul.f32 v11, v23  }
0x2c5: {  	v15 =	vmul.f32 v20, v4;
	v17 =	vmul.f32 v8, v6;
	[tilespmem:v25+s16+$0x0] =	vst.idx.add.f32.msk vm1, v7  }
.Ltmp8:
0x2c6: {  	v13 =	vmul.f32 v20, v3;
	v11 =	vmul.f32 v20, v5;
	[tilespmem:v25+s17+$0x0] =	vst.idx.add.f32.msk vm1, v9;
	(pc) =	sbr.rel @p0 .LBB2_18-.Ltmp8, $4  }
0x2c7: {  	v12 =	vmul.f32 v20, v6;
	[tilespmem:v1+s6+$0x0] =	vst.idx.add.f32.msk $0xffff, v10;
	v10 =	vmul.f32 v19, v4  }
0x2c8: {  	v8 =	vmul.f32 v19, v5;
	v9 =	vmul.f32 v19, v3;
	[tilespmem:v1+s8+$0x0] =	vst.idx.add.f32.msk $0xffff, v24  }
0x2c9: {  	v7 =	vmul.f32 v19, v6;
	[tilespmem:v1+s10+$0x0] =	vst.idx.add.f32.msk $0xffff, v26  }
0x2ca: {  	s22 =	sadd.s32 $0x80, s22;
	[tilespmem:v1+s12+$0x0] =	vst.idx.add.f32.msk $0xffff, v27  }
0x2cb: {  	_ =	sdelay $0x4  }
0x2cc: {  	[tilespmem:v2+s6+$0x0] =	vst.idx.add.f32.msk vm0, v18  }
0x2cd: {  	[tilespmem:v2+s8+$0x0] =	vst.idx.add.f32.msk vm0, v14  }
0x2ce: {  	[tilespmem:v2+s10+$0x0] =	vst.idx.add.f32.msk vm0, v16  }
0x2cf: {  	[tilespmem:v2+s12+$0x0] =	vst.idx.add.f32.msk vm0, v17  }
0x2d0: {  	[tilespmem:v1+s14+$0x0] =	vst.idx.add.f32.msk $0xffff, v15  }
0x2d1: {  	[tilespmem:v1+s15+$0x0] =	vst.idx.add.f32.msk $0xffff, v13  }
0x2d2: {  	[tilespmem:v1+s16+$0x0] =	vst.idx.add.f32.msk $0xffff, v11  }
0x2d3: {  	[tilespmem:v1+s17+$0x0] =	vst.idx.add.f32.msk $0xffff, v12  }
0x2d4: {  	[tilespmem:v2+s14+$0x0] =	vst.idx.add.f32.msk vm0, v10  }
0x2d5: {  	[tilespmem:v2+s15+$0x0] =	vst.idx.add.f32.msk vm0, v9  }
0x2d6: {  	[tilespmem:v2+s16+$0x0] =	vst.idx.add.f32.msk vm0, v8  }
0x2d7: {  	[tilespmem:v2+s17+$0x0] =	vst.idx.add.f32.msk vm0, v7  }
0x2d8: {  	[tilespmem:s31], [sflag:$0x2] =	stream.strided.gather [hbm4b:s7+s28], $0x1F40, s29, s28, $0x38;
	[tilespmem:$0x1BDA0] =	vst v63  }
0x2d9: {  	s21 =	rddreg [dreg:$0xc]  }
0x2da: {  	[tilespmem:s0], [sflag:$0x2] =	stream.strided.gather [hbm4b:s21+s28], $0x3E80, s29, s28, $0x38;
	[tilespmem:$0x1BDA0] =	vst v63  }
0x2db: {  	_ =	swait.ge [sflag:s1], $0x1F40  }
0x2dc: {  	[sflag:s1] =	ssyncset.done $0x0  }
0x2dd: {  	[sflag:s1] =	ssyncadd.s32 $0xFFFFE0C0  }
0x2de: {  	_ =	swait.ge [sflag:s1], $0x3E80  }
0x2df: {  	[sflag:s1] =	ssyncset.done $0x0  }
0x2e0: {  	s23 =	simm.s32 $0xFB0;
	[sflag:s1] =	ssyncadd.s32 $0xFFFFC180  }
0x2e1: {  	v1 =	vld [tilespmem:s23+$0xFFFFF060]  }
0x2e2: {  	v2 =	vld [tilespmem:s23+$0x0];
	_ =	sdelay $0x4  }
0x2e3: {  	v1 =	vadd.f32 $5.000000000e-01, v1;
	v2 =	vadd.f32 $5.000000000e-01, v2;
	_ =	sdelay $0x1  }
0x2e4: {  	v1 =	vmul.f32 $1.280000000e+02, v1;
	v2 =	vmul.f32 $1.280000000e+02, v2;
	_ =	sdelay $0x1  }
0x2e5: {  	v3 =	vld [tilespmem:s23+$0xFFFFFFF0];
	v4 =	vtrunc.f32 v1;
	v5 =	vtrunc.f32 v2  }
0x2e6: {  	v6 =	vld [tilespmem:s23+$0xFFFFF050];
	v4 =	vcvt.f32.s32 v4;
	v5 =	vcvt.f32.s32 v5;
	_ =	sdelay $0x1  }
0x2e7: {  	v7 =	vcvt.s32.f32 v4;
	v8 =	vcvt.s32.f32 v5;
	_ =	sdelay $0x1  }
0x2e8: {  	s21 =	simm.s32 $0x5DC0;
	v1 =	vsub.f32 v1, v7;
	v2 =	vsub.f32 v2, v8  }
0x2e9: {  	v3 =	vadd.f32 $5.000000000e-01, v3;
	v6 =	vadd.f32 $5.000000000e-01, v6;
	v7 =	vld [tilespmem:s21+$0xFFFFE0D0]  }
0x2ea: {  	v10 =	vld [tilespmem:s21+$0xFFFFF070];
	v5 =	vshll.u32 v5, $0x7;
	v8 =	vsub.f32 $1.000000000e+00, v1;
	v9 =	vsub.f32 $1.000000000e+00, v2  }
0x2eb: {  	v11 =	vld [tilespmem:s21+$0x10];
	v3 =	vmul.f32 $1.280000000e+02, v3;
	v5 =	vadd.s32 v4, v5  }
0x2ec: {  	v12 =	vld [tilespmem:s21+$0xFB0];
	v6 =	vmul.f32 $1.280000000e+02, v6;
	v13 =	vmul.f32 v9, v8  }
0x2ed: {  	v18 =	vld [tilespmem:s21+$0xFFFFE0C0];
	v14 =	vtrunc.f32 v3  }
0x2ee: {  	v19 =	vld [tilespmem:s21+$0xFFFFF060];
	v15 =	vtrunc.f32 v6;
	vm0 =	vlt.s32 v4, $0x7F;
	v4 =	vmul.f32 v13, v7  }
0x2ef: {  	v20 =	vld [tilespmem:s21+$0x0];
	v14 =	vcvt.f32.s32 v14;
	v16 =	vadd.s32 $0x1, v5;
	v17 =	vmul.f32 v13, v10  }
0x2f0: {  	v9 =	vmul.f32 v9, v1;
	[tilespmem:v5+s6+$0x0] =	vst.idx.add.f32.msk $0xffff, v4;
	v4 =	vmul.f32 v13, v11  }
0x2f1: {  	v21 =	vcvt.f32.s32 v15;
	v13 =	vmul.f32 v13, v12;
	[tilespmem:v5+s8+$0x0] =	vst.idx.add.f32.msk $0xffff, v17  }
0x2f2: {  	v15 =	vcvt.s32.f32 v14;
	[tilespmem:v5+s10+$0x0] =	vst.idx.add.f32.msk $0xffff, v4;
	v4 =	vmul.f32 v9, v7  }
0x2f3: {  	v8 =	vmul.f32 v2, v8;
	[tilespmem:v5+s12+$0x0] =	vst.idx.add.f32.msk $0xffff, v13;
	v13 =	vmul.f32 v9, v10  }
0x2f4: {  	v3 =	vsub.f32 v3, v15;
	v17 =	vcvt.s32.f32 v21;
	[tilespmem:v16+s6+$0x0] =	vst.idx.add.f32.msk vm0, v4;
	v4 =	vmul.f32 v9, v11  }
0x2f5: {  	v1 =	vmul.f32 v2, v1;
	v9 =	vmul.f32 v9, v12;
	[tilespmem:v16+s8+$0x0] =	vst.idx.add.f32.msk vm0, v13  }
0x2f6: {  	v13 =	vsub.f32 v6, v17;
	[tilespmem:v16+s10+$0x0] =	vst.idx.add.f32.msk vm0, v4;
	v4 =	vmul.f32 v8, v7  }
0x2f7: {  	v6 =	vshll.u32 v14, $0x7;
	v14 =	vsub.f32 $1.000000000e+00, v3;
	[tilespmem:v16+s12+$0x0] =	vst.idx.add.f32.msk vm0, v9;
	v9 =	vmul.f32 v8, v10  }
0x2f8: {  	v17 =	vmul.f32 v8, v11;
	v2 =	vadd.s32 v21, v6;
	v15 =	vsub.f32 $1.000000000e+00, v13;
	[tilespmem:v5+s14+$0x0] =	vst.idx.add.f32.msk $0xffff, v4  }
0x2f9: {  	v7 =	vmul.f32 v1, v7;
	v6 =	vmul.f32 v14, v13;
	[tilespmem:v5+s15+$0x0] =	vst.idx.add.f32.msk $0xffff, v9  }
0x2fa: {  	v8 =	vmul.f32 v8, v12;
	v4 =	vmul.f32 v14, v15;
	[tilespmem:v5+s16+$0x0] =	vst.idx.add.f32.msk $0xffff, v17  }
0x2fb: {  	v9 =	vmul.f32 v1, v11;
	v14 =	vmul.f32 v6, v18;
	v17 =	vld [tilespmem:s21+$0xFA0]  }
0x2fc: {  	[tilespmem:v5+s17+$0x0] =	vst.idx.add.f32.msk $0xffff, v8;
	v8 =	vmul.f32 v1, v10;
	v5 =	vmul.f32 v3, v15  }
0x2fd: {  	v1 =	vmul.f32 v1, v12;
	v22 =	vmul.f32 v4, v20;
	[tilespmem:v16+s14+$0x0] =	vst.idx.add.f32.msk vm0, v7  }
0x2fe: {  	v7 =	vmul.f32 v3, v13;
	v3 =	vmul.f32 v4, v18;
	[tilespmem:v16+s15+$0x0] =	vst.idx.add.f32.msk vm0, v8  }
0x2ff: {  	v15 =	vmul.f32 v6, v19;
	v8 =	vmul.f32 v4, v19;
	[tilespmem:v16+s16+$0x0] =	vst.idx.add.f32.msk vm0, v9  }
0x300: {  	v13 =	vmul.f32 v5, v18;
	v12 =	vmul.f32 v5, v19;
	[tilespmem:v2+s6+$0x0] =	vst.idx.add.f32.msk $0xffff, v3  }
0x301: {  	v11 =	vmul.f32 v5, v20;
	v10 =	vmul.f32 v7, v18;
	[tilespmem:v16+s17+$0x0] =	vst.idx.add.f32.msk vm0, v1  }
0x302: {  	v9 =	vmul.f32 v7, v19;
	v16 =	vmul.f32 v6, v20;
	vm0 =	vlt.s32 v21, $0x7F;
	[tilespmem:v2+s8+$0x0] =	vst.idx.add.f32.msk $0xffff, v8  }
0x303: {  	s22 =	simm.s32 $0x0;
	s23 =	simm.s32 $0xFD0;
	v1 =	vadd.s32 $0x1, v2;
	v8 =	vmul.f32 v7, v20;
	[tilespmem:v2+s10+$0x0] =	vst.idx.add.f32.msk $0xffff, v22;
	vm0 =	vmmov vm0  }
.LBB2_20:
0x304: {  	v18 =	vld [tilespmem:s23+$0xFFFFF060];
	v4 =	vmul.f32 v4, v17;
	v6 =	vmul.f32 v6, v17  }
0x305: {  	v5 =	vmul.f32 v5, v17;
	v3 =	vmul.f32 v7, v17;
	v19 =	vld [tilespmem:s23+$0x0]  }
0x306: {  	v7 =	vld [tilespmem:s23+$0xFFFFFFF0]  }
0x307: {  	v17 =	vld [tilespmem:s23+$0xFFFFF050]  }
0x308: {  	[tilespmem:v2+s12+$0x0] =	vst.idx.add.f32.msk $0xffff, v4  }
0x309: {  	[tilespmem:v1+s6+$0x0] =	vst.idx.add.f32.msk vm0, v14  }
0x30a: {  	v4 =	vadd.f32 $5.000000000e-01, v18;
	v14 =	vadd.f32 $5.000000000e-01, v19;
	[tilespmem:v1+s8+$0x0] =	vst.idx.add.f32.msk vm0, v15  }
0x30b: {  	v7 =	vadd.f32 $5.000000000e-01, v7;
	[tilespmem:v1+s10+$0x0] =	vst.idx.add.f32.msk vm0, v16  }
0x30c: {  	v4 =	vmul.f32 $1.280000000e+02, v4;
	v15 =	vadd.f32 $5.000000000e-01, v17;
	v14 =	vmul.f32 $1.280000000e+02, v14;
	[tilespmem:v1+s12+$0x0] =	vst.idx.add.f32.msk vm0, v6  }
0x30d: {  	v6 =	vmul.f32 $1.280000000e+02, v7;
	[tilespmem:v2+s14+$0x0] =	vst.idx.add.f32.msk $0xffff, v13  }
0x30e: {  	v7 =	vtrunc.f32 v4;
	v13 =	vtrunc.f32 v14;
	[tilespmem:v2+s15+$0x0] =	vst.idx.add.f32.msk $0xffff, v12  }
0x30f: {  	v7 =	vcvt.f32.s32 v7;
	v12 =	vcvt.f32.s32 v13;
	[tilespmem:v2+s16+$0x0] =	vst.idx.add.f32.msk $0xffff, v11  }
0x310: {  	v11 =	vmul.f32 $1.280000000e+02, v15;
	v13 =	vtrunc.f32 v6;
	[tilespmem:v2+s17+$0x0] =	vst.idx.add.f32.msk $0xffff, v5  }
0x311: {  	v2 =	vcvt.s32.f32 v7;
	v5 =	vcvt.s32.f32 v12;
	[tilespmem:v1+s14+$0x0] =	vst.idx.add.f32.msk vm0, v10  }
0x312: {  	v13 =	vcvt.f32.s32 v13;
	v10 =	vtrunc.f32 v11;
	[tilespmem:v1+s15+$0x0] =	vst.idx.add.f32.msk vm0, v9  }
0x313: {  	s21 =	sadd.s32 $0x20, s21;
	v9 =	vcvt.f32.s32 v10;
	v10 =	vsub.f32 v4, v2;
	v14 =	vsub.f32 v14, v5;
	[tilespmem:v1+s16+$0x0] =	vst.idx.add.f32.msk vm0, v8  }
0x314: {  	s22 =	sadd.s32 $0x2, s22;
	v2 =	vcvt.s32.f32 v13;
	v4 =	vshll.u32 v13, $0x7;
	v8 =	vld [tilespmem:s21+$0xFFFFE0D0]  }
0x315: {  	p0 =	slt.u32 s22, $0xF8;
	v5 =	vshll.u32 v12, $0x7;
	v12 =	vsub.f32 $1.000000000e+00, v10;
	v13 =	vsub.f32 $1.000000000e+00, v14;
	v16 =	vld [tilespmem:s21+$0xFFFFF070]  }
0x316: {  	v15 =	vcvt.s32.f32 v9;
	v17 =	vsub.f32 v6, v2;
	v18 =	vadd.s32 v7, v5;
	v19 =	vld [tilespmem:s21+$0x10]  }
0x317: {  	v2 =	vadd.s32 v9, v4;
	vm1 =	vlt.s32 v9, $0x7F;
	v9 =	vld [tilespmem:s21+$0xFB0];
	v5 =	vmul.f32 v13, v12  }
0x318: {  	v20 =	vadd.s32 $0x1, v2;
	v11 =	vsub.f32 v11, v15;
	v6 =	vsub.f32 $1.000000000e+00, v17;
	v21 =	vld [tilespmem:s21+$0xFFFFE0C0]  }
0x319: {  	vm2 =	vlt.s32 v7, $0x7F;
	v22 =	vld [tilespmem:s21+$0xFFFFF060];
	v4 =	vmul.f32 v5, v8  }
0x31a: {  	v24 =	vadd.s32 $0x1, v18;
	v7 =	vsub.f32 $1.000000000e+00, v11;
	v23 =	vld [tilespmem:s21+$0x0];
	v15 =	vmul.f32 v5, v16  }
0x31b: {  	v13 =	vmul.f32 v13, v10;
	[tilespmem:v18+s6+$0x0] =	vst.idx.add.f32.msk $0xffff, v4;
	v25 =	vmul.f32 v5, v19  }
0x31c: {  	v4 =	vmul.f32 v6, v7;
	[tilespmem:v18+s8+$0x0] =	vst.idx.add.f32.msk $0xffff, v15;
	v15 =	vmul.f32 v5, v9  }
0x31d: {  	v6 =	vmul.f32 v6, v11;
	[tilespmem:v18+s10+$0x0] =	vst.idx.add.f32.msk $0xffff, v25;
	v25 =	vmul.f32 v13, v8  }
0x31e: {  	v5 =	vmul.f32 v17, v7;
	[tilespmem:v18+s12+$0x0] =	vst.idx.add.f32.msk $0xffff, v15;
	v15 =	vmul.f32 v13, v16  }
0x31f: {  	v12 =	vmul.f32 v14, v12;
	[tilespmem:v24+s6+$0x0] =	vst.idx.add.f32.msk vm2, v25;
	v25 =	vmul.f32 v13, v19  }
0x320: {  	v7 =	vmul.f32 v17, v11;
	v11 =	vmul.f32 v13, v9;
	[tilespmem:v24+s8+$0x0] =	vst.idx.add.f32.msk vm2, v15  }
0x321: {  	v26 =	vmul.f32 v4, v21;
	v13 =	vmul.f32 v12, v8;
	[tilespmem:v24+s10+$0x0] =	vst.idx.add.f32.msk vm2, v25  }
0x322: {  	v25 =	vmul.f32 v4, v22;
	[tilespmem:v24+s12+$0x0] =	vst.idx.add.f32.msk vm2, v11;
	v11 =	vmul.f32 v12, v16  }
0x323: {  	v10 =	vmul.f32 v14, v10;
	[tilespmem:v18+s14+$0x0] =	vst.idx.add.f32.msk $0xffff, v13;
	v13 =	vmul.f32 v12, v19  }
0x324: {  	v27 =	vmul.f32 v4, v23;
	[tilespmem:v18+s15+$0x0] =	vst.idx.add.f32.msk $0xffff, v11;
	v11 =	vmul.f32 v12, v9  }
0x325: {  	v14 =	vmul.f32 v6, v21;
	v8 =	vmul.f32 v10, v8;
	[tilespmem:v18+s16+$0x0] =	vst.idx.add.f32.msk $0xffff, v13  }
0x326: {  	v15 =	vmul.f32 v6, v22;
	[tilespmem:v18+s17+$0x0] =	vst.idx.add.f32.msk $0xffff, v11;
	v11 =	vmul.f32 v10, v16  }
0x327: {  	v16 =	vmul.f32 v6, v23;
	[tilespmem:v24+s14+$0x0] =	vst.idx.add.f32.msk vm2, v8;
	v8 =	vmul.f32 v10, v19  }
0x328: {  	v17 =	vmul.f32 v10, v9;
	v13 =	vmul.f32 v5, v21;
	[tilespmem:v24+s15+$0x0] =	vst.idx.add.f32.msk vm2, v11  }
0x329: {  	v12 =	vmul.f32 v5, v22;
	v11 =	vmul.f32 v5, v23;
	[tilespmem:v24+s16+$0x0] =	vst.idx.add.f32.msk vm2, v8  }
0x32a: {  	v9 =	vmul.f32 v7, v22;
	v10 =	vmul.f32 v7, v21;
	[tilespmem:v24+s17+$0x0] =	vst.idx.add.f32.msk vm2, v17  }
.Ltmp9:
0x32b: {  	v8 =	vmul.f32 v7, v23;
	v17 =	vld [tilespmem:s21+$0xFA0];
	(pc) =	sbr.rel @p0 .LBB2_20-.Ltmp9, $4  }
0x32c: {  	[tilespmem:v2+s6+$0x0] =	vst.idx.add.f32.msk $0xffff, v26  }
0x32d: {  	[tilespmem:v2+s8+$0x0] =	vst.idx.add.f32.msk $0xffff, v25  }
0x32e: {  	[tilespmem:v2+s10+$0x0] =	vst.idx.add.f32.msk $0xffff, v27  }
0x32f: {  	s23 =	sadd.s32 $0x20, s23;
	[tilespmem:v1+s17+$0x0] =	vst.idx.add.f32.msk vm0, v3;
	v1 =	vmov v20;
	vm0 =	vmmov vm1  }
0x330: {  	_ =	sdelay $0x1  }
0x331: {  	v3 =	vmul.f32 v4, v17;
	_ =	sdelay $0x1  }
0x332: {  	[tilespmem:v2+s12+$0x0] =	vst.idx.add.f32.msk $0xffff, v3  }
0x333: {  	[tilespmem:v1+s6+$0x0] =	vst.idx.add.f32.msk vm0, v14  }
0x334: {  	v3 =	vmul.f32 v6, v17;
	[tilespmem:v1+s8+$0x0] =	vst.idx.add.f32.msk vm0, v15  }
0x335: {  	[tilespmem:v1+s10+$0x0] =	vst.idx.add.f32.msk vm0, v16  }
0x336: {  	[tilespmem:v1+s12+$0x0] =	vst.idx.add.f32.msk vm0, v3  }
0x337: {  	[tilespmem:v2+s14+$0x0] =	vst.idx.add.f32.msk $0xffff, v13  }
0x338: {  	v3 =	vmul.f32 v5, v17;
	[tilespmem:v2+s15+$0x0] =	vst.idx.add.f32.msk $0xffff, v12  }
0x339: {  	[tilespmem:v2+s16+$0x0] =	vst.idx.add.f32.msk $0xffff, v11  }
0x33a: {  	[tilespmem:v2+s17+$0x0] =	vst.idx.add.f32.msk $0xffff, v3  }
0x33b: {  	[tilespmem:v1+s14+$0x0] =	vst.idx.add.f32.msk vm0, v10  }
0x33c: {  	v2 =	vmul.f32 v7, v17;
	[tilespmem:v1+s15+$0x0] =	vst.idx.add.f32.msk vm0, v9  }
0x33d: {  	[tilespmem:v1+s16+$0x0] =	vst.idx.add.f32.msk vm0, v8  }
0x33e: {  	s21 =	simm.s32 $0x0;
	[tilespmem:v1+s17+$0x0] =	vst.idx.add.f32.msk vm0, v2  }
0x33f: {  	[tilespmem:s21], [sflag:$0x1] =	stream.strided.gather [hbm4b:s9+s28], $0x1F40, s29, s28, $0x38;
	[tilespmem:$0x1BDA0] =	vst v63  }
0x340: {  	_ = 	snop  }
0x341: {  	[tilespmem:s30], [sflag:$0x1] =	stream.strided.gather [hbm4b:s24+s28], $0x3E80, s29, s28, $0x38;
	[tilespmem:$0x1BDA0] =	vst v63  }
0x342: {  	_ =	swait.ge [sflag:s18], $0x1F40  }
0x343: {  	[sflag:s18] =	ssyncset.done $0x0  }
0x344: {  	[sflag:s18] =	ssyncadd.s32 $0xFFFFE0C0  }
0x345: {  	_ =	swait.ge [sflag:s18], $0x3E80  }
0x346: {  	[sflag:s18] =	ssyncset.done $0x0  }
0x347: {  	s23 =	simm.s32 $0x0;
	[sflag:s18] =	ssyncadd.s32 $0xFFFFC180  }
0x348: {  	v1 =	vld [tilespmem:s23+$0x1F50]  }
0x349: {  	v2 =	vld [tilespmem:s23+$0x2EF0];
	_ =	sdelay $0x4  }
0x34a: {  	v1 =	vadd.f32 $5.000000000e-01, v1;
	v2 =	vadd.f32 $5.000000000e-01, v2  }
0x34b: {  	v3 =	vld [tilespmem:s23+$0x1F40]  }
0x34c: {  	v1 =	vmul.f32 $1.280000000e+02, v1;
	v2 =	vmul.f32 $1.280000000e+02, v2  }
0x34d: {  	v4 =	vld [tilespmem:s23+$0x2EE0]  }
0x34e: {  	v5 =	vtrunc.f32 v1;
	v6 =	vtrunc.f32 v2  }
0x34f: {  	v5 =	vcvt.f32.s32 v5;
	v6 =	vcvt.f32.s32 v6  }
0x350: {  	v3 =	vadd.f32 $5.000000000e-01, v3  }
0x351: {  	v7 =	vcvt.s32.f32 v5;
	v8 =	vcvt.s32.f32 v6  }
0x352: {  	v4 =	vadd.f32 $5.000000000e-01, v4;
	v3 =	vmul.f32 $1.280000000e+02, v3  }
0x353: {  	v9 =	vld [tilespmem:s23+$0x7D00];
	v7 =	vsub.f32 v1, v7;
	v2 =	vsub.f32 v2, v8  }
0x354: {  	v10 =	vtrunc.f32 v3;
	v6 =	vshll.u32 v6, $0x7;
	v1 =	vmul.f32 $1.280000000e+02, v4;
	v8 =	vld [tilespmem:s23+$0x7D10]  }
0x355: {  	v12 =	vld [tilespmem:s23+$0x8CB0];
	v4 =	vcvt.f32.s32 v10;
	v10 =	vsub.f32 $1.000000000e+00, v7;
	v11 =	vsub.f32 $1.000000000e+00, v2  }
0x356: {  	v14 =	vld [tilespmem:s23+$0x9C50];
	v6 =	vadd.s32 v5, v6  }
0x357: {  	v16 =	vld [tilespmem:s23+$0xABF0];
	v17 =	vmul.f32 v11, v10  }
0x358: {  	v19 =	vld [tilespmem:s23+$0x8CA0]  }
0x359: {  	v20 =	vld [tilespmem:s23+$0x9C40];
	vm0 =	vlt.s32 v5, $0x7F;
	v5 =	vmul.f32 v17, v8  }
0x35a: {  	v21 =	vld [tilespmem:s23+$0xABE0];
	v22 =	vadd.s32 $0x1, v6;
	v18 =	vmul.f32 v17, v12  }
0x35b: {  	v11 =	vmul.f32 v11, v7;
	[tilespmem:v6+s6+$0x0] =	vst.idx.add.f32.msk $0xffff, v5;
	v5 =	vmul.f32 v17, v14  }
0x35c: {  	v13 =	vtrunc.f32 v1;
	v17 =	vmul.f32 v17, v16;
	[tilespmem:v6+s8+$0x0] =	vst.idx.add.f32.msk $0xffff, v18  }
0x35d: {  	v15 =	vcvt.s32.f32 v4;
	[tilespmem:v6+s10+$0x0] =	vst.idx.add.f32.msk $0xffff, v5;
	v5 =	vmul.f32 v11, v8  }
0x35e: {  	v13 =	vcvt.f32.s32 v13;
	[tilespmem:v6+s12+$0x0] =	vst.idx.add.f32.msk $0xffff, v17;
	v17 =	vmul.f32 v11, v12  }
0x35f: {  	v10 =	vmul.f32 v2, v10;
	[tilespmem:v22+s6+$0x0] =	vst.idx.add.f32.msk vm0, v5;
	v5 =	vmul.f32 v11, v14  }
0x360: {  	v3 =	vsub.f32 v3, v15;
	v15 =	vcvt.s32.f32 v13;
	v11 =	vmul.f32 v11, v16;
	[tilespmem:v22+s8+$0x0] =	vst.idx.add.f32.msk vm0, v17  }
0x361: {  	v2 =	vmul.f32 v2, v7;
	[tilespmem:v22+s10+$0x0] =	vst.idx.add.f32.msk vm0, v5;
	v5 =	vmul.f32 v10, v8  }
0x362: {  	v13 =	vshll.u32 v13, $0x7;
	v15 =	vsub.f32 v1, v15;
	[tilespmem:v22+s12+$0x0] =	vst.idx.add.f32.msk vm0, v11;
	v11 =	vmul.f32 v10, v12  }
0x363: {  	v1 =	vadd.s32 v4, v13;
	v13 =	vsub.f32 $1.000000000e+00, v3;
	[tilespmem:v6+s14+$0x0] =	vst.idx.add.f32.msk $0xffff, v5;
	v5 =	vmul.f32 v10, v14  }
0x364: {  	v7 =	vmul.f32 v10, v16;
	v18 =	vsub.f32 $1.000000000e+00, v15;
	[tilespmem:v6+s15+$0x0] =	vst.idx.add.f32.msk $0xffff, v11  }
0x365: {  	v24 =	vmul.f32 v15, v13;
	[tilespmem:v6+s16+$0x0] =	vst.idx.add.f32.msk $0xffff, v5;
	v5 =	vmul.f32 v2, v8  }
0x366: {  	v23 =	vmul.f32 v18, v13;
	[tilespmem:v6+s17+$0x0] =	vst.idx.add.f32.msk $0xffff, v7;
	v6 =	vmul.f32 v2, v12  }
0x367: {  	v13 =	vmul.f32 v24, v19;
	[tilespmem:v22+s14+$0x0] =	vst.idx.add.f32.msk vm0, v5;
	v5 =	vmul.f32 v2, v14  }
0x368: {  	v17 =	vmul.f32 v18, v3;
	v2 =	vmul.f32 v2, v16;
	[tilespmem:v22+s15+$0x0] =	vst.idx.add.f32.msk vm0, v6  }
0x369: {  	v3 =	vmul.f32 v15, v3;
	v15 =	vmul.f32 v24, v9;
	[tilespmem:v22+s16+$0x0] =	vst.idx.add.f32.msk vm0, v5  }
0x36a: {  	v18 =	vmul.f32 v17, v9;
	v10 =	vmul.f32 v23, v9;
	[tilespmem:v22+s17+$0x0] =	vst.idx.add.f32.msk vm0, v2;
	vm0 =	vlt.s32 v4, $0x7F  }
0x36b: {  	v11 =	vmul.f32 v24, v20;
	v8 =	vmul.f32 v23, v19;
	vm0 =	vmmov vm0  }
0x36c: {  	[tilespmem:v1+s6+$0x0] =	vst.idx.add.f32.msk $0xffff, v10;
	v10 =	vmul.f32 v3, v9;
	v9 =	vmul.f32 v3, v19;
	v2 =	vadd.s32 $0x1, v1  }
0x36d: {  	v7 =	vmul.f32 v23, v20;
	v23 =	vmul.f32 v23, v21  }
0x36e: {  	v12 =	vmul.f32 v24, v21;
	v14 =	vmul.f32 v17, v19;
	[tilespmem:v1+s8+$0x0] =	vst.idx.add.f32.msk $0xffff, v8  }
0x36f: {  	v16 =	vmul.f32 v17, v20;
	v17 =	vmul.f32 v17, v21;
	[tilespmem:v1+s10+$0x0] =	vst.idx.add.f32.msk $0xffff, v7  }
0x370: {  	s22 =	simm.s32 $0x80;
	s21 =	simm.s32 $0x0;
	v8 =	vmul.f32 v3, v20;
	v7 =	vmul.f32 v3, v21;
	[tilespmem:v1+s12+$0x0] =	vst.idx.add.f32.msk $0xffff, v23  }
.LBB2_22:
0x371: {  	s23 =	sshra.s32 s22, $0x2;
	[tilespmem:v2+s6+$0x0] =	vst.idx.add.f32.msk vm0, v18  }
0x372: {  	v6 =	vld [tilespmem:s23+$0x1F50]  }
0x373: {  	v18 =	vld [tilespmem:s23+$0x2EF0]  }
0x374: {  	v19 =	vld [tilespmem:s23+$0x1F40]  }
0x375: {  	v20 =	vld [tilespmem:s23+$0x2EE0]  }
0x376: {  	v4 =	vld [tilespmem:s23+$0x7D00]  }
0x377: {  	v3 =	vld [tilespmem:s23+$0x8CA0]  }
0x378: {  	v21 =	vadd.f32 $5.000000000e-01, v6;
	v5 =	vld [tilespmem:s23+$0x9C40];
	v18 =	vadd.f32 $5.000000000e-01, v18  }
0x379: {  	v19 =	vadd.f32 $5.000000000e-01, v19;
	v6 =	vld [tilespmem:s23+$0xABE0]  }
0x37a: {  	v21 =	vmul.f32 $1.280000000e+02, v21;
	v20 =	vadd.f32 $5.000000000e-01, v20;
	v18 =	vmul.f32 $1.280000000e+02, v18;
	[tilespmem:v2+s8+$0x0] =	vst.idx.add.f32.msk vm0, v14  }
0x37b: {  	v14 =	vmul.f32 $1.280000000e+02, v19;
	[tilespmem:v2+s10+$0x0] =	vst.idx.add.f32.msk vm0, v16  }
0x37c: {  	v16 =	vtrunc.f32 v21;
	v19 =	vtrunc.f32 v18;
	[tilespmem:v2+s12+$0x0] =	vst.idx.add.f32.msk vm0, v17  }
0x37d: {  	v16 =	vcvt.f32.s32 v16;
	v17 =	vcvt.f32.s32 v19;
	[tilespmem:v1+s14+$0x0] =	vst.idx.add.f32.msk $0xffff, v15  }
0x37e: {  	v15 =	vmul.f32 $1.280000000e+02, v20;
	v19 =	vtrunc.f32 v14;
	[tilespmem:v1+s15+$0x0] =	vst.idx.add.f32.msk $0xffff, v13  }
0x37f: {  	v13 =	vcvt.s32.f32 v16;
	v20 =	vcvt.s32.f32 v17;
	[tilespmem:v1+s16+$0x0] =	vst.idx.add.f32.msk $0xffff, v11  }
0x380: {  	v11 =	vcvt.f32.s32 v19;
	v19 =	vtrunc.f32 v15;
	[tilespmem:v1+s17+$0x0] =	vst.idx.add.f32.msk $0xffff, v12  }
0x381: {  	s21 =	sadd.s32 $0x2, s21;
	v1 =	vcvt.f32.s32 v19;
	v12 =	vsub.f32 v21, v13;
	v13 =	vsub.f32 v18, v20;
	[tilespmem:v2+s14+$0x0] =	vst.idx.add.f32.msk vm0, v10  }
0x382: {  	p0 =	slt.u32 s21, $0xF8;
	v10 =	vcvt.s32.f32 v11;
	vm2 =	vlt.s32 v11, $0x7F;
	v18 =	vld [tilespmem:s23+$0x7D10]  }
0x383: {  	v17 =	vshll.u32 v17, $0x7;
	v19 =	vsub.f32 $1.000000000e+00, v12;
	v20 =	vsub.f32 $1.000000000e+00, v13;
	v21 =	vld [tilespmem:s23+$0x8CB0]  }
0x384: {  	v17 =	vadd.s32 v16, v17;
	v10 =	vsub.f32 v14, v10;
	v14 =	vcvt.s32.f32 v1;
	v22 =	vld [tilespmem:s23+$0x9C50]  }
0x385: {  	v1 =	vshll.u32 v1, $0x7;
	v23 =	vld [tilespmem:s23+$0xABF0];
	v24 =	vmul.f32 v20, v19  }
0x386: {  	v1 =	vadd.s32 v11, v1;
	v14 =	vsub.f32 v15, v14;
	v11 =	vsub.f32 $1.000000000e+00, v10;
	[tilespmem:v2+s15+$0x0] =	vst.idx.add.f32.msk vm0, v9  }
0x387: {  	vm1 =	vlt.s32 v16, $0x7F;
	v9 =	vadd.s32 $0x1, v1;
	v15 =	vmul.f32 v24, v18;
	[tilespmem:v2+s16+$0x0] =	vst.idx.add.f32.msk vm0, v8  }
0x388: {  	v25 =	vadd.s32 $0x1, v17;
	v8 =	vsub.f32 $1.000000000e+00, v14;
	v16 =	vmul.f32 v24, v21;
	[tilespmem:v2+s17+$0x0] =	vst.idx.add.f32.msk vm0, v7;
	v2 =	vmovc v9  }
0x389: {  	v9 =	vmul.f32 v20, v12;
	vm0 =	vmmov vm2;
	[tilespmem:v17+s6+$0x0] =	vst.idx.add.f32.msk $0xffff, v15;
	v7 =	vmul.f32 v24, v22  }
0x38a: {  	v15 =	vmul.f32 v8, v11;
	[tilespmem:v17+s8+$0x0] =	vst.idx.add.f32.msk $0xffff, v16;
	v16 =	vmul.f32 v24, v23  }
0x38b: {  	v8 =	vmul.f32 v8, v10;
	[tilespmem:v17+s10+$0x0] =	vst.idx.add.f32.msk $0xffff, v7;
	v7 =	vmul.f32 v9, v18  }
0x38c: {  	v20 =	vmul.f32 v14, v11;
	v11 =	vmul.f32 v9, v21;
	[tilespmem:v17+s12+$0x0] =	vst.idx.add.f32.msk $0xffff, v16  }
0x38d: {  	v16 =	vmul.f32 v13, v19;
	[tilespmem:v25+s6+$0x0] =	vst.idx.add.f32.msk vm1, v7;
	v7 =	vmul.f32 v9, v22  }
0x38e: {  	v19 =	vmul.f32 v14, v10;
	v9 =	vmul.f32 v9, v23;
	[tilespmem:v25+s8+$0x0] =	vst.idx.add.f32.msk vm1, v11  }
0x38f: {  	v10 =	vmul.f32 v15, v4;
	[tilespmem:v25+s10+$0x0] =	vst.idx.add.f32.msk vm1, v7;
	v7 =	vmul.f32 v16, v18  }
0x390: {  	v24 =	vmul.f32 v15, v3;
	[tilespmem:v25+s12+$0x0] =	vst.idx.add.f32.msk vm1, v9;
	v9 =	vmul.f32 v16, v21  }
0x391: {  	v11 =	vmul.f32 v13, v12;
	[tilespmem:v17+s14+$0x0] =	vst.idx.add.f32.msk $0xffff, v7;
	v7 =	vmul.f32 v16, v22  }
0x392: {  	v26 =	vmul.f32 v15, v5;
	[tilespmem:v17+s15+$0x0] =	vst.idx.add.f32.msk $0xffff, v9;
	v9 =	vmul.f32 v16, v23  }
0x393: {  	v27 =	vmul.f32 v15, v6;
	[tilespmem:v17+s16+$0x0] =	vst.idx.add.f32.msk $0xffff, v7;
	v7 =	vmul.f32 v11, v18  }
0x394: {  	v18 =	vmul.f32 v8, v4;
	[tilespmem:v17+s17+$0x0] =	vst.idx.add.f32.msk $0xffff, v9;
	v9 =	vmul.f32 v11, v21  }
0x395: {  	v14 =	vmul.f32 v8, v3;
	[tilespmem:v25+s14+$0x0] =	vst.idx.add.f32.msk vm1, v7;
	v7 =	vmul.f32 v11, v22  }
0x396: {  	v16 =	vmul.f32 v8, v5;
	[tilespmem:v25+s15+$0x0] =	vst.idx.add.f32.msk vm1, v9;
	v9 =	vmul.f32 v11, v23  }
0x397: {  	v15 =	vmul.f32 v20, v4;
	v17 =	vmul.f32 v8, v6;
	[tilespmem:v25+s16+$0x0] =	vst.idx.add.f32.msk vm1, v7  }
.Ltmp10:
0x398: {  	v13 =	vmul.f32 v20, v3;
	v11 =	vmul.f32 v20, v5;
	[tilespmem:v25+s17+$0x0] =	vst.idx.add.f32.msk vm1, v9;
	(pc) =	sbr.rel @p0 .LBB2_22-.Ltmp10, $4  }
0x399: {  	v12 =	vmul.f32 v20, v6;
	[tilespmem:v1+s6+$0x0] =	vst.idx.add.f32.msk $0xffff, v10;
	v10 =	vmul.f32 v19, v4  }
0x39a: {  	v8 =	vmul.f32 v19, v5;
	v9 =	vmul.f32 v19, v3;
	[tilespmem:v1+s8+$0x0] =	vst.idx.add.f32.msk $0xffff, v24  }
0x39b: {  	v7 =	vmul.f32 v19, v6;
	[tilespmem:v1+s10+$0x0] =	vst.idx.add.f32.msk $0xffff, v26  }
0x39c: {  	s22 =	sadd.s32 $0x80, s22;
	[tilespmem:v1+s12+$0x0] =	vst.idx.add.f32.msk $0xffff, v27  }
0x39d: {  	_ =	sdelay $0x4  }
0x39e: {  	[tilespmem:v2+s6+$0x0] =	vst.idx.add.f32.msk vm0, v18  }
0x39f: {  	[tilespmem:v2+s8+$0x0] =	vst.idx.add.f32.msk vm0, v14  }
0x3a0: {  	[tilespmem:v2+s10+$0x0] =	vst.idx.add.f32.msk vm0, v16  }
0x3a1: {  	[tilespmem:v2+s12+$0x0] =	vst.idx.add.f32.msk vm0, v17  }
0x3a2: {  	[tilespmem:v1+s14+$0x0] =	vst.idx.add.f32.msk $0xffff, v15  }
0x3a3: {  	[tilespmem:v1+s15+$0x0] =	vst.idx.add.f32.msk $0xffff, v13  }
0x3a4: {  	[tilespmem:v1+s16+$0x0] =	vst.idx.add.f32.msk $0xffff, v11  }
0x3a5: {  	[tilespmem:v1+s17+$0x0] =	vst.idx.add.f32.msk $0xffff, v12  }
0x3a6: {  	[tilespmem:v2+s14+$0x0] =	vst.idx.add.f32.msk vm0, v10  }
0x3a7: {  	[tilespmem:v2+s15+$0x0] =	vst.idx.add.f32.msk vm0, v9  }
0x3a8: {  	[tilespmem:v2+s16+$0x0] =	vst.idx.add.f32.msk vm0, v8  }
0x3a9: {  	[tilespmem:v2+s17+$0x0] =	vst.idx.add.f32.msk vm0, v7  }
0x3aa: {  	[tilespmem:s31], [sflag:$0x2] =	stream.strided.gather [hbm4b:s11+s28], $0x1F40, s29, s28, $0x38;
	[tilespmem:$0x1BDA0] =	vst v63  }
0x3ab: {  	_ = 	snop  }
0x3ac: {  	[tilespmem:s0], [sflag:$0x2] =	stream.strided.gather [hbm4b:s26+s28], $0x3E80, s29, s28, $0x38;
	[tilespmem:$0x1BDA0] =	vst v63  }
0x3ad: {  	_ =	swait.ge [sflag:s1], $0x1F40  }
0x3ae: {  	[sflag:s1] =	ssyncset.done $0x0  }
0x3af: {  	[sflag:s1] =	ssyncadd.s32 $0xFFFFE0C0  }
0x3b0: {  	_ =	swait.ge [sflag:s1], $0x3E80  }
0x3b1: {  	[sflag:s1] =	ssyncset.done $0x0  }
0x3b2: {  	s21 =	simm.s32 $0xFB0;
	[sflag:s1] =	ssyncadd.s32 $0xFFFFC180  }
0x3b3: {  	v1 =	vld [tilespmem:s21+$0xFFFFF060]  }
0x3b4: {  	v2 =	vld [tilespmem:s21+$0x0];
	_ =	sdelay $0x4  }
0x3b5: {  	v1 =	vadd.f32 $5.000000000e-01, v1;
	v2 =	vadd.f32 $5.000000000e-01, v2;
	_ =	sdelay $0x1  }
0x3b6: {  	v1 =	vmul.f32 $1.280000000e+02, v1;
	v2 =	vmul.f32 $1.280000000e+02, v2;
	_ =	sdelay $0x1  }
0x3b7: {  	v3 =	vld [tilespmem:s21+$0xFFFFFFF0];
	v4 =	vtrunc.f32 v1;
	v5 =	vtrunc.f32 v2  }
0x3b8: {  	v6 =	vld [tilespmem:s21+$0xFFFFF050];
	v4 =	vcvt.f32.s32 v4;
	v5 =	vcvt.f32.s32 v5;
	_ =	sdelay $0x1  }
0x3b9: {  	v7 =	vcvt.s32.f32 v4;
	v8 =	vcvt.s32.f32 v5;
	_ =	sdelay $0x1  }
0x3ba: {  	s21 =	simm.s32 $0x5DC0;
	v1 =	vsub.f32 v1, v7;
	v2 =	vsub.f32 v2, v8  }
0x3bb: {  	v3 =	vadd.f32 $5.000000000e-01, v3;
	v6 =	vadd.f32 $5.000000000e-01, v6;
	v7 =	vld [tilespmem:s21+$0xFFFFE0D0]  }
0x3bc: {  	v10 =	vld [tilespmem:s21+$0xFFFFF070];
	v5 =	vshll.u32 v5, $0x7;
	v8 =	vsub.f32 $1.000000000e+00, v1;
	v9 =	vsub.f32 $1.000000000e+00, v2  }
0x3bd: {  	v11 =	vld [tilespmem:s21+$0x10];
	v3 =	vmul.f32 $1.280000000e+02, v3;
	v5 =	vadd.s32 v4, v5  }
0x3be: {  	v12 =	vld [tilespmem:s21+$0xFB0];
	v6 =	vmul.f32 $1.280000000e+02, v6;
	v13 =	vmul.f32 v9, v8  }
0x3bf: {  	v18 =	vld [tilespmem:s21+$0xFFFFE0C0];
	v14 =	vtrunc.f32 v3  }
0x3c0: {  	v19 =	vld [tilespmem:s21+$0xFFFFF060];
	v15 =	vtrunc.f32 v6;
	vm0 =	vlt.s32 v4, $0x7F;
	v4 =	vmul.f32 v13, v7  }
0x3c1: {  	v20 =	vld [tilespmem:s21+$0x0];
	v14 =	vcvt.f32.s32 v14;
	v16 =	vadd.s32 $0x1, v5;
	v17 =	vmul.f32 v13, v10  }
0x3c2: {  	v9 =	vmul.f32 v9, v1;
	[tilespmem:v5+s6+$0x0] =	vst.idx.add.f32.msk $0xffff, v4;
	v4 =	vmul.f32 v13, v11  }
0x3c3: {  	v21 =	vcvt.f32.s32 v15;
	v13 =	vmul.f32 v13, v12;
	[tilespmem:v5+s8+$0x0] =	vst.idx.add.f32.msk $0xffff, v17  }
0x3c4: {  	v15 =	vcvt.s32.f32 v14;
	[tilespmem:v5+s10+$0x0] =	vst.idx.add.f32.msk $0xffff, v4;
	v4 =	vmul.f32 v9, v7  }
0x3c5: {  	v8 =	vmul.f32 v2, v8;
	[tilespmem:v5+s12+$0x0] =	vst.idx.add.f32.msk $0xffff, v13;
	v13 =	vmul.f32 v9, v10  }
0x3c6: {  	v3 =	vsub.f32 v3, v15;
	v17 =	vcvt.s32.f32 v21;
	[tilespmem:v16+s6+$0x0] =	vst.idx.add.f32.msk vm0, v4;
	v4 =	vmul.f32 v9, v11  }
0x3c7: {  	v1 =	vmul.f32 v2, v1;
	v9 =	vmul.f32 v9, v12;
	[tilespmem:v16+s8+$0x0] =	vst.idx.add.f32.msk vm0, v13  }
0x3c8: {  	v13 =	vsub.f32 v6, v17;
	[tilespmem:v16+s10+$0x0] =	vst.idx.add.f32.msk vm0, v4;
	v4 =	vmul.f32 v8, v7  }
0x3c9: {  	v6 =	vshll.u32 v14, $0x7;
	v14 =	vsub.f32 $1.000000000e+00, v3;
	[tilespmem:v16+s12+$0x0] =	vst.idx.add.f32.msk vm0, v9;
	v9 =	vmul.f32 v8, v10  }
0x3ca: {  	v17 =	vmul.f32 v8, v11;
	v2 =	vadd.s32 v21, v6;
	v15 =	vsub.f32 $1.000000000e+00, v13;
	[tilespmem:v5+s14+$0x0] =	vst.idx.add.f32.msk $0xffff, v4  }
0x3cb: {  	v7 =	vmul.f32 v1, v7;
	v6 =	vmul.f32 v14, v13;
	[tilespmem:v5+s15+$0x0] =	vst.idx.add.f32.msk $0xffff, v9  }
0x3cc: {  	v8 =	vmul.f32 v8, v12;
	v4 =	vmul.f32 v14, v15;
	[tilespmem:v5+s16+$0x0] =	vst.idx.add.f32.msk $0xffff, v17  }
0x3cd: {  	v9 =	vmul.f32 v1, v11;
	v14 =	vmul.f32 v6, v18;
	v17 =	vld [tilespmem:s21+$0xFA0]  }
0x3ce: {  	[tilespmem:v5+s17+$0x0] =	vst.idx.add.f32.msk $0xffff, v8;
	v8 =	vmul.f32 v1, v10;
	v5 =	vmul.f32 v3, v15  }
0x3cf: {  	v1 =	vmul.f32 v1, v12;
	v22 =	vmul.f32 v4, v20;
	[tilespmem:v16+s14+$0x0] =	vst.idx.add.f32.msk vm0, v7  }
0x3d0: {  	v7 =	vmul.f32 v3, v13;
	v3 =	vmul.f32 v4, v18;
	[tilespmem:v16+s15+$0x0] =	vst.idx.add.f32.msk vm0, v8  }
0x3d1: {  	v15 =	vmul.f32 v6, v19;
	v8 =	vmul.f32 v4, v19;
	[tilespmem:v16+s16+$0x0] =	vst.idx.add.f32.msk vm0, v9  }
0x3d2: {  	v13 =	vmul.f32 v5, v18;
	v12 =	vmul.f32 v5, v19;
	[tilespmem:v2+s6+$0x0] =	vst.idx.add.f32.msk $0xffff, v3  }
0x3d3: {  	v11 =	vmul.f32 v5, v20;
	v10 =	vmul.f32 v7, v18;
	[tilespmem:v16+s17+$0x0] =	vst.idx.add.f32.msk vm0, v1  }
0x3d4: {  	v9 =	vmul.f32 v7, v19;
	v16 =	vmul.f32 v6, v20;
	vm0 =	vlt.s32 v21, $0x7F;
	[tilespmem:v2+s8+$0x0] =	vst.idx.add.f32.msk $0xffff, v8  }
0x3d5: {  	s22 =	simm.s32 $0x0;
	s23 =	simm.s32 $0xFD0;
	v1 =	vadd.s32 $0x1, v2;
	v8 =	vmul.f32 v7, v20;
	[tilespmem:v2+s10+$0x0] =	vst.idx.add.f32.msk $0xffff, v22;
	vm0 =	vmmov vm0  }
.LBB2_24:
0x3d6: {  	v18 =	vld [tilespmem:s23+$0xFFFFF060];
	v4 =	vmul.f32 v4, v17;
	v6 =	vmul.f32 v6, v17  }
0x3d7: {  	v5 =	vmul.f32 v5, v17;
	v3 =	vmul.f32 v7, v17;
	v19 =	vld [tilespmem:s23+$0x0]  }
0x3d8: {  	v7 =	vld [tilespmem:s23+$0xFFFFFFF0]  }
0x3d9: {  	v17 =	vld [tilespmem:s23+$0xFFFFF050]  }
0x3da: {  	[tilespmem:v2+s12+$0x0] =	vst.idx.add.f32.msk $0xffff, v4  }
0x3db: {  	[tilespmem:v1+s6+$0x0] =	vst.idx.add.f32.msk vm0, v14  }
0x3dc: {  	v4 =	vadd.f32 $5.000000000e-01, v18;
	v14 =	vadd.f32 $5.000000000e-01, v19;
	[tilespmem:v1+s8+$0x0] =	vst.idx.add.f32.msk vm0, v15  }
0x3dd: {  	v7 =	vadd.f32 $5.000000000e-01, v7;
	[tilespmem:v1+s10+$0x0] =	vst.idx.add.f32.msk vm0, v16  }
0x3de: {  	v4 =	vmul.f32 $1.280000000e+02, v4;
	v15 =	vadd.f32 $5.000000000e-01, v17;
	v14 =	vmul.f32 $1.280000000e+02, v14;
	[tilespmem:v1+s12+$0x0] =	vst.idx.add.f32.msk vm0, v6  }
0x3df: {  	v6 =	vmul.f32 $1.280000000e+02, v7;
	[tilespmem:v2+s14+$0x0] =	vst.idx.add.f32.msk $0xffff, v13  }
0x3e0: {  	v7 =	vtrunc.f32 v4;
	v13 =	vtrunc.f32 v14;
	[tilespmem:v2+s15+$0x0] =	vst.idx.add.f32.msk $0xffff, v12  }
0x3e1: {  	v7 =	vcvt.f32.s32 v7;
	v12 =	vcvt.f32.s32 v13;
	[tilespmem:v2+s16+$0x0] =	vst.idx.add.f32.msk $0xffff, v11  }
0x3e2: {  	v11 =	vmul.f32 $1.280000000e+02, v15;
	v13 =	vtrunc.f32 v6;
	[tilespmem:v2+s17+$0x0] =	vst.idx.add.f32.msk $0xffff, v5  }
0x3e3: {  	v2 =	vcvt.s32.f32 v7;
	v5 =	vcvt.s32.f32 v12;
	[tilespmem:v1+s14+$0x0] =	vst.idx.add.f32.msk vm0, v10  }
0x3e4: {  	v13 =	vcvt.f32.s32 v13;
	v10 =	vtrunc.f32 v11;
	[tilespmem:v1+s15+$0x0] =	vst.idx.add.f32.msk vm0, v9  }
0x3e5: {  	s21 =	sadd.s32 $0x20, s21;
	v9 =	vcvt.f32.s32 v10;
	v10 =	vsub.f32 v4, v2;
	v14 =	vsub.f32 v14, v5;
	[tilespmem:v1+s16+$0x0] =	vst.idx.add.f32.msk vm0, v8  }
0x3e6: {  	s22 =	sadd.s32 $0x2, s22;
	v2 =	vcvt.s32.f32 v13;
	v4 =	vshll.u32 v13, $0x7;
	v8 =	vld [tilespmem:s21+$0xFFFFE0D0]  }
0x3e7: {  	p0 =	slt.u32 s22, $0xF8;
	v5 =	vshll.u32 v12, $0x7;
	v12 =	vsub.f32 $1.000000000e+00, v10;
	v13 =	vsub.f32 $1.000000000e+00, v14;
	v16 =	vld [tilespmem:s21+$0xFFFFF070]  }
0x3e8: {  	v15 =	vcvt.s32.f32 v9;
	v17 =	vsub.f32 v6, v2;
	v18 =	vadd.s32 v7, v5;
	v19 =	vld [tilespmem:s21+$0x10]  }
0x3e9: {  	v2 =	vadd.s32 v9, v4;
	vm1 =	vlt.s32 v9, $0x7F;
	v9 =	vld [tilespmem:s21+$0xFB0];
	v5 =	vmul.f32 v13, v12  }
0x3ea: {  	v20 =	vadd.s32 $0x1, v2;
	v11 =	vsub.f32 v11, v15;
	v6 =	vsub.f32 $1.000000000e+00, v17;
	v21 =	vld [tilespmem:s21+$0xFFFFE0C0]  }
0x3eb: {  	vm2 =	vlt.s32 v7, $0x7F;
	v22 =	vld [tilespmem:s21+$0xFFFFF060];
	v4 =	vmul.f32 v5, v8  }
0x3ec: {  	v24 =	vadd.s32 $0x1, v18;
	v7 =	vsub.f32 $1.000000000e+00, v11;
	v23 =	vld [tilespmem:s21+$0x0];
	v15 =	vmul.f32 v5, v16  }
0x3ed: {  	v13 =	vmul.f32 v13, v10;
	[tilespmem:v18+s6+$0x0] =	vst.idx.add.f32.msk $0xffff, v4;
	v25 =	vmul.f32 v5, v19  }
0x3ee: {  	v4 =	vmul.f32 v6, v7;
	[tilespmem:v18+s8+$0x0] =	vst.idx.add.f32.msk $0xffff, v15;
	v15 =	vmul.f32 v5, v9  }
0x3ef: {  	v6 =	vmul.f32 v6, v11;
	[tilespmem:v18+s10+$0x0] =	vst.idx.add.f32.msk $0xffff, v25;
	v25 =	vmul.f32 v13, v8  }
0x3f0: {  	v5 =	vmul.f32 v17, v7;
	[tilespmem:v18+s12+$0x0] =	vst.idx.add.f32.msk $0xffff, v15;
	v15 =	vmul.f32 v13, v16  }
0x3f1: {  	v12 =	vmul.f32 v14, v12;
	[tilespmem:v24+s6+$0x0] =	vst.idx.add.f32.msk vm2, v25;
	v25 =	vmul.f32 v13, v19  }
0x3f2: {  	v7 =	vmul.f32 v17, v11;
	v11 =	vmul.f32 v13, v9;
	[tilespmem:v24+s8+$0x0] =	vst.idx.add.f32.msk vm2, v15  }
0x3f3: {  	v26 =	vmul.f32 v4, v21;
	v13 =	vmul.f32 v12, v8;
	[tilespmem:v24+s10+$0x0] =	vst.idx.add.f32.msk vm2, v25  }
0x3f4: {  	v25 =	vmul.f32 v4, v22;
	[tilespmem:v24+s12+$0x0] =	vst.idx.add.f32.msk vm2, v11;
	v11 =	vmul.f32 v12, v16  }
0x3f5: {  	v10 =	vmul.f32 v14, v10;
	[tilespmem:v18+s14+$0x0] =	vst.idx.add.f32.msk $0xffff, v13;
	v13 =	vmul.f32 v12, v19  }
0x3f6: {  	v27 =	vmul.f32 v4, v23;
	[tilespmem:v18+s15+$0x0] =	vst.idx.add.f32.msk $0xffff, v11;
	v11 =	vmul.f32 v12, v9  }
0x3f7: {  	v14 =	vmul.f32 v6, v21;
	v8 =	vmul.f32 v10, v8;
	[tilespmem:v18+s16+$0x0] =	vst.idx.add.f32.msk $0xffff, v13  }
0x3f8: {  	v15 =	vmul.f32 v6, v22;
	[tilespmem:v18+s17+$0x0] =	vst.idx.add.f32.msk $0xffff, v11;
	v11 =	vmul.f32 v10, v16  }
0x3f9: {  	v16 =	vmul.f32 v6, v23;
	[tilespmem:v24+s14+$0x0] =	vst.idx.add.f32.msk vm2, v8;
	v8 =	vmul.f32 v10, v19  }
0x3fa: {  	v17 =	vmul.f32 v10, v9;
	v13 =	vmul.f32 v5, v21;
	[tilespmem:v24+s15+$0x0] =	vst.idx.add.f32.msk vm2, v11  }
0x3fb: {  	v12 =	vmul.f32 v5, v22;
	v11 =	vmul.f32 v5, v23;
	[tilespmem:v24+s16+$0x0] =	vst.idx.add.f32.msk vm2, v8  }
0x3fc: {  	v9 =	vmul.f32 v7, v22;
	v10 =	vmul.f32 v7, v21;
	[tilespmem:v24+s17+$0x0] =	vst.idx.add.f32.msk vm2, v17  }
.Ltmp11:
0x3fd: {  	v8 =	vmul.f32 v7, v23;
	v17 =	vld [tilespmem:s21+$0xFA0];
	(pc) =	sbr.rel @p0 .LBB2_24-.Ltmp11, $4  }
0x3fe: {  	[tilespmem:v2+s6+$0x0] =	vst.idx.add.f32.msk $0xffff, v26  }
0x3ff: {  	[tilespmem:v2+s8+$0x0] =	vst.idx.add.f32.msk $0xffff, v25  }
0x400: {  	[tilespmem:v2+s10+$0x0] =	vst.idx.add.f32.msk $0xffff, v27  }
0x401: {  	s23 =	sadd.s32 $0x20, s23;
	[tilespmem:v1+s17+$0x0] =	vst.idx.add.f32.msk vm0, v3;
	v1 =	vmov v20;
	vm0 =	vmmov vm1  }
0x402: {  	_ =	sdelay $0x1  }
0x403: {  	v3 =	vmul.f32 v4, v17;
	_ =	sdelay $0x1  }
0x404: {  	[tilespmem:v2+s12+$0x0] =	vst.idx.add.f32.msk $0xffff, v3  }
0x405: {  	[tilespmem:v1+s6+$0x0] =	vst.idx.add.f32.msk vm0, v14  }
0x406: {  	v3 =	vmul.f32 v6, v17;
	[tilespmem:v1+s8+$0x0] =	vst.idx.add.f32.msk vm0, v15  }
0x407: {  	[tilespmem:v1+s10+$0x0] =	vst.idx.add.f32.msk vm0, v16  }
0x408: {  	[tilespmem:v1+s12+$0x0] =	vst.idx.add.f32.msk vm0, v3  }
0x409: {  	[tilespmem:v2+s14+$0x0] =	vst.idx.add.f32.msk $0xffff, v13  }
0x40a: {  	v3 =	vmul.f32 v5, v17;
	[tilespmem:v2+s15+$0x0] =	vst.idx.add.f32.msk $0xffff, v12  }
0x40b: {  	[tilespmem:v2+s16+$0x0] =	vst.idx.add.f32.msk $0xffff, v11  }
0x40c: {  	[tilespmem:v2+s17+$0x0] =	vst.idx.add.f32.msk $0xffff, v3  }
0x40d: {  	[tilespmem:v1+s14+$0x0] =	vst.idx.add.f32.msk vm0, v10  }
0x40e: {  	v2 =	vmul.f32 v7, v17;
	[tilespmem:v1+s15+$0x0] =	vst.idx.add.f32.msk vm0, v9  }
0x40f: {  	[tilespmem:v1+s16+$0x0] =	vst.idx.add.f32.msk vm0, v8  }
0x410: {  	[tilespmem:v1+s17+$0x0] =	vst.idx.add.f32.msk vm0, v2  }
0x411: {  	_ =	swait.ge [sflag:s18], $0x1F40  }
0x412: {  	[sflag:s18] =	ssyncset.done $0x0  }
0x413: {  	[sflag:s18] =	ssyncadd.s32 $0xFFFFE0C0  }
0x414: {  	_ =	swait.ge [sflag:s18], $0x3E80  }
0x415: {  	[sflag:s18] =	ssyncset.done $0x0  }
0x416: {  	s21 =	simm.s32 $0x0;
	[sflag:s18] =	ssyncadd.s32 $0xFFFFC180  }
0x417: {  	v1 =	vld [tilespmem:s21+$0x1F50]  }
0x418: {  	v2 =	vld [tilespmem:s21+$0x2EF0];
	_ =	sdelay $0x4  }
0x419: {  	v1 =	vadd.f32 $5.000000000e-01, v1;
	v2 =	vadd.f32 $5.000000000e-01, v2  }
0x41a: {  	v3 =	vld [tilespmem:s21+$0x1F40]  }
0x41b: {  	v1 =	vmul.f32 $1.280000000e+02, v1;
	v2 =	vmul.f32 $1.280000000e+02, v2  }
0x41c: {  	v4 =	vld [tilespmem:s21+$0x2EE0]  }
0x41d: {  	v5 =	vtrunc.f32 v1;
	v6 =	vtrunc.f32 v2  }
0x41e: {  	v5 =	vcvt.f32.s32 v5;
	v6 =	vcvt.f32.s32 v6  }
0x41f: {  	v3 =	vadd.f32 $5.000000000e-01, v3  }
0x420: {  	v7 =	vcvt.s32.f32 v5;
	v8 =	vcvt.s32.f32 v6  }
0x421: {  	v4 =	vadd.f32 $5.000000000e-01, v4;
	v3 =	vmul.f32 $1.280000000e+02, v3  }
0x422: {  	v9 =	vld [tilespmem:s21+$0x7D00];
	v7 =	vsub.f32 v1, v7;
	v2 =	vsub.f32 v2, v8  }
0x423: {  	v10 =	vtrunc.f32 v3;
	v6 =	vshll.u32 v6, $0x7;
	v1 =	vmul.f32 $1.280000000e+02, v4;
	v8 =	vld [tilespmem:s21+$0x7D10]  }
0x424: {  	v12 =	vld [tilespmem:s21+$0x8CB0];
	v4 =	vcvt.f32.s32 v10;
	v10 =	vsub.f32 $1.000000000e+00, v7;
	v11 =	vsub.f32 $1.000000000e+00, v2  }
0x425: {  	v14 =	vld [tilespmem:s21+$0x9C50];
	v6 =	vadd.s32 v5, v6  }
0x426: {  	v16 =	vld [tilespmem:s21+$0xABF0];
	v17 =	vmul.f32 v11, v10  }
0x427: {  	v19 =	vld [tilespmem:s21+$0x8CA0]  }
0x428: {  	v20 =	vld [tilespmem:s21+$0x9C40];
	vm0 =	vlt.s32 v5, $0x7F;
	v5 =	vmul.f32 v17, v8  }
0x429: {  	v21 =	vld [tilespmem:s21+$0xABE0];
	v22 =	vadd.s32 $0x1, v6;
	v18 =	vmul.f32 v17, v12  }
0x42a: {  	v11 =	vmul.f32 v11, v7;
	[tilespmem:v6+s6+$0x0] =	vst.idx.add.f32.msk $0xffff, v5;
	v5 =	vmul.f32 v17, v14  }
0x42b: {  	v13 =	vtrunc.f32 v1;
	v17 =	vmul.f32 v17, v16;
	[tilespmem:v6+s8+$0x0] =	vst.idx.add.f32.msk $0xffff, v18  }
0x42c: {  	v15 =	vcvt.s32.f32 v4;
	[tilespmem:v6+s10+$0x0] =	vst.idx.add.f32.msk $0xffff, v5;
	v5 =	vmul.f32 v11, v8  }
0x42d: {  	v13 =	vcvt.f32.s32 v13;
	[tilespmem:v6+s12+$0x0] =	vst.idx.add.f32.msk $0xffff, v17;
	v17 =	vmul.f32 v11, v12  }
0x42e: {  	v10 =	vmul.f32 v2, v10;
	[tilespmem:v22+s6+$0x0] =	vst.idx.add.f32.msk vm0, v5;
	v5 =	vmul.f32 v11, v14  }
0x42f: {  	v3 =	vsub.f32 v3, v15;
	v15 =	vcvt.s32.f32 v13;
	v11 =	vmul.f32 v11, v16;
	[tilespmem:v22+s8+$0x0] =	vst.idx.add.f32.msk vm0, v17  }
0x430: {  	v2 =	vmul.f32 v2, v7;
	[tilespmem:v22+s10+$0x0] =	vst.idx.add.f32.msk vm0, v5;
	v5 =	vmul.f32 v10, v8  }
0x431: {  	v13 =	vshll.u32 v13, $0x7;
	v15 =	vsub.f32 v1, v15;
	[tilespmem:v22+s12+$0x0] =	vst.idx.add.f32.msk vm0, v11;
	v11 =	vmul.f32 v10, v12  }
0x432: {  	v1 =	vadd.s32 v4, v13;
	v13 =	vsub.f32 $1.000000000e+00, v3;
	[tilespmem:v6+s14+$0x0] =	vst.idx.add.f32.msk $0xffff, v5;
	v5 =	vmul.f32 v10, v14  }
0x433: {  	v7 =	vmul.f32 v10, v16;
	v18 =	vsub.f32 $1.000000000e+00, v15;
	[tilespmem:v6+s15+$0x0] =	vst.idx.add.f32.msk $0xffff, v11  }
0x434: {  	v24 =	vmul.f32 v15, v13;
	[tilespmem:v6+s16+$0x0] =	vst.idx.add.f32.msk $0xffff, v5;
	v5 =	vmul.f32 v2, v8  }
0x435: {  	v23 =	vmul.f32 v18, v13;
	[tilespmem:v6+s17+$0x0] =	vst.idx.add.f32.msk $0xffff, v7;
	v6 =	vmul.f32 v2, v12  }
0x436: {  	v13 =	vmul.f32 v24, v19;
	[tilespmem:v22+s14+$0x0] =	vst.idx.add.f32.msk vm0, v5;
	v5 =	vmul.f32 v2, v14  }
0x437: {  	v17 =	vmul.f32 v18, v3;
	v2 =	vmul.f32 v2, v16;
	[tilespmem:v22+s15+$0x0] =	vst.idx.add.f32.msk vm0, v6  }
0x438: {  	v3 =	vmul.f32 v15, v3;
	v15 =	vmul.f32 v24, v9;
	[tilespmem:v22+s16+$0x0] =	vst.idx.add.f32.msk vm0, v5  }
0x439: {  	v18 =	vmul.f32 v17, v9;
	v10 =	vmul.f32 v23, v9;
	[tilespmem:v22+s17+$0x0] =	vst.idx.add.f32.msk vm0, v2;
	vm0 =	vlt.s32 v4, $0x7F  }
0x43a: {  	v11 =	vmul.f32 v24, v20;
	v8 =	vmul.f32 v23, v19;
	vm0 =	vmmov vm0  }
0x43b: {  	[tilespmem:v1+s6+$0x0] =	vst.idx.add.f32.msk $0xffff, v10;
	v10 =	vmul.f32 v3, v9;
	v9 =	vmul.f32 v3, v19;
	v2 =	vadd.s32 $0x1, v1  }
0x43c: {  	v7 =	vmul.f32 v23, v20;
	v23 =	vmul.f32 v23, v21  }
0x43d: {  	v12 =	vmul.f32 v24, v21;
	v14 =	vmul.f32 v17, v19;
	[tilespmem:v1+s8+$0x0] =	vst.idx.add.f32.msk $0xffff, v8  }
0x43e: {  	v16 =	vmul.f32 v17, v20;
	v17 =	vmul.f32 v17, v21;
	[tilespmem:v1+s10+$0x0] =	vst.idx.add.f32.msk $0xffff, v7  }
0x43f: {  	s22 =	simm.s32 $0x80;
	s21 =	simm.s32 $0x0;
	v8 =	vmul.f32 v3, v20;
	v7 =	vmul.f32 v3, v21;
	[tilespmem:v1+s12+$0x0] =	vst.idx.add.f32.msk $0xffff, v23  }
.LBB2_26:
0x440: {  	s23 =	sshra.s32 s22, $0x2;
	[tilespmem:v2+s6+$0x0] =	vst.idx.add.f32.msk vm0, v18  }
0x441: {  	v6 =	vld [tilespmem:s23+$0x1F50]  }
0x442: {  	v18 =	vld [tilespmem:s23+$0x2EF0]  }
0x443: {  	v19 =	vld [tilespmem:s23+$0x1F40]  }
0x444: {  	v20 =	vld [tilespmem:s23+$0x2EE0]  }
0x445: {  	v4 =	vld [tilespmem:s23+$0x7D00]  }
0x446: {  	v3 =	vld [tilespmem:s23+$0x8CA0]  }
0x447: {  	v21 =	vadd.f32 $5.000000000e-01, v6;
	v5 =	vld [tilespmem:s23+$0x9C40];
	v18 =	vadd.f32 $5.000000000e-01, v18  }
0x448: {  	v19 =	vadd.f32 $5.000000000e-01, v19;
	v6 =	vld [tilespmem:s23+$0xABE0]  }
0x449: {  	v21 =	vmul.f32 $1.280000000e+02, v21;
	v20 =	vadd.f32 $5.000000000e-01, v20;
	v18 =	vmul.f32 $1.280000000e+02, v18;
	[tilespmem:v2+s8+$0x0] =	vst.idx.add.f32.msk vm0, v14  }
0x44a: {  	v14 =	vmul.f32 $1.280000000e+02, v19;
	[tilespmem:v2+s10+$0x0] =	vst.idx.add.f32.msk vm0, v16  }
0x44b: {  	v16 =	vtrunc.f32 v21;
	v19 =	vtrunc.f32 v18;
	[tilespmem:v2+s12+$0x0] =	vst.idx.add.f32.msk vm0, v17  }
0x44c: {  	v16 =	vcvt.f32.s32 v16;
	v17 =	vcvt.f32.s32 v19;
	[tilespmem:v1+s14+$0x0] =	vst.idx.add.f32.msk $0xffff, v15  }
0x44d: {  	v15 =	vmul.f32 $1.280000000e+02, v20;
	v19 =	vtrunc.f32 v14;
	[tilespmem:v1+s15+$0x0] =	vst.idx.add.f32.msk $0xffff, v13  }
0x44e: {  	v13 =	vcvt.s32.f32 v16;
	v20 =	vcvt.s32.f32 v17;
	[tilespmem:v1+s16+$0x0] =	vst.idx.add.f32.msk $0xffff, v11  }
0x44f: {  	v11 =	vcvt.f32.s32 v19;
	v19 =	vtrunc.f32 v15;
	[tilespmem:v1+s17+$0x0] =	vst.idx.add.f32.msk $0xffff, v12  }
0x450: {  	s21 =	sadd.s32 $0x2, s21;
	v1 =	vcvt.f32.s32 v19;
	v12 =	vsub.f32 v21, v13;
	v13 =	vsub.f32 v18, v20;
	[tilespmem:v2+s14+$0x0] =	vst.idx.add.f32.msk vm0, v10  }
0x451: {  	p0 =	slt.u32 s21, $0xF8;
	v10 =	vcvt.s32.f32 v11;
	vm2 =	vlt.s32 v11, $0x7F;
	v18 =	vld [tilespmem:s23+$0x7D10]  }
0x452: {  	v17 =	vshll.u32 v17, $0x7;
	v19 =	vsub.f32 $1.000000000e+00, v12;
	v20 =	vsub.f32 $1.000000000e+00, v13;
	v21 =	vld [tilespmem:s23+$0x8CB0]  }
0x453: {  	v17 =	vadd.s32 v16, v17;
	v10 =	vsub.f32 v14, v10;
	v14 =	vcvt.s32.f32 v1;
	v22 =	vld [tilespmem:s23+$0x9C50]  }
0x454: {  	v1 =	vshll.u32 v1, $0x7;
	v23 =	vld [tilespmem:s23+$0xABF0];
	v24 =	vmul.f32 v20, v19  }
0x455: {  	v1 =	vadd.s32 v11, v1;
	v14 =	vsub.f32 v15, v14;
	v11 =	vsub.f32 $1.000000000e+00, v10;
	[tilespmem:v2+s15+$0x0] =	vst.idx.add.f32.msk vm0, v9  }
0x456: {  	vm1 =	vlt.s32 v16, $0x7F;
	v9 =	vadd.s32 $0x1, v1;
	v15 =	vmul.f32 v24, v18;
	[tilespmem:v2+s16+$0x0] =	vst.idx.add.f32.msk vm0, v8  }
0x457: {  	v25 =	vadd.s32 $0x1, v17;
	v8 =	vsub.f32 $1.000000000e+00, v14;
	v16 =	vmul.f32 v24, v21;
	[tilespmem:v2+s17+$0x0] =	vst.idx.add.f32.msk vm0, v7;
	v2 =	vmovc v9  }
0x458: {  	v9 =	vmul.f32 v20, v12;
	vm0 =	vmmov vm2;
	[tilespmem:v17+s6+$0x0] =	vst.idx.add.f32.msk $0xffff, v15;
	v7 =	vmul.f32 v24, v22  }
0x459: {  	v15 =	vmul.f32 v8, v11;
	[tilespmem:v17+s8+$0x0] =	vst.idx.add.f32.msk $0xffff, v16;
	v16 =	vmul.f32 v24, v23  }
0x45a: {  	v8 =	vmul.f32 v8, v10;
	[tilespmem:v17+s10+$0x0] =	vst.idx.add.f32.msk $0xffff, v7;
	v7 =	vmul.f32 v9, v18  }
0x45b: {  	v20 =	vmul.f32 v14, v11;
	v11 =	vmul.f32 v9, v21;
	[tilespmem:v17+s12+$0x0] =	vst.idx.add.f32.msk $0xffff, v16  }
0x45c: {  	v16 =	vmul.f32 v13, v19;
	[tilespmem:v25+s6+$0x0] =	vst.idx.add.f32.msk vm1, v7;
	v7 =	vmul.f32 v9, v22  }
0x45d: {  	v19 =	vmul.f32 v14, v10;
	v9 =	vmul.f32 v9, v23;
	[tilespmem:v25+s8+$0x0] =	vst.idx.add.f32.msk vm1, v11  }
0x45e: {  	v10 =	vmul.f32 v15, v4;
	[tilespmem:v25+s10+$0x0] =	vst.idx.add.f32.msk vm1, v7;
	v7 =	vmul.f32 v16, v18  }
0x45f: {  	v24 =	vmul.f32 v15, v3;
	[tilespmem:v25+s12+$0x0] =	vst.idx.add.f32.msk vm1, v9;
	v9 =	vmul.f32 v16, v21  }
0x460: {  	v11 =	vmul.f32 v13, v12;
	[tilespmem:v17+s14+$0x0] =	vst.idx.add.f32.msk $0xffff, v7;
	v7 =	vmul.f32 v16, v22  }
0x461: {  	v26 =	vmul.f32 v15, v5;
	[tilespmem:v17+s15+$0x0] =	vst.idx.add.f32.msk $0xffff, v9;
	v9 =	vmul.f32 v16, v23  }
0x462: {  	v27 =	vmul.f32 v15, v6;
	[tilespmem:v17+s16+$0x0] =	vst.idx.add.f32.msk $0xffff, v7;
	v7 =	vmul.f32 v11, v18  }
0x463: {  	v18 =	vmul.f32 v8, v4;
	[tilespmem:v17+s17+$0x0] =	vst.idx.add.f32.msk $0xffff, v9;
	v9 =	vmul.f32 v11, v21  }
0x464: {  	v14 =	vmul.f32 v8, v3;
	[tilespmem:v25+s14+$0x0] =	vst.idx.add.f32.msk vm1, v7;
	v7 =	vmul.f32 v11, v22  }
0x465: {  	v16 =	vmul.f32 v8, v5;
	[tilespmem:v25+s15+$0x0] =	vst.idx.add.f32.msk vm1, v9;
	v9 =	vmul.f32 v11, v23  }
0x466: {  	v15 =	vmul.f32 v20, v4;
	v17 =	vmul.f32 v8, v6;
	[tilespmem:v25+s16+$0x0] =	vst.idx.add.f32.msk vm1, v7  }
.Ltmp12:
0x467: {  	v13 =	vmul.f32 v20, v3;
	v11 =	vmul.f32 v20, v5;
	[tilespmem:v25+s17+$0x0] =	vst.idx.add.f32.msk vm1, v9;
	(pc) =	sbr.rel @p0 .LBB2_26-.Ltmp12, $4  }
0x468: {  	v12 =	vmul.f32 v20, v6;
	[tilespmem:v1+s6+$0x0] =	vst.idx.add.f32.msk $0xffff, v10;
	v10 =	vmul.f32 v19, v4  }
0x469: {  	v8 =	vmul.f32 v19, v5;
	v9 =	vmul.f32 v19, v3;
	[tilespmem:v1+s8+$0x0] =	vst.idx.add.f32.msk $0xffff, v24  }
0x46a: {  	v7 =	vmul.f32 v19, v6;
	[tilespmem:v1+s10+$0x0] =	vst.idx.add.f32.msk $0xffff, v26  }
0x46b: {  	s22 =	sadd.s32 $0x80, s22;
	[tilespmem:v1+s12+$0x0] =	vst.idx.add.f32.msk $0xffff, v27  }
0x46c: {  	_ =	sdelay $0x4  }
0x46d: {  	[tilespmem:v2+s6+$0x0] =	vst.idx.add.f32.msk vm0, v18  }
0x46e: {  	[tilespmem:v2+s8+$0x0] =	vst.idx.add.f32.msk vm0, v14  }
0x46f: {  	[tilespmem:v2+s10+$0x0] =	vst.idx.add.f32.msk vm0, v16  }
0x470: {  	[tilespmem:v2+s12+$0x0] =	vst.idx.add.f32.msk vm0, v17  }
0x471: {  	[tilespmem:v1+s14+$0x0] =	vst.idx.add.f32.msk $0xffff, v15  }
0x472: {  	[tilespmem:v1+s15+$0x0] =	vst.idx.add.f32.msk $0xffff, v13  }
0x473: {  	[tilespmem:v1+s16+$0x0] =	vst.idx.add.f32.msk $0xffff, v11  }
0x474: {  	[tilespmem:v1+s17+$0x0] =	vst.idx.add.f32.msk $0xffff, v12  }
0x475: {  	[tilespmem:v2+s14+$0x0] =	vst.idx.add.f32.msk vm0, v10  }
0x476: {  	[tilespmem:v2+s15+$0x0] =	vst.idx.add.f32.msk vm0, v9  }
0x477: {  	[tilespmem:v2+s16+$0x0] =	vst.idx.add.f32.msk vm0, v8  }
0x478: {  	[tilespmem:v2+s17+$0x0] =	vst.idx.add.f32.msk vm0, v7  }
0x479: {  	s21 =	rddreg [dreg:$0xd]  }
0x47a: {  	[hbm4b:s21+s2] =	stream.linear.scatter [tilespmem:s6], [sflag:$0x3], $0x4000, $0x38;
	[tilespmem:$0x1BDA0] =	vst v63  }
0x47b: {  	s23 =	rddreg [dreg:$0xe]  }
0x47c: {  	[hbm4b:s23+s2] =	stream.linear.scatter [tilespmem:s8], [sflag:$0x3], $0x4000, $0x38;
	[tilespmem:$0x1BDA0] =	vst v63  }
0x47d: {  	s22 =	rddreg [dreg:$0xf]  }
0x47e: {  	[hbm4b:s22+s2] =	stream.linear.scatter [tilespmem:s10], [sflag:$0x3], $0x4000, $0x38;
	[tilespmem:$0x1BDA0] =	vst v63  }
0x47f: {  	s23 =	rddreg [dreg:$0x10]  }
0x480: {  	[hbm4b:s23+s2] =	stream.linear.scatter [tilespmem:s12], [sflag:$0x3], $0x4000, $0x38;
	[tilespmem:$0x1BDA0] =	vst v63  }
0x481: {  	_ =	swait.ge [sflag:s19], $0x4000  }
0x482: {  	[sflag:s19] =	ssyncset.done $0x0  }
0x483: {  	[sflag:s19] =	ssyncadd.s32 $0xFFFFC000  }
0x484: {  	_ =	swait.ge [sflag:s19], $0x4000  }
0x485: {  	[sflag:s19] =	ssyncset.done $0x0  }
0x486: {  	s20 =	sadd.s32 $0x1, s20;
	[sflag:s19] =	ssyncadd.s32 $0xFFFFC000  }
0x487: {  	p0 =	sne.s32 s20, s25;
	_ =	swait.ge [sflag:s19], $0x4000  }
.Ltmp13:
0x488: {  	[sflag:s19] =	ssyncset.done $0x0;
	(pc) =	sbr.rel @p0 .LBB2_1-.Ltmp13, $4  }
0x489: {  	[sflag:s19] =	ssyncadd.s32 $0xFFFFC000  }
0x48a: {  	_ =	swait.ge [sflag:s19], $0x4000  }
0x48b: {  	[sflag:s19] =	ssyncset.done $0x0  }
0x48c: {  	[sflag:s19] =	ssyncadd.s32 $0xFFFFC000  }
0x48d: {  	_ =	sfence.sel $0x180000  }
0x48e: {  	[bflag:$0x0] =	sbarrier.arrive $0xFFFF  }
0x48f: {  	_ =	strace $0x90000047  }
0x490: {  	s0 =	stileid.u32;
	[bflag:$0x2] =	sbarrier.arrive $0xFFFF  }
0x491: {  	p0 =	sne.s32 s0, $0x0;
	s0 =	rddreg [dreg:$0x2]  }
0x492: {  	s0 =	sadd.s32 @!p0 $0x100000, s0  }
0x493: {  	[sflag:s0] =	ssyncadd.tile.s32 @!p0 $0x1;
	_ =	shalt  }
.Lfunc_end2:
_tile_overlayer_lowered:
.L_overlay_start_2:
0x494: {  	(tag) =	ssettag $0x2  }
0x495: {  	s0 =	rddreg [dreg:$0x0];
	s2 =	stileid.u32  }
0x496: {  	s1 =	rddreg [dreg:$0x1];
	p0 =	sne.s32 s2, $0x0  }
0x497: {  	s3 =	rddreg [dreg:$0x2];
	[bflag:$0x3] =	sbarrier.arrive $0xFFFF;
	s2 =	simm.s32 @!p0 $0x1C04  }
0x498: {  	[timem:s3], [sflag:s2] =	dma.local @!p0 [hbm:s0], s1  }
0x499: {  	s0 =	simm.s32 @!p0 $0x4  }
0x49a: {  	_ =	swait.ge @!p0 [sflag:s0], s1  }
0x49b: {  	s1 =	ssub.s32 @!p0 $0x0, s1;
	[sflag:s0] =	ssyncset.done @!p0 $0x0  }
0x49c: {  	[sflag:s0] =	ssyncadd.s32 @!p0 s1  }
0x49d: {  	[bflag:$0x3] =	sbarrier.arrive $0xFFFF  }
0x49e: {  	_ =	shalt  }

</sc_bundles>
